<compile_context>
chip_gen: v7x
topology: tpu7x:2x2x1
jax: 0.10.2.dev20260603
libtpu: 0.0.44.dev20260713+nightly
codegen_flags: <defaults>
</compile_context>

<pallas_src>
import jax
import jax.numpy as jnp
from jax import lax
from jax.experimental import pallas as pl
from jax.experimental.pallas import tpu as pltpu
from jax.experimental.pallas import tpu_sc as plsc

_NUM_EDGES = 1_048_576
_EMBED_DIM = 32

_NC = 2
_NS = 16
_NW = _NC * _NS
_LANES = 16

_CHUNK = 512
_SUB = _CHUNK // 128
_EPW = _NUM_EDGES // _NW
_NCHUNK = _EPW // _CHUNK
_NQUAD = _NCHUNK // 4


def _tec_body(emb_hbm, eidx_hbm, out_hbm,
              si0, si1, si2, si3, di0, di1, di2, di3,
              srow0, srow1, drow0, drow1, out0, out1,
              gsem0, gsem1, isem0, isem1, isem2, isem3, osem0, osem1):
    c = lax.axis_index("c")
    s = lax.axis_index("s")
    wid = s * _NC + c

    sib = (si0, si1, si2, si3)
    dib = (di0, di1, di2, di3)
    isem = (isem0, isem1, isem2, isem3)
    srow = (srow0, srow1)
    drow = (drow0, drow1)
    outb = (out0, out1)
    gsem = (gsem0, gsem1)
    osem = (osem0, osem1)
    lane = lax.iota(jnp.int32, _LANES)

    def ifire(ci, slot):
        pltpu.async_copy(eidx_hbm.at[0, wid, ci], sib[slot], isem[slot])
        pltpu.async_copy(eidx_hbm.at[1, wid, ci], dib[slot], isem[slot])

    def iwait(ci, slot):
        pltpu.make_async_copy(eidx_hbm.at[0, wid, ci], sib[slot], isem[slot]).wait()
        pltpu.make_async_copy(eidx_hbm.at[1, wid, ci], dib[slot], isem[slot]).wait()

    def gfire(slot, rs):
        for j in range(_SUB):
            pltpu.async_copy(emb_hbm.at[sib[slot].at[j]],
                             srow[rs].at[pl.ds(j * 128, 128)], gsem[rs])
            pltpu.async_copy(emb_hbm.at[dib[slot].at[j]],
                             drow[rs].at[pl.ds(j * 128, 128)], gsem[rs])

    def gdrain(slot, rs):
        for j in range(_SUB):
            pltpu.make_async_copy(emb_hbm.at[sib[slot].at[j]],
                                  srow[rs].at[pl.ds(j * 128, 128)],
                                  gsem[rs]).wait()
            pltpu.make_async_copy(emb_hbm.at[dib[slot].at[j]],
                                  drow[rs].at[pl.ds(j * 128, 128)],
                                  gsem[rs]).wait()

    def owait(ci, rs):
        pltpu.make_async_copy(outb[rs], out_hbm.at[wid, ci], osem[rs]).wait()

    def compute(ci, rs):
        sr, dr, ov = srow[rs], drow[rs], outb[rs]

        def group(g, carry2):
            rows = g * _LANES + lane
            acc = jnp.zeros((_LANES,), jnp.float32)
            for d in range(_EMBED_DIM):
                col = (lane + d) & (_EMBED_DIM - 1)
                sv = plsc.load_gather(sr, [rows, col])
                dv = plsc.load_gather(dr, [rows, col])
                acc = acc + sv * dv
            ov[pl.ds(g * _LANES, _LANES)] = acc
            return carry2

        lax.fori_loop(0, _CHUNK // _LANES, group, 0)
        pltpu.async_copy(ov, out_hbm.at[wid, ci], osem[rs])

    for k in range(4):
        ifire(k, k)
    for k in range(2):
        iwait(k, k)
        gfire(k, k)

    def body(p, carry):
        base = p * 4
        for k in range(4):
            ci = base + k
            rs = k & 1
            gdrain(k, rs)
            if k < 2:
                @pl.when(p >= 1)
                def _():
                    owait(ci - 2, rs)
            else:
                owait(ci - 2, rs)
            compute(ci, rs)
            nslot = (k + 2) & 3
            if k < 2:
                iwait(ci + 2, nslot)
                gfire(nslot, rs)
            else:
                @pl.when(p < _NQUAD - 1)
                def _():
                    iwait(ci + 2, nslot)
                    gfire(nslot, rs)

            @pl.when(p < _NQUAD - 1)
            def _():
                ifire(ci + 4, k)
        return carry

    lax.fori_loop(0, _NQUAD, body, 0)

    owait(_NCHUNK - 2, 0)
    owait(_NCHUNK - 1, 1)


def kernel(embedding, edge_index):
    eidx = edge_index.astype(jnp.int32).reshape(2, _NW, _NCHUNK, _SUB, 128)
    run = pl.kernel(
        _tec_body,
        out_type=jax.ShapeDtypeStruct((_NW, _NCHUNK, _CHUNK), jnp.float32),
        mesh=plsc.VectorSubcoreMesh(core_axis_name="c", subcore_axis_name="s",
                                    num_cores=_NC, num_subcores=_NS),
        scratch_types=[
            pltpu.VMEM((_SUB, 128), jnp.int32),
            pltpu.VMEM((_SUB, 128), jnp.int32),
            pltpu.VMEM((_SUB, 128), jnp.int32),
            pltpu.VMEM((_SUB, 128), jnp.int32),
            pltpu.VMEM((_SUB, 128), jnp.int32),
            pltpu.VMEM((_SUB, 128), jnp.int32),
            pltpu.VMEM((_SUB, 128), jnp.int32),
            pltpu.VMEM((_SUB, 128), jnp.int32),
            pltpu.VMEM((_CHUNK, _EMBED_DIM), jnp.float32),
            pltpu.VMEM((_CHUNK, _EMBED_DIM), jnp.float32),
            pltpu.VMEM((_CHUNK, _EMBED_DIM), jnp.float32),
            pltpu.VMEM((_CHUNK, _EMBED_DIM), jnp.float32),
            pltpu.VMEM((_CHUNK,), jnp.float32),
            pltpu.VMEM((_CHUNK,), jnp.float32),
            pltpu.SemaphoreType.DMA,
            pltpu.SemaphoreType.DMA,
            pltpu.SemaphoreType.DMA,
            pltpu.SemaphoreType.DMA,
            pltpu.SemaphoreType.DMA,
            pltpu.SemaphoreType.DMA,
            pltpu.SemaphoreType.DMA,
            pltpu.SemaphoreType.DMA,
        ],
        compiler_params=pltpu.CompilerParams(needs_layout_passes=False,
                                             use_tc_tiling_on_sc=False),
    )
    scores = run(embedding, eidx)
    return scores.reshape(_NUM_EDGES, 1)

# --- scband reference (transcript-rebuilt; emitter-appended) ---
"""Pipeline reference for scband-base-18081812316991 (READ-ONLY COPY).

The authoritative reference and input builder live on the scoring server;
editing this copy changes nothing except your own understanding.
"""

import jax, jax.numpy as jnp
import numpy as np

NUM_USERS = 200000
NUM_ITEMS = 800000
NUM_NODES = NUM_USERS + NUM_ITEMS
EMBED_DIM = 32
NUM_EDGES = 1048576
SCALE = 0.1


def setup_inputs(seed: int = 0) -> dict:
    key = jax.random.key(seed)
    k1, k2 = jax.random.split(key)
    # Learned parameter: embedding table init uniform(-scale, scale) as in reset_parameters
    embedding = jax.random.uniform(k1, (NUM_NODES, EMBED_DIM), dtype=jnp.float32, minval=-SCALE, maxval=SCALE)
    edge_index = jax.random.randint(k2, (2, NUM_EDGES), 0, NUM_NODES, dtype=jnp.int64 if jax.config.jax_enable_x64 else jnp.int32)
    return {"embedding": embedding, "edge_index": edge_index}


def reference(embedding, edge_index):
    # compute_embedding(): base-class identity lookup of all node embeddings
    out = embedding
    # forward(): gather src/dst node embeddings for each edge
    out_src = jnp.take(out, edge_index[0], axis=0)   # [E, d]
    out_dst = jnp.take(out, edge_index[1], axis=0)   # [E, d]
    # score_function(): dot-product score per edge -> [E, 1]
    scores = jnp.sum(out_src * out_dst, axis=-1, keepdims=True)
    return scores

if __name__ == "__main__":
    import jax
    _d = setup_inputs()
    print(jax.jit(kernel)(*tuple(_d.values())))

</pallas_src>

<mosaic_0001>
#map = affine_map<(d0, d1) -> (0, 0)>
#map1 = affine_map<(d0, d1) -> (0, 0, 0, 0, 0)>
#map2 = affine_map<(d0, d1) -> (0, 0, 0)>
module attributes {stable_mosaic.version = 14 : i64} {
  func.func @_tec_body(%arg0: i32, %arg1: i32, %arg2: memref<1000000x32xf32, #tpu.memory_space<hbm>>, %arg3: memref<2x32x64x4x128xi32, #tpu.memory_space<hbm>>, %arg4: memref<32x64x512xf32, #tpu.memory_space<hbm>>, %arg5: memref<4x128xi32, #tpu.memory_space<vmem>>, %arg6: memref<4x128xi32, #tpu.memory_space<vmem>>, %arg7: memref<4x128xi32, #tpu.memory_space<vmem>>, %arg8: memref<4x128xi32, #tpu.memory_space<vmem>>, %arg9: memref<4x128xi32, #tpu.memory_space<vmem>>, %arg10: memref<4x128xi32, #tpu.memory_space<vmem>>, %arg11: memref<4x128xi32, #tpu.memory_space<vmem>>, %arg12: memref<4x128xi32, #tpu.memory_space<vmem>>, %arg13: memref<512x32xf32, #tpu.memory_space<vmem>>, %arg14: memref<512x32xf32, #tpu.memory_space<vmem>>, %arg15: memref<512x32xf32, #tpu.memory_space<vmem>>, %arg16: memref<512x32xf32, #tpu.memory_space<vmem>>, %arg17: memref<512xf32, #tpu.memory_space<vmem>>, %arg18: memref<512xf32, #tpu.memory_space<vmem>>, %arg19: memref<!tpu.dma_semaphore, #tpu.memory_space<semaphore_mem>>, %arg20: memref<!tpu.dma_semaphore, #tpu.memory_space<semaphore_mem>>, %arg21: memref<!tpu.dma_semaphore, #tpu.memory_space<semaphore_mem>>, %arg22: memref<!tpu.dma_semaphore, #tpu.memory_space<semaphore_mem>>, %arg23: memref<!tpu.dma_semaphore, #tpu.memory_space<semaphore_mem>>, %arg24: memref<!tpu.dma_semaphore, #tpu.memory_space<semaphore_mem>>, %arg25: memref<!tpu.dma_semaphore, #tpu.memory_space<semaphore_mem>>, %arg26: memref<!tpu.dma_semaphore, #tpu.memory_space<semaphore_mem>>) attributes {dimension_semantics = [#tpu.dimension_semantics<core_parallel>, #tpu.dimension_semantics<subcore_parallel>], iteration_bounds = array<i64: 2, 16>, scalar_prefetch = 0 : i64, scratch_operands = 22 : i64, tpu.core_type = #tpu.core_type<sc_vector_subcore>, window_params = [{transform_indices = #map}, {transform_indices = #map1}, {transform_indices = #map2}]} {
    %mul3A = arith.constant 2 : i32
    %mul3A_0 = arith.muli %arg1, %mul3A : i32
    %add3A = arith.addi %mul3A_0, %arg0 : i32
    %iota3A = tpu.iota {dimensions = array<i32: 0>} : vector<16xi32>
    %dma_start3A = arith.constant 0 : i32
    %dma_start3A_1 = arith.constant 0 : i32
    %dma_start3A_2 = arith.constant 0 : i32
    %dma_start3A_3 = arith.constant 0 : i32
    %dma_start3A_4 = tpu.memref_slice %arg3[%dma_start3A, %add3A, %dma_start3A_1, %dma_start3A_2, %dma_start3A_3] : memref<2x32x64x4x128xi32, #tpu.memory_space<hbm>> -> memref<1x1x1x4x128xi32, #tpu.memory_space<hbm>>
    %dma_start3A_5 = tpu.memref_squeeze %dma_start3A_4 : memref<1x1x1x4x128xi32, #tpu.memory_space<hbm>> -> memref<4x128xi32, #tpu.memory_space<hbm>>
    %dma_start3A_6 = arith.constant 0 : i32
    %dma_start3A_7 = arith.constant 0 : i32
    %dma_start3A_8 = tpu.memref_slice %arg3[%dma_start3A, %add3A, %dma_start3A_1, %dma_start3A_6, %dma_start3A_7] : memref<2x32x64x4x128xi32, #tpu.memory_space<hbm>> -> memref<1x1x1x4x128xi32, #tpu.memory_space<hbm>>
    %dma_start3A_9 = tpu.memref_squeeze %dma_start3A_8 : memref<1x1x1x4x128xi32, #tpu.memory_space<hbm>> -> memref<4x128xi32, #tpu.memory_space<hbm>>
    tpu.enqueue_dma source(%dma_start3A_9 : memref<4x128xi32, #tpu.memory_space<hbm>>) target(%arg5 : memref<4x128xi32, #tpu.memory_space<vmem>>) target_semaphore(%arg21 : memref<!tpu.dma_semaphore, #tpu.memory_space<semaphore_mem>>)
    %dma_start3A_10 = arith.constant 1 : i32
    %dma_start3A_11 = arith.constant 0 : i32
    %dma_start3A_12 = arith.constant 0 : i32
    %dma_start3A_13 = arith.constant 0 : i32
    %dma_start3A_14 = tpu.memref_slice %arg3[%dma_start3A_10, %add3A, %dma_start3A_11, %dma_start3A_12, %dma_start3A_13] : memref<2x32x64x4x128xi32, #tpu.memory_space<hbm>> -> memref<1x1x1x4x128xi32, #tpu.memory_space<hbm>>
    %dma_start3A_15 = tpu.memref_squeeze %dma_start3A_14 : memref<1x1x1x4x128xi32, #tpu.memory_space<hbm>> -> memref<4x128xi32, #tpu.memory_space<hbm>>
    %dma_start3A_16 = arith.constant 0 : i32
    %dma_start3A_17 = arith.constant 0 : i32
    %dma_start3A_18 = tpu.memref_slice %arg3[%dma_start3A_10, %add3A, %dma_start3A_11, %dma_start3A_16, %dma_start3A_17] : memref<2x32x64x4x128xi32, #tpu.memory_space<hbm>> -> memref<1x1x1x4x128xi32, #tpu.memory_space<hbm>>
    %dma_start3A_19 = tpu.memref_squeeze %dma_start3A_18 : memref<1x1x1x4x128xi32, #tpu.memory_space<hbm>> -> memref<4x128xi32, #tpu.memory_space<hbm>>
    tpu.enqueue_dma source(%dma_start3A_19 : memref<4x128xi32, #tpu.memory_space<hbm>>) target(%arg9 : memref<4x128xi32, #tpu.memory_space<vmem>>) target_semaphore(%arg21 : memref<!tpu.dma_semaphore, #tpu.memory_space<semaphore_mem>>)
    %dma_start3A_20 = arith.constant 0 : i32
    %dma_start3A_21 = arith.constant 1 : i32
    %dma_start3A_22 = arith.constant 0 : i32
    %dma_start3A_23 = arith.constant 0 : i32
    %dma_start3A_24 = tpu.memref_slice %arg3[%dma_start3A_20, %add3A, %dma_start3A_21, %dma_start3A_22, %dma_start3A_23] : memref<2x32x64x4x128xi32, #tpu.memory_space<hbm>> -> memref<1x1x1x4x128xi32, #tpu.memory_space<hbm>>
    %dma_start3A_25 = tpu.memref_squeeze %dma_start3A_24 : memref<1x1x1x4x128xi32, #tpu.memory_space<hbm>> -> memref<4x128xi32, #tpu.memory_space<hbm>>
    %dma_start3A_26 = arith.constant 0 : i32
    %dma_start3A_27 = arith.constant 0 : i32
    %dma_start3A_28 = tpu.memref_slice %arg3[%dma_start3A_20, %add3A, %dma_start3A_21, %dma_start3A_26, %dma_start3A_27] : memref<2x32x64x4x128xi32, #tpu.memory_space<hbm>> -> memref<1x1x1x4x128xi32, #tpu.memory_space<hbm>>
    %dma_start3A_29 = tpu.memref_squeeze %dma_start3A_28 : memref<1x1x1x4x128xi32, #tpu.memory_space<hbm>> -> memref<4x128xi32, #tpu.memory_space<hbm>>
    tpu.enqueue_dma source(%dma_start3A_29 : memref<4x128xi32, #tpu.memory_space<hbm>>) target(%arg6 : memref<4x128xi32, #tpu.memory_space<vmem>>) target_semaphore(%arg22 : memref<!tpu.dma_semaphore, #tpu.memory_space<semaphore_mem>>)
    %dma_start3A_30 = arith.constant 1 : i32
    %dma_start3A_31 = arith.constant 1 : i32
    %dma_start3A_32 = arith.constant 0 : i32
    %dma_start3A_33 = arith.constant 0 : i32
    %dma_start3A_34 = tpu.memref_slice %arg3[%dma_start3A_30, %add3A, %dma_start3A_31, %dma_start3A_32, %dma_start3A_33] : memref<2x32x64x4x128xi32, #tpu.memory_space<hbm>> -> memref<1x1x1x4x128xi32, #tpu.memory_space<hbm>>
    %dma_start3A_35 = tpu.memref_squeeze %dma_start3A_34 : memref<1x1x1x4x128xi32, #tpu.memory_space<hbm>> -> memref<4x128xi32, #tpu.memory_space<hbm>>
    %dma_start3A_36 = arith.constant 0 : i32
    %dma_start3A_37 = arith.constant 0 : i32
    %dma_start3A_38 = tpu.memref_slice %arg3[%dma_start3A_30, %add3A, %dma_start3A_31, %dma_start3A_36, %dma_start3A_37] : memref<2x32x64x4x128xi32, #tpu.memory_space<hbm>> -> memref<1x1x1x4x128xi32, #tpu.memory_space<hbm>>
    %dma_start3A_39 = tpu.memref_squeeze %dma_start3A_38 : memref<1x1x1x4x128xi32, #tpu.memory_space<hbm>> -> memref<4x128xi32, #tpu.memory_space<hbm>>
    tpu.enqueue_dma source(%dma_start3A_39 : memref<4x128xi32, #tpu.memory_space<hbm>>) target(%arg10 : memref<4x128xi32, #tpu.memory_space<vmem>>) target_semaphore(%arg22 : memref<!tpu.dma_semaphore, #tpu.memory_space<semaphore_mem>>)
    %dma_start3A_40 = arith.constant 0 : i32
    %dma_start3A_41 = arith.constant 2 : i32
    %dma_start3A_42 = arith.constant 0 : i32
    %dma_start3A_43 = arith.constant 0 : i32
    %dma_start3A_44 = tpu.memref_slice %arg3[%dma_start3A_40, %add3A, %dma_start3A_41, %dma_start3A_42, %dma_start3A_43] : memref<2x32x64x4x128xi32, #tpu.memory_space<hbm>> -> memref<1x1x1x4x128xi32, #tpu.memory_space<hbm>>
    %dma_start3A_45 = tpu.memref_squeeze %dma_start3A_44 : memref<1x1x1x4x128xi32, #tpu.memory_space<hbm>> -> memref<4x128xi32, #tpu.memory_space<hbm>>
    %dma_start3A_46 = arith.constant 0 : i32
    %dma_start3A_47 = arith.constant 0 : i32
    %dma_start3A_48 = tpu.memref_slice %arg3[%dma_start3A_40, %add3A, %dma_start3A_41, %dma_start3A_46, %dma_start3A_47] : memref<2x32x64x4x128xi32, #tpu.memory_space<hbm>> -> memref<1x1x1x4x128xi32, #tpu.memory_space<hbm>>
    %dma_start3A_49 = tpu.memref_squeeze %dma_start3A_48 : memref<1x1x1x4x128xi32, #tpu.memory_space<hbm>> -> memref<4x128xi32, #tpu.memory_space<hbm>>
    tpu.enqueue_dma source(%dma_start3A_49 : memref<4x128xi32, #tpu.memory_space<hbm>>) target(%arg7 : memref<4x128xi32, #tpu.memory_space<vmem>>) target_semaphore(%arg23 : memref<!tpu.dma_semaphore, #tpu.memory_space<semaphore_mem>>)
    %dma_start3A_50 = arith.constant 1 : i32
    %dma_start3A_51 = arith.constant 2 : i32
    %dma_start3A_52 = arith.constant 0 : i32
    %dma_start3A_53 = arith.constant 0 : i32
    %dma_start3A_54 = tpu.memref_slice %arg3[%dma_start3A_50, %add3A, %dma_start3A_51, %dma_start3A_52, %dma_start3A_53] : memref<2x32x64x4x128xi32, #tpu.memory_space<hbm>> -> memref<1x1x1x4x128xi32, #tpu.memory_space<hbm>>
    %dma_start3A_55 = tpu.memref_squeeze %dma_start3A_54 : memref<1x1x1x4x128xi32, #tpu.memory_space<hbm>> -> memref<4x128xi32, #tpu.memory_space<hbm>>
    %dma_start3A_56 = arith.constant 0 : i32
    %dma_start3A_57 = arith.constant 0 : i32
    %dma_start3A_58 = tpu.memref_slice %arg3[%dma_start3A_50, %add3A, %dma_start3A_51, %dma_start3A_56, %dma_start3A_57] : memref<2x32x64x4x128xi32, #tpu.memory_space<hbm>> -> memref<1x1x1x4x128xi32, #tpu.memory_space<hbm>>
    %dma_start3A_59 = tpu.memref_squeeze %dma_start3A_58 : memref<1x1x1x4x128xi32, #tpu.memory_space<hbm>> -> memref<4x128xi32, #tpu.memory_space<hbm>>
    tpu.enqueue_dma source(%dma_start3A_59 : memref<4x128xi32, #tpu.memory_space<hbm>>) target(%arg11 : memref<4x128xi32, #tpu.memory_space<vmem>>) target_semaphore(%arg23 : memref<!tpu.dma_semaphore, #tpu.memory_space<semaphore_mem>>)
    %dma_start3A_60 = arith.constant 0 : i32
    %dma_start3A_61 = arith.constant 3 : i32
    %dma_start3A_62 = arith.constant 0 : i32
    %dma_start3A_63 = arith.constant 0 : i32
    %dma_start3A_64 = tpu.memref_slice %arg3[%dma_start3A_60, %add3A, %dma_start3A_61, %dma_start3A_62, %dma_start3A_63] : memref<2x32x64x4x128xi32, #tpu.memory_space<hbm>> -> memref<1x1x1x4x128xi32, #tpu.memory_space<hbm>>
    %dma_start3A_65 = tpu.memref_squeeze %dma_start3A_64 : memref<1x1x1x4x128xi32, #tpu.memory_space<hbm>> -> memref<4x128xi32, #tpu.memory_space<hbm>>
    %dma_start3A_66 = arith.constant 0 : i32
    %dma_start3A_67 = arith.constant 0 : i32
    %dma_start3A_68 = tpu.memref_slice %arg3[%dma_start3A_60, %add3A, %dma_start3A_61, %dma_start3A_66, %dma_start3A_67] : memref<2x32x64x4x128xi32, #tpu.memory_space<hbm>> -> memref<1x1x1x4x128xi32, #tpu.memory_space<hbm>>
    %dma_start3A_69 = tpu.memref_squeeze %dma_start3A_68 : memref<1x1x1x4x128xi32, #tpu.memory_space<hbm>> -> memref<4x128xi32, #tpu.memory_space<hbm>>
    tpu.enqueue_dma source(%dma_start3A_69 : memref<4x128xi32, #tpu.memory_space<hbm>>) target(%arg8 : memref<4x128xi32, #tpu.memory_space<vmem>>) target_semaphore(%arg24 : memref<!tpu.dma_semaphore, #tpu.memory_space<semaphore_mem>>)
    %dma_start3A_70 = arith.constant 1 : i32
    %dma_start3A_71 = arith.constant 3 : i32
    %dma_start3A_72 = arith.constant 0 : i32
    %dma_start3A_73 = arith.constant 0 : i32
    %dma_start3A_74 = tpu.memref_slice %arg3[%dma_start3A_70, %add3A, %dma_start3A_71, %dma_start3A_72, %dma_start3A_73] : memref<2x32x64x4x128xi32, #tpu.memory_space<hbm>> -> memref<1x1x1x4x128xi32, #tpu.memory_space<hbm>>
    %dma_start3A_75 = tpu.memref_squeeze %dma_start3A_74 : memref<1x1x1x4x128xi32, #tpu.memory_space<hbm>> -> memref<4x128xi32, #tpu.memory_space<hbm>>
    %dma_start3A_76 = arith.constant 0 : i32
    %dma_start3A_77 = arith.constant 0 : i32
    %dma_start3A_78 = tpu.memref_slice %arg3[%dma_start3A_70, %add3A, %dma_start3A_71, %dma_start3A_76, %dma_start3A_77] : memref<2x32x64x4x128xi32, #tpu.memory_space<hbm>> -> memref<1x1x1x4x128xi32, #tpu.memory_space<hbm>>
    %dma_start3A_79 = tpu.memref_squeeze %dma_start3A_78 : memref<1x1x1x4x128xi32, #tpu.memory_space<hbm>> -> memref<4x128xi32, #tpu.memory_space<hbm>>
    tpu.enqueue_dma source(%dma_start3A_79 : memref<4x128xi32, #tpu.memory_space<hbm>>) target(%arg12 : memref<4x128xi32, #tpu.memory_space<vmem>>) target_semaphore(%arg24 : memref<!tpu.dma_semaphore, #tpu.memory_space<semaphore_mem>>)
    %dma_wait3A = arith.constant 0 : i32
    %dma_wait3A_80 = arith.constant 0 : i32
    %dma_wait3A_81 = arith.constant 0 : i32
    %dma_wait3A_82 = arith.constant 0 : i32
    %dma_wait3A_83 = tpu.memref_slice %arg3[%dma_wait3A, %add3A, %dma_wait3A_80, %dma_wait3A_81, %dma_wait3A_82] : memref<2x32x64x4x128xi32, #tpu.memory_space<hbm>> -> memref<1x1x1x4x128xi32, #tpu.memory_space<hbm>>
    %dma_wait3A_84 = tpu.memref_squeeze %dma_wait3A_83 : memref<1x1x1x4x128xi32, #tpu.memory_space<hbm>> -> memref<4x128xi32, #tpu.memory_space<hbm>>
    %dma_wait3A_85 = arith.constant 0 : i32
    %dma_wait3A_86 = arith.constant 0 : i32
    %dma_wait3A_87 = tpu.memref_slice %arg3[%dma_wait3A, %add3A, %dma_wait3A_80, %dma_wait3A_85, %dma_wait3A_86] : memref<2x32x64x4x128xi32, #tpu.memory_space<hbm>> -> memref<1x1x1x4x128xi32, #tpu.memory_space<hbm>>
    %dma_wait3A_88 = tpu.memref_squeeze %dma_wait3A_87 : memref<1x1x1x4x128xi32, #tpu.memory_space<hbm>> -> memref<4x128xi32, #tpu.memory_space<hbm>>
    tpu.wait_dma2 semaphore(%arg21 : memref<!tpu.dma_semaphore, #tpu.memory_space<semaphore_mem>>) src(%dma_wait3A_88 : memref<4x128xi32, #tpu.memory_space<hbm>>) dst(%arg5 : memref<4x128xi32, #tpu.memory_space<vmem>>)
    %dma_wait3A_89 = arith.constant 1 : i32
    %dma_wait3A_90 = arith.constant 0 : i32
    %dma_wait3A_91 = arith.constant 0 : i32
    %dma_wait3A_92 = arith.constant 0 : i32
    %dma_wait3A_93 = tpu.memref_slice %arg3[%dma_wait3A_89, %add3A, %dma_wait3A_90, %dma_wait3A_91, %dma_wait3A_92] : memref<2x32x64x4x128xi32, #tpu.memory_space<hbm>> -> memref<1x1x1x4x128xi32, #tpu.memory_space<hbm>>
    %dma_wait3A_94 = tpu.memref_squeeze %dma_wait3A_93 : memref<1x1x1x4x128xi32, #tpu.memory_space<hbm>> -> memref<4x128xi32, #tpu.memory_space<hbm>>
    %dma_wait3A_95 = arith.constant 0 : i32
    %dma_wait3A_96 = arith.constant 0 : i32
    %dma_wait3A_97 = tpu.memref_slice %arg3[%dma_wait3A_89, %add3A, %dma_wait3A_90, %dma_wait3A_95, %dma_wait3A_96] : memref<2x32x64x4x128xi32, #tpu.memory_space<hbm>> -> memref<1x1x1x4x128xi32, #tpu.memory_space<hbm>>
    %dma_wait3A_98 = tpu.memref_squeeze %dma_wait3A_97 : memref<1x1x1x4x128xi32, #tpu.memory_space<hbm>> -> memref<4x128xi32, #tpu.memory_space<hbm>>
    tpu.wait_dma2 semaphore(%arg21 : memref<!tpu.dma_semaphore, #tpu.memory_space<semaphore_mem>>) src(%dma_wait3A_98 : memref<4x128xi32, #tpu.memory_space<hbm>>) dst(%arg9 : memref<4x128xi32, #tpu.memory_space<vmem>>)
    %dma_start3A_99 = arith.constant 0 : i32
    %dma_start3A_100 = arith.constant 0 : i32
    %dma_start3A_101 = arith.constant 0 : i32
    %dma_start3A_102 = tpu.memref_slice %arg13[%dma_start3A_100, %dma_start3A_101] : memref<512x32xf32, #tpu.memory_space<vmem>> -> memref<128x32xf32, #tpu.memory_space<vmem>>
    %dma_start3A_103 = arith.constant 0 : i32
    %dma_start3A_104 = tpu.memref_slice %arg5[%dma_start3A_99, %dma_start3A_103] : memref<4x128xi32, #tpu.memory_space<vmem>> -> memref<1x128xi32, #tpu.memory_space<vmem>>
    %dma_start3A_105 = tpu.memref_squeeze %dma_start3A_104 : memref<1x128xi32, #tpu.memory_space<vmem>> -> memref<128xi32, #tpu.memory_space<vmem>>
    %dma_start3A_106 = arith.constant 0 : i32
    %dma_start3A_107 = arith.constant 0 : i32
    %dma_start3A_108 = tpu.memref_slice %arg2[%dma_start3A_106, %dma_start3A_107] : memref<1000000x32xf32, #tpu.memory_space<hbm>> -> memref<1000000x32xf32, #tpu.memory_space<hbm>>
    tpu.enqueue_indirect_dma source(%dma_start3A_108 : memref<1000000x32xf32, #tpu.memory_space<hbm>>) target(%dma_start3A_102 : memref<128x32xf32, #tpu.memory_space<vmem>>) offsets(%dma_start3A_105 : memref<128xi32, #tpu.memory_space<vmem>>) semaphore(%arg19 : memref<!tpu.dma_semaphore, #tpu.memory_space<semaphore_mem>>)
    %dma_start3A_109 = arith.constant 0 : i32
    %dma_start3A_110 = arith.constant 0 : i32
    %dma_start3A_111 = arith.constant 0 : i32
    %dma_start3A_112 = tpu.memref_slice %arg15[%dma_start3A_110, %dma_start3A_111] : memref<512x32xf32, #tpu.memory_space<vmem>> -> memref<128x32xf32, #tpu.memory_space<vmem>>
    %dma_start3A_113 = arith.constant 0 : i32
    %dma_start3A_114 = tpu.memref_slice %arg9[%dma_start3A_109, %dma_start3A_113] : memref<4x128xi32, #tpu.memory_space<vmem>> -> memref<1x128xi32, #tpu.memory_space<vmem>>
    %dma_start3A_115 = tpu.memref_squeeze %dma_start3A_114 : memref<1x128xi32, #tpu.memory_space<vmem>> -> memref<128xi32, #tpu.memory_space<vmem>>
    %dma_start3A_116 = arith.constant 0 : i32
    %dma_start3A_117 = arith.constant 0 : i32
    %dma_start3A_118 = tpu.memref_slice %arg2[%dma_start3A_116, %dma_start3A_117] : memref<1000000x32xf32, #tpu.memory_space<hbm>> -> memref<1000000x32xf32, #tpu.memory_space<hbm>>
    tpu.enqueue_indirect_dma source(%dma_start3A_118 : memref<1000000x32xf32, #tpu.memory_space<hbm>>) target(%dma_start3A_112 : memref<128x32xf32, #tpu.memory_space<vmem>>) offsets(%dma_start3A_115 : memref<128xi32, #tpu.memory_space<vmem>>) semaphore(%arg19 : memref<!tpu.dma_semaphore, #tpu.memory_space<semaphore_mem>>)
    %dma_start3A_119 = arith.constant 1 : i32
    %dma_start3A_120 = arith.constant 128 : i32
    %dma_start3A_121 = arith.constant 0 : i32
    %dma_start3A_122 = tpu.memref_slice %arg13[%dma_start3A_120, %dma_start3A_121] : memref<512x32xf32, #tpu.memory_space<vmem>> -> memref<128x32xf32, #tpu.memory_space<vmem>>
    %dma_start3A_123 = arith.constant 0 : i32
    %dma_start3A_124 = tpu.memref_slice %arg5[%dma_start3A_119, %dma_start3A_123] : memref<4x128xi32, #tpu.memory_space<vmem>> -> memref<1x128xi32, #tpu.memory_space<vmem>>
    %dma_start3A_125 = tpu.memref_squeeze %dma_start3A_124 : memref<1x128xi32, #tpu.memory_space<vmem>> -> memref<128xi32, #tpu.memory_space<vmem>>
    %dma_start3A_126 = arith.constant 0 : i32
    %dma_start3A_127 = arith.constant 0 : i32
    %dma_start3A_128 = tpu.memref_slice %arg2[%dma_start3A_126, %dma_start3A_127] : memref<1000000x32xf32, #tpu.memory_space<hbm>> -> memref<1000000x32xf32, #tpu.memory_space<hbm>>
    tpu.enqueue_indirect_dma source(%dma_start3A_128 : memref<1000000x32xf32, #tpu.memory_space<hbm>>) target(%dma_start3A_122 : memref<128x32xf32, #tpu.memory_space<vmem>>) offsets(%dma_start3A_125 : memref<128xi32, #tpu.memory_space<vmem>>) semaphore(%arg19 : memref<!tpu.dma_semaphore, #tpu.memory_space<semaphore_mem>>)
    %dma_start3A_129 = arith.constant 1 : i32
    %dma_start3A_130 = arith.constant 128 : i32
    %dma_start3A_131 = arith.constant 0 : i32
    %dma_start3A_132 = tpu.memref_slice %arg15[%dma_start3A_130, %dma_start3A_131] : memref<512x32xf32, #tpu.memory_space<vmem>> -> memref<128x32xf32, #tpu.memory_space<vmem>>
    %dma_start3A_133 = arith.constant 0 : i32
    %dma_start3A_134 = tpu.memref_slice %arg9[%dma_start3A_129, %dma_start3A_133] : memref<4x128xi32, #tpu.memory_space<vmem>> -> memref<1x128xi32, #tpu.memory_space<vmem>>
    %dma_start3A_135 = tpu.memref_squeeze %dma_start3A_134 : memref<1x128xi32, #tpu.memory_space<vmem>> -> memref<128xi32, #tpu.memory_space<vmem>>
    %dma_start3A_136 = arith.constant 0 : i32
    %dma_start3A_137 = arith.constant 0 : i32
    %dma_start3A_138 = tpu.memref_slice %arg2[%dma_start3A_136, %dma_start3A_137] : memref<1000000x32xf32, #tpu.memory_space<hbm>> -> memref<1000000x32xf32, #tpu.memory_space<hbm>>
    tpu.enqueue_indirect_dma source(%dma_start3A_138 : memref<1000000x32xf32, #tpu.memory_space<hbm>>) target(%dma_start3A_132 : memref<128x32xf32, #tpu.memory_space<vmem>>) offsets(%dma_start3A_135 : memref<128xi32, #tpu.memory_space<vmem>>) semaphore(%arg19 : memref<!tpu.dma_semaphore, #tpu.memory_space<semaphore_mem>>)
    %dma_start3A_139 = arith.constant 2 : i32
    %dma_start3A_140 = arith.constant 256 : i32
    %dma_start3A_141 = arith.constant 0 : i32
    %dma_start3A_142 = tpu.memref_slice %arg13[%dma_start3A_140, %dma_start3A_141] : memref<512x32xf32, #tpu.memory_space<vmem>> -> memref<128x32xf32, #tpu.memory_space<vmem>>
    %dma_start3A_143 = arith.constant 0 : i32
    %dma_start3A_144 = tpu.memref_slice %arg5[%dma_start3A_139, %dma_start3A_143] : memref<4x128xi32, #tpu.memory_space<vmem>> -> memref<1x128xi32, #tpu.memory_space<vmem>>
    %dma_start3A_145 = tpu.memref_squeeze %dma_start3A_144 : memref<1x128xi32, #tpu.memory_space<vmem>> -> memref<128xi32, #tpu.memory_space<vmem>>
    %dma_start3A_146 = arith.constant 0 : i32
    %dma_start3A_147 = arith.constant 0 : i32
    %dma_start3A_148 = tpu.memref_slice %arg2[%dma_start3A_146, %dma_start3A_147] : memref<1000000x32xf32, #tpu.memory_space<hbm>> -> memref<1000000x32xf32, #tpu.memory_space<hbm>>
    tpu.enqueue_indirect_dma source(%dma_start3A_148 : memref<1000000x32xf32, #tpu.memory_space<hbm>>) target(%dma_start3A_142 : memref<128x32xf32, #tpu.memory_space<vmem>>) offsets(%dma_start3A_145 : memref<128xi32, #tpu.memory_space<vmem>>) semaphore(%arg19 : memref<!tpu.dma_semaphore, #tpu.memory_space<semaphore_mem>>)
    %dma_start3A_149 = arith.constant 2 : i32
    %dma_start3A_150 = arith.constant 256 : i32
    %dma_start3A_151 = arith.constant 0 : i32
    %dma_start3A_152 = tpu.memref_slice %arg15[%dma_start3A_150, %dma_start3A_151] : memref<512x32xf32, #tpu.memory_space<vmem>> -> memref<128x32xf32, #tpu.memory_space<vmem>>
    %dma_start3A_153 = arith.constant 0 : i32
    %dma_start3A_154 = tpu.memref_slice %arg9[%dma_start3A_149, %dma_start3A_153] : memref<4x128xi32, #tpu.memory_space<vmem>> -> memref<1x128xi32, #tpu.memory_space<vmem>>
    %dma_start3A_155 = tpu.memref_squeeze %dma_start3A_154 : memref<1x128xi32, #tpu.memory_space<vmem>> -> memref<128xi32, #tpu.memory_space<vmem>>
    %dma_start3A_156 = arith.constant 0 : i32
    %dma_start3A_157 = arith.constant 0 : i32
    %dma_start3A_158 = tpu.memref_slice %arg2[%dma_start3A_156, %dma_start3A_157] : memref<1000000x32xf32, #tpu.memory_space<hbm>> -> memref<1000000x32xf32, #tpu.memory_space<hbm>>
    tpu.enqueue_indirect_dma source(%dma_start3A_158 : memref<1000000x32xf32, #tpu.memory_space<hbm>>) target(%dma_start3A_152 : memref<128x32xf32, #tpu.memory_space<vmem>>) offsets(%dma_start3A_155 : memref<128xi32, #tpu.memory_space<vmem>>) semaphore(%arg19 : memref<!tpu.dma_semaphore, #tpu.memory_space<semaphore_mem>>)
    %dma_start3A_159 = arith.constant 3 : i32
    %dma_start3A_160 = arith.constant 384 : i32
    %dma_start3A_161 = arith.constant 0 : i32
    %dma_start3A_162 = tpu.memref_slice %arg13[%dma_start3A_160, %dma_start3A_161] : memref<512x32xf32, #tpu.memory_space<vmem>> -> memref<128x32xf32, #tpu.memory_space<vmem>>
    %dma_start3A_163 = arith.constant 0 : i32
    %dma_start3A_164 = tpu.memref_slice %arg5[%dma_start3A_159, %dma_start3A_163] : memref<4x128xi32, #tpu.memory_space<vmem>> -> memref<1x128xi32, #tpu.memory_space<vmem>>
    %dma_start3A_165 = tpu.memref_squeeze %dma_start3A_164 : memref<1x128xi32, #tpu.memory_space<vmem>> -> memref<128xi32, #tpu.memory_space<vmem>>
    %dma_start3A_166 = arith.constant 0 : i32
    %dma_start3A_167 = arith.constant 0 : i32
    %dma_start3A_168 = tpu.memref_slice %arg2[%dma_start3A_166, %dma_start3A_167] : memref<1000000x32xf32, #tpu.memory_space<hbm>> -> memref<1000000x32xf32, #tpu.memory_space<hbm>>
    tpu.enqueue_indirect_dma source(%dma_start3A_168 : memref<1000000x32xf32, #tpu.memory_space<hbm>>) target(%dma_start3A_162 : memref<128x32xf32, #tpu.memory_space<vmem>>) offsets(%dma_start3A_165 : memref<128xi32, #tpu.memory_space<vmem>>) semaphore(%arg19 : memref<!tpu.dma_semaphore, #tpu.memory_space<semaphore_mem>>)
    %dma_start3A_169 = arith.constant 3 : i32
    %dma_start3A_170 = arith.constant 384 : i32
    %dma_start3A_171 = arith.constant 0 : i32
    %dma_start3A_172 = tpu.memref_slice %arg15[%dma_start3A_170, %dma_start3A_171] : memref<512x32xf32, #tpu.memory_space<vmem>> -> memref<128x32xf32, #tpu.memory_space<vmem>>
    %dma_start3A_173 = arith.constant 0 : i32
    %dma_start3A_174 = tpu.memref_slice %arg9[%dma_start3A_169, %dma_start3A_173] : memref<4x128xi32, #tpu.memory_space<vmem>> -> memref<1x128xi32, #tpu.memory_space<vmem>>
    %dma_start3A_175 = tpu.memref_squeeze %dma_start3A_174 : memref<1x128xi32, #tpu.memory_space<vmem>> -> memref<128xi32, #tpu.memory_space<vmem>>
    %dma_start3A_176 = arith.constant 0 : i32
    %dma_start3A_177 = arith.constant 0 : i32
    %dma_start3A_178 = tpu.memref_slice %arg2[%dma_start3A_176, %dma_start3A_177] : memref<1000000x32xf32, #tpu.memory_space<hbm>> -> memref<1000000x32xf32, #tpu.memory_space<hbm>>
    tpu.enqueue_indirect_dma source(%dma_start3A_178 : memref<1000000x32xf32, #tpu.memory_space<hbm>>) target(%dma_start3A_172 : memref<128x32xf32, #tpu.memory_space<vmem>>) offsets(%dma_start3A_175 : memref<128xi32, #tpu.memory_space<vmem>>) semaphore(%arg19 : memref<!tpu.dma_semaphore, #tpu.memory_space<semaphore_mem>>)
    %dma_wait3A_179 = arith.constant 0 : i32
    %dma_wait3A_180 = arith.constant 1 : i32
    %dma_wait3A_181 = arith.constant 0 : i32
    %dma_wait3A_182 = arith.constant 0 : i32
    %dma_wait3A_183 = tpu.memref_slice %arg3[%dma_wait3A_179, %add3A, %dma_wait3A_180, %dma_wait3A_181, %dma_wait3A_182] : memref<2x32x64x4x128xi32, #tpu.memory_space<hbm>> -> memref<1x1x1x4x128xi32, #tpu.memory_space<hbm>>
    %dma_wait3A_184 = tpu.memref_squeeze %dma_wait3A_183 : memref<1x1x1x4x128xi32, #tpu.memory_space<hbm>> -> memref<4x128xi32, #tpu.memory_space<hbm>>
    %dma_wait3A_185 = arith.constant 0 : i32
    %dma_wait3A_186 = arith.constant 0 : i32
    %dma_wait3A_187 = tpu.memref_slice %arg3[%dma_wait3A_179, %add3A, %dma_wait3A_180, %dma_wait3A_185, %dma_wait3A_186] : memref<2x32x64x4x128xi32, #tpu.memory_space<hbm>> -> memref<1x1x1x4x128xi32, #tpu.memory_space<hbm>>
    %dma_wait3A_188 = tpu.memref_squeeze %dma_wait3A_187 : memref<1x1x1x4x128xi32, #tpu.memory_space<hbm>> -> memref<4x128xi32, #tpu.memory_space<hbm>>
    tpu.wait_dma2 semaphore(%arg22 : memref<!tpu.dma_semaphore, #tpu.memory_space<semaphore_mem>>) src(%dma_wait3A_188 : memref<4x128xi32, #tpu.memory_space<hbm>>) dst(%arg6 : memref<4x128xi32, #tpu.memory_space<vmem>>)
    %dma_wait3A_189 = arith.constant 1 : i32
    %dma_wait3A_190 = arith.constant 1 : i32
    %dma_wait3A_191 = arith.constant 0 : i32
    %dma_wait3A_192 = arith.constant 0 : i32
    %dma_wait3A_193 = tpu.memref_slice %arg3[%dma_wait3A_189, %add3A, %dma_wait3A_190, %dma_wait3A_191, %dma_wait3A_192] : memref<2x32x64x4x128xi32, #tpu.memory_space<hbm>> -> memref<1x1x1x4x128xi32, #tpu.memory_space<hbm>>
    %dma_wait3A_194 = tpu.memref_squeeze %dma_wait3A_193 : memref<1x1x1x4x128xi32, #tpu.memory_space<hbm>> -> memref<4x128xi32, #tpu.memory_space<hbm>>
    %dma_wait3A_195 = arith.constant 0 : i32
    %dma_wait3A_196 = arith.constant 0 : i32
    %dma_wait3A_197 = tpu.memref_slice %arg3[%dma_wait3A_189, %add3A, %dma_wait3A_190, %dma_wait3A_195, %dma_wait3A_196] : memref<2x32x64x4x128xi32, #tpu.memory_space<hbm>> -> memref<1x1x1x4x128xi32, #tpu.memory_space<hbm>>
    %dma_wait3A_198 = tpu.memref_squeeze %dma_wait3A_197 : memref<1x1x1x4x128xi32, #tpu.memory_space<hbm>> -> memref<4x128xi32, #tpu.memory_space<hbm>>
    tpu.wait_dma2 semaphore(%arg22 : memref<!tpu.dma_semaphore, #tpu.memory_space<semaphore_mem>>) src(%dma_wait3A_198 : memref<4x128xi32, #tpu.memory_space<hbm>>) dst(%arg10 : memref<4x128xi32, #tpu.memory_space<vmem>>)
    %dma_start3A_199 = arith.constant 0 : i32
    %dma_start3A_200 = arith.constant 0 : i32
    %dma_start3A_201 = arith.constant 0 : i32
    %dma_start3A_202 = tpu.memref_slice %arg14[%dma_start3A_200, %dma_start3A_201] : memref<512x32xf32, #tpu.memory_space<vmem>> -> memref<128x32xf32, #tpu.memory_space<vmem>>
    %dma_start3A_203 = arith.constant 0 : i32
    %dma_start3A_204 = tpu.memref_slice %arg6[%dma_start3A_199, %dma_start3A_203] : memref<4x128xi32, #tpu.memory_space<vmem>> -> memref<1x128xi32, #tpu.memory_space<vmem>>
    %dma_start3A_205 = tpu.memref_squeeze %dma_start3A_204 : memref<1x128xi32, #tpu.memory_space<vmem>> -> memref<128xi32, #tpu.memory_space<vmem>>
    %dma_start3A_206 = arith.constant 0 : i32
    %dma_start3A_207 = arith.constant 0 : i32
    %dma_start3A_208 = tpu.memref_slice %arg2[%dma_start3A_206, %dma_start3A_207] : memref<1000000x32xf32, #tpu.memory_space<hbm>> -> memref<1000000x32xf32, #tpu.memory_space<hbm>>
    tpu.enqueue_indirect_dma source(%dma_start3A_208 : memref<1000000x32xf32, #tpu.memory_space<hbm>>) target(%dma_start3A_202 : memref<128x32xf32, #tpu.memory_space<vmem>>) offsets(%dma_start3A_205 : memref<128xi32, #tpu.memory_space<vmem>>) semaphore(%arg20 : memref<!tpu.dma_semaphore, #tpu.memory_space<semaphore_mem>>)
    %dma_start3A_209 = arith.constant 0 : i32
    %dma_start3A_210 = arith.constant 0 : i32
    %dma_start3A_211 = arith.constant 0 : i32
    %dma_start3A_212 = tpu.memref_slice %arg16[%dma_start3A_210, %dma_start3A_211] : memref<512x32xf32, #tpu.memory_space<vmem>> -> memref<128x32xf32, #tpu.memory_space<vmem>>
    %dma_start3A_213 = arith.constant 0 : i32
    %dma_start3A_214 = tpu.memref_slice %arg10[%dma_start3A_209, %dma_start3A_213] : memref<4x128xi32, #tpu.memory_space<vmem>> -> memref<1x128xi32, #tpu.memory_space<vmem>>
    %dma_start3A_215 = tpu.memref_squeeze %dma_start3A_214 : memref<1x128xi32, #tpu.memory_space<vmem>> -> memref<128xi32, #tpu.memory_space<vmem>>
    %dma_start3A_216 = arith.constant 0 : i32
    %dma_start3A_217 = arith.constant 0 : i32
    %dma_start3A_218 = tpu.memref_slice %arg2[%dma_start3A_216, %dma_start3A_217] : memref<1000000x32xf32, #tpu.memory_space<hbm>> -> memref<1000000x32xf32, #tpu.memory_space<hbm>>
    tpu.enqueue_indirect_dma source(%dma_start3A_218 : memref<1000000x32xf32, #tpu.memory_space<hbm>>) target(%dma_start3A_212 : memref<128x32xf32, #tpu.memory_space<vmem>>) offsets(%dma_start3A_215 : memref<128xi32, #tpu.memory_space<vmem>>) semaphore(%arg20 : memref<!tpu.dma_semaphore, #tpu.memory_space<semaphore_mem>>)
    %dma_start3A_219 = arith.constant 1 : i32
    %dma_start3A_220 = arith.constant 128 : i32
    %dma_start3A_221 = arith.constant 0 : i32
    %dma_start3A_222 = tpu.memref_slice %arg14[%dma_start3A_220, %dma_start3A_221] : memref<512x32xf32, #tpu.memory_space<vmem>> -> memref<128x32xf32, #tpu.memory_space<vmem>>
    %dma_start3A_223 = arith.constant 0 : i32
    %dma_start3A_224 = tpu.memref_slice %arg6[%dma_start3A_219, %dma_start3A_223] : memref<4x128xi32, #tpu.memory_space<vmem>> -> memref<1x128xi32, #tpu.memory_space<vmem>>
    %dma_start3A_225 = tpu.memref_squeeze %dma_start3A_224 : memref<1x128xi32, #tpu.memory_space<vmem>> -> memref<128xi32, #tpu.memory_space<vmem>>
    %dma_start3A_226 = arith.constant 0 : i32
    %dma_start3A_227 = arith.constant 0 : i32
    %dma_start3A_228 = tpu.memref_slice %arg2[%dma_start3A_226, %dma_start3A_227] : memref<1000000x32xf32, #tpu.memory_space<hbm>> -> memref<1000000x32xf32, #tpu.memory_space<hbm>>
    tpu.enqueue_indirect_dma source(%dma_start3A_228 : memref<1000000x32xf32, #tpu.memory_space<hbm>>) target(%dma_start3A_222 : memref<128x32xf32, #tpu.memory_space<vmem>>) offsets(%dma_start3A_225 : memref<128xi32, #tpu.memory_space<vmem>>) semaphore(%arg20 : memref<!tpu.dma_semaphore, #tpu.memory_space<semaphore_mem>>)
    %dma_start3A_229 = arith.constant 1 : i32
    %dma_start3A_230 = arith.constant 128 : i32
    %dma_start3A_231 = arith.constant 0 : i32
    %dma_start3A_232 = tpu.memref_slice %arg16[%dma_start3A_230, %dma_start3A_231] : memref<512x32xf32, #tpu.memory_space<vmem>> -> memref<128x32xf32, #tpu.memory_space<vmem>>
    %dma_start3A_233 = arith.constant 0 : i32
    %dma_start3A_234 = tpu.memref_slice %arg10[%dma_start3A_229, %dma_start3A_233] : memref<4x128xi32, #tpu.memory_space<vmem>> -> memref<1x128xi32, #tpu.memory_space<vmem>>
    %dma_start3A_235 = tpu.memref_squeeze %dma_start3A_234 : memref<1x128xi32, #tpu.memory_space<vmem>> -> memref<128xi32, #tpu.memory_space<vmem>>
    %dma_start3A_236 = arith.constant 0 : i32
    %dma_start3A_237 = arith.constant 0 : i32
    %dma_start3A_238 = tpu.memref_slice %arg2[%dma_start3A_236, %dma_start3A_237] : memref<1000000x32xf32, #tpu.memory_space<hbm>> -> memref<1000000x32xf32, #tpu.memory_space<hbm>>
    tpu.enqueue_indirect_dma source(%dma_start3A_238 : memref<1000000x32xf32, #tpu.memory_space<hbm>>) target(%dma_start3A_232 : memref<128x32xf32, #tpu.memory_space<vmem>>) offsets(%dma_start3A_235 : memref<128xi32, #tpu.memory_space<vmem>>) semaphore(%arg20 : memref<!tpu.dma_semaphore, #tpu.memory_space<semaphore_mem>>)
    %dma_start3A_239 = arith.constant 2 : i32
    %dma_start3A_240 = arith.constant 256 : i32
    %dma_start3A_241 = arith.constant 0 : i32
    %dma_start3A_242 = tpu.memref_slice %arg14[%dma_start3A_240, %dma_start3A_241] : memref<512x32xf32, #tpu.memory_space<vmem>> -> memref<128x32xf32, #tpu.memory_space<vmem>>
    %dma_start3A_243 = arith.constant 0 : i32
    %dma_start3A_244 = tpu.memref_slice %arg6[%dma_start3A_239, %dma_start3A_243] : memref<4x128xi32, #tpu.memory_space<vmem>> -> memref<1x128xi32, #tpu.memory_space<vmem>>
    %dma_start3A_245 = tpu.memref_squeeze %dma_start3A_244 : memref<1x128xi32, #tpu.memory_space<vmem>> -> memref<128xi32, #tpu.memory_space<vmem>>
    %dma_start3A_246 = arith.constant 0 : i32
    %dma_start3A_247 = arith.constant 0 : i32
    %dma_start3A_248 = tpu.memref_slice %arg2[%dma_start3A_246, %dma_start3A_247] : memref<1000000x32xf32, #tpu.memory_space<hbm>> -> memref<1000000x32xf32, #tpu.memory_space<hbm>>
    tpu.enqueue_indirect_dma source(%dma_start3A_248 : memref<1000000x32xf32, #tpu.memory_space<hbm>>) target(%dma_start3A_242 : memref<128x32xf32, #tpu.memory_space<vmem>>) offsets(%dma_start3A_245 : memref<128xi32, #tpu.memory_space<vmem>>) semaphore(%arg20 : memref<!tpu.dma_semaphore, #tpu.memory_space<semaphore_mem>>)
    %dma_start3A_249 = arith.constant 2 : i32
    %dma_start3A_250 = arith.constant 256 : i32
    %dma_start3A_251 = arith.constant 0 : i32
    %dma_start3A_252 = tpu.memref_slice %arg16[%dma_start3A_250, %dma_start3A_251] : memref<512x32xf32, #tpu.memory_space<vmem>> -> memref<128x32xf32, #tpu.memory_space<vmem>>
    %dma_start3A_253 = arith.constant 0 : i32
    %dma_start3A_254 = tpu.memref_slice %arg10[%dma_start3A_249, %dma_start3A_253] : memref<4x128xi32, #tpu.memory_space<vmem>> -> memref<1x128xi32, #tpu.memory_space<vmem>>
    %dma_start3A_255 = tpu.memref_squeeze %dma_start3A_254 : memref<1x128xi32, #tpu.memory_space<vmem>> -> memref<128xi32, #tpu.memory_space<vmem>>
    %dma_start3A_256 = arith.constant 0 : i32
    %dma_start3A_257 = arith.constant 0 : i32
    %dma_start3A_258 = tpu.memref_slice %arg2[%dma_start3A_256, %dma_start3A_257] : memref<1000000x32xf32, #tpu.memory_space<hbm>> -> memref<1000000x32xf32, #tpu.memory_space<hbm>>
    tpu.enqueue_indirect_dma source(%dma_start3A_258 : memref<1000000x32xf32, #tpu.memory_space<hbm>>) target(%dma_start3A_252 : memref<128x32xf32, #tpu.memory_space<vmem>>) offsets(%dma_start3A_255 : memref<128xi32, #tpu.memory_space<vmem>>) semaphore(%arg20 : memref<!tpu.dma_semaphore, #tpu.memory_space<semaphore_mem>>)
    %dma_start3A_259 = arith.constant 3 : i32
    %dma_start3A_260 = arith.constant 384 : i32
    %dma_start3A_261 = arith.constant 0 : i32
    %dma_start3A_262 = tpu.memref_slice %arg14[%dma_start3A_260, %dma_start3A_261] : memref<512x32xf32, #tpu.memory_space<vmem>> -> memref<128x32xf32, #tpu.memory_space<vmem>>
    %dma_start3A_263 = arith.constant 0 : i32
    %dma_start3A_264 = tpu.memref_slice %arg6[%dma_start3A_259, %dma_start3A_263] : memref<4x128xi32, #tpu.memory_space<vmem>> -> memref<1x128xi32, #tpu.memory_space<vmem>>
    %dma_start3A_265 = tpu.memref_squeeze %dma_start3A_264 : memref<1x128xi32, #tpu.memory_space<vmem>> -> memref<128xi32, #tpu.memory_space<vmem>>
    %dma_start3A_266 = arith.constant 0 : i32
    %dma_start3A_267 = arith.constant 0 : i32
    %dma_start3A_268 = tpu.memref_slice %arg2[%dma_start3A_266, %dma_start3A_267] : memref<1000000x32xf32, #tpu.memory_space<hbm>> -> memref<1000000x32xf32, #tpu.memory_space<hbm>>
    tpu.enqueue_indirect_dma source(%dma_start3A_268 : memref<1000000x32xf32, #tpu.memory_space<hbm>>) target(%dma_start3A_262 : memref<128x32xf32, #tpu.memory_space<vmem>>) offsets(%dma_start3A_265 : memref<128xi32, #tpu.memory_space<vmem>>) semaphore(%arg20 : memref<!tpu.dma_semaphore, #tpu.memory_space<semaphore_mem>>)
    %dma_start3A_269 = arith.constant 3 : i32
    %dma_start3A_270 = arith.constant 384 : i32
    %dma_start3A_271 = arith.constant 0 : i32
    %dma_start3A_272 = tpu.memref_slice %arg16[%dma_start3A_270, %dma_start3A_271] : memref<512x32xf32, #tpu.memory_space<vmem>> -> memref<128x32xf32, #tpu.memory_space<vmem>>
    %dma_start3A_273 = arith.constant 0 : i32
    %dma_start3A_274 = tpu.memref_slice %arg10[%dma_start3A_269, %dma_start3A_273] : memref<4x128xi32, #tpu.memory_space<vmem>> -> memref<1x128xi32, #tpu.memory_space<vmem>>
    %dma_start3A_275 = tpu.memref_squeeze %dma_start3A_274 : memref<1x128xi32, #tpu.memory_space<vmem>> -> memref<128xi32, #tpu.memory_space<vmem>>
    %dma_start3A_276 = arith.constant 0 : i32
    %dma_start3A_277 = arith.constant 0 : i32
    %dma_start3A_278 = tpu.memref_slice %arg2[%dma_start3A_276, %dma_start3A_277] : memref<1000000x32xf32, #tpu.memory_space<hbm>> -> memref<1000000x32xf32, #tpu.memory_space<hbm>>
    tpu.enqueue_indirect_dma source(%dma_start3A_278 : memref<1000000x32xf32, #tpu.memory_space<hbm>>) target(%dma_start3A_272 : memref<128x32xf32, #tpu.memory_space<vmem>>) offsets(%dma_start3A_275 : memref<128xi32, #tpu.memory_space<vmem>>) semaphore(%arg20 : memref<!tpu.dma_semaphore, #tpu.memory_space<semaphore_mem>>)
    %scan3A = arith.constant 0 : i32
    %scan3A_279 = arith.constant 0 : i32
    %scan3A_280 = arith.constant 16 : i32
    %scan3A_281 = arith.addi %scan3A_279, %scan3A_280 : i32
    %scan3A_282 = arith.constant 1 : i32
    scf.for %scan3A_298 = %scan3A_279 to %scan3A_281 step %scan3A_282  : i32 {
      %mul3A_299 = arith.constant 4 : i32
      %mul3A_300 = arith.muli %scan3A_298, %mul3A_299 : i32
      %add3A_301 = arith.constant 0 : i32
      %add3A_302 = arith.addi %mul3A_300, %add3A_301 : i32
      %dma_wait3A_303 = arith.constant 0 : i32
      %dma_wait3A_304 = arith.constant 0 : i32
      %dma_wait3A_305 = arith.constant 0 : i32
      %dma_wait3A_306 = tpu.memref_slice %arg13[%dma_wait3A_304, %dma_wait3A_305] : memref<512x32xf32, #tpu.memory_space<vmem>> -> memref<128x32xf32, #tpu.memory_space<vmem>>
      %dma_wait3A_307 = arith.constant 0 : i32
      %dma_wait3A_308 = tpu.memref_slice %arg5[%dma_wait3A_303, %dma_wait3A_307] : memref<4x128xi32, #tpu.memory_space<vmem>> -> memref<1x128xi32, #tpu.memory_space<vmem>>
      %dma_wait3A_309 = tpu.memref_squeeze %dma_wait3A_308 : memref<1x128xi32, #tpu.memory_space<vmem>> -> memref<128xi32, #tpu.memory_space<vmem>>
      %dma_wait3A_310 = arith.constant 0 : i32
      %dma_wait3A_311 = arith.constant 0 : i32
      %dma_wait3A_312 = tpu.memref_slice %arg2[%dma_wait3A_310, %dma_wait3A_311] : memref<1000000x32xf32, #tpu.memory_space<hbm>> -> memref<1000000x32xf32, #tpu.memory_space<hbm>>
      tpu.wait_indirect_dma semaphore(%arg19 : memref<!tpu.dma_semaphore, #tpu.memory_space<semaphore_mem>>) src(%dma_wait3A_312 : memref<1000000x32xf32, #tpu.memory_space<hbm>>) dst(%dma_wait3A_306 : memref<128x32xf32, #tpu.memory_space<vmem>>)
      %dma_wait3A_313 = arith.constant 0 : i32
      %dma_wait3A_314 = arith.constant 0 : i32
      %dma_wait3A_315 = arith.constant 0 : i32
      %dma_wait3A_316 = tpu.memref_slice %arg15[%dma_wait3A_314, %dma_wait3A_315] : memref<512x32xf32, #tpu.memory_space<vmem>> -> memref<128x32xf32, #tpu.memory_space<vmem>>
      %dma_wait3A_317 = arith.constant 0 : i32
      %dma_wait3A_318 = tpu.memref_slice %arg9[%dma_wait3A_313, %dma_wait3A_317] : memref<4x128xi32, #tpu.memory_space<vmem>> -> memref<1x128xi32, #tpu.memory_space<vmem>>
      %dma_wait3A_319 = tpu.memref_squeeze %dma_wait3A_318 : memref<1x128xi32, #tpu.memory_space<vmem>> -> memref<128xi32, #tpu.memory_space<vmem>>
      %dma_wait3A_320 = arith.constant 0 : i32
      %dma_wait3A_321 = arith.constant 0 : i32
      %dma_wait3A_322 = tpu.memref_slice %arg2[%dma_wait3A_320, %dma_wait3A_321] : memref<1000000x32xf32, #tpu.memory_space<hbm>> -> memref<1000000x32xf32, #tpu.memory_space<hbm>>
      tpu.wait_indirect_dma semaphore(%arg19 : memref<!tpu.dma_semaphore, #tpu.memory_space<semaphore_mem>>) src(%dma_wait3A_322 : memref<1000000x32xf32, #tpu.memory_space<hbm>>) dst(%dma_wait3A_316 : memref<128x32xf32, #tpu.memory_space<vmem>>)
      %dma_wait3A_323 = arith.constant 1 : i32
      %dma_wait3A_324 = arith.constant 128 : i32
      %dma_wait3A_325 = arith.constant 0 : i32
      %dma_wait3A_326 = tpu.memref_slice %arg13[%dma_wait3A_324, %dma_wait3A_325] : memref<512x32xf32, #tpu.memory_space<vmem>> -> memref<128x32xf32, #tpu.memory_space<vmem>>
      %dma_wait3A_327 = arith.constant 0 : i32
      %dma_wait3A_328 = tpu.memref_slice %arg5[%dma_wait3A_323, %dma_wait3A_327] : memref<4x128xi32, #tpu.memory_space<vmem>> -> memref<1x128xi32, #tpu.memory_space<vmem>>
      %dma_wait3A_329 = tpu.memref_squeeze %dma_wait3A_328 : memref<1x128xi32, #tpu.memory_space<vmem>> -> memref<128xi32, #tpu.memory_space<vmem>>
      %dma_wait3A_330 = arith.constant 0 : i32
      %dma_wait3A_331 = arith.constant 0 : i32
      %dma_wait3A_332 = tpu.memref_slice %arg2[%dma_wait3A_330, %dma_wait3A_331] : memref<1000000x32xf32, #tpu.memory_space<hbm>> -> memref<1000000x32xf32, #tpu.memory_space<hbm>>
      tpu.wait_indirect_dma semaphore(%arg19 : memref<!tpu.dma_semaphore, #tpu.memory_space<semaphore_mem>>) src(%dma_wait3A_332 : memref<1000000x32xf32, #tpu.memory_space<hbm>>) dst(%dma_wait3A_326 : memref<128x32xf32, #tpu.memory_space<vmem>>)
      %dma_wait3A_333 = arith.constant 1 : i32
      %dma_wait3A_334 = arith.constant 128 : i32
      %dma_wait3A_335 = arith.constant 0 : i32
      %dma_wait3A_336 = tpu.memref_slice %arg15[%dma_wait3A_334, %dma_wait3A_335] : memref<512x32xf32, #tpu.memory_space<vmem>> -> memref<128x32xf32, #tpu.memory_space<vmem>>
      %dma_wait3A_337 = arith.constant 0 : i32
      %dma_wait3A_338 = tpu.memref_slice %arg9[%dma_wait3A_333, %dma_wait3A_337] : memref<4x128xi32, #tpu.memory_space<vmem>> -> memref<1x128xi32, #tpu.memory_space<vmem>>
      %dma_wait3A_339 = tpu.memref_squeeze %dma_wait3A_338 : memref<1x128xi32, #tpu.memory_space<vmem>> -> memref<128xi32, #tpu.memory_space<vmem>>
      %dma_wait3A_340 = arith.constant 0 : i32
      %dma_wait3A_341 = arith.constant 0 : i32
      %dma_wait3A_342 = tpu.memref_slice %arg2[%dma_wait3A_340, %dma_wait3A_341] : memref<1000000x32xf32, #tpu.memory_space<hbm>> -> memref<1000000x32xf32, #tpu.memory_space<hbm>>
      tpu.wait_indirect_dma semaphore(%arg19 : memref<!tpu.dma_semaphore, #tpu.memory_space<semaphore_mem>>) src(%dma_wait3A_342 : memref<1000000x32xf32, #tpu.memory_space<hbm>>) dst(%dma_wait3A_336 : memref<128x32xf32, #tpu.memory_space<vmem>>)
      %dma_wait3A_343 = arith.constant 2 : i32
      %dma_wait3A_344 = arith.constant 256 : i32
      %dma_wait3A_345 = arith.constant 0 : i32
      %dma_wait3A_346 = tpu.memref_slice %arg13[%dma_wait3A_344, %dma_wait3A_345] : memref<512x32xf32, #tpu.memory_space<vmem>> -> memref<128x32xf32, #tpu.memory_space<vmem>>
      %dma_wait3A_347 = arith.constant 0 : i32
      %dma_wait3A_348 = tpu.memref_slice %arg5[%dma_wait3A_343, %dma_wait3A_347] : memref<4x128xi32, #tpu.memory_space<vmem>> -> memref<1x128xi32, #tpu.memory_space<vmem>>
      %dma_wait3A_349 = tpu.memref_squeeze %dma_wait3A_348 : memref<1x128xi32, #tpu.memory_space<vmem>> -> memref<128xi32, #tpu.memory_space<vmem>>
      %dma_wait3A_350 = arith.constant 0 : i32
      %dma_wait3A_351 = arith.constant 0 : i32
      %dma_wait3A_352 = tpu.memref_slice %arg2[%dma_wait3A_350, %dma_wait3A_351] : memref<1000000x32xf32, #tpu.memory_space<hbm>> -> memref<1000000x32xf32, #tpu.memory_space<hbm>>
      tpu.wait_indirect_dma semaphore(%arg19 : memref<!tpu.dma_semaphore, #tpu.memory_space<semaphore_mem>>) src(%dma_wait3A_352 : memref<1000000x32xf32, #tpu.memory_space<hbm>>) dst(%dma_wait3A_346 : memref<128x32xf32, #tpu.memory_space<vmem>>)
      %dma_wait3A_353 = arith.constant 2 : i32
      %dma_wait3A_354 = arith.constant 256 : i32
      %dma_wait3A_355 = arith.constant 0 : i32
      %dma_wait3A_356 = tpu.memref_slice %arg15[%dma_wait3A_354, %dma_wait3A_355] : memref<512x32xf32, #tpu.memory_space<vmem>> -> memref<128x32xf32, #tpu.memory_space<vmem>>
      %dma_wait3A_357 = arith.constant 0 : i32
      %dma_wait3A_358 = tpu.memref_slice %arg9[%dma_wait3A_353, %dma_wait3A_357] : memref<4x128xi32, #tpu.memory_space<vmem>> -> memref<1x128xi32, #tpu.memory_space<vmem>>
      %dma_wait3A_359 = tpu.memref_squeeze %dma_wait3A_358 : memref<1x128xi32, #tpu.memory_space<vmem>> -> memref<128xi32, #tpu.memory_space<vmem>>
      %dma_wait3A_360 = arith.constant 0 : i32
      %dma_wait3A_361 = arith.constant 0 : i32
      %dma_wait3A_362 = tpu.memref_slice %arg2[%dma_wait3A_360, %dma_wait3A_361] : memref<1000000x32xf32, #tpu.memory_space<hbm>> -> memref<1000000x32xf32, #tpu.memory_space<hbm>>
      tpu.wait_indirect_dma semaphore(%arg19 : memref<!tpu.dma_semaphore, #tpu.memory_space<semaphore_mem>>) src(%dma_wait3A_362 : memref<1000000x32xf32, #tpu.memory_space<hbm>>) dst(%dma_wait3A_356 : memref<128x32xf32, #tpu.memory_space<vmem>>)
      %dma_wait3A_363 = arith.constant 3 : i32
      %dma_wait3A_364 = arith.constant 384 : i32
      %dma_wait3A_365 = arith.constant 0 : i32
      %dma_wait3A_366 = tpu.memref_slice %arg13[%dma_wait3A_364, %dma_wait3A_365] : memref<512x32xf32, #tpu.memory_space<vmem>> -> memref<128x32xf32, #tpu.memory_space<vmem>>
      %dma_wait3A_367 = arith.constant 0 : i32
      %dma_wait3A_368 = tpu.memref_slice %arg5[%dma_wait3A_363, %dma_wait3A_367] : memref<4x128xi32, #tpu.memory_space<vmem>> -> memref<1x128xi32, #tpu.memory_space<vmem>>
      %dma_wait3A_369 = tpu.memref_squeeze %dma_wait3A_368 : memref<1x128xi32, #tpu.memory_space<vmem>> -> memref<128xi32, #tpu.memory_space<vmem>>
      %dma_wait3A_370 = arith.constant 0 : i32
      %dma_wait3A_371 = arith.constant 0 : i32
      %dma_wait3A_372 = tpu.memref_slice %arg2[%dma_wait3A_370, %dma_wait3A_371] : memref<1000000x32xf32, #tpu.memory_space<hbm>> -> memref<1000000x32xf32, #tpu.memory_space<hbm>>
      tpu.wait_indirect_dma semaphore(%arg19 : memref<!tpu.dma_semaphore, #tpu.memory_space<semaphore_mem>>) src(%dma_wait3A_372 : memref<1000000x32xf32, #tpu.memory_space<hbm>>) dst(%dma_wait3A_366 : memref<128x32xf32, #tpu.memory_space<vmem>>)
      %dma_wait3A_373 = arith.constant 3 : i32
      %dma_wait3A_374 = arith.constant 384 : i32
      %dma_wait3A_375 = arith.constant 0 : i32
      %dma_wait3A_376 = tpu.memref_slice %arg15[%dma_wait3A_374, %dma_wait3A_375] : memref<512x32xf32, #tpu.memory_space<vmem>> -> memref<128x32xf32, #tpu.memory_space<vmem>>
      %dma_wait3A_377 = arith.constant 0 : i32
      %dma_wait3A_378 = tpu.memref_slice %arg9[%dma_wait3A_373, %dma_wait3A_377] : memref<4x128xi32, #tpu.memory_space<vmem>> -> memref<1x128xi32, #tpu.memory_space<vmem>>
      %dma_wait3A_379 = tpu.memref_squeeze %dma_wait3A_378 : memref<1x128xi32, #tpu.memory_space<vmem>> -> memref<128xi32, #tpu.memory_space<vmem>>
      %dma_wait3A_380 = arith.constant 0 : i32
      %dma_wait3A_381 = arith.constant 0 : i32
      %dma_wait3A_382 = tpu.memref_slice %arg2[%dma_wait3A_380, %dma_wait3A_381] : memref<1000000x32xf32, #tpu.memory_space<hbm>> -> memref<1000000x32xf32, #tpu.memory_space<hbm>>
      tpu.wait_indirect_dma semaphore(%arg19 : memref<!tpu.dma_semaphore, #tpu.memory_space<semaphore_mem>>) src(%dma_wait3A_382 : memref<1000000x32xf32, #tpu.memory_space<hbm>>) dst(%dma_wait3A_376 : memref<128x32xf32, #tpu.memory_space<vmem>>)
      %ge3A = arith.constant 1 : i32
      %ge3A_383 = arith.cmpi sge, %scan3A_298, %ge3A : i32
      %convert_element_type3A = arith.extui %ge3A_383 : i1 to i32
      %cond3A = arith.constant 0 : i32
      %cond3A_384 = arith.cmpi ne, %convert_element_type3A, %cond3A : i32
      scf.if %cond3A_384 {
        %sub3A_928 = arith.constant 2 : i32
        %sub3A_929 = arith.subi %add3A_302, %sub3A_928 : i32
        %dma_wait3A_930 = arith.constant 0 : i32
        %dma_wait3A_931 = tpu.memref_slice %arg4[%add3A, %sub3A_929, %dma_wait3A_930] : memref<32x64x512xf32, #tpu.memory_space<hbm>> -> memref<1x1x512xf32, #tpu.memory_space<hbm>>
        %dma_wait3A_932 = tpu.memref_squeeze %dma_wait3A_931 : memref<1x1x512xf32, #tpu.memory_space<hbm>> -> memref<512xf32, #tpu.memory_space<hbm>>
        %dma_wait3A_933 = arith.constant 0 : i32
        %dma_wait3A_934 = tpu.memref_slice %arg4[%add3A, %sub3A_929, %dma_wait3A_933] : memref<32x64x512xf32, #tpu.memory_space<hbm>> -> memref<1x1x512xf32, #tpu.memory_space<hbm>>
        %dma_wait3A_935 = tpu.memref_squeeze %dma_wait3A_934 : memref<1x1x512xf32, #tpu.memory_space<hbm>> -> memref<512xf32, #tpu.memory_space<hbm>>
        tpu.wait_dma2 semaphore(%arg25 : memref<!tpu.dma_semaphore, #tpu.memory_space<semaphore_mem>>) src(%arg17 : memref<512xf32, #tpu.memory_space<vmem>>) dst(%dma_wait3A_935 : memref<512xf32, #tpu.memory_space<hbm>>)
      } else {
      }
      %scan3A_385 = arith.constant 0 : i32
      %scan3A_386 = arith.constant 0 : i32
      %scan3A_387 = arith.constant 32 : i32
      %scan3A_388 = arith.addi %scan3A_386, %scan3A_387 : i32
      %scan3A_389 = arith.constant 1 : i32
      scf.for %scan3A_928 = %scan3A_386 to %scan3A_388 step %scan3A_389  : i32 {
        %mul3A_929 = arith.constant 16 : i32
        %mul3A_930 = arith.muli %scan3A_928, %mul3A_929 : i32
        %add3A_931 = vector.broadcast %mul3A_930 : i32 to vector<16xi32>
        %add3A_932 = arith.addi %add3A_931, %iota3A : vector<16xi32>
        %broadcast_in_dim3A = arith.constant 0.000000e+00 : f32
        %broadcast_in_dim3A_933 = vector.broadcast %broadcast_in_dim3A : f32 to vector<16xf32>
        %add3A_934 = arith.constant 0 : i32
        %add3A_935 = vector.broadcast %add3A_934 : i32 to vector<16xi32>
        %add3A_936 = arith.addi %iota3A, %add3A_935 : vector<16xi32>
        %and3A = arith.constant 31 : i32
        %and3A_937 = vector.broadcast %and3A : i32 to vector<16xi32>
        %and3A_938 = arith.andi %add3A_936, %and3A_937 : vector<16xi32>
        %gather3A = tpu.vector_load_idx %arg13[%add3A_932, %and3A_938] : memref<512x32xf32, #tpu.memory_space<vmem>>[vector<16xi32>, vector<16xi32>], vector<16xf32>,
        %gather3A_939 = tpu.vector_load_idx %arg15[%add3A_932, %and3A_938] : memref<512x32xf32, #tpu.memory_space<vmem>>[vector<16xi32>, vector<16xi32>], vector<16xf32>,
        %mul3A_940 = arith.mulf %gather3A, %gather3A_939 : vector<16xf32>
        %add3A_941 = arith.addf %broadcast_in_dim3A_933, %mul3A_940 : vector<16xf32>
        %add3A_942 = arith.constant 1 : i32
        %add3A_943 = vector.broadcast %add3A_942 : i32 to vector<16xi32>
        %add3A_944 = arith.addi %iota3A, %add3A_943 : vector<16xi32>
        %and3A_945 = arith.constant 31 : i32
        %and3A_946 = vector.broadcast %and3A_945 : i32 to vector<16xi32>
        %and3A_947 = arith.andi %add3A_944, %and3A_946 : vector<16xi32>
        %gather3A_948 = tpu.vector_load_idx %arg13[%add3A_932, %and3A_947] : memref<512x32xf32, #tpu.memory_space<vmem>>[vector<16xi32>, vector<16xi32>], vector<16xf32>,
        %gather3A_949 = tpu.vector_load_idx %arg15[%add3A_932, %and3A_947] : memref<512x32xf32, #tpu.memory_space<vmem>>[vector<16xi32>, vector<16xi32>], vector<16xf32>,
        %mul3A_950 = arith.mulf %gather3A_948, %gather3A_949 : vector<16xf32>
        %add3A_951 = arith.addf %add3A_941, %mul3A_950 : vector<16xf32>
        %add3A_952 = arith.constant 2 : i32
        %add3A_953 = vector.broadcast %add3A_952 : i32 to vector<16xi32>
        %add3A_954 = arith.addi %iota3A, %add3A_953 : vector<16xi32>
        %and3A_955 = arith.constant 31 : i32
        %and3A_956 = vector.broadcast %and3A_955 : i32 to vector<16xi32>
        %and3A_957 = arith.andi %add3A_954, %and3A_956 : vector<16xi32>
        %gather3A_958 = tpu.vector_load_idx %arg13[%add3A_932, %and3A_957] : memref<512x32xf32, #tpu.memory_space<vmem>>[vector<16xi32>, vector<16xi32>], vector<16xf32>,
        %gather3A_959 = tpu.vector_load_idx %arg15[%add3A_932, %and3A_957] : memref<512x32xf32, #tpu.memory_space<vmem>>[vector<16xi32>, vector<16xi32>], vector<16xf32>,
        %mul3A_960 = arith.mulf %gather3A_958, %gather3A_959 : vector<16xf32>
        %add3A_961 = arith.addf %add3A_951, %mul3A_960 : vector<16xf32>
        %add3A_962 = arith.constant 3 : i32
        %add3A_963 = vector.broadcast %add3A_962 : i32 to vector<16xi32>
        %add3A_964 = arith.addi %iota3A, %add3A_963 : vector<16xi32>
        %and3A_965 = arith.constant 31 : i32
        %and3A_966 = vector.broadcast %and3A_965 : i32 to vector<16xi32>
        %and3A_967 = arith.andi %add3A_964, %and3A_966 : vector<16xi32>
        %gather3A_968 = tpu.vector_load_idx %arg13[%add3A_932, %and3A_967] : memref<512x32xf32, #tpu.memory_space<vmem>>[vector<16xi32>, vector<16xi32>], vector<16xf32>,
        %gather3A_969 = tpu.vector_load_idx %arg15[%add3A_932, %and3A_967] : memref<512x32xf32, #tpu.memory_space<vmem>>[vector<16xi32>, vector<16xi32>], vector<16xf32>,
        %mul3A_970 = arith.mulf %gather3A_968, %gather3A_969 : vector<16xf32>
        %add3A_971 = arith.addf %add3A_961, %mul3A_970 : vector<16xf32>
        %add3A_972 = arith.constant 4 : i32
        %add3A_973 = vector.broadcast %add3A_972 : i32 to vector<16xi32>
        %add3A_974 = arith.addi %iota3A, %add3A_973 : vector<16xi32>
        %and3A_975 = arith.constant 31 : i32
        %and3A_976 = vector.broadcast %and3A_975 : i32 to vector<16xi32>
        %and3A_977 = arith.andi %add3A_974, %and3A_976 : vector<16xi32>
        %gather3A_978 = tpu.vector_load_idx %arg13[%add3A_932, %and3A_977] : memref<512x32xf32, #tpu.memory_space<vmem>>[vector<16xi32>, vector<16xi32>], vector<16xf32>,
        %gather3A_979 = tpu.vector_load_idx %arg15[%add3A_932, %and3A_977] : memref<512x32xf32, #tpu.memory_space<vmem>>[vector<16xi32>, vector<16xi32>], vector<16xf32>,
        %mul3A_980 = arith.mulf %gather3A_978, %gather3A_979 : vector<16xf32>
        %add3A_981 = arith.addf %add3A_971, %mul3A_980 : vector<16xf32>
        %add3A_982 = arith.constant 5 : i32
        %add3A_983 = vector.broadcast %add3A_982 : i32 to vector<16xi32>
        %add3A_984 = arith.addi %iota3A, %add3A_983 : vector<16xi32>
        %and3A_985 = arith.constant 31 : i32
        %and3A_986 = vector.broadcast %and3A_985 : i32 to vector<16xi32>
        %and3A_987 = arith.andi %add3A_984, %and3A_986 : vector<16xi32>
        %gather3A_988 = tpu.vector_load_idx %arg13[%add3A_932, %and3A_987] : memref<512x32xf32, #tpu.memory_space<vmem>>[vector<16xi32>, vector<16xi32>], vector<16xf32>,
        %gather3A_989 = tpu.vector_load_idx %arg15[%add3A_932, %and3A_987] : memref<512x32xf32, #tpu.memory_space<vmem>>[vector<16xi32>, vector<16xi32>], vector<16xf32>,
        %mul3A_990 = arith.mulf %gather3A_988, %gather3A_989 : vector<16xf32>
        %add3A_991 = arith.addf %add3A_981, %mul3A_990 : vector<16xf32>
        %add3A_992 = arith.constant 6 : i32
        %add3A_993 = vector.broadcast %add3A_992 : i32 to vector<16xi32>
        %add3A_994 = arith.addi %iota3A, %add3A_993 : vector<16xi32>
        %and3A_995 = arith.constant 31 : i32
        %and3A_996 = vector.broadcast %and3A_995 : i32 to vector<16xi32>
        %and3A_997 = arith.andi %add3A_994, %and3A_996 : vector<16xi32>
        %gather3A_998 = tpu.vector_load_idx %arg13[%add3A_932, %and3A_997] : memref<512x32xf32, #tpu.memory_space<vmem>>[vector<16xi32>, vector<16xi32>], vector<16xf32>,
        %gather3A_999 = tpu.vector_load_idx %arg15[%add3A_932, %and3A_997] : memref<512x32xf32, #tpu.memory_space<vmem>>[vector<16xi32>, vector<16xi32>], vector<16xf32>,
        %mul3A_1000 = arith.mulf %gather3A_998, %gather3A_999 : vector<16xf32>
        %add3A_1001 = arith.addf %add3A_991, %mul3A_1000 : vector<16xf32>
        %add3A_1002 = arith.constant 7 : i32
        %add3A_1003 = vector.broadcast %add3A_1002 : i32 to vector<16xi32>
        %add3A_1004 = arith.addi %iota3A, %add3A_1003 : vector<16xi32>
        %and3A_1005 = arith.constant 31 : i32
        %and3A_1006 = vector.broadcast %and3A_1005 : i32 to vector<16xi32>
        %and3A_1007 = arith.andi %add3A_1004, %and3A_1006 : vector<16xi32>
        %gather3A_1008 = tpu.vector_load_idx %arg13[%add3A_932, %and3A_1007] : memref<512x32xf32, #tpu.memory_space<vmem>>[vector<16xi32>, vector<16xi32>], vector<16xf32>,
        %gather3A_1009 = tpu.vector_load_idx %arg15[%add3A_932, %and3A_1007] : memref<512x32xf32, #tpu.memory_space<vmem>>[vector<16xi32>, vector<16xi32>], vector<16xf32>,
        %mul3A_1010 = arith.mulf %gather3A_1008, %gather3A_1009 : vector<16xf32>
        %add3A_1011 = arith.addf %add3A_1001, %mul3A_1010 : vector<16xf32>
        %add3A_1012 = arith.constant 8 : i32
        %add3A_1013 = vector.broadcast %add3A_1012 : i32 to vector<16xi32>
        %add3A_1014 = arith.addi %iota3A, %add3A_1013 : vector<16xi32>
        %and3A_1015 = arith.constant 31 : i32
        %and3A_1016 = vector.broadcast %and3A_1015 : i32 to vector<16xi32>
        %and3A_1017 = arith.andi %add3A_1014, %and3A_1016 : vector<16xi32>
        %gather3A_1018 = tpu.vector_load_idx %arg13[%add3A_932, %and3A_1017] : memref<512x32xf32, #tpu.memory_space<vmem>>[vector<16xi32>, vector<16xi32>], vector<16xf32>,
        %gather3A_1019 = tpu.vector_load_idx %arg15[%add3A_932, %and3A_1017] : memref<512x32xf32, #tpu.memory_space<vmem>>[vector<16xi32>, vector<16xi32>], vector<16xf32>,
        %mul3A_1020 = arith.mulf %gather3A_1018, %gather3A_1019 : vector<16xf32>
        %add3A_1021 = arith.addf %add3A_1011, %mul3A_1020 : vector<16xf32>
        %add3A_1022 = arith.constant 9 : i32
        %add3A_1023 = vector.broadcast %add3A_1022 : i32 to vector<16xi32>
        %add3A_1024 = arith.addi %iota3A, %add3A_1023 : vector<16xi32>
        %and3A_1025 = arith.constant 31 : i32
        %and3A_1026 = vector.broadcast %and3A_1025 : i32 to vector<16xi32>
        %and3A_1027 = arith.andi %add3A_1024, %and3A_1026 : vector<16xi32>
        %gather3A_1028 = tpu.vector_load_idx %arg13[%add3A_932, %and3A_1027] : memref<512x32xf32, #tpu.memory_space<vmem>>[vector<16xi32>, vector<16xi32>], vector<16xf32>,
        %gather3A_1029 = tpu.vector_load_idx %arg15[%add3A_932, %and3A_1027] : memref<512x32xf32, #tpu.memory_space<vmem>>[vector<16xi32>, vector<16xi32>], vector<16xf32>,
        %mul3A_1030 = arith.mulf %gather3A_1028, %gather3A_1029 : vector<16xf32>
        %add3A_1031 = arith.addf %add3A_1021, %mul3A_1030 : vector<16xf32>
        %add3A_1032 = arith.constant 10 : i32
        %add3A_1033 = vector.broadcast %add3A_1032 : i32 to vector<16xi32>
        %add3A_1034 = arith.addi %iota3A, %add3A_1033 : vector<16xi32>
        %and3A_1035 = arith.constant 31 : i32
        %and3A_1036 = vector.broadcast %and3A_1035 : i32 to vector<16xi32>
        %and3A_1037 = arith.andi %add3A_1034, %and3A_1036 : vector<16xi32>
        %gather3A_1038 = tpu.vector_load_idx %arg13[%add3A_932, %and3A_1037] : memref<512x32xf32, #tpu.memory_space<vmem>>[vector<16xi32>, vector<16xi32>], vector<16xf32>,
        %gather3A_1039 = tpu.vector_load_idx %arg15[%add3A_932, %and3A_1037] : memref<512x32xf32, #tpu.memory_space<vmem>>[vector<16xi32>, vector<16xi32>], vector<16xf32>,
        %mul3A_1040 = arith.mulf %gather3A_1038, %gather3A_1039 : vector<16xf32>
        %add3A_1041 = arith.addf %add3A_1031, %mul3A_1040 : vector<16xf32>
        %add3A_1042 = arith.constant 11 : i32
        %add3A_1043 = vector.broadcast %add3A_1042 : i32 to vector<16xi32>
        %add3A_1044 = arith.addi %iota3A, %add3A_1043 : vector<16xi32>
        %and3A_1045 = arith.constant 31 : i32
        %and3A_1046 = vector.broadcast %and3A_1045 : i32 to vector<16xi32>
        %and3A_1047 = arith.andi %add3A_1044, %and3A_1046 : vector<16xi32>
        %gather3A_1048 = tpu.vector_load_idx %arg13[%add3A_932, %and3A_1047] : memref<512x32xf32, #tpu.memory_space<vmem>>[vector<16xi32>, vector<16xi32>], vector<16xf32>,
        %gather3A_1049 = tpu.vector_load_idx %arg15[%add3A_932, %and3A_1047] : memref<512x32xf32, #tpu.memory_space<vmem>>[vector<16xi32>, vector<16xi32>], vector<16xf32>,
        %mul3A_1050 = arith.mulf %gather3A_1048, %gather3A_1049 : vector<16xf32>
        %add3A_1051 = arith.addf %add3A_1041, %mul3A_1050 : vector<16xf32>
        %add3A_1052 = arith.constant 12 : i32
        %add3A_1053 = vector.broadcast %add3A_1052 : i32 to vector<16xi32>
        %add3A_1054 = arith.addi %iota3A, %add3A_1053 : vector<16xi32>
        %and3A_1055 = arith.constant 31 : i32
        %and3A_1056 = vector.broadcast %and3A_1055 : i32 to vector<16xi32>
        %and3A_1057 = arith.andi %add3A_1054, %and3A_1056 : vector<16xi32>
        %gather3A_1058 = tpu.vector_load_idx %arg13[%add3A_932, %and3A_1057] : memref<512x32xf32, #tpu.memory_space<vmem>>[vector<16xi32>, vector<16xi32>], vector<16xf32>,
        %gather3A_1059 = tpu.vector_load_idx %arg15[%add3A_932, %and3A_1057] : memref<512x32xf32, #tpu.memory_space<vmem>>[vector<16xi32>, vector<16xi32>], vector<16xf32>,
        %mul3A_1060 = arith.mulf %gather3A_1058, %gather3A_1059 : vector<16xf32>
        %add3A_1061 = arith.addf %add3A_1051, %mul3A_1060 : vector<16xf32>
        %add3A_1062 = arith.constant 13 : i32
        %add3A_1063 = vector.broadcast %add3A_1062 : i32 to vector<16xi32>
        %add3A_1064 = arith.addi %iota3A, %add3A_1063 : vector<16xi32>
        %and3A_1065 = arith.constant 31 : i32
        %and3A_1066 = vector.broadcast %and3A_1065 : i32 to vector<16xi32>
        %and3A_1067 = arith.andi %add3A_1064, %and3A_1066 : vector<16xi32>
        %gather3A_1068 = tpu.vector_load_idx %arg13[%add3A_932, %and3A_1067] : memref<512x32xf32, #tpu.memory_space<vmem>>[vector<16xi32>, vector<16xi32>], vector<16xf32>,
        %gather3A_1069 = tpu.vector_load_idx %arg15[%add3A_932, %and3A_1067] : memref<512x32xf32, #tpu.memory_space<vmem>>[vector<16xi32>, vector<16xi32>], vector<16xf32>,
        %mul3A_1070 = arith.mulf %gather3A_1068, %gather3A_1069 : vector<16xf32>
        %add3A_1071 = arith.addf %add3A_1061, %mul3A_1070 : vector<16xf32>
        %add3A_1072 = arith.constant 14 : i32
        %add3A_1073 = vector.broadcast %add3A_1072 : i32 to vector<16xi32>
        %add3A_1074 = arith.addi %iota3A, %add3A_1073 : vector<16xi32>
        %and3A_1075 = arith.constant 31 : i32
        %and3A_1076 = vector.broadcast %and3A_1075 : i32 to vector<16xi32>
        %and3A_1077 = arith.andi %add3A_1074, %and3A_1076 : vector<16xi32>
        %gather3A_1078 = tpu.vector_load_idx %arg13[%add3A_932, %and3A_1077] : memref<512x32xf32, #tpu.memory_space<vmem>>[vector<16xi32>, vector<16xi32>], vector<16xf32>,
        %gather3A_1079 = tpu.vector_load_idx %arg15[%add3A_932, %and3A_1077] : memref<512x32xf32, #tpu.memory_space<vmem>>[vector<16xi32>, vector<16xi32>], vector<16xf32>,
        %mul3A_1080 = arith.mulf %gather3A_1078, %gather3A_1079 : vector<16xf32>
        %add3A_1081 = arith.addf %add3A_1071, %mul3A_1080 : vector<16xf32>
        %add3A_1082 = arith.constant 15 : i32
        %add3A_1083 = vector.broadcast %add3A_1082 : i32 to vector<16xi32>
        %add3A_1084 = arith.addi %iota3A, %add3A_1083 : vector<16xi32>
        %and3A_1085 = arith.constant 31 : i32
        %and3A_1086 = vector.broadcast %and3A_1085 : i32 to vector<16xi32>
        %and3A_1087 = arith.andi %add3A_1084, %and3A_1086 : vector<16xi32>
        %gather3A_1088 = tpu.vector_load_idx %arg13[%add3A_932, %and3A_1087] : memref<512x32xf32, #tpu.memory_space<vmem>>[vector<16xi32>, vector<16xi32>], vector<16xf32>,
        %gather3A_1089 = tpu.vector_load_idx %arg15[%add3A_932, %and3A_1087] : memref<512x32xf32, #tpu.memory_space<vmem>>[vector<16xi32>, vector<16xi32>], vector<16xf32>,
        %mul3A_1090 = arith.mulf %gather3A_1088, %gather3A_1089 : vector<16xf32>
        %add3A_1091 = arith.addf %add3A_1081, %mul3A_1090 : vector<16xf32>
        %add3A_1092 = arith.constant 16 : i32
        %add3A_1093 = vector.broadcast %add3A_1092 : i32 to vector<16xi32>
        %add3A_1094 = arith.addi %iota3A, %add3A_1093 : vector<16xi32>
        %and3A_1095 = arith.constant 31 : i32
        %and3A_1096 = vector.broadcast %and3A_1095 : i32 to vector<16xi32>
        %and3A_1097 = arith.andi %add3A_1094, %and3A_1096 : vector<16xi32>
        %gather3A_1098 = tpu.vector_load_idx %arg13[%add3A_932, %and3A_1097] : memref<512x32xf32, #tpu.memory_space<vmem>>[vector<16xi32>, vector<16xi32>], vector<16xf32>,
        %gather3A_1099 = tpu.vector_load_idx %arg15[%add3A_932, %and3A_1097] : memref<512x32xf32, #tpu.memory_space<vmem>>[vector<16xi32>, vector<16xi32>], vector<16xf32>,
        %mul3A_1100 = arith.mulf %gather3A_1098, %gather3A_1099 : vector<16xf32>
        %add3A_1101 = arith.addf %add3A_1091, %mul3A_1100 : vector<16xf32>
        %add3A_1102 = arith.constant 17 : i32
        %add3A_1103 = vector.broadcast %add3A_1102 : i32 to vector<16xi32>
        %add3A_1104 = arith.addi %iota3A, %add3A_1103 : vector<16xi32>
        %and3A_1105 = arith.constant 31 : i32
        %and3A_1106 = vector.broadcast %and3A_1105 : i32 to vector<16xi32>
        %and3A_1107 = arith.andi %add3A_1104, %and3A_1106 : vector<16xi32>
        %gather3A_1108 = tpu.vector_load_idx %arg13[%add3A_932, %and3A_1107] : memref<512x32xf32, #tpu.memory_space<vmem>>[vector<16xi32>, vector<16xi32>], vector<16xf32>,
        %gather3A_1109 = tpu.vector_load_idx %arg15[%add3A_932, %and3A_1107] : memref<512x32xf32, #tpu.memory_space<vmem>>[vector<16xi32>, vector<16xi32>], vector<16xf32>,
        %mul3A_1110 = arith.mulf %gather3A_1108, %gather3A_1109 : vector<16xf32>
        %add3A_1111 = arith.addf %add3A_1101, %mul3A_1110 : vector<16xf32>
        %add3A_1112 = arith.constant 18 : i32
        %add3A_1113 = vector.broadcast %add3A_1112 : i32 to vector<16xi32>
        %add3A_1114 = arith.addi %iota3A, %add3A_1113 : vector<16xi32>
        %and3A_1115 = arith.constant 31 : i32
        %and3A_1116 = vector.broadcast %and3A_1115 : i32 to vector<16xi32>
        %and3A_1117 = arith.andi %add3A_1114, %and3A_1116 : vector<16xi32>
        %gather3A_1118 = tpu.vector_load_idx %arg13[%add3A_932, %and3A_1117] : memref<512x32xf32, #tpu.memory_space<vmem>>[vector<16xi32>, vector<16xi32>], vector<16xf32>,
        %gather3A_1119 = tpu.vector_load_idx %arg15[%add3A_932, %and3A_1117] : memref<512x32xf32, #tpu.memory_space<vmem>>[vector<16xi32>, vector<16xi32>], vector<16xf32>,
        %mul3A_1120 = arith.mulf %gather3A_1118, %gather3A_1119 : vector<16xf32>
        %add3A_1121 = arith.addf %add3A_1111, %mul3A_1120 : vector<16xf32>
        %add3A_1122 = arith.constant 19 : i32
        %add3A_1123 = vector.broadcast %add3A_1122 : i32 to vector<16xi32>
        %add3A_1124 = arith.addi %iota3A, %add3A_1123 : vector<16xi32>
        %and3A_1125 = arith.constant 31 : i32
        %and3A_1126 = vector.broadcast %and3A_1125 : i32 to vector<16xi32>
        %and3A_1127 = arith.andi %add3A_1124, %and3A_1126 : vector<16xi32>
        %gather3A_1128 = tpu.vector_load_idx %arg13[%add3A_932, %and3A_1127] : memref<512x32xf32, #tpu.memory_space<vmem>>[vector<16xi32>, vector<16xi32>], vector<16xf32>,
        %gather3A_1129 = tpu.vector_load_idx %arg15[%add3A_932, %and3A_1127] : memref<512x32xf32, #tpu.memory_space<vmem>>[vector<16xi32>, vector<16xi32>], vector<16xf32>,
        %mul3A_1130 = arith.mulf %gather3A_1128, %gather3A_1129 : vector<16xf32>
        %add3A_1131 = arith.addf %add3A_1121, %mul3A_1130 : vector<16xf32>
        %add3A_1132 = arith.constant 20 : i32
        %add3A_1133 = vector.broadcast %add3A_1132 : i32 to vector<16xi32>
        %add3A_1134 = arith.addi %iota3A, %add3A_1133 : vector<16xi32>
        %and3A_1135 = arith.constant 31 : i32
        %and3A_1136 = vector.broadcast %and3A_1135 : i32 to vector<16xi32>
        %and3A_1137 = arith.andi %add3A_1134, %and3A_1136 : vector<16xi32>
        %gather3A_1138 = tpu.vector_load_idx %arg13[%add3A_932, %and3A_1137] : memref<512x32xf32, #tpu.memory_space<vmem>>[vector<16xi32>, vector<16xi32>], vector<16xf32>,
        %gather3A_1139 = tpu.vector_load_idx %arg15[%add3A_932, %and3A_1137] : memref<512x32xf32, #tpu.memory_space<vmem>>[vector<16xi32>, vector<16xi32>], vector<16xf32>,
        %mul3A_1140 = arith.mulf %gather3A_1138, %gather3A_1139 : vector<16xf32>
        %add3A_1141 = arith.addf %add3A_1131, %mul3A_1140 : vector<16xf32>
        %add3A_1142 = arith.constant 21 : i32
        %add3A_1143 = vector.broadcast %add3A_1142 : i32 to vector<16xi32>
        %add3A_1144 = arith.addi %iota3A, %add3A_1143 : vector<16xi32>
        %and3A_1145 = arith.constant 31 : i32
        %and3A_1146 = vector.broadcast %and3A_1145 : i32 to vector<16xi32>
        %and3A_1147 = arith.andi %add3A_1144, %and3A_1146 : vector<16xi32>
        %gather3A_1148 = tpu.vector_load_idx %arg13[%add3A_932, %and3A_1147] : memref<512x32xf32, #tpu.memory_space<vmem>>[vector<16xi32>, vector<16xi32>], vector<16xf32>,
        %gather3A_1149 = tpu.vector_load_idx %arg15[%add3A_932, %and3A_1147] : memref<512x32xf32, #tpu.memory_space<vmem>>[vector<16xi32>, vector<16xi32>], vector<16xf32>,
        %mul3A_1150 = arith.mulf %gather3A_1148, %gather3A_1149 : vector<16xf32>
        %add3A_1151 = arith.addf %add3A_1141, %mul3A_1150 : vector<16xf32>
        %add3A_1152 = arith.constant 22 : i32
        %add3A_1153 = vector.broadcast %add3A_1152 : i32 to vector<16xi32>
        %add3A_1154 = arith.addi %iota3A, %add3A_1153 : vector<16xi32>
        %and3A_1155 = arith.constant 31 : i32
        %and3A_1156 = vector.broadcast %and3A_1155 : i32 to vector<16xi32>
        %and3A_1157 = arith.andi %add3A_1154, %and3A_1156 : vector<16xi32>
        %gather3A_1158 = tpu.vector_load_idx %arg13[%add3A_932, %and3A_1157] : memref<512x32xf32, #tpu.memory_space<vmem>>[vector<16xi32>, vector<16xi32>], vector<16xf32>,
        %gather3A_1159 = tpu.vector_load_idx %arg15[%add3A_932, %and3A_1157] : memref<512x32xf32, #tpu.memory_space<vmem>>[vector<16xi32>, vector<16xi32>], vector<16xf32>,
        %mul3A_1160 = arith.mulf %gather3A_1158, %gather3A_1159 : vector<16xf32>
        %add3A_1161 = arith.addf %add3A_1151, %mul3A_1160 : vector<16xf32>
        %add3A_1162 = arith.constant 23 : i32
        %add3A_1163 = vector.broadcast %add3A_1162 : i32 to vector<16xi32>
        %add3A_1164 = arith.addi %iota3A, %add3A_1163 : vector<16xi32>
        %and3A_1165 = arith.constant 31 : i32
        %and3A_1166 = vector.broadcast %and3A_1165 : i32 to vector<16xi32>
        %and3A_1167 = arith.andi %add3A_1164, %and3A_1166 : vector<16xi32>
        %gather3A_1168 = tpu.vector_load_idx %arg13[%add3A_932, %and3A_1167] : memref<512x32xf32, #tpu.memory_space<vmem>>[vector<16xi32>, vector<16xi32>], vector<16xf32>,
        %gather3A_1169 = tpu.vector_load_idx %arg15[%add3A_932, %and3A_1167] : memref<512x32xf32, #tpu.memory_space<vmem>>[vector<16xi32>, vector<16xi32>], vector<16xf32>,
        %mul3A_1170 = arith.mulf %gather3A_1168, %gather3A_1169 : vector<16xf32>
        %add3A_1171 = arith.addf %add3A_1161, %mul3A_1170 : vector<16xf32>
        %add3A_1172 = arith.constant 24 : i32
        %add3A_1173 = vector.broadcast %add3A_1172 : i32 to vector<16xi32>
        %add3A_1174 = arith.addi %iota3A, %add3A_1173 : vector<16xi32>
        %and3A_1175 = arith.constant 31 : i32
        %and3A_1176 = vector.broadcast %and3A_1175 : i32 to vector<16xi32>
        %and3A_1177 = arith.andi %add3A_1174, %and3A_1176 : vector<16xi32>
        %gather3A_1178 = tpu.vector_load_idx %arg13[%add3A_932, %and3A_1177] : memref<512x32xf32, #tpu.memory_space<vmem>>[vector<16xi32>, vector<16xi32>], vector<16xf32>,
        %gather3A_1179 = tpu.vector_load_idx %arg15[%add3A_932, %and3A_1177] : memref<512x32xf32, #tpu.memory_space<vmem>>[vector<16xi32>, vector<16xi32>], vector<16xf32>,
        %mul3A_1180 = arith.mulf %gather3A_1178, %gather3A_1179 : vector<16xf32>
        %add3A_1181 = arith.addf %add3A_1171, %mul3A_1180 : vector<16xf32>
        %add3A_1182 = arith.constant 25 : i32
        %add3A_1183 = vector.broadcast %add3A_1182 : i32 to vector<16xi32>
        %add3A_1184 = arith.addi %iota3A, %add3A_1183 : vector<16xi32>
        %and3A_1185 = arith.constant 31 : i32
        %and3A_1186 = vector.broadcast %and3A_1185 : i32 to vector<16xi32>
        %and3A_1187 = arith.andi %add3A_1184, %and3A_1186 : vector<16xi32>
        %gather3A_1188 = tpu.vector_load_idx %arg13[%add3A_932, %and3A_1187] : memref<512x32xf32, #tpu.memory_space<vmem>>[vector<16xi32>, vector<16xi32>], vector<16xf32>,
        %gather3A_1189 = tpu.vector_load_idx %arg15[%add3A_932, %and3A_1187] : memref<512x32xf32, #tpu.memory_space<vmem>>[vector<16xi32>, vector<16xi32>], vector<16xf32>,
        %mul3A_1190 = arith.mulf %gather3A_1188, %gather3A_1189 : vector<16xf32>
        %add3A_1191 = arith.addf %add3A_1181, %mul3A_1190 : vector<16xf32>
        %add3A_1192 = arith.constant 26 : i32
        %add3A_1193 = vector.broadcast %add3A_1192 : i32 to vector<16xi32>
        %add3A_1194 = arith.addi %iota3A, %add3A_1193 : vector<16xi32>
        %and3A_1195 = arith.constant 31 : i32
        %and3A_1196 = vector.broadcast %and3A_1195 : i32 to vector<16xi32>
        %and3A_1197 = arith.andi %add3A_1194, %and3A_1196 : vector<16xi32>
        %gather3A_1198 = tpu.vector_load_idx %arg13[%add3A_932, %and3A_1197] : memref<512x32xf32, #tpu.memory_space<vmem>>[vector<16xi32>, vector<16xi32>], vector<16xf32>,
        %gather3A_1199 = tpu.vector_load_idx %arg15[%add3A_932, %and3A_1197] : memref<512x32xf32, #tpu.memory_space<vmem>>[vector<16xi32>, vector<16xi32>], vector<16xf32>,
        %mul3A_1200 = arith.mulf %gather3A_1198, %gather3A_1199 : vector<16xf32>
        %add3A_1201 = arith.addf %add3A_1191, %mul3A_1200 : vector<16xf32>
        %add3A_1202 = arith.constant 27 : i32
        %add3A_1203 = vector.broadcast %add3A_1202 : i32 to vector<16xi32>
        %add3A_1204 = arith.addi %iota3A, %add3A_1203 : vector<16xi32>
        %and3A_1205 = arith.constant 31 : i32
        %and3A_1206 = vector.broadcast %and3A_1205 : i32 to vector<16xi32>
        %and3A_1207 = arith.andi %add3A_1204, %and3A_1206 : vector<16xi32>
        %gather3A_1208 = tpu.vector_load_idx %arg13[%add3A_932, %and3A_1207] : memref<512x32xf32, #tpu.memory_space<vmem>>[vector<16xi32>, vector<16xi32>], vector<16xf32>,
        %gather3A_1209 = tpu.vector_load_idx %arg15[%add3A_932, %and3A_1207] : memref<512x32xf32, #tpu.memory_space<vmem>>[vector<16xi32>, vector<16xi32>], vector<16xf32>,
        %mul3A_1210 = arith.mulf %gather3A_1208, %gather3A_1209 : vector<16xf32>
        %add3A_1211 = arith.addf %add3A_1201, %mul3A_1210 : vector<16xf32>
        %add3A_1212 = arith.constant 28 : i32
        %add3A_1213 = vector.broadcast %add3A_1212 : i32 to vector<16xi32>
        %add3A_1214 = arith.addi %iota3A, %add3A_1213 : vector<16xi32>
        %and3A_1215 = arith.constant 31 : i32
        %and3A_1216 = vector.broadcast %and3A_1215 : i32 to vector<16xi32>
        %and3A_1217 = arith.andi %add3A_1214, %and3A_1216 : vector<16xi32>
        %gather3A_1218 = tpu.vector_load_idx %arg13[%add3A_932, %and3A_1217] : memref<512x32xf32, #tpu.memory_space<vmem>>[vector<16xi32>, vector<16xi32>], vector<16xf32>,
        %gather3A_1219 = tpu.vector_load_idx %arg15[%add3A_932, %and3A_1217] : memref<512x32xf32, #tpu.memory_space<vmem>>[vector<16xi32>, vector<16xi32>], vector<16xf32>,
        %mul3A_1220 = arith.mulf %gather3A_1218, %gather3A_1219 : vector<16xf32>
        %add3A_1221 = arith.addf %add3A_1211, %mul3A_1220 : vector<16xf32>
        %add3A_1222 = arith.constant 29 : i32
        %add3A_1223 = vector.broadcast %add3A_1222 : i32 to vector<16xi32>
        %add3A_1224 = arith.addi %iota3A, %add3A_1223 : vector<16xi32>
        %and3A_1225 = arith.constant 31 : i32
        %and3A_1226 = vector.broadcast %and3A_1225 : i32 to vector<16xi32>
        %and3A_1227 = arith.andi %add3A_1224, %and3A_1226 : vector<16xi32>
        %gather3A_1228 = tpu.vector_load_idx %arg13[%add3A_932, %and3A_1227] : memref<512x32xf32, #tpu.memory_space<vmem>>[vector<16xi32>, vector<16xi32>], vector<16xf32>,
        %gather3A_1229 = tpu.vector_load_idx %arg15[%add3A_932, %and3A_1227] : memref<512x32xf32, #tpu.memory_space<vmem>>[vector<16xi32>, vector<16xi32>], vector<16xf32>,
        %mul3A_1230 = arith.mulf %gather3A_1228, %gather3A_1229 : vector<16xf32>
        %add3A_1231 = arith.addf %add3A_1221, %mul3A_1230 : vector<16xf32>
        %add3A_1232 = arith.constant 30 : i32
        %add3A_1233 = vector.broadcast %add3A_1232 : i32 to vector<16xi32>
        %add3A_1234 = arith.addi %iota3A, %add3A_1233 : vector<16xi32>
        %and3A_1235 = arith.constant 31 : i32
        %and3A_1236 = vector.broadcast %and3A_1235 : i32 to vector<16xi32>
        %and3A_1237 = arith.andi %add3A_1234, %and3A_1236 : vector<16xi32>
        %gather3A_1238 = tpu.vector_load_idx %arg13[%add3A_932, %and3A_1237] : memref<512x32xf32, #tpu.memory_space<vmem>>[vector<16xi32>, vector<16xi32>], vector<16xf32>,
        %gather3A_1239 = tpu.vector_load_idx %arg15[%add3A_932, %and3A_1237] : memref<512x32xf32, #tpu.memory_space<vmem>>[vector<16xi32>, vector<16xi32>], vector<16xf32>,
        %mul3A_1240 = arith.mulf %gather3A_1238, %gather3A_1239 : vector<16xf32>
        %add3A_1241 = arith.addf %add3A_1231, %mul3A_1240 : vector<16xf32>
        %add3A_1242 = arith.constant 31 : i32
        %add3A_1243 = vector.broadcast %add3A_1242 : i32 to vector<16xi32>
        %add3A_1244 = arith.addi %iota3A, %add3A_1243 : vector<16xi32>
        %and3A_1245 = arith.constant 31 : i32
        %and3A_1246 = vector.broadcast %and3A_1245 : i32 to vector<16xi32>
        %and3A_1247 = arith.andi %add3A_1244, %and3A_1246 : vector<16xi32>
        %gather3A_1248 = tpu.vector_load_idx %arg13[%add3A_932, %and3A_1247] : memref<512x32xf32, #tpu.memory_space<vmem>>[vector<16xi32>, vector<16xi32>], vector<16xf32>,
        %gather3A_1249 = tpu.vector_load_idx %arg15[%add3A_932, %and3A_1247] : memref<512x32xf32, #tpu.memory_space<vmem>>[vector<16xi32>, vector<16xi32>], vector<16xf32>,
        %mul3A_1250 = arith.mulf %gather3A_1248, %gather3A_1249 : vector<16xf32>
        %add3A_1251 = arith.addf %add3A_1241, %mul3A_1250 : vector<16xf32>
        %mul3A_1252 = arith.constant 16 : i32
        %mul3A_1253 = arith.muli %scan3A_928, %mul3A_1252 : i32
        %swap3A = arith.index_cast %mul3A_1253 : i32 to index
        %swap3A_1254 = tpu.vector_load %arg17[%swap3A] {strides = array<i32>} : memref<512xf32, #tpu.memory_space<vmem>>, vector<16xf32>,
        tpu.vector_store %arg17[%swap3A], %add3A_1251 {strides = array<i32>} : memref<512xf32, #tpu.memory_space<vmem>>, vector<16xf32>,
      }
      %scan3A_390 = arith.constant 32 : i32
      %dma_start3A_391 = arith.constant 0 : i32
      %dma_start3A_392 = tpu.memref_slice %arg4[%add3A, %add3A_302, %dma_start3A_391] : memref<32x64x512xf32, #tpu.memory_space<hbm>> -> memref<1x1x512xf32, #tpu.memory_space<hbm>>
      %dma_start3A_393 = tpu.memref_squeeze %dma_start3A_392 : memref<1x1x512xf32, #tpu.memory_space<hbm>> -> memref<512xf32, #tpu.memory_space<hbm>>
      %dma_start3A_394 = arith.constant 0 : i32
      %dma_start3A_395 = tpu.memref_slice %arg4[%add3A, %add3A_302, %dma_start3A_394] : memref<32x64x512xf32, #tpu.memory_space<hbm>> -> memref<1x1x512xf32, #tpu.memory_space<hbm>>
      %dma_start3A_396 = tpu.memref_squeeze %dma_start3A_395 : memref<1x1x512xf32, #tpu.memory_space<hbm>> -> memref<512xf32, #tpu.memory_space<hbm>>
      tpu.enqueue_dma source(%arg17 : memref<512xf32, #tpu.memory_space<vmem>>) target(%dma_start3A_396 : memref<512xf32, #tpu.memory_space<hbm>>) target_semaphore(%arg25 : memref<!tpu.dma_semaphore, #tpu.memory_space<semaphore_mem>>)
      %add3A_397 = arith.constant 2 : i32
      %add3A_398 = arith.addi %add3A_302, %add3A_397 : i32
      %dma_wait3A_399 = arith.constant 0 : i32
      %dma_wait3A_400 = arith.constant 0 : i32
      %dma_wait3A_401 = arith.constant 0 : i32
      %dma_wait3A_402 = tpu.memref_slice %arg3[%dma_wait3A_399, %add3A, %add3A_398, %dma_wait3A_400, %dma_wait3A_401] : memref<2x32x64x4x128xi32, #tpu.memory_space<hbm>> -> memref<1x1x1x4x128xi32, #tpu.memory_space<hbm>>
      %dma_wait3A_403 = tpu.memref_squeeze %dma_wait3A_402 : memref<1x1x1x4x128xi32, #tpu.memory_space<hbm>> -> memref<4x128xi32, #tpu.memory_space<hbm>>
      %dma_wait3A_404 = arith.constant 0 : i32
      %dma_wait3A_405 = arith.constant 0 : i32
      %dma_wait3A_406 = tpu.memref_slice %arg3[%dma_wait3A_399, %add3A, %add3A_398, %dma_wait3A_404, %dma_wait3A_405] : memref<2x32x64x4x128xi32, #tpu.memory_space<hbm>> -> memref<1x1x1x4x128xi32, #tpu.memory_space<hbm>>
      %dma_wait3A_407 = tpu.memref_squeeze %dma_wait3A_406 : memref<1x1x1x4x128xi32, #tpu.memory_space<hbm>> -> memref<4x128xi32, #tpu.memory_space<hbm>>
      tpu.wait_dma2 semaphore(%arg23 : memref<!tpu.dma_semaphore, #tpu.memory_space<semaphore_mem>>) src(%dma_wait3A_407 : memref<4x128xi32, #tpu.memory_space<hbm>>) dst(%arg7 : memref<4x128xi32, #tpu.memory_space<vmem>>)
      %dma_wait3A_408 = arith.constant 1 : i32
      %dma_wait3A_409 = arith.constant 0 : i32
      %dma_wait3A_410 = arith.constant 0 : i32
      %dma_wait3A_411 = tpu.memref_slice %arg3[%dma_wait3A_408, %add3A, %add3A_398, %dma_wait3A_409, %dma_wait3A_410] : memref<2x32x64x4x128xi32, #tpu.memory_space<hbm>> -> memref<1x1x1x4x128xi32, #tpu.memory_space<hbm>>
      %dma_wait3A_412 = tpu.memref_squeeze %dma_wait3A_411 : memref<1x1x1x4x128xi32, #tpu.memory_space<hbm>> -> memref<4x128xi32, #tpu.memory_space<hbm>>
      %dma_wait3A_413 = arith.constant 0 : i32
      %dma_wait3A_414 = arith.constant 0 : i32
      %dma_wait3A_415 = tpu.memref_slice %arg3[%dma_wait3A_408, %add3A, %add3A_398, %dma_wait3A_413, %dma_wait3A_414] : memref<2x32x64x4x128xi32, #tpu.memory_space<hbm>> -> memref<1x1x1x4x128xi32, #tpu.memory_space<hbm>>
      %dma_wait3A_416 = tpu.memref_squeeze %dma_wait3A_415 : memref<1x1x1x4x128xi32, #tpu.memory_space<hbm>> -> memref<4x128xi32, #tpu.memory_space<hbm>>
      tpu.wait_dma2 semaphore(%arg23 : memref<!tpu.dma_semaphore, #tpu.memory_space<semaphore_mem>>) src(%dma_wait3A_416 : memref<4x128xi32, #tpu.memory_space<hbm>>) dst(%arg11 : memref<4x128xi32, #tpu.memory_space<vmem>>)
      %dma_start3A_417 = arith.constant 0 : i32
      %dma_start3A_418 = arith.constant 0 : i32
      %dma_start3A_419 = arith.constant 0 : i32
      %dma_start3A_420 = tpu.memref_slice %arg13[%dma_start3A_418, %dma_start3A_419] : memref<512x32xf32, #tpu.memory_space<vmem>> -> memref<128x32xf32, #tpu.memory_space<vmem>>
      %dma_start3A_421 = arith.constant 0 : i32
      %dma_start3A_422 = tpu.memref_slice %arg7[%dma_start3A_417, %dma_start3A_421] : memref<4x128xi32, #tpu.memory_space<vmem>> -> memref<1x128xi32, #tpu.memory_space<vmem>>
      %dma_start3A_423 = tpu.memref_squeeze %dma_start3A_422 : memref<1x128xi32, #tpu.memory_space<vmem>> -> memref<128xi32, #tpu.memory_space<vmem>>
      %dma_start3A_424 = arith.constant 0 : i32
      %dma_start3A_425 = arith.constant 0 : i32
      %dma_start3A_426 = tpu.memref_slice %arg2[%dma_start3A_424, %dma_start3A_425] : memref<1000000x32xf32, #tpu.memory_space<hbm>> -> memref<1000000x32xf32, #tpu.memory_space<hbm>>
      tpu.enqueue_indirect_dma source(%dma_start3A_426 : memref<1000000x32xf32, #tpu.memory_space<hbm>>) target(%dma_start3A_420 : memref<128x32xf32, #tpu.memory_space<vmem>>) offsets(%dma_start3A_423 : memref<128xi32, #tpu.memory_space<vmem>>) semaphore(%arg19 : memref<!tpu.dma_semaphore, #tpu.memory_space<semaphore_mem>>)
      %dma_start3A_427 = arith.constant 0 : i32
      %dma_start3A_428 = arith.constant 0 : i32
      %dma_start3A_429 = arith.constant 0 : i32
      %dma_start3A_430 = tpu.memref_slice %arg15[%dma_start3A_428, %dma_start3A_429] : memref<512x32xf32, #tpu.memory_space<vmem>> -> memref<128x32xf32, #tpu.memory_space<vmem>>
      %dma_start3A_431 = arith.constant 0 : i32
      %dma_start3A_432 = tpu.memref_slice %arg11[%dma_start3A_427, %dma_start3A_431] : memref<4x128xi32, #tpu.memory_space<vmem>> -> memref<1x128xi32, #tpu.memory_space<vmem>>
      %dma_start3A_433 = tpu.memref_squeeze %dma_start3A_432 : memref<1x128xi32, #tpu.memory_space<vmem>> -> memref<128xi32, #tpu.memory_space<vmem>>
      %dma_start3A_434 = arith.constant 0 : i32
      %dma_start3A_435 = arith.constant 0 : i32
      %dma_start3A_436 = tpu.memref_slice %arg2[%dma_start3A_434, %dma_start3A_435] : memref<1000000x32xf32, #tpu.memory_space<hbm>> -> memref<1000000x32xf32, #tpu.memory_space<hbm>>
      tpu.enqueue_indirect_dma source(%dma_start3A_436 : memref<1000000x32xf32, #tpu.memory_space<hbm>>) target(%dma_start3A_430 : memref<128x32xf32, #tpu.memory_space<vmem>>) offsets(%dma_start3A_433 : memref<128xi32, #tpu.memory_space<vmem>>) semaphore(%arg19 : memref<!tpu.dma_semaphore, #tpu.memory_space<semaphore_mem>>)
      %dma_start3A_437 = arith.constant 1 : i32
      %dma_start3A_438 = arith.constant 128 : i32
      %dma_start3A_439 = arith.constant 0 : i32
      %dma_start3A_440 = tpu.memref_slice %arg13[%dma_start3A_438, %dma_start3A_439] : memref<512x32xf32, #tpu.memory_space<vmem>> -> memref<128x32xf32, #tpu.memory_space<vmem>>
      %dma_start3A_441 = arith.constant 0 : i32
      %dma_start3A_442 = tpu.memref_slice %arg7[%dma_start3A_437, %dma_start3A_441] : memref<4x128xi32, #tpu.memory_space<vmem>> -> memref<1x128xi32, #tpu.memory_space<vmem>>
      %dma_start3A_443 = tpu.memref_squeeze %dma_start3A_442 : memref<1x128xi32, #tpu.memory_space<vmem>> -> memref<128xi32, #tpu.memory_space<vmem>>
      %dma_start3A_444 = arith.constant 0 : i32
      %dma_start3A_445 = arith.constant 0 : i32
      %dma_start3A_446 = tpu.memref_slice %arg2[%dma_start3A_444, %dma_start3A_445] : memref<1000000x32xf32, #tpu.memory_space<hbm>> -> memref<1000000x32xf32, #tpu.memory_space<hbm>>
      tpu.enqueue_indirect_dma source(%dma_start3A_446 : memref<1000000x32xf32, #tpu.memory_space<hbm>>) target(%dma_start3A_440 : memref<128x32xf32, #tpu.memory_space<vmem>>) offsets(%dma_start3A_443 : memref<128xi32, #tpu.memory_space<vmem>>) semaphore(%arg19 : memref<!tpu.dma_semaphore, #tpu.memory_space<semaphore_mem>>)
      %dma_start3A_447 = arith.constant 1 : i32
      %dma_start3A_448 = arith.constant 128 : i32
      %dma_start3A_449 = arith.constant 0 : i32
      %dma_start3A_450 = tpu.memref_slice %arg15[%dma_start3A_448, %dma_start3A_449] : memref<512x32xf32, #tpu.memory_space<vmem>> -> memref<128x32xf32, #tpu.memory_space<vmem>>
      %dma_start3A_451 = arith.constant 0 : i32
      %dma_start3A_452 = tpu.memref_slice %arg11[%dma_start3A_447, %dma_start3A_451] : memref<4x128xi32, #tpu.memory_space<vmem>> -> memref<1x128xi32, #tpu.memory_space<vmem>>
      %dma_start3A_453 = tpu.memref_squeeze %dma_start3A_452 : memref<1x128xi32, #tpu.memory_space<vmem>> -> memref<128xi32, #tpu.memory_space<vmem>>
      %dma_start3A_454 = arith.constant 0 : i32
      %dma_start3A_455 = arith.constant 0 : i32
      %dma_start3A_456 = tpu.memref_slice %arg2[%dma_start3A_454, %dma_start3A_455] : memref<1000000x32xf32, #tpu.memory_space<hbm>> -> memref<1000000x32xf32, #tpu.memory_space<hbm>>
      tpu.enqueue_indirect_dma source(%dma_start3A_456 : memref<1000000x32xf32, #tpu.memory_space<hbm>>) target(%dma_start3A_450 : memref<128x32xf32, #tpu.memory_space<vmem>>) offsets(%dma_start3A_453 : memref<128xi32, #tpu.memory_space<vmem>>) semaphore(%arg19 : memref<!tpu.dma_semaphore, #tpu.memory_space<semaphore_mem>>)
      %dma_start3A_457 = arith.constant 2 : i32
      %dma_start3A_458 = arith.constant 256 : i32
      %dma_start3A_459 = arith.constant 0 : i32
      %dma_start3A_460 = tpu.memref_slice %arg13[%dma_start3A_458, %dma_start3A_459] : memref<512x32xf32, #tpu.memory_space<vmem>> -> memref<128x32xf32, #tpu.memory_space<vmem>>
      %dma_start3A_461 = arith.constant 0 : i32
      %dma_start3A_462 = tpu.memref_slice %arg7[%dma_start3A_457, %dma_start3A_461] : memref<4x128xi32, #tpu.memory_space<vmem>> -> memref<1x128xi32, #tpu.memory_space<vmem>>
      %dma_start3A_463 = tpu.memref_squeeze %dma_start3A_462 : memref<1x128xi32, #tpu.memory_space<vmem>> -> memref<128xi32, #tpu.memory_space<vmem>>
      %dma_start3A_464 = arith.constant 0 : i32
      %dma_start3A_465 = arith.constant 0 : i32
      %dma_start3A_466 = tpu.memref_slice %arg2[%dma_start3A_464, %dma_start3A_465] : memref<1000000x32xf32, #tpu.memory_space<hbm>> -> memref<1000000x32xf32, #tpu.memory_space<hbm>>
      tpu.enqueue_indirect_dma source(%dma_start3A_466 : memref<1000000x32xf32, #tpu.memory_space<hbm>>) target(%dma_start3A_460 : memref<128x32xf32, #tpu.memory_space<vmem>>) offsets(%dma_start3A_463 : memref<128xi32, #tpu.memory_space<vmem>>) semaphore(%arg19 : memref<!tpu.dma_semaphore, #tpu.memory_space<semaphore_mem>>)
      %dma_start3A_467 = arith.constant 2 : i32
      %dma_start3A_468 = arith.constant 256 : i32
      %dma_start3A_469 = arith.constant 0 : i32
      %dma_start3A_470 = tpu.memref_slice %arg15[%dma_start3A_468, %dma_start3A_469] : memref<512x32xf32, #tpu.memory_space<vmem>> -> memref<128x32xf32, #tpu.memory_space<vmem>>
      %dma_start3A_471 = arith.constant 0 : i32
      %dma_start3A_472 = tpu.memref_slice %arg11[%dma_start3A_467, %dma_start3A_471] : memref<4x128xi32, #tpu.memory_space<vmem>> -> memref<1x128xi32, #tpu.memory_space<vmem>>
      %dma_start3A_473 = tpu.memref_squeeze %dma_start3A_472 : memref<1x128xi32, #tpu.memory_space<vmem>> -> memref<128xi32, #tpu.memory_space<vmem>>
      %dma_start3A_474 = arith.constant 0 : i32
      %dma_start3A_475 = arith.constant 0 : i32
      %dma_start3A_476 = tpu.memref_slice %arg2[%dma_start3A_474, %dma_start3A_475] : memref<1000000x32xf32, #tpu.memory_space<hbm>> -> memref<1000000x32xf32, #tpu.memory_space<hbm>>
      tpu.enqueue_indirect_dma source(%dma_start3A_476 : memref<1000000x32xf32, #tpu.memory_space<hbm>>) target(%dma_start3A_470 : memref<128x32xf32, #tpu.memory_space<vmem>>) offsets(%dma_start3A_473 : memref<128xi32, #tpu.memory_space<vmem>>) semaphore(%arg19 : memref<!tpu.dma_semaphore, #tpu.memory_space<semaphore_mem>>)
      %dma_start3A_477 = arith.constant 3 : i32
      %dma_start3A_478 = arith.constant 384 : i32
      %dma_start3A_479 = arith.constant 0 : i32
      %dma_start3A_480 = tpu.memref_slice %arg13[%dma_start3A_478, %dma_start3A_479] : memref<512x32xf32, #tpu.memory_space<vmem>> -> memref<128x32xf32, #tpu.memory_space<vmem>>
      %dma_start3A_481 = arith.constant 0 : i32
      %dma_start3A_482 = tpu.memref_slice %arg7[%dma_start3A_477, %dma_start3A_481] : memref<4x128xi32, #tpu.memory_space<vmem>> -> memref<1x128xi32, #tpu.memory_space<vmem>>
      %dma_start3A_483 = tpu.memref_squeeze %dma_start3A_482 : memref<1x128xi32, #tpu.memory_space<vmem>> -> memref<128xi32, #tpu.memory_space<vmem>>
      %dma_start3A_484 = arith.constant 0 : i32
      %dma_start3A_485 = arith.constant 0 : i32
      %dma_start3A_486 = tpu.memref_slice %arg2[%dma_start3A_484, %dma_start3A_485] : memref<1000000x32xf32, #tpu.memory_space<hbm>> -> memref<1000000x32xf32, #tpu.memory_space<hbm>>
      tpu.enqueue_indirect_dma source(%dma_start3A_486 : memref<1000000x32xf32, #tpu.memory_space<hbm>>) target(%dma_start3A_480 : memref<128x32xf32, #tpu.memory_space<vmem>>) offsets(%dma_start3A_483 : memref<128xi32, #tpu.memory_space<vmem>>) semaphore(%arg19 : memref<!tpu.dma_semaphore, #tpu.memory_space<semaphore_mem>>)
      %dma_start3A_487 = arith.constant 3 : i32
      %dma_start3A_488 = arith.constant 384 : i32
      %dma_start3A_489 = arith.constant 0 : i32
      %dma_start3A_490 = tpu.memref_slice %arg15[%dma_start3A_488, %dma_start3A_489] : memref<512x32xf32, #tpu.memory_space<vmem>> -> memref<128x32xf32, #tpu.memory_space<vmem>>
      %dma_start3A_491 = arith.constant 0 : i32
      %dma_start3A_492 = tpu.memref_slice %arg11[%dma_start3A_487, %dma_start3A_491] : memref<4x128xi32, #tpu.memory_space<vmem>> -> memref<1x128xi32, #tpu.memory_space<vmem>>
      %dma_start3A_493 = tpu.memref_squeeze %dma_start3A_492 : memref<1x128xi32, #tpu.memory_space<vmem>> -> memref<128xi32, #tpu.memory_space<vmem>>
      %dma_start3A_494 = arith.constant 0 : i32
      %dma_start3A_495 = arith.constant 0 : i32
      %dma_start3A_496 = tpu.memref_slice %arg2[%dma_start3A_494, %dma_start3A_495] : memref<1000000x32xf32, #tpu.memory_space<hbm>> -> memref<1000000x32xf32, #tpu.memory_space<hbm>>
      tpu.enqueue_indirect_dma source(%dma_start3A_496 : memref<1000000x32xf32, #tpu.memory_space<hbm>>) target(%dma_start3A_490 : memref<128x32xf32, #tpu.memory_space<vmem>>) offsets(%dma_start3A_493 : memref<128xi32, #tpu.memory_space<vmem>>) semaphore(%arg19 : memref<!tpu.dma_semaphore, #tpu.memory_space<semaphore_mem>>)
      %lt3A = arith.constant 15 : i32
      %lt3A_497 = arith.cmpi slt, %scan3A_298, %lt3A : i32
      %convert_element_type3A_498 = arith.extui %lt3A_497 : i1 to i32
      %cond3A_499 = arith.constant 0 : i32
      %cond3A_500 = arith.cmpi ne, %convert_element_type3A_498, %cond3A_499 : i32
      scf.if %cond3A_500 {
        %add3A_928 = arith.constant 4 : i32
        %add3A_929 = arith.addi %add3A_302, %add3A_928 : i32
        %dma_start3A_930 = arith.constant 0 : i32
        %dma_start3A_931 = arith.constant 0 : i32
        %dma_start3A_932 = arith.constant 0 : i32
        %dma_start3A_933 = tpu.memref_slice %arg3[%dma_start3A_930, %add3A, %add3A_929, %dma_start3A_931, %dma_start3A_932] : memref<2x32x64x4x128xi32, #tpu.memory_space<hbm>> -> memref<1x1x1x4x128xi32, #tpu.memory_space<hbm>>
        %dma_start3A_934 = tpu.memref_squeeze %dma_start3A_933 : memref<1x1x1x4x128xi32, #tpu.memory_space<hbm>> -> memref<4x128xi32, #tpu.memory_space<hbm>>
        %dma_start3A_935 = arith.constant 0 : i32
        %dma_start3A_936 = arith.constant 0 : i32
        %dma_start3A_937 = tpu.memref_slice %arg3[%dma_start3A_930, %add3A, %add3A_929, %dma_start3A_935, %dma_start3A_936] : memref<2x32x64x4x128xi32, #tpu.memory_space<hbm>> -> memref<1x1x1x4x128xi32, #tpu.memory_space<hbm>>
        %dma_start3A_938 = tpu.memref_squeeze %dma_start3A_937 : memref<1x1x1x4x128xi32, #tpu.memory_space<hbm>> -> memref<4x128xi32, #tpu.memory_space<hbm>>
        tpu.enqueue_dma source(%dma_start3A_938 : memref<4x128xi32, #tpu.memory_space<hbm>>) target(%arg5 : memref<4x128xi32, #tpu.memory_space<vmem>>) target_semaphore(%arg21 : memref<!tpu.dma_semaphore, #tpu.memory_space<semaphore_mem>>)
        %dma_start3A_939 = arith.constant 1 : i32
        %dma_start3A_940 = arith.constant 0 : i32
        %dma_start3A_941 = arith.constant 0 : i32
        %dma_start3A_942 = tpu.memref_slice %arg3[%dma_start3A_939, %add3A, %add3A_929, %dma_start3A_940, %dma_start3A_941] : memref<2x32x64x4x128xi32, #tpu.memory_space<hbm>> -> memref<1x1x1x4x128xi32, #tpu.memory_space<hbm>>
        %dma_start3A_943 = tpu.memref_squeeze %dma_start3A_942 : memref<1x1x1x4x128xi32, #tpu.memory_space<hbm>> -> memref<4x128xi32, #tpu.memory_space<hbm>>
        %dma_start3A_944 = arith.constant 0 : i32
        %dma_start3A_945 = arith.constant 0 : i32
        %dma_start3A_946 = tpu.memref_slice %arg3[%dma_start3A_939, %add3A, %add3A_929, %dma_start3A_944, %dma_start3A_945] : memref<2x32x64x4x128xi32, #tpu.memory_space<hbm>> -> memref<1x1x1x4x128xi32, #tpu.memory_space<hbm>>
        %dma_start3A_947 = tpu.memref_squeeze %dma_start3A_946 : memref<1x1x1x4x128xi32, #tpu.memory_space<hbm>> -> memref<4x128xi32, #tpu.memory_space<hbm>>
        tpu.enqueue_dma source(%dma_start3A_947 : memref<4x128xi32, #tpu.memory_space<hbm>>) target(%arg9 : memref<4x128xi32, #tpu.memory_space<vmem>>) target_semaphore(%arg21 : memref<!tpu.dma_semaphore, #tpu.memory_space<semaphore_mem>>)
      } else {
      }
      %add3A_501 = arith.constant 1 : i32
      %add3A_502 = arith.addi %mul3A_300, %add3A_501 : i32
      %dma_wait3A_503 = arith.constant 0 : i32
      %dma_wait3A_504 = arith.constant 0 : i32
      %dma_wait3A_505 = arith.constant 0 : i32
      %dma_wait3A_506 = tpu.memref_slice %arg14[%dma_wait3A_504, %dma_wait3A_505] : memref<512x32xf32, #tpu.memory_space<vmem>> -> memref<128x32xf32, #tpu.memory_space<vmem>>
      %dma_wait3A_507 = arith.constant 0 : i32
      %dma_wait3A_508 = tpu.memref_slice %arg6[%dma_wait3A_503, %dma_wait3A_507] : memref<4x128xi32, #tpu.memory_space<vmem>> -> memref<1x128xi32, #tpu.memory_space<vmem>>
      %dma_wait3A_509 = tpu.memref_squeeze %dma_wait3A_508 : memref<1x128xi32, #tpu.memory_space<vmem>> -> memref<128xi32, #tpu.memory_space<vmem>>
      %dma_wait3A_510 = arith.constant 0 : i32
      %dma_wait3A_511 = arith.constant 0 : i32
      %dma_wait3A_512 = tpu.memref_slice %arg2[%dma_wait3A_510, %dma_wait3A_511] : memref<1000000x32xf32, #tpu.memory_space<hbm>> -> memref<1000000x32xf32, #tpu.memory_space<hbm>>
      tpu.wait_indirect_dma semaphore(%arg20 : memref<!tpu.dma_semaphore, #tpu.memory_space<semaphore_mem>>) src(%dma_wait3A_512 : memref<1000000x32xf32, #tpu.memory_space<hbm>>) dst(%dma_wait3A_506 : memref<128x32xf32, #tpu.memory_space<vmem>>)
      %dma_wait3A_513 = arith.constant 0 : i32
      %dma_wait3A_514 = arith.constant 0 : i32
      %dma_wait3A_515 = arith.constant 0 : i32
      %dma_wait3A_516 = tpu.memref_slice %arg16[%dma_wait3A_514, %dma_wait3A_515] : memref<512x32xf32, #tpu.memory_space<vmem>> -> memref<128x32xf32, #tpu.memory_space<vmem>>
      %dma_wait3A_517 = arith.constant 0 : i32
      %dma_wait3A_518 = tpu.memref_slice %arg10[%dma_wait3A_513, %dma_wait3A_517] : memref<4x128xi32, #tpu.memory_space<vmem>> -> memref<1x128xi32, #tpu.memory_space<vmem>>
      %dma_wait3A_519 = tpu.memref_squeeze %dma_wait3A_518 : memref<1x128xi32, #tpu.memory_space<vmem>> -> memref<128xi32, #tpu.memory_space<vmem>>
      %dma_wait3A_520 = arith.constant 0 : i32
      %dma_wait3A_521 = arith.constant 0 : i32
      %dma_wait3A_522 = tpu.memref_slice %arg2[%dma_wait3A_520, %dma_wait3A_521] : memref<1000000x32xf32, #tpu.memory_space<hbm>> -> memref<1000000x32xf32, #tpu.memory_space<hbm>>
      tpu.wait_indirect_dma semaphore(%arg20 : memref<!tpu.dma_semaphore, #tpu.memory_space<semaphore_mem>>) src(%dma_wait3A_522 : memref<1000000x32xf32, #tpu.memory_space<hbm>>) dst(%dma_wait3A_516 : memref<128x32xf32, #tpu.memory_space<vmem>>)
      %dma_wait3A_523 = arith.constant 1 : i32
      %dma_wait3A_524 = arith.constant 128 : i32
      %dma_wait3A_525 = arith.constant 0 : i32
      %dma_wait3A_526 = tpu.memref_slice %arg14[%dma_wait3A_524, %dma_wait3A_525] : memref<512x32xf32, #tpu.memory_space<vmem>> -> memref<128x32xf32, #tpu.memory_space<vmem>>
      %dma_wait3A_527 = arith.constant 0 : i32
      %dma_wait3A_528 = tpu.memref_slice %arg6[%dma_wait3A_523, %dma_wait3A_527] : memref<4x128xi32, #tpu.memory_space<vmem>> -> memref<1x128xi32, #tpu.memory_space<vmem>>
      %dma_wait3A_529 = tpu.memref_squeeze %dma_wait3A_528 : memref<1x128xi32, #tpu.memory_space<vmem>> -> memref<128xi32, #tpu.memory_space<vmem>>
      %dma_wait3A_530 = arith.constant 0 : i32
      %dma_wait3A_531 = arith.constant 0 : i32
      %dma_wait3A_532 = tpu.memref_slice %arg2[%dma_wait3A_530, %dma_wait3A_531] : memref<1000000x32xf32, #tpu.memory_space<hbm>> -> memref<1000000x32xf32, #tpu.memory_space<hbm>>
      tpu.wait_indirect_dma semaphore(%arg20 : memref<!tpu.dma_semaphore, #tpu.memory_space<semaphore_mem>>) src(%dma_wait3A_532 : memref<1000000x32xf32, #tpu.memory_space<hbm>>) dst(%dma_wait3A_526 : memref<128x32xf32, #tpu.memory_space<vmem>>)
      %dma_wait3A_533 = arith.constant 1 : i32
      %dma_wait3A_534 = arith.constant 128 : i32
      %dma_wait3A_535 = arith.constant 0 : i32
      %dma_wait3A_536 = tpu.memref_slice %arg16[%dma_wait3A_534, %dma_wait3A_535] : memref<512x32xf32, #tpu.memory_space<vmem>> -> memref<128x32xf32, #tpu.memory_space<vmem>>
      %dma_wait3A_537 = arith.constant 0 : i32
      %dma_wait3A_538 = tpu.memref_slice %arg10[%dma_wait3A_533, %dma_wait3A_537] : memref<4x128xi32, #tpu.memory_space<vmem>> -> memref<1x128xi32, #tpu.memory_space<vmem>>
      %dma_wait3A_539 = tpu.memref_squeeze %dma_wait3A_538 : memref<1x128xi32, #tpu.memory_space<vmem>> -> memref<128xi32, #tpu.memory_space<vmem>>
      %dma_wait3A_540 = arith.constant 0 : i32
      %dma_wait3A_541 = arith.constant 0 : i32
      %dma_wait3A_542 = tpu.memref_slice %arg2[%dma_wait3A_540, %dma_wait3A_541] : memref<1000000x32xf32, #tpu.memory_space<hbm>> -> memref<1000000x32xf32, #tpu.memory_space<hbm>>
      tpu.wait_indirect_dma semaphore(%arg20 : memref<!tpu.dma_semaphore, #tpu.memory_space<semaphore_mem>>) src(%dma_wait3A_542 : memref<1000000x32xf32, #tpu.memory_space<hbm>>) dst(%dma_wait3A_536 : memref<128x32xf32, #tpu.memory_space<vmem>>)
      %dma_wait3A_543 = arith.constant 2 : i32
      %dma_wait3A_544 = arith.constant 256 : i32
      %dma_wait3A_545 = arith.constant 0 : i32
      %dma_wait3A_546 = tpu.memref_slice %arg14[%dma_wait3A_544, %dma_wait3A_545] : memref<512x32xf32, #tpu.memory_space<vmem>> -> memref<128x32xf32, #tpu.memory_space<vmem>>
      %dma_wait3A_547 = arith.constant 0 : i32
      %dma_wait3A_548 = tpu.memref_slice %arg6[%dma_wait3A_543, %dma_wait3A_547] : memref<4x128xi32, #tpu.memory_space<vmem>> -> memref<1x128xi32, #tpu.memory_space<vmem>>
      %dma_wait3A_549 = tpu.memref_squeeze %dma_wait3A_548 : memref<1x128xi32, #tpu.memory_space<vmem>> -> memref<128xi32, #tpu.memory_space<vmem>>
      %dma_wait3A_550 = arith.constant 0 : i32
      %dma_wait3A_551 = arith.constant 0 : i32
      %dma_wait3A_552 = tpu.memref_slice %arg2[%dma_wait3A_550, %dma_wait3A_551] : memref<1000000x32xf32, #tpu.memory_space<hbm>> -> memref<1000000x32xf32, #tpu.memory_space<hbm>>
      tpu.wait_indirect_dma semaphore(%arg20 : memref<!tpu.dma_semaphore, #tpu.memory_space<semaphore_mem>>) src(%dma_wait3A_552 : memref<1000000x32xf32, #tpu.memory_space<hbm>>) dst(%dma_wait3A_546 : memref<128x32xf32, #tpu.memory_space<vmem>>)
      %dma_wait3A_553 = arith.constant 2 : i32
      %dma_wait3A_554 = arith.constant 256 : i32
      %dma_wait3A_555 = arith.constant 0 : i32
      %dma_wait3A_556 = tpu.memref_slice %arg16[%dma_wait3A_554, %dma_wait3A_555] : memref<512x32xf32, #tpu.memory_space<vmem>> -> memref<128x32xf32, #tpu.memory_space<vmem>>
      %dma_wait3A_557 = arith.constant 0 : i32
      %dma_wait3A_558 = tpu.memref_slice %arg10[%dma_wait3A_553, %dma_wait3A_557] : memref<4x128xi32, #tpu.memory_space<vmem>> -> memref<1x128xi32, #tpu.memory_space<vmem>>
      %dma_wait3A_559 = tpu.memref_squeeze %dma_wait3A_558 : memref<1x128xi32, #tpu.memory_space<vmem>> -> memref<128xi32, #tpu.memory_space<vmem>>
      %dma_wait3A_560 = arith.constant 0 : i32
      %dma_wait3A_561 = arith.constant 0 : i32
      %dma_wait3A_562 = tpu.memref_slice %arg2[%dma_wait3A_560, %dma_wait3A_561] : memref<1000000x32xf32, #tpu.memory_space<hbm>> -> memref<1000000x32xf32, #tpu.memory_space<hbm>>
      tpu.wait_indirect_dma semaphore(%arg20 : memref<!tpu.dma_semaphore, #tpu.memory_space<semaphore_mem>>) src(%dma_wait3A_562 : memref<1000000x32xf32, #tpu.memory_space<hbm>>) dst(%dma_wait3A_556 : memref<128x32xf32, #tpu.memory_space<vmem>>)
      %dma_wait3A_563 = arith.constant 3 : i32
      %dma_wait3A_564 = arith.constant 384 : i32
      %dma_wait3A_565 = arith.constant 0 : i32
      %dma_wait3A_566 = tpu.memref_slice %arg14[%dma_wait3A_564, %dma_wait3A_565] : memref<512x32xf32, #tpu.memory_space<vmem>> -> memref<128x32xf32, #tpu.memory_space<vmem>>
      %dma_wait3A_567 = arith.constant 0 : i32
      %dma_wait3A_568 = tpu.memref_slice %arg6[%dma_wait3A_563, %dma_wait3A_567] : memref<4x128xi32, #tpu.memory_space<vmem>> -> memref<1x128xi32, #tpu.memory_space<vmem>>
      %dma_wait3A_569 = tpu.memref_squeeze %dma_wait3A_568 : memref<1x128xi32, #tpu.memory_space<vmem>> -> memref<128xi32, #tpu.memory_space<vmem>>
      %dma_wait3A_570 = arith.constant 0 : i32
      %dma_wait3A_571 = arith.constant 0 : i32
      %dma_wait3A_572 = tpu.memref_slice %arg2[%dma_wait3A_570, %dma_wait3A_571] : memref<1000000x32xf32, #tpu.memory_space<hbm>> -> memref<1000000x32xf32, #tpu.memory_space<hbm>>
      tpu.wait_indirect_dma semaphore(%arg20 : memref<!tpu.dma_semaphore, #tpu.memory_space<semaphore_mem>>) src(%dma_wait3A_572 : memref<1000000x32xf32, #tpu.memory_space<hbm>>) dst(%dma_wait3A_566 : memref<128x32xf32, #tpu.memory_space<vmem>>)
      %dma_wait3A_573 = arith.constant 3 : i32
      %dma_wait3A_574 = arith.constant 384 : i32
      %dma_wait3A_575 = arith.constant 0 : i32
      %dma_wait3A_576 = tpu.memref_slice %arg16[%dma_wait3A_574, %dma_wait3A_575] : memref<512x32xf32, #tpu.memory_space<vmem>> -> memref<128x32xf32, #tpu.memory_space<vmem>>
      %dma_wait3A_577 = arith.constant 0 : i32
      %dma_wait3A_578 = tpu.memref_slice %arg10[%dma_wait3A_573, %dma_wait3A_577] : memref<4x128xi32, #tpu.memory_space<vmem>> -> memref<1x128xi32, #tpu.memory_space<vmem>>
      %dma_wait3A_579 = tpu.memref_squeeze %dma_wait3A_578 : memref<1x128xi32, #tpu.memory_space<vmem>> -> memref<128xi32, #tpu.memory_space<vmem>>
      %dma_wait3A_580 = arith.constant 0 : i32
      %dma_wait3A_581 = arith.constant 0 : i32
      %dma_wait3A_582 = tpu.memref_slice %arg2[%dma_wait3A_580, %dma_wait3A_581] : memref<1000000x32xf32, #tpu.memory_space<hbm>> -> memref<1000000x32xf32, #tpu.memory_space<hbm>>
      tpu.wait_indirect_dma semaphore(%arg20 : memref<!tpu.dma_semaphore, #tpu.memory_space<semaphore_mem>>) src(%dma_wait3A_582 : memref<1000000x32xf32, #tpu.memory_space<hbm>>) dst(%dma_wait3A_576 : memref<128x32xf32, #tpu.memory_space<vmem>>)
      %ge3A_583 = arith.constant 1 : i32
      %ge3A_584 = arith.cmpi sge, %scan3A_298, %ge3A_583 : i32
      %convert_element_type3A_585 = arith.extui %ge3A_584 : i1 to i32
      %cond3A_586 = arith.constant 0 : i32
      %cond3A_587 = arith.cmpi ne, %convert_element_type3A_585, %cond3A_586 : i32
      scf.if %cond3A_587 {
        %sub3A_928 = arith.constant 2 : i32
        %sub3A_929 = arith.subi %add3A_502, %sub3A_928 : i32
        %dma_wait3A_930 = arith.constant 0 : i32
        %dma_wait3A_931 = tpu.memref_slice %arg4[%add3A, %sub3A_929, %dma_wait3A_930] : memref<32x64x512xf32, #tpu.memory_space<hbm>> -> memref<1x1x512xf32, #tpu.memory_space<hbm>>
        %dma_wait3A_932 = tpu.memref_squeeze %dma_wait3A_931 : memref<1x1x512xf32, #tpu.memory_space<hbm>> -> memref<512xf32, #tpu.memory_space<hbm>>
        %dma_wait3A_933 = arith.constant 0 : i32
        %dma_wait3A_934 = tpu.memref_slice %arg4[%add3A, %sub3A_929, %dma_wait3A_933] : memref<32x64x512xf32, #tpu.memory_space<hbm>> -> memref<1x1x512xf32, #tpu.memory_space<hbm>>
        %dma_wait3A_935 = tpu.memref_squeeze %dma_wait3A_934 : memref<1x1x512xf32, #tpu.memory_space<hbm>> -> memref<512xf32, #tpu.memory_space<hbm>>
        tpu.wait_dma2 semaphore(%arg26 : memref<!tpu.dma_semaphore, #tpu.memory_space<semaphore_mem>>) src(%arg18 : memref<512xf32, #tpu.memory_space<vmem>>) dst(%dma_wait3A_935 : memref<512xf32, #tpu.memory_space<hbm>>)
      } else {
      }
      %scan3A_588 = arith.constant 0 : i32
      %scan3A_589 = arith.constant 0 : i32
      %scan3A_590 = arith.constant 32 : i32
      %scan3A_591 = arith.addi %scan3A_589, %scan3A_590 : i32
      %scan3A_592 = arith.constant 1 : i32
      scf.for %scan3A_928 = %scan3A_589 to %scan3A_591 step %scan3A_592  : i32 {
        %mul3A_929 = arith.constant 16 : i32
        %mul3A_930 = arith.muli %scan3A_928, %mul3A_929 : i32
        %add3A_931 = vector.broadcast %mul3A_930 : i32 to vector<16xi32>
        %add3A_932 = arith.addi %add3A_931, %iota3A : vector<16xi32>
        %broadcast_in_dim3A = arith.constant 0.000000e+00 : f32
        %broadcast_in_dim3A_933 = vector.broadcast %broadcast_in_dim3A : f32 to vector<16xf32>
        %add3A_934 = arith.constant 0 : i32
        %add3A_935 = vector.broadcast %add3A_934 : i32 to vector<16xi32>
        %add3A_936 = arith.addi %iota3A, %add3A_935 : vector<16xi32>
        %and3A = arith.constant 31 : i32
        %and3A_937 = vector.broadcast %and3A : i32 to vector<16xi32>
        %and3A_938 = arith.andi %add3A_936, %and3A_937 : vector<16xi32>
        %gather3A = tpu.vector_load_idx %arg14[%add3A_932, %and3A_938] : memref<512x32xf32, #tpu.memory_space<vmem>>[vector<16xi32>, vector<16xi32>], vector<16xf32>,
        %gather3A_939 = tpu.vector_load_idx %arg16[%add3A_932, %and3A_938] : memref<512x32xf32, #tpu.memory_space<vmem>>[vector<16xi32>, vector<16xi32>], vector<16xf32>,
        %mul3A_940 = arith.mulf %gather3A, %gather3A_939 : vector<16xf32>
        %add3A_941 = arith.addf %broadcast_in_dim3A_933, %mul3A_940 : vector<16xf32>
        %add3A_942 = arith.constant 1 : i32
        %add3A_943 = vector.broadcast %add3A_942 : i32 to vector<16xi32>
        %add3A_944 = arith.addi %iota3A, %add3A_943 : vector<16xi32>
        %and3A_945 = arith.constant 31 : i32
        %and3A_946 = vector.broadcast %and3A_945 : i32 to vector<16xi32>
        %and3A_947 = arith.andi %add3A_944, %and3A_946 : vector<16xi32>
        %gather3A_948 = tpu.vector_load_idx %arg14[%add3A_932, %and3A_947] : memref<512x32xf32, #tpu.memory_space<vmem>>[vector<16xi32>, vector<16xi32>], vector<16xf32>,
        %gather3A_949 = tpu.vector_load_idx %arg16[%add3A_932, %and3A_947] : memref<512x32xf32, #tpu.memory_space<vmem>>[vector<16xi32>, vector<16xi32>], vector<16xf32>,
        %mul3A_950 = arith.mulf %gather3A_948, %gather3A_949 : vector<16xf32>
        %add3A_951 = arith.addf %add3A_941, %mul3A_950 : vector<16xf32>
        %add3A_952 = arith.constant 2 : i32
        %add3A_953 = vector.broadcast %add3A_952 : i32 to vector<16xi32>
        %add3A_954 = arith.addi %iota3A, %add3A_953 : vector<16xi32>
        %and3A_955 = arith.constant 31 : i32
        %and3A_956 = vector.broadcast %and3A_955 : i32 to vector<16xi32>
        %and3A_957 = arith.andi %add3A_954, %and3A_956 : vector<16xi32>
        %gather3A_958 = tpu.vector_load_idx %arg14[%add3A_932, %and3A_957] : memref<512x32xf32, #tpu.memory_space<vmem>>[vector<16xi32>, vector<16xi32>], vector<16xf32>,
        %gather3A_959 = tpu.vector_load_idx %arg16[%add3A_932, %and3A_957] : memref<512x32xf32, #tpu.memory_space<vmem>>[vector<16xi32>, vector<16xi32>], vector<16xf32>,
        %mul3A_960 = arith.mulf %gather3A_958, %gather3A_959 : vector<16xf32>
        %add3A_961 = arith.addf %add3A_951, %mul3A_960 : vector<16xf32>
        %add3A_962 = arith.constant 3 : i32
        %add3A_963 = vector.broadcast %add3A_962 : i32 to vector<16xi32>
        %add3A_964 = arith.addi %iota3A, %add3A_963 : vector<16xi32>
        %and3A_965 = arith.constant 31 : i32
        %and3A_966 = vector.broadcast %and3A_965 : i32 to vector<16xi32>
        %and3A_967 = arith.andi %add3A_964, %and3A_966 : vector<16xi32>
        %gather3A_968 = tpu.vector_load_idx %arg14[%add3A_932, %and3A_967] : memref<512x32xf32, #tpu.memory_space<vmem>>[vector<16xi32>, vector<16xi32>], vector<16xf32>,
        %gather3A_969 = tpu.vector_load_idx %arg16[%add3A_932, %and3A_967] : memref<512x32xf32, #tpu.memory_space<vmem>>[vector<16xi32>, vector<16xi32>], vector<16xf32>,
        %mul3A_970 = arith.mulf %gather3A_968, %gather3A_969 : vector<16xf32>
        %add3A_971 = arith.addf %add3A_961, %mul3A_970 : vector<16xf32>
        %add3A_972 = arith.constant 4 : i32
        %add3A_973 = vector.broadcast %add3A_972 : i32 to vector<16xi32>
        %add3A_974 = arith.addi %iota3A, %add3A_973 : vector<16xi32>
        %and3A_975 = arith.constant 31 : i32
        %and3A_976 = vector.broadcast %and3A_975 : i32 to vector<16xi32>
        %and3A_977 = arith.andi %add3A_974, %and3A_976 : vector<16xi32>
        %gather3A_978 = tpu.vector_load_idx %arg14[%add3A_932, %and3A_977] : memref<512x32xf32, #tpu.memory_space<vmem>>[vector<16xi32>, vector<16xi32>], vector<16xf32>,
        %gather3A_979 = tpu.vector_load_idx %arg16[%add3A_932, %and3A_977] : memref<512x32xf32, #tpu.memory_space<vmem>>[vector<16xi32>, vector<16xi32>], vector<16xf32>,
        %mul3A_980 = arith.mulf %gather3A_978, %gather3A_979 : vector<16xf32>
        %add3A_981 = arith.addf %add3A_971, %mul3A_980 : vector<16xf32>
        %add3A_982 = arith.constant 5 : i32
        %add3A_983 = vector.broadcast %add3A_982 : i32 to vector<16xi32>
        %add3A_984 = arith.addi %iota3A, %add3A_983 : vector<16xi32>
        %and3A_985 = arith.constant 31 : i32
        %and3A_986 = vector.broadcast %and3A_985 : i32 to vector<16xi32>
        %and3A_987 = arith.andi %add3A_984, %and3A_986 : vector<16xi32>
        %gather3A_988 = tpu.vector_load_idx %arg14[%add3A_932, %and3A_987] : memref<512x32xf32, #tpu.memory_space<vmem>>[vector<16xi32>, vector<16xi32>], vector<16xf32>,
        %gather3A_989 = tpu.vector_load_idx %arg16[%add3A_932, %and3A_987] : memref<512x32xf32, #tpu.memory_space<vmem>>[vector<16xi32>, vector<16xi32>], vector<16xf32>,
        %mul3A_990 = arith.mulf %gather3A_988, %gather3A_989 : vector<16xf32>
        %add3A_991 = arith.addf %add3A_981, %mul3A_990 : vector<16xf32>
        %add3A_992 = arith.constant 6 : i32
        %add3A_993 = vector.broadcast %add3A_992 : i32 to vector<16xi32>
        %add3A_994 = arith.addi %iota3A, %add3A_993 : vector<16xi32>
        %and3A_995 = arith.constant 31 : i32
        %and3A_996 = vector.broadcast %and3A_995 : i32 to vector<16xi32>
        %and3A_997 = arith.andi %add3A_994, %and3A_996 : vector<16xi32>
        %gather3A_998 = tpu.vector_load_idx %arg14[%add3A_932, %and3A_997] : memref<512x32xf32, #tpu.memory_space<vmem>>[vector<16xi32>, vector<16xi32>], vector<16xf32>,
        %gather3A_999 = tpu.vector_load_idx %arg16[%add3A_932, %and3A_997] : memref<512x32xf32, #tpu.memory_space<vmem>>[vector<16xi32>, vector<16xi32>], vector<16xf32>,
        %mul3A_1000 = arith.mulf %gather3A_998, %gather3A_999 : vector<16xf32>
        %add3A_1001 = arith.addf %add3A_991, %mul3A_1000 : vector<16xf32>
        %add3A_1002 = arith.constant 7 : i32
        %add3A_1003 = vector.broadcast %add3A_1002 : i32 to vector<16xi32>
        %add3A_1004 = arith.addi %iota3A, %add3A_1003 : vector<16xi32>
        %and3A_1005 = arith.constant 31 : i32
        %and3A_1006 = vector.broadcast %and3A_1005 : i32 to vector<16xi32>
        %and3A_1007 = arith.andi %add3A_1004, %and3A_1006 : vector<16xi32>
        %gather3A_1008 = tpu.vector_load_idx %arg14[%add3A_932, %and3A_1007] : memref<512x32xf32, #tpu.memory_space<vmem>>[vector<16xi32>, vector<16xi32>], vector<16xf32>,
        %gather3A_1009 = tpu.vector_load_idx %arg16[%add3A_932, %and3A_1007] : memref<512x32xf32, #tpu.memory_space<vmem>>[vector<16xi32>, vector<16xi32>], vector<16xf32>,
        %mul3A_1010 = arith.mulf %gather3A_1008, %gather3A_1009 : vector<16xf32>
        %add3A_1011 = arith.addf %add3A_1001, %mul3A_1010 : vector<16xf32>
        %add3A_1012 = arith.constant 8 : i32
        %add3A_1013 = vector.broadcast %add3A_1012 : i32 to vector<16xi32>
        %add3A_1014 = arith.addi %iota3A, %add3A_1013 : vector<16xi32>
        %and3A_1015 = arith.constant 31 : i32
        %and3A_1016 = vector.broadcast %and3A_1015 : i32 to vector<16xi32>
        %and3A_1017 = arith.andi %add3A_1014, %and3A_1016 : vector<16xi32>
        %gather3A_1018 = tpu.vector_load_idx %arg14[%add3A_932, %and3A_1017] : memref<512x32xf32, #tpu.memory_space<vmem>>[vector<16xi32>, vector<16xi32>], vector<16xf32>,
        %gather3A_1019 = tpu.vector_load_idx %arg16[%add3A_932, %and3A_1017] : memref<512x32xf32, #tpu.memory_space<vmem>>[vector<16xi32>, vector<16xi32>], vector<16xf32>,
        %mul3A_1020 = arith.mulf %gather3A_1018, %gather3A_1019 : vector<16xf32>
        %add3A_1021 = arith.addf %add3A_1011, %mul3A_1020 : vector<16xf32>
        %add3A_1022 = arith.constant 9 : i32
        %add3A_1023 = vector.broadcast %add3A_1022 : i32 to vector<16xi32>
        %add3A_1024 = arith.addi %iota3A, %add3A_1023 : vector<16xi32>
        %and3A_1025 = arith.constant 31 : i32
        %and3A_1026 = vector.broadcast %and3A_1025 : i32 to vector<16xi32>
        %and3A_1027 = arith.andi %add3A_1024, %and3A_1026 : vector<16xi32>
        %gather3A_1028 = tpu.vector_load_idx %arg14[%add3A_932, %and3A_1027] : memref<512x32xf32, #tpu.memory_space<vmem>>[vector<16xi32>, vector<16xi32>], vector<16xf32>,
        %gather3A_1029 = tpu.vector_load_idx %arg16[%add3A_932, %and3A_1027] : memref<512x32xf32, #tpu.memory_space<vmem>>[vector<16xi32>, vector<16xi32>], vector<16xf32>,
        %mul3A_1030 = arith.mulf %gather3A_1028, %gather3A_1029 : vector<16xf32>
        %add3A_1031 = arith.addf %add3A_1021, %mul3A_1030 : vector<16xf32>
        %add3A_1032 = arith.constant 10 : i32
        %add3A_1033 = vector.broadcast %add3A_1032 : i32 to vector<16xi32>
        %add3A_1034 = arith.addi %iota3A, %add3A_1033 : vector<16xi32>
        %and3A_1035 = arith.constant 31 : i32
        %and3A_1036 = vector.broadcast %and3A_1035 : i32 to vector<16xi32>
        %and3A_1037 = arith.andi %add3A_1034, %and3A_1036 : vector<16xi32>
        %gather3A_1038 = tpu.vector_load_idx %arg14[%add3A_932, %and3A_1037] : memref<512x32xf32, #tpu.memory_space<vmem>>[vector<16xi32>, vector<16xi32>], vector<16xf32>,
        %gather3A_1039 = tpu.vector_load_idx %arg16[%add3A_932, %and3A_1037] : memref<512x32xf32, #tpu.memory_space<vmem>>[vector<16xi32>, vector<16xi32>], vector<16xf32>,
        %mul3A_1040 = arith.mulf %gather3A_1038, %gather3A_1039 : vector<16xf32>
        %add3A_1041 = arith.addf %add3A_1031, %mul3A_1040 : vector<16xf32>
        %add3A_1042 = arith.constant 11 : i32
        %add3A_1043 = vector.broadcast %add3A_1042 : i32 to vector<16xi32>
        %add3A_1044 = arith.addi %iota3A, %add3A_1043 : vector<16xi32>
        %and3A_1045 = arith.constant 31 : i32
        %and3A_1046 = vector.broadcast %and3A_1045 : i32 to vector<16xi32>
        %and3A_1047 = arith.andi %add3A_1044, %and3A_1046 : vector<16xi32>
        %gather3A_1048 = tpu.vector_load_idx %arg14[%add3A_932, %and3A_1047] : memref<512x32xf32, #tpu.memory_space<vmem>>[vector<16xi32>, vector<16xi32>], vector<16xf32>,
        %gather3A_1049 = tpu.vector_load_idx %arg16[%add3A_932, %and3A_1047] : memref<512x32xf32, #tpu.memory_space<vmem>>[vector<16xi32>, vector<16xi32>], vector<16xf32>,
        %mul3A_1050 = arith.mulf %gather3A_1048, %gather3A_1049 : vector<16xf32>
        %add3A_1051 = arith.addf %add3A_1041, %mul3A_1050 : vector<16xf32>
        %add3A_1052 = arith.constant 12 : i32
        %add3A_1053 = vector.broadcast %add3A_1052 : i32 to vector<16xi32>
        %add3A_1054 = arith.addi %iota3A, %add3A_1053 : vector<16xi32>
        %and3A_1055 = arith.constant 31 : i32
        %and3A_1056 = vector.broadcast %and3A_1055 : i32 to vector<16xi32>
        %and3A_1057 = arith.andi %add3A_1054, %and3A_1056 : vector<16xi32>
        %gather3A_1058 = tpu.vector_load_idx %arg14[%add3A_932, %and3A_1057] : memref<512x32xf32, #tpu.memory_space<vmem>>[vector<16xi32>, vector<16xi32>], vector<16xf32>,
        %gather3A_1059 = tpu.vector_load_idx %arg16[%add3A_932, %and3A_1057] : memref<512x32xf32, #tpu.memory_space<vmem>>[vector<16xi32>, vector<16xi32>], vector<16xf32>,
        %mul3A_1060 = arith.mulf %gather3A_1058, %gather3A_1059 : vector<16xf32>
        %add3A_1061 = arith.addf %add3A_1051, %mul3A_1060 : vector<16xf32>
        %add3A_1062 = arith.constant 13 : i32
        %add3A_1063 = vector.broadcast %add3A_1062 : i32 to vector<16xi32>
        %add3A_1064 = arith.addi %iota3A, %add3A_1063 : vector<16xi32>
        %and3A_1065 = arith.constant 31 : i32
        %and3A_1066 = vector.broadcast %and3A_1065 : i32 to vector<16xi32>
        %and3A_1067 = arith.andi %add3A_1064, %and3A_1066 : vector<16xi32>
        %gather3A_1068 = tpu.vector_load_idx %arg14[%add3A_932, %and3A_1067] : memref<512x32xf32, #tpu.memory_space<vmem>>[vector<16xi32>, vector<16xi32>], vector<16xf32>,
        %gather3A_1069 = tpu.vector_load_idx %arg16[%add3A_932, %and3A_1067] : memref<512x32xf32, #tpu.memory_space<vmem>>[vector<16xi32>, vector<16xi32>], vector<16xf32>,
        %mul3A_1070 = arith.mulf %gather3A_1068, %gather3A_1069 : vector<16xf32>
        %add3A_1071 = arith.addf %add3A_1061, %mul3A_1070 : vector<16xf32>
        %add3A_1072 = arith.constant 14 : i32
        %add3A_1073 = vector.broadcast %add3A_1072 : i32 to vector<16xi32>
        %add3A_1074 = arith.addi %iota3A, %add3A_1073 : vector<16xi32>
        %and3A_1075 = arith.constant 31 : i32
        %and3A_1076 = vector.broadcast %and3A_1075 : i32 to vector<16xi32>
        %and3A_1077 = arith.andi %add3A_1074, %and3A_1076 : vector<16xi32>
        %gather3A_1078 = tpu.vector_load_idx %arg14[%add3A_932, %and3A_1077] : memref<512x32xf32, #tpu.memory_space<vmem>>[vector<16xi32>, vector<16xi32>], vector<16xf32>,
        %gather3A_1079 = tpu.vector_load_idx %arg16[%add3A_932, %and3A_1077] : memref<512x32xf32, #tpu.memory_space<vmem>>[vector<16xi32>, vector<16xi32>], vector<16xf32>,
        %mul3A_1080 = arith.mulf %gather3A_1078, %gather3A_1079 : vector<16xf32>
        %add3A_1081 = arith.addf %add3A_1071, %mul3A_1080 : vector<16xf32>
        %add3A_1082 = arith.constant 15 : i32
        %add3A_1083 = vector.broadcast %add3A_1082 : i32 to vector<16xi32>
        %add3A_1084 = arith.addi %iota3A, %add3A_1083 : vector<16xi32>
        %and3A_1085 = arith.constant 31 : i32
        %and3A_1086 = vector.broadcast %and3A_1085 : i32 to vector<16xi32>
        %and3A_1087 = arith.andi %add3A_1084, %and3A_1086 : vector<16xi32>
        %gather3A_1088 = tpu.vector_load_idx %arg14[%add3A_932, %and3A_1087] : memref<512x32xf32, #tpu.memory_space<vmem>>[vector<16xi32>, vector<16xi32>], vector<16xf32>,
        %gather3A_1089 = tpu.vector_load_idx %arg16[%add3A_932, %and3A_1087] : memref<512x32xf32, #tpu.memory_space<vmem>>[vector<16xi32>, vector<16xi32>], vector<16xf32>,
        %mul3A_1090 = arith.mulf %gather3A_1088, %gather3A_1089 : vector<16xf32>
        %add3A_1091 = arith.addf %add3A_1081, %mul3A_1090 : vector<16xf32>
        %add3A_1092 = arith.constant 16 : i32
        %add3A_1093 = vector.broadcast %add3A_1092 : i32 to vector<16xi32>
        %add3A_1094 = arith.addi %iota3A, %add3A_1093 : vector<16xi32>
        %and3A_1095 = arith.constant 31 : i32
        %and3A_1096 = vector.broadcast %and3A_1095 : i32 to vector<16xi32>
        %and3A_1097 = arith.andi %add3A_1094, %and3A_1096 : vector<16xi32>
        %gather3A_1098 = tpu.vector_load_idx %arg14[%add3A_932, %and3A_1097] : memref<512x32xf32, #tpu.memory_space<vmem>>[vector<16xi32>, vector<16xi32>], vector<16xf32>,
        %gather3A_1099 = tpu.vector_load_idx %arg16[%add3A_932, %and3A_1097] : memref<512x32xf32, #tpu.memory_space<vmem>>[vector<16xi32>, vector<16xi32>], vector<16xf32>,
        %mul3A_1100 = arith.mulf %gather3A_1098, %gather3A_1099 : vector<16xf32>
        %add3A_1101 = arith.addf %add3A_1091, %mul3A_1100 : vector<16xf32>
        %add3A_1102 = arith.constant 17 : i32
        %add3A_1103 = vector.broadcast %add3A_1102 : i32 to vector<16xi32>
        %add3A_1104 = arith.addi %iota3A, %add3A_1103 : vector<16xi32>
        %and3A_1105 = arith.constant 31 : i32
        %and3A_1106 = vector.broadcast %and3A_1105 : i32 to vector<16xi32>
        %and3A_1107 = arith.andi %add3A_1104, %and3A_1106 : vector<16xi32>
        %gather3A_1108 = tpu.vector_load_idx %arg14[%add3A_932, %and3A_1107] : memref<512x32xf32, #tpu.memory_space<vmem>>[vector<16xi32>, vector<16xi32>], vector<16xf32>,
        %gather3A_1109 = tpu.vector_load_idx %arg16[%add3A_932, %and3A_1107] : memref<512x32xf32, #tpu.memory_space<vmem>>[vector<16xi32>, vector<16xi32>], vector<16xf32>,
        %mul3A_1110 = arith.mulf %gather3A_1108, %gather3A_1109 : vector<16xf32>
        %add3A_1111 = arith.addf %add3A_1101, %mul3A_1110 : vector<16xf32>
        %add3A_1112 = arith.constant 18 : i32
        %add3A_1113 = vector.broadcast %add3A_1112 : i32 to vector<16xi32>
        %add3A_1114 = arith.addi %iota3A, %add3A_1113 : vector<16xi32>
        %and3A_1115 = arith.constant 31 : i32
        %and3A_1116 = vector.broadcast %and3A_1115 : i32 to vector<16xi32>
        %and3A_1117 = arith.andi %add3A_1114, %and3A_1116 : vector<16xi32>
        %gather3A_1118 = tpu.vector_load_idx %arg14[%add3A_932, %and3A_1117] : memref<512x32xf32, #tpu.memory_space<vmem>>[vector<16xi32>, vector<16xi32>], vector<16xf32>,
        %gather3A_1119 = tpu.vector_load_idx %arg16[%add3A_932, %and3A_1117] : memref<512x32xf32, #tpu.memory_space<vmem>>[vector<16xi32>, vector<16xi32>], vector<16xf32>,
        %mul3A_1120 = arith.mulf %gather3A_1118, %gather3A_1119 : vector<16xf32>
        %add3A_1121 = arith.addf %add3A_1111, %mul3A_1120 : vector<16xf32>
        %add3A_1122 = arith.constant 19 : i32
        %add3A_1123 = vector.broadcast %add3A_1122 : i32 to vector<16xi32>
        %add3A_1124 = arith.addi %iota3A, %add3A_1123 : vector<16xi32>
        %and3A_1125 = arith.constant 31 : i32
        %and3A_1126 = vector.broadcast %and3A_1125 : i32 to vector<16xi32>
        %and3A_1127 = arith.andi %add3A_1124, %and3A_1126 : vector<16xi32>
        %gather3A_1128 = tpu.vector_load_idx %arg14[%add3A_932, %and3A_1127] : memref<512x32xf32, #tpu.memory_space<vmem>>[vector<16xi32>, vector<16xi32>], vector<16xf32>,
        %gather3A_1129 = tpu.vector_load_idx %arg16[%add3A_932, %and3A_1127] : memref<512x32xf32, #tpu.memory_space<vmem>>[vector<16xi32>, vector<16xi32>], vector<16xf32>,
        %mul3A_1130 = arith.mulf %gather3A_1128, %gather3A_1129 : vector<16xf32>
        %add3A_1131 = arith.addf %add3A_1121, %mul3A_1130 : vector<16xf32>
        %add3A_1132 = arith.constant 20 : i32
        %add3A_1133 = vector.broadcast %add3A_1132 : i32 to vector<16xi32>
        %add3A_1134 = arith.addi %iota3A, %add3A_1133 : vector<16xi32>
        %and3A_1135 = arith.constant 31 : i32
        %and3A_1136 = vector.broadcast %and3A_1135 : i32 to vector<16xi32>
        %and3A_1137 = arith.andi %add3A_1134, %and3A_1136 : vector<16xi32>
        %gather3A_1138 = tpu.vector_load_idx %arg14[%add3A_932, %and3A_1137] : memref<512x32xf32, #tpu.memory_space<vmem>>[vector<16xi32>, vector<16xi32>], vector<16xf32>,
        %gather3A_1139 = tpu.vector_load_idx %arg16[%add3A_932, %and3A_1137] : memref<512x32xf32, #tpu.memory_space<vmem>>[vector<16xi32>, vector<16xi32>], vector<16xf32>,
        %mul3A_1140 = arith.mulf %gather3A_1138, %gather3A_1139 : vector<16xf32>
        %add3A_1141 = arith.addf %add3A_1131, %mul3A_1140 : vector<16xf32>
        %add3A_1142 = arith.constant 21 : i32
        %add3A_1143 = vector.broadcast %add3A_1142 : i32 to vector<16xi32>
        %add3A_1144 = arith.addi %iota3A, %add3A_1143 : vector<16xi32>
        %and3A_1145 = arith.constant 31 : i32
        %and3A_1146 = vector.broadcast %and3A_1145 : i32 to vector<16xi32>
        %and3A_1147 = arith.andi %add3A_1144, %and3A_1146 : vector<16xi32>
        %gather3A_1148 = tpu.vector_load_idx %arg14[%add3A_932, %and3A_1147] : memref<512x32xf32, #tpu.memory_space<vmem>>[vector<16xi32>, vector<16xi32>], vector<16xf32>,
        %gather3A_1149 = tpu.vector_load_idx %arg16[%add3A_932, %and3A_1147] : memref<512x32xf32, #tpu.memory_space<vmem>>[vector<16xi32>, vector<16xi32>], vector<16xf32>,
        %mul3A_1150 = arith.mulf %gather3A_1148, %gather3A_1149 : vector<16xf32>
        %add3A_1151 = arith.addf %add3A_1141, %mul3A_1150 : vector<16xf32>
        %add3A_1152 = arith.constant 22 : i32
        %add3A_1153 = vector.broadcast %add3A_1152 : i32 to vector<16xi32>
        %add3A_1154 = arith.addi %iota3A, %add3A_1153 : vector<16xi32>
        %and3A_1155 = arith.constant 31 : i32
        %and3A_1156 = vector.broadcast %and3A_1155 : i32 to vector<16xi32>
        %and3A_1157 = arith.andi %add3A_1154, %and3A_1156 : vector<16xi32>
        %gather3A_1158 = tpu.vector_load_idx %arg14[%add3A_932, %and3A_1157] : memref<512x32xf32, #tpu.memory_space<vmem>>[vector<16xi32>, vector<16xi32>], vector<16xf32>,
        %gather3A_1159 = tpu.vector_load_idx %arg16[%add3A_932, %and3A_1157] : memref<512x32xf32, #tpu.memory_space<vmem>>[vector<16xi32>, vector<16xi32>], vector<16xf32>,
        %mul3A_1160 = arith.mulf %gather3A_1158, %gather3A_1159 : vector<16xf32>
        %add3A_1161 = arith.addf %add3A_1151, %mul3A_1160 : vector<16xf32>
        %add3A_1162 = arith.constant 23 : i32
        %add3A_1163 = vector.broadcast %add3A_1162 : i32 to vector<16xi32>
        %add3A_1164 = arith.addi %iota3A, %add3A_1163 : vector<16xi32>
        %and3A_1165 = arith.constant 31 : i32
        %and3A_1166 = vector.broadcast %and3A_1165 : i32 to vector<16xi32>
        %and3A_1167 = arith.andi %add3A_1164, %and3A_1166 : vector<16xi32>
        %gather3A_1168 = tpu.vector_load_idx %arg14[%add3A_932, %and3A_1167] : memref<512x32xf32, #tpu.memory_space<vmem>>[vector<16xi32>, vector<16xi32>], vector<16xf32>,
        %gather3A_1169 = tpu.vector_load_idx %arg16[%add3A_932, %and3A_1167] : memref<512x32xf32, #tpu.memory_space<vmem>>[vector<16xi32>, vector<16xi32>], vector<16xf32>,
        %mul3A_1170 = arith.mulf %gather3A_1168, %gather3A_1169 : vector<16xf32>
        %add3A_1171 = arith.addf %add3A_1161, %mul3A_1170 : vector<16xf32>
        %add3A_1172 = arith.constant 24 : i32
        %add3A_1173 = vector.broadcast %add3A_1172 : i32 to vector<16xi32>
        %add3A_1174 = arith.addi %iota3A, %add3A_1173 : vector<16xi32>
        %and3A_1175 = arith.constant 31 : i32
        %and3A_1176 = vector.broadcast %and3A_1175 : i32 to vector<16xi32>
        %and3A_1177 = arith.andi %add3A_1174, %and3A_1176 : vector<16xi32>
        %gather3A_1178 = tpu.vector_load_idx %arg14[%add3A_932, %and3A_1177] : memref<512x32xf32, #tpu.memory_space<vmem>>[vector<16xi32>, vector<16xi32>], vector<16xf32>,
        %gather3A_1179 = tpu.vector_load_idx %arg16[%add3A_932, %and3A_1177] : memref<512x32xf32, #tpu.memory_space<vmem>>[vector<16xi32>, vector<16xi32>], vector<16xf32>,
        %mul3A_1180 = arith.mulf %gather3A_1178, %gather3A_1179 : vector<16xf32>
        %add3A_1181 = arith.addf %add3A_1171, %mul3A_1180 : vector<16xf32>
        %add3A_1182 = arith.constant 25 : i32
        %add3A_1183 = vector.broadcast %add3A_1182 : i32 to vector<16xi32>
        %add3A_1184 = arith.addi %iota3A, %add3A_1183 : vector<16xi32>
        %and3A_1185 = arith.constant 31 : i32
        %and3A_1186 = vector.broadcast %and3A_1185 : i32 to vector<16xi32>
        %and3A_1187 = arith.andi %add3A_1184, %and3A_1186 : vector<16xi32>
        %gather3A_1188 = tpu.vector_load_idx %arg14[%add3A_932, %and3A_1187] : memref<512x32xf32, #tpu.memory_space<vmem>>[vector<16xi32>, vector<16xi32>], vector<16xf32>,
        %gather3A_1189 = tpu.vector_load_idx %arg16[%add3A_932, %and3A_1187] : memref<512x32xf32, #tpu.memory_space<vmem>>[vector<16xi32>, vector<16xi32>], vector<16xf32>,
        %mul3A_1190 = arith.mulf %gather3A_1188, %gather3A_1189 : vector<16xf32>
        %add3A_1191 = arith.addf %add3A_1181, %mul3A_1190 : vector<16xf32>
        %add3A_1192 = arith.constant 26 : i32
        %add3A_1193 = vector.broadcast %add3A_1192 : i32 to vector<16xi32>
        %add3A_1194 = arith.addi %iota3A, %add3A_1193 : vector<16xi32>
        %and3A_1195 = arith.constant 31 : i32
        %and3A_1196 = vector.broadcast %and3A_1195 : i32 to vector<16xi32>
        %and3A_1197 = arith.andi %add3A_1194, %and3A_1196 : vector<16xi32>
        %gather3A_1198 = tpu.vector_load_idx %arg14[%add3A_932, %and3A_1197] : memref<512x32xf32, #tpu.memory_space<vmem>>[vector<16xi32>, vector<16xi32>], vector<16xf32>,
        %gather3A_1199 = tpu.vector_load_idx %arg16[%add3A_932, %and3A_1197] : memref<512x32xf32, #tpu.memory_space<vmem>>[vector<16xi32>, vector<16xi32>], vector<16xf32>,
        %mul3A_1200 = arith.mulf %gather3A_1198, %gather3A_1199 : vector<16xf32>
        %add3A_1201 = arith.addf %add3A_1191, %mul3A_1200 : vector<16xf32>
        %add3A_1202 = arith.constant 27 : i32
        %add3A_1203 = vector.broadcast %add3A_1202 : i32 to vector<16xi32>
        %add3A_1204 = arith.addi %iota3A, %add3A_1203 : vector<16xi32>
        %and3A_1205 = arith.constant 31 : i32
        %and3A_1206 = vector.broadcast %and3A_1205 : i32 to vector<16xi32>
        %and3A_1207 = arith.andi %add3A_1204, %and3A_1206 : vector<16xi32>
        %gather3A_1208 = tpu.vector_load_idx %arg14[%add3A_932, %and3A_1207] : memref<512x32xf32, #tpu.memory_space<vmem>>[vector<16xi32>, vector<16xi32>], vector<16xf32>,
        %gather3A_1209 = tpu.vector_load_idx %arg16[%add3A_932, %and3A_1207] : memref<512x32xf32, #tpu.memory_space<vmem>>[vector<16xi32>, vector<16xi32>], vector<16xf32>,
        %mul3A_1210 = arith.mulf %gather3A_1208, %gather3A_1209 : vector<16xf32>
        %add3A_1211 = arith.addf %add3A_1201, %mul3A_1210 : vector<16xf32>
        %add3A_1212 = arith.constant 28 : i32
        %add3A_1213 = vector.broadcast %add3A_1212 : i32 to vector<16xi32>
        %add3A_1214 = arith.addi %iota3A, %add3A_1213 : vector<16xi32>
        %and3A_1215 = arith.constant 31 : i32
        %and3A_1216 = vector.broadcast %and3A_1215 : i32 to vector<16xi32>
        %and3A_1217 = arith.andi %add3A_1214, %and3A_1216 : vector<16xi32>
        %gather3A_1218 = tpu.vector_load_idx %arg14[%add3A_932, %and3A_1217] : memref<512x32xf32, #tpu.memory_space<vmem>>[vector<16xi32>, vector<16xi32>], vector<16xf32>,
        %gather3A_1219 = tpu.vector_load_idx %arg16[%add3A_932, %and3A_1217] : memref<512x32xf32, #tpu.memory_space<vmem>>[vector<16xi32>, vector<16xi32>], vector<16xf32>,
        %mul3A_1220 = arith.mulf %gather3A_1218, %gather3A_1219 : vector<16xf32>
        %add3A_1221 = arith.addf %add3A_1211, %mul3A_1220 : vector<16xf32>
        %add3A_1222 = arith.constant 29 : i32
        %add3A_1223 = vector.broadcast %add3A_1222 : i32 to vector<16xi32>
        %add3A_1224 = arith.addi %iota3A, %add3A_1223 : vector<16xi32>
        %and3A_1225 = arith.constant 31 : i32
        %and3A_1226 = vector.broadcast %and3A_1225 : i32 to vector<16xi32>
        %and3A_1227 = arith.andi %add3A_1224, %and3A_1226 : vector<16xi32>
        %gather3A_1228 = tpu.vector_load_idx %arg14[%add3A_932, %and3A_1227] : memref<512x32xf32, #tpu.memory_space<vmem>>[vector<16xi32>, vector<16xi32>], vector<16xf32>,
        %gather3A_1229 = tpu.vector_load_idx %arg16[%add3A_932, %and3A_1227] : memref<512x32xf32, #tpu.memory_space<vmem>>[vector<16xi32>, vector<16xi32>], vector<16xf32>,
        %mul3A_1230 = arith.mulf %gather3A_1228, %gather3A_1229 : vector<16xf32>
        %add3A_1231 = arith.addf %add3A_1221, %mul3A_1230 : vector<16xf32>
        %add3A_1232 = arith.constant 30 : i32
        %add3A_1233 = vector.broadcast %add3A_1232 : i32 to vector<16xi32>
        %add3A_1234 = arith.addi %iota3A, %add3A_1233 : vector<16xi32>
        %and3A_1235 = arith.constant 31 : i32
        %and3A_1236 = vector.broadcast %and3A_1235 : i32 to vector<16xi32>
        %and3A_1237 = arith.andi %add3A_1234, %and3A_1236 : vector<16xi32>
        %gather3A_1238 = tpu.vector_load_idx %arg14[%add3A_932, %and3A_1237] : memref<512x32xf32, #tpu.memory_space<vmem>>[vector<16xi32>, vector<16xi32>], vector<16xf32>,
        %gather3A_1239 = tpu.vector_load_idx %arg16[%add3A_932, %and3A_1237] : memref<512x32xf32, #tpu.memory_space<vmem>>[vector<16xi32>, vector<16xi32>], vector<16xf32>,
        %mul3A_1240 = arith.mulf %gather3A_1238, %gather3A_1239 : vector<16xf32>
        %add3A_1241 = arith.addf %add3A_1231, %mul3A_1240 : vector<16xf32>
        %add3A_1242 = arith.constant 31 : i32
        %add3A_1243 = vector.broadcast %add3A_1242 : i32 to vector<16xi32>
        %add3A_1244 = arith.addi %iota3A, %add3A_1243 : vector<16xi32>
        %and3A_1245 = arith.constant 31 : i32
        %and3A_1246 = vector.broadcast %and3A_1245 : i32 to vector<16xi32>
        %and3A_1247 = arith.andi %add3A_1244, %and3A_1246 : vector<16xi32>
        %gather3A_1248 = tpu.vector_load_idx %arg14[%add3A_932, %and3A_1247] : memref<512x32xf32, #tpu.memory_space<vmem>>[vector<16xi32>, vector<16xi32>], vector<16xf32>,
        %gather3A_1249 = tpu.vector_load_idx %arg16[%add3A_932, %and3A_1247] : memref<512x32xf32, #tpu.memory_space<vmem>>[vector<16xi32>, vector<16xi32>], vector<16xf32>,
        %mul3A_1250 = arith.mulf %gather3A_1248, %gather3A_1249 : vector<16xf32>
        %add3A_1251 = arith.addf %add3A_1241, %mul3A_1250 : vector<16xf32>
        %mul3A_1252 = arith.constant 16 : i32
        %mul3A_1253 = arith.muli %scan3A_928, %mul3A_1252 : i32
        %swap3A = arith.index_cast %mul3A_1253 : i32 to index
        %swap3A_1254 = tpu.vector_load %arg18[%swap3A] {strides = array<i32>} : memref<512xf32, #tpu.memory_space<vmem>>, vector<16xf32>,
        tpu.vector_store %arg18[%swap3A], %add3A_1251 {strides = array<i32>} : memref<512xf32, #tpu.memory_space<vmem>>, vector<16xf32>,
      }
      %scan3A_593 = arith.constant 32 : i32
      %dma_start3A_594 = arith.constant 0 : i32
      %dma_start3A_595 = tpu.memref_slice %arg4[%add3A, %add3A_502, %dma_start3A_594] : memref<32x64x512xf32, #tpu.memory_space<hbm>> -> memref<1x1x512xf32, #tpu.memory_space<hbm>>
      %dma_start3A_596 = tpu.memref_squeeze %dma_start3A_595 : memref<1x1x512xf32, #tpu.memory_space<hbm>> -> memref<512xf32, #tpu.memory_space<hbm>>
      %dma_start3A_597 = arith.constant 0 : i32
      %dma_start3A_598 = tpu.memref_slice %arg4[%add3A, %add3A_502, %dma_start3A_597] : memref<32x64x512xf32, #tpu.memory_space<hbm>> -> memref<1x1x512xf32, #tpu.memory_space<hbm>>
      %dma_start3A_599 = tpu.memref_squeeze %dma_start3A_598 : memref<1x1x512xf32, #tpu.memory_space<hbm>> -> memref<512xf32, #tpu.memory_space<hbm>>
      tpu.enqueue_dma source(%arg18 : memref<512xf32, #tpu.memory_space<vmem>>) target(%dma_start3A_599 : memref<512xf32, #tpu.memory_space<hbm>>) target_semaphore(%arg26 : memref<!tpu.dma_semaphore, #tpu.memory_space<semaphore_mem>>)
      %add3A_600 = arith.constant 2 : i32
      %add3A_601 = arith.addi %add3A_502, %add3A_600 : i32
      %dma_wait3A_602 = arith.constant 0 : i32
      %dma_wait3A_603 = arith.constant 0 : i32
      %dma_wait3A_604 = arith.constant 0 : i32
      %dma_wait3A_605 = tpu.memref_slice %arg3[%dma_wait3A_602, %add3A, %add3A_601, %dma_wait3A_603, %dma_wait3A_604] : memref<2x32x64x4x128xi32, #tpu.memory_space<hbm>> -> memref<1x1x1x4x128xi32, #tpu.memory_space<hbm>>
      %dma_wait3A_606 = tpu.memref_squeeze %dma_wait3A_605 : memref<1x1x1x4x128xi32, #tpu.memory_space<hbm>> -> memref<4x128xi32, #tpu.memory_space<hbm>>
      %dma_wait3A_607 = arith.constant 0 : i32
      %dma_wait3A_608 = arith.constant 0 : i32
      %dma_wait3A_609 = tpu.memref_slice %arg3[%dma_wait3A_602, %add3A, %add3A_601, %dma_wait3A_607, %dma_wait3A_608] : memref<2x32x64x4x128xi32, #tpu.memory_space<hbm>> -> memref<1x1x1x4x128xi32, #tpu.memory_space<hbm>>
      %dma_wait3A_610 = tpu.memref_squeeze %dma_wait3A_609 : memref<1x1x1x4x128xi32, #tpu.memory_space<hbm>> -> memref<4x128xi32, #tpu.memory_space<hbm>>
      tpu.wait_dma2 semaphore(%arg24 : memref<!tpu.dma_semaphore, #tpu.memory_space<semaphore_mem>>) src(%dma_wait3A_610 : memref<4x128xi32, #tpu.memory_space<hbm>>) dst(%arg8 : memref<4x128xi32, #tpu.memory_space<vmem>>)
      %dma_wait3A_611 = arith.constant 1 : i32
      %dma_wait3A_612 = arith.constant 0 : i32
      %dma_wait3A_613 = arith.constant 0 : i32
      %dma_wait3A_614 = tpu.memref_slice %arg3[%dma_wait3A_611, %add3A, %add3A_601, %dma_wait3A_612, %dma_wait3A_613] : memref<2x32x64x4x128xi32, #tpu.memory_space<hbm>> -> memref<1x1x1x4x128xi32, #tpu.memory_space<hbm>>
      %dma_wait3A_615 = tpu.memref_squeeze %dma_wait3A_614 : memref<1x1x1x4x128xi32, #tpu.memory_space<hbm>> -> memref<4x128xi32, #tpu.memory_space<hbm>>
      %dma_wait3A_616 = arith.constant 0 : i32
      %dma_wait3A_617 = arith.constant 0 : i32
      %dma_wait3A_618 = tpu.memref_slice %arg3[%dma_wait3A_611, %add3A, %add3A_601, %dma_wait3A_616, %dma_wait3A_617] : memref<2x32x64x4x128xi32, #tpu.memory_space<hbm>> -> memref<1x1x1x4x128xi32, #tpu.memory_space<hbm>>
      %dma_wait3A_619 = tpu.memref_squeeze %dma_wait3A_618 : memref<1x1x1x4x128xi32, #tpu.memory_space<hbm>> -> memref<4x128xi32, #tpu.memory_space<hbm>>
      tpu.wait_dma2 semaphore(%arg24 : memref<!tpu.dma_semaphore, #tpu.memory_space<semaphore_mem>>) src(%dma_wait3A_619 : memref<4x128xi32, #tpu.memory_space<hbm>>) dst(%arg12 : memref<4x128xi32, #tpu.memory_space<vmem>>)
      %dma_start3A_620 = arith.constant 0 : i32
      %dma_start3A_621 = arith.constant 0 : i32
      %dma_start3A_622 = arith.constant 0 : i32
      %dma_start3A_623 = tpu.memref_slice %arg14[%dma_start3A_621, %dma_start3A_622] : memref<512x32xf32, #tpu.memory_space<vmem>> -> memref<128x32xf32, #tpu.memory_space<vmem>>
      %dma_start3A_624 = arith.constant 0 : i32
      %dma_start3A_625 = tpu.memref_slice %arg8[%dma_start3A_620, %dma_start3A_624] : memref<4x128xi32, #tpu.memory_space<vmem>> -> memref<1x128xi32, #tpu.memory_space<vmem>>
      %dma_start3A_626 = tpu.memref_squeeze %dma_start3A_625 : memref<1x128xi32, #tpu.memory_space<vmem>> -> memref<128xi32, #tpu.memory_space<vmem>>
      %dma_start3A_627 = arith.constant 0 : i32
      %dma_start3A_628 = arith.constant 0 : i32
      %dma_start3A_629 = tpu.memref_slice %arg2[%dma_start3A_627, %dma_start3A_628] : memref<1000000x32xf32, #tpu.memory_space<hbm>> -> memref<1000000x32xf32, #tpu.memory_space<hbm>>
      tpu.enqueue_indirect_dma source(%dma_start3A_629 : memref<1000000x32xf32, #tpu.memory_space<hbm>>) target(%dma_start3A_623 : memref<128x32xf32, #tpu.memory_space<vmem>>) offsets(%dma_start3A_626 : memref<128xi32, #tpu.memory_space<vmem>>) semaphore(%arg20 : memref<!tpu.dma_semaphore, #tpu.memory_space<semaphore_mem>>)
      %dma_start3A_630 = arith.constant 0 : i32
      %dma_start3A_631 = arith.constant 0 : i32
      %dma_start3A_632 = arith.constant 0 : i32
      %dma_start3A_633 = tpu.memref_slice %arg16[%dma_start3A_631, %dma_start3A_632] : memref<512x32xf32, #tpu.memory_space<vmem>> -> memref<128x32xf32, #tpu.memory_space<vmem>>
      %dma_start3A_634 = arith.constant 0 : i32
      %dma_start3A_635 = tpu.memref_slice %arg12[%dma_start3A_630, %dma_start3A_634] : memref<4x128xi32, #tpu.memory_space<vmem>> -> memref<1x128xi32, #tpu.memory_space<vmem>>
      %dma_start3A_636 = tpu.memref_squeeze %dma_start3A_635 : memref<1x128xi32, #tpu.memory_space<vmem>> -> memref<128xi32, #tpu.memory_space<vmem>>
      %dma_start3A_637 = arith.constant 0 : i32
      %dma_start3A_638 = arith.constant 0 : i32
      %dma_start3A_639 = tpu.memref_slice %arg2[%dma_start3A_637, %dma_start3A_638] : memref<1000000x32xf32, #tpu.memory_space<hbm>> -> memref<1000000x32xf32, #tpu.memory_space<hbm>>
      tpu.enqueue_indirect_dma source(%dma_start3A_639 : memref<1000000x32xf32, #tpu.memory_space<hbm>>) target(%dma_start3A_633 : memref<128x32xf32, #tpu.memory_space<vmem>>) offsets(%dma_start3A_636 : memref<128xi32, #tpu.memory_space<vmem>>) semaphore(%arg20 : memref<!tpu.dma_semaphore, #tpu.memory_space<semaphore_mem>>)
      %dma_start3A_640 = arith.constant 1 : i32
      %dma_start3A_641 = arith.constant 128 : i32
      %dma_start3A_642 = arith.constant 0 : i32
      %dma_start3A_643 = tpu.memref_slice %arg14[%dma_start3A_641, %dma_start3A_642] : memref<512x32xf32, #tpu.memory_space<vmem>> -> memref<128x32xf32, #tpu.memory_space<vmem>>
      %dma_start3A_644 = arith.constant 0 : i32
      %dma_start3A_645 = tpu.memref_slice %arg8[%dma_start3A_640, %dma_start3A_644] : memref<4x128xi32, #tpu.memory_space<vmem>> -> memref<1x128xi32, #tpu.memory_space<vmem>>
      %dma_start3A_646 = tpu.memref_squeeze %dma_start3A_645 : memref<1x128xi32, #tpu.memory_space<vmem>> -> memref<128xi32, #tpu.memory_space<vmem>>
      %dma_start3A_647 = arith.constant 0 : i32
      %dma_start3A_648 = arith.constant 0 : i32
      %dma_start3A_649 = tpu.memref_slice %arg2[%dma_start3A_647, %dma_start3A_648] : memref<1000000x32xf32, #tpu.memory_space<hbm>> -> memref<1000000x32xf32, #tpu.memory_space<hbm>>
      tpu.enqueue_indirect_dma source(%dma_start3A_649 : memref<1000000x32xf32, #tpu.memory_space<hbm>>) target(%dma_start3A_643 : memref<128x32xf32, #tpu.memory_space<vmem>>) offsets(%dma_start3A_646 : memref<128xi32, #tpu.memory_space<vmem>>) semaphore(%arg20 : memref<!tpu.dma_semaphore, #tpu.memory_space<semaphore_mem>>)
      %dma_start3A_650 = arith.constant 1 : i32
      %dma_start3A_651 = arith.constant 128 : i32
      %dma_start3A_652 = arith.constant 0 : i32
      %dma_start3A_653 = tpu.memref_slice %arg16[%dma_start3A_651, %dma_start3A_652] : memref<512x32xf32, #tpu.memory_space<vmem>> -> memref<128x32xf32, #tpu.memory_space<vmem>>
      %dma_start3A_654 = arith.constant 0 : i32
      %dma_start3A_655 = tpu.memref_slice %arg12[%dma_start3A_650, %dma_start3A_654] : memref<4x128xi32, #tpu.memory_space<vmem>> -> memref<1x128xi32, #tpu.memory_space<vmem>>
      %dma_start3A_656 = tpu.memref_squeeze %dma_start3A_655 : memref<1x128xi32, #tpu.memory_space<vmem>> -> memref<128xi32, #tpu.memory_space<vmem>>
      %dma_start3A_657 = arith.constant 0 : i32
      %dma_start3A_658 = arith.constant 0 : i32
      %dma_start3A_659 = tpu.memref_slice %arg2[%dma_start3A_657, %dma_start3A_658] : memref<1000000x32xf32, #tpu.memory_space<hbm>> -> memref<1000000x32xf32, #tpu.memory_space<hbm>>
      tpu.enqueue_indirect_dma source(%dma_start3A_659 : memref<1000000x32xf32, #tpu.memory_space<hbm>>) target(%dma_start3A_653 : memref<128x32xf32, #tpu.memory_space<vmem>>) offsets(%dma_start3A_656 : memref<128xi32, #tpu.memory_space<vmem>>) semaphore(%arg20 : memref<!tpu.dma_semaphore, #tpu.memory_space<semaphore_mem>>)
      %dma_start3A_660 = arith.constant 2 : i32
      %dma_start3A_661 = arith.constant 256 : i32
      %dma_start3A_662 = arith.constant 0 : i32
      %dma_start3A_663 = tpu.memref_slice %arg14[%dma_start3A_661, %dma_start3A_662] : memref<512x32xf32, #tpu.memory_space<vmem>> -> memref<128x32xf32, #tpu.memory_space<vmem>>
      %dma_start3A_664 = arith.constant 0 : i32
      %dma_start3A_665 = tpu.memref_slice %arg8[%dma_start3A_660, %dma_start3A_664] : memref<4x128xi32, #tpu.memory_space<vmem>> -> memref<1x128xi32, #tpu.memory_space<vmem>>
      %dma_start3A_666 = tpu.memref_squeeze %dma_start3A_665 : memref<1x128xi32, #tpu.memory_space<vmem>> -> memref<128xi32, #tpu.memory_space<vmem>>
      %dma_start3A_667 = arith.constant 0 : i32
      %dma_start3A_668 = arith.constant 0 : i32
      %dma_start3A_669 = tpu.memref_slice %arg2[%dma_start3A_667, %dma_start3A_668] : memref<1000000x32xf32, #tpu.memory_space<hbm>> -> memref<1000000x32xf32, #tpu.memory_space<hbm>>
      tpu.enqueue_indirect_dma source(%dma_start3A_669 : memref<1000000x32xf32, #tpu.memory_space<hbm>>) target(%dma_start3A_663 : memref<128x32xf32, #tpu.memory_space<vmem>>) offsets(%dma_start3A_666 : memref<128xi32, #tpu.memory_space<vmem>>) semaphore(%arg20 : memref<!tpu.dma_semaphore, #tpu.memory_space<semaphore_mem>>)
      %dma_start3A_670 = arith.constant 2 : i32
      %dma_start3A_671 = arith.constant 256 : i32
      %dma_start3A_672 = arith.constant 0 : i32
      %dma_start3A_673 = tpu.memref_slice %arg16[%dma_start3A_671, %dma_start3A_672] : memref<512x32xf32, #tpu.memory_space<vmem>> -> memref<128x32xf32, #tpu.memory_space<vmem>>
      %dma_start3A_674 = arith.constant 0 : i32
      %dma_start3A_675 = tpu.memref_slice %arg12[%dma_start3A_670, %dma_start3A_674] : memref<4x128xi32, #tpu.memory_space<vmem>> -> memref<1x128xi32, #tpu.memory_space<vmem>>
      %dma_start3A_676 = tpu.memref_squeeze %dma_start3A_675 : memref<1x128xi32, #tpu.memory_space<vmem>> -> memref<128xi32, #tpu.memory_space<vmem>>
      %dma_start3A_677 = arith.constant 0 : i32
      %dma_start3A_678 = arith.constant 0 : i32
      %dma_start3A_679 = tpu.memref_slice %arg2[%dma_start3A_677, %dma_start3A_678] : memref<1000000x32xf32, #tpu.memory_space<hbm>> -> memref<1000000x32xf32, #tpu.memory_space<hbm>>
      tpu.enqueue_indirect_dma source(%dma_start3A_679 : memref<1000000x32xf32, #tpu.memory_space<hbm>>) target(%dma_start3A_673 : memref<128x32xf32, #tpu.memory_space<vmem>>) offsets(%dma_start3A_676 : memref<128xi32, #tpu.memory_space<vmem>>) semaphore(%arg20 : memref<!tpu.dma_semaphore, #tpu.memory_space<semaphore_mem>>)
      %dma_start3A_680 = arith.constant 3 : i32
      %dma_start3A_681 = arith.constant 384 : i32
      %dma_start3A_682 = arith.constant 0 : i32
      %dma_start3A_683 = tpu.memref_slice %arg14[%dma_start3A_681, %dma_start3A_682] : memref<512x32xf32, #tpu.memory_space<vmem>> -> memref<128x32xf32, #tpu.memory_space<vmem>>
      %dma_start3A_684 = arith.constant 0 : i32
      %dma_start3A_685 = tpu.memref_slice %arg8[%dma_start3A_680, %dma_start3A_684] : memref<4x128xi32, #tpu.memory_space<vmem>> -> memref<1x128xi32, #tpu.memory_space<vmem>>
      %dma_start3A_686 = tpu.memref_squeeze %dma_start3A_685 : memref<1x128xi32, #tpu.memory_space<vmem>> -> memref<128xi32, #tpu.memory_space<vmem>>
      %dma_start3A_687 = arith.constant 0 : i32
      %dma_start3A_688 = arith.constant 0 : i32
      %dma_start3A_689 = tpu.memref_slice %arg2[%dma_start3A_687, %dma_start3A_688] : memref<1000000x32xf32, #tpu.memory_space<hbm>> -> memref<1000000x32xf32, #tpu.memory_space<hbm>>
      tpu.enqueue_indirect_dma source(%dma_start3A_689 : memref<1000000x32xf32, #tpu.memory_space<hbm>>) target(%dma_start3A_683 : memref<128x32xf32, #tpu.memory_space<vmem>>) offsets(%dma_start3A_686 : memref<128xi32, #tpu.memory_space<vmem>>) semaphore(%arg20 : memref<!tpu.dma_semaphore, #tpu.memory_space<semaphore_mem>>)
      %dma_start3A_690 = arith.constant 3 : i32
      %dma_start3A_691 = arith.constant 384 : i32
      %dma_start3A_692 = arith.constant 0 : i32
      %dma_start3A_693 = tpu.memref_slice %arg16[%dma_start3A_691, %dma_start3A_692] : memref<512x32xf32, #tpu.memory_space<vmem>> -> memref<128x32xf32, #tpu.memory_space<vmem>>
      %dma_start3A_694 = arith.constant 0 : i32
      %dma_start3A_695 = tpu.memref_slice %arg12[%dma_start3A_690, %dma_start3A_694] : memref<4x128xi32, #tpu.memory_space<vmem>> -> memref<1x128xi32, #tpu.memory_space<vmem>>
      %dma_start3A_696 = tpu.memref_squeeze %dma_start3A_695 : memref<1x128xi32, #tpu.memory_space<vmem>> -> memref<128xi32, #tpu.memory_space<vmem>>
      %dma_start3A_697 = arith.constant 0 : i32
      %dma_start3A_698 = arith.constant 0 : i32
      %dma_start3A_699 = tpu.memref_slice %arg2[%dma_start3A_697, %dma_start3A_698] : memref<1000000x32xf32, #tpu.memory_space<hbm>> -> memref<1000000x32xf32, #tpu.memory_space<hbm>>
      tpu.enqueue_indirect_dma source(%dma_start3A_699 : memref<1000000x32xf32, #tpu.memory_space<hbm>>) target(%dma_start3A_693 : memref<128x32xf32, #tpu.memory_space<vmem>>) offsets(%dma_start3A_696 : memref<128xi32, #tpu.memory_space<vmem>>) semaphore(%arg20 : memref<!tpu.dma_semaphore, #tpu.memory_space<semaphore_mem>>)
      %lt3A_700 = arith.constant 15 : i32
      %lt3A_701 = arith.cmpi slt, %scan3A_298, %lt3A_700 : i32
      %convert_element_type3A_702 = arith.extui %lt3A_701 : i1 to i32
      %cond3A_703 = arith.constant 0 : i32
      %cond3A_704 = arith.cmpi ne, %convert_element_type3A_702, %cond3A_703 : i32
      scf.if %cond3A_704 {
        %add3A_928 = arith.constant 4 : i32
        %add3A_929 = arith.addi %add3A_502, %add3A_928 : i32
        %dma_start3A_930 = arith.constant 0 : i32
        %dma_start3A_931 = arith.constant 0 : i32
        %dma_start3A_932 = arith.constant 0 : i32
        %dma_start3A_933 = tpu.memref_slice %arg3[%dma_start3A_930, %add3A, %add3A_929, %dma_start3A_931, %dma_start3A_932] : memref<2x32x64x4x128xi32, #tpu.memory_space<hbm>> -> memref<1x1x1x4x128xi32, #tpu.memory_space<hbm>>
        %dma_start3A_934 = tpu.memref_squeeze %dma_start3A_933 : memref<1x1x1x4x128xi32, #tpu.memory_space<hbm>> -> memref<4x128xi32, #tpu.memory_space<hbm>>
        %dma_start3A_935 = arith.constant 0 : i32
        %dma_start3A_936 = arith.constant 0 : i32
        %dma_start3A_937 = tpu.memref_slice %arg3[%dma_start3A_930, %add3A, %add3A_929, %dma_start3A_935, %dma_start3A_936] : memref<2x32x64x4x128xi32, #tpu.memory_space<hbm>> -> memref<1x1x1x4x128xi32, #tpu.memory_space<hbm>>
        %dma_start3A_938 = tpu.memref_squeeze %dma_start3A_937 : memref<1x1x1x4x128xi32, #tpu.memory_space<hbm>> -> memref<4x128xi32, #tpu.memory_space<hbm>>
        tpu.enqueue_dma source(%dma_start3A_938 : memref<4x128xi32, #tpu.memory_space<hbm>>) target(%arg6 : memref<4x128xi32, #tpu.memory_space<vmem>>) target_semaphore(%arg22 : memref<!tpu.dma_semaphore, #tpu.memory_space<semaphore_mem>>)
        %dma_start3A_939 = arith.constant 1 : i32
        %dma_start3A_940 = arith.constant 0 : i32
        %dma_start3A_941 = arith.constant 0 : i32
        %dma_start3A_942 = tpu.memref_slice %arg3[%dma_start3A_939, %add3A, %add3A_929, %dma_start3A_940, %dma_start3A_941] : memref<2x32x64x4x128xi32, #tpu.memory_space<hbm>> -> memref<1x1x1x4x128xi32, #tpu.memory_space<hbm>>
        %dma_start3A_943 = tpu.memref_squeeze %dma_start3A_942 : memref<1x1x1x4x128xi32, #tpu.memory_space<hbm>> -> memref<4x128xi32, #tpu.memory_space<hbm>>
        %dma_start3A_944 = arith.constant 0 : i32
        %dma_start3A_945 = arith.constant 0 : i32
        %dma_start3A_946 = tpu.memref_slice %arg3[%dma_start3A_939, %add3A, %add3A_929, %dma_start3A_944, %dma_start3A_945] : memref<2x32x64x4x128xi32, #tpu.memory_space<hbm>> -> memref<1x1x1x4x128xi32, #tpu.memory_space<hbm>>
        %dma_start3A_947 = tpu.memref_squeeze %dma_start3A_946 : memref<1x1x1x4x128xi32, #tpu.memory_space<hbm>> -> memref<4x128xi32, #tpu.memory_space<hbm>>
        tpu.enqueue_dma source(%dma_start3A_947 : memref<4x128xi32, #tpu.memory_space<hbm>>) target(%arg10 : memref<4x128xi32, #tpu.memory_space<vmem>>) target_semaphore(%arg22 : memref<!tpu.dma_semaphore, #tpu.memory_space<semaphore_mem>>)
      } else {
      }
      %add3A_705 = arith.constant 2 : i32
      %add3A_706 = arith.addi %mul3A_300, %add3A_705 : i32
      %dma_wait3A_707 = arith.constant 0 : i32
      %dma_wait3A_708 = arith.constant 0 : i32
      %dma_wait3A_709 = arith.constant 0 : i32
      %dma_wait3A_710 = tpu.memref_slice %arg13[%dma_wait3A_708, %dma_wait3A_709] : memref<512x32xf32, #tpu.memory_space<vmem>> -> memref<128x32xf32, #tpu.memory_space<vmem>>
      %dma_wait3A_711 = arith.constant 0 : i32
      %dma_wait3A_712 = tpu.memref_slice %arg7[%dma_wait3A_707, %dma_wait3A_711] : memref<4x128xi32, #tpu.memory_space<vmem>> -> memref<1x128xi32, #tpu.memory_space<vmem>>
      %dma_wait3A_713 = tpu.memref_squeeze %dma_wait3A_712 : memref<1x128xi32, #tpu.memory_space<vmem>> -> memref<128xi32, #tpu.memory_space<vmem>>
      %dma_wait3A_714 = arith.constant 0 : i32
      %dma_wait3A_715 = arith.constant 0 : i32
      %dma_wait3A_716 = tpu.memref_slice %arg2[%dma_wait3A_714, %dma_wait3A_715] : memref<1000000x32xf32, #tpu.memory_space<hbm>> -> memref<1000000x32xf32, #tpu.memory_space<hbm>>
      tpu.wait_indirect_dma semaphore(%arg19 : memref<!tpu.dma_semaphore, #tpu.memory_space<semaphore_mem>>) src(%dma_wait3A_716 : memref<1000000x32xf32, #tpu.memory_space<hbm>>) dst(%dma_wait3A_710 : memref<128x32xf32, #tpu.memory_space<vmem>>)
      %dma_wait3A_717 = arith.constant 0 : i32
      %dma_wait3A_718 = arith.constant 0 : i32
      %dma_wait3A_719 = arith.constant 0 : i32
      %dma_wait3A_720 = tpu.memref_slice %arg15[%dma_wait3A_718, %dma_wait3A_719] : memref<512x32xf32, #tpu.memory_space<vmem>> -> memref<128x32xf32, #tpu.memory_space<vmem>>
      %dma_wait3A_721 = arith.constant 0 : i32
      %dma_wait3A_722 = tpu.memref_slice %arg11[%dma_wait3A_717, %dma_wait3A_721] : memref<4x128xi32, #tpu.memory_space<vmem>> -> memref<1x128xi32, #tpu.memory_space<vmem>>
      %dma_wait3A_723 = tpu.memref_squeeze %dma_wait3A_722 : memref<1x128xi32, #tpu.memory_space<vmem>> -> memref<128xi32, #tpu.memory_space<vmem>>
      %dma_wait3A_724 = arith.constant 0 : i32
      %dma_wait3A_725 = arith.constant 0 : i32
      %dma_wait3A_726 = tpu.memref_slice %arg2[%dma_wait3A_724, %dma_wait3A_725] : memref<1000000x32xf32, #tpu.memory_space<hbm>> -> memref<1000000x32xf32, #tpu.memory_space<hbm>>
      tpu.wait_indirect_dma semaphore(%arg19 : memref<!tpu.dma_semaphore, #tpu.memory_space<semaphore_mem>>) src(%dma_wait3A_726 : memref<1000000x32xf32, #tpu.memory_space<hbm>>) dst(%dma_wait3A_720 : memref<128x32xf32, #tpu.memory_space<vmem>>)
      %dma_wait3A_727 = arith.constant 1 : i32
      %dma_wait3A_728 = arith.constant 128 : i32
      %dma_wait3A_729 = arith.constant 0 : i32
      %dma_wait3A_730 = tpu.memref_slice %arg13[%dma_wait3A_728, %dma_wait3A_729] : memref<512x32xf32, #tpu.memory_space<vmem>> -> memref<128x32xf32, #tpu.memory_space<vmem>>
      %dma_wait3A_731 = arith.constant 0 : i32
      %dma_wait3A_732 = tpu.memref_slice %arg7[%dma_wait3A_727, %dma_wait3A_731] : memref<4x128xi32, #tpu.memory_space<vmem>> -> memref<1x128xi32, #tpu.memory_space<vmem>>
      %dma_wait3A_733 = tpu.memref_squeeze %dma_wait3A_732 : memref<1x128xi32, #tpu.memory_space<vmem>> -> memref<128xi32, #tpu.memory_space<vmem>>
      %dma_wait3A_734 = arith.constant 0 : i32
      %dma_wait3A_735 = arith.constant 0 : i32
      %dma_wait3A_736 = tpu.memref_slice %arg2[%dma_wait3A_734, %dma_wait3A_735] : memref<1000000x32xf32, #tpu.memory_space<hbm>> -> memref<1000000x32xf32, #tpu.memory_space<hbm>>
      tpu.wait_indirect_dma semaphore(%arg19 : memref<!tpu.dma_semaphore, #tpu.memory_space<semaphore_mem>>) src(%dma_wait3A_736 : memref<1000000x32xf32, #tpu.memory_space<hbm>>) dst(%dma_wait3A_730 : memref<128x32xf32, #tpu.memory_space<vmem>>)
      %dma_wait3A_737 = arith.constant 1 : i32
      %dma_wait3A_738 = arith.constant 128 : i32
      %dma_wait3A_739 = arith.constant 0 : i32
      %dma_wait3A_740 = tpu.memref_slice %arg15[%dma_wait3A_738, %dma_wait3A_739] : memref<512x32xf32, #tpu.memory_space<vmem>> -> memref<128x32xf32, #tpu.memory_space<vmem>>
      %dma_wait3A_741 = arith.constant 0 : i32
      %dma_wait3A_742 = tpu.memref_slice %arg11[%dma_wait3A_737, %dma_wait3A_741] : memref<4x128xi32, #tpu.memory_space<vmem>> -> memref<1x128xi32, #tpu.memory_space<vmem>>
      %dma_wait3A_743 = tpu.memref_squeeze %dma_wait3A_742 : memref<1x128xi32, #tpu.memory_space<vmem>> -> memref<128xi32, #tpu.memory_space<vmem>>
      %dma_wait3A_744 = arith.constant 0 : i32
      %dma_wait3A_745 = arith.constant 0 : i32
      %dma_wait3A_746 = tpu.memref_slice %arg2[%dma_wait3A_744, %dma_wait3A_745] : memref<1000000x32xf32, #tpu.memory_space<hbm>> -> memref<1000000x32xf32, #tpu.memory_space<hbm>>
      tpu.wait_indirect_dma semaphore(%arg19 : memref<!tpu.dma_semaphore, #tpu.memory_space<semaphore_mem>>) src(%dma_wait3A_746 : memref<1000000x32xf32, #tpu.memory_space<hbm>>) dst(%dma_wait3A_740 : memref<128x32xf32, #tpu.memory_space<vmem>>)
      %dma_wait3A_747 = arith.constant 2 : i32
      %dma_wait3A_748 = arith.constant 256 : i32
      %dma_wait3A_749 = arith.constant 0 : i32
      %dma_wait3A_750 = tpu.memref_slice %arg13[%dma_wait3A_748, %dma_wait3A_749] : memref<512x32xf32, #tpu.memory_space<vmem>> -> memref<128x32xf32, #tpu.memory_space<vmem>>
      %dma_wait3A_751 = arith.constant 0 : i32
      %dma_wait3A_752 = tpu.memref_slice %arg7[%dma_wait3A_747, %dma_wait3A_751] : memref<4x128xi32, #tpu.memory_space<vmem>> -> memref<1x128xi32, #tpu.memory_space<vmem>>
      %dma_wait3A_753 = tpu.memref_squeeze %dma_wait3A_752 : memref<1x128xi32, #tpu.memory_space<vmem>> -> memref<128xi32, #tpu.memory_space<vmem>>
      %dma_wait3A_754 = arith.constant 0 : i32
      %dma_wait3A_755 = arith.constant 0 : i32
      %dma_wait3A_756 = tpu.memref_slice %arg2[%dma_wait3A_754, %dma_wait3A_755] : memref<1000000x32xf32, #tpu.memory_space<hbm>> -> memref<1000000x32xf32, #tpu.memory_space<hbm>>
      tpu.wait_indirect_dma semaphore(%arg19 : memref<!tpu.dma_semaphore, #tpu.memory_space<semaphore_mem>>) src(%dma_wait3A_756 : memref<1000000x32xf32, #tpu.memory_space<hbm>>) dst(%dma_wait3A_750 : memref<128x32xf32, #tpu.memory_space<vmem>>)
      %dma_wait3A_757 = arith.constant 2 : i32
      %dma_wait3A_758 = arith.constant 256 : i32
      %dma_wait3A_759 = arith.constant 0 : i32
      %dma_wait3A_760 = tpu.memref_slice %arg15[%dma_wait3A_758, %dma_wait3A_759] : memref<512x32xf32, #tpu.memory_space<vmem>> -> memref<128x32xf32, #tpu.memory_space<vmem>>
      %dma_wait3A_761 = arith.constant 0 : i32
      %dma_wait3A_762 = tpu.memref_slice %arg11[%dma_wait3A_757, %dma_wait3A_761] : memref<4x128xi32, #tpu.memory_space<vmem>> -> memref<1x128xi32, #tpu.memory_space<vmem>>
      %dma_wait3A_763 = tpu.memref_squeeze %dma_wait3A_762 : memref<1x128xi32, #tpu.memory_space<vmem>> -> memref<128xi32, #tpu.memory_space<vmem>>
      %dma_wait3A_764 = arith.constant 0 : i32
      %dma_wait3A_765 = arith.constant 0 : i32
      %dma_wait3A_766 = tpu.memref_slice %arg2[%dma_wait3A_764, %dma_wait3A_765] : memref<1000000x32xf32, #tpu.memory_space<hbm>> -> memref<1000000x32xf32, #tpu.memory_space<hbm>>
      tpu.wait_indirect_dma semaphore(%arg19 : memref<!tpu.dma_semaphore, #tpu.memory_space<semaphore_mem>>) src(%dma_wait3A_766 : memref<1000000x32xf32, #tpu.memory_space<hbm>>) dst(%dma_wait3A_760 : memref<128x32xf32, #tpu.memory_space<vmem>>)
      %dma_wait3A_767 = arith.constant 3 : i32
      %dma_wait3A_768 = arith.constant 384 : i32
      %dma_wait3A_769 = arith.constant 0 : i32
      %dma_wait3A_770 = tpu.memref_slice %arg13[%dma_wait3A_768, %dma_wait3A_769] : memref<512x32xf32, #tpu.memory_space<vmem>> -> memref<128x32xf32, #tpu.memory_space<vmem>>
      %dma_wait3A_771 = arith.constant 0 : i32
      %dma_wait3A_772 = tpu.memref_slice %arg7[%dma_wait3A_767, %dma_wait3A_771] : memref<4x128xi32, #tpu.memory_space<vmem>> -> memref<1x128xi32, #tpu.memory_space<vmem>>
      %dma_wait3A_773 = tpu.memref_squeeze %dma_wait3A_772 : memref<1x128xi32, #tpu.memory_space<vmem>> -> memref<128xi32, #tpu.memory_space<vmem>>
      %dma_wait3A_774 = arith.constant 0 : i32
      %dma_wait3A_775 = arith.constant 0 : i32
      %dma_wait3A_776 = tpu.memref_slice %arg2[%dma_wait3A_774, %dma_wait3A_775] : memref<1000000x32xf32, #tpu.memory_space<hbm>> -> memref<1000000x32xf32, #tpu.memory_space<hbm>>
      tpu.wait_indirect_dma semaphore(%arg19 : memref<!tpu.dma_semaphore, #tpu.memory_space<semaphore_mem>>) src(%dma_wait3A_776 : memref<1000000x32xf32, #tpu.memory_space<hbm>>) dst(%dma_wait3A_770 : memref<128x32xf32, #tpu.memory_space<vmem>>)
      %dma_wait3A_777 = arith.constant 3 : i32
      %dma_wait3A_778 = arith.constant 384 : i32
      %dma_wait3A_779 = arith.constant 0 : i32
      %dma_wait3A_780 = tpu.memref_slice %arg15[%dma_wait3A_778, %dma_wait3A_779] : memref<512x32xf32, #tpu.memory_space<vmem>> -> memref<128x32xf32, #tpu.memory_space<vmem>>
      %dma_wait3A_781 = arith.constant 0 : i32
      %dma_wait3A_782 = tpu.memref_slice %arg11[%dma_wait3A_777, %dma_wait3A_781] : memref<4x128xi32, #tpu.memory_space<vmem>> -> memref<1x128xi32, #tpu.memory_space<vmem>>
      %dma_wait3A_783 = tpu.memref_squeeze %dma_wait3A_782 : memref<1x128xi32, #tpu.memory_space<vmem>> -> memref<128xi32, #tpu.memory_space<vmem>>
      %dma_wait3A_784 = arith.constant 0 : i32
      %dma_wait3A_785 = arith.constant 0 : i32
      %dma_wait3A_786 = tpu.memref_slice %arg2[%dma_wait3A_784, %dma_wait3A_785] : memref<1000000x32xf32, #tpu.memory_space<hbm>> -> memref<1000000x32xf32, #tpu.memory_space<hbm>>
      tpu.wait_indirect_dma semaphore(%arg19 : memref<!tpu.dma_semaphore, #tpu.memory_space<semaphore_mem>>) src(%dma_wait3A_786 : memref<1000000x32xf32, #tpu.memory_space<hbm>>) dst(%dma_wait3A_780 : memref<128x32xf32, #tpu.memory_space<vmem>>)
      %sub3A = arith.constant 2 : i32
      %sub3A_787 = arith.subi %add3A_706, %sub3A : i32
      %dma_wait3A_788 = arith.constant 0 : i32
      %dma_wait3A_789 = tpu.memref_slice %arg4[%add3A, %sub3A_787, %dma_wait3A_788] : memref<32x64x512xf32, #tpu.memory_space<hbm>> -> memref<1x1x512xf32, #tpu.memory_space<hbm>>
      %dma_wait3A_790 = tpu.memref_squeeze %dma_wait3A_789 : memref<1x1x512xf32, #tpu.memory_space<hbm>> -> memref<512xf32, #tpu.memory_space<hbm>>
      %dma_wait3A_791 = arith.constant 0 : i32
      %dma_wait3A_792 = tpu.memref_slice %arg4[%add3A, %sub3A_787, %dma_wait3A_791] : memref<32x64x512xf32, #tpu.memory_space<hbm>> -> memref<1x1x512xf32, #tpu.memory_space<hbm>>
      %dma_wait3A_793 = tpu.memref_squeeze %dma_wait3A_792 : memref<1x1x512xf32, #tpu.memory_space<hbm>> -> memref<512xf32, #tpu.memory_space<hbm>>
      tpu.wait_dma2 semaphore(%arg25 : memref<!tpu.dma_semaphore, #tpu.memory_space<semaphore_mem>>) src(%arg17 : memref<512xf32, #tpu.memory_space<vmem>>) dst(%dma_wait3A_793 : memref<512xf32, #tpu.memory_space<hbm>>)
      %scan3A_794 = arith.constant 0 : i32
      %scan3A_795 = arith.constant 0 : i32
      %scan3A_796 = arith.constant 32 : i32
      %scan3A_797 = arith.addi %scan3A_795, %scan3A_796 : i32
      %scan3A_798 = arith.constant 1 : i32
      scf.for %scan3A_928 = %scan3A_795 to %scan3A_797 step %scan3A_798  : i32 {
        %mul3A_929 = arith.constant 16 : i32
        %mul3A_930 = arith.muli %scan3A_928, %mul3A_929 : i32
        %add3A_931 = vector.broadcast %mul3A_930 : i32 to vector<16xi32>
        %add3A_932 = arith.addi %add3A_931, %iota3A : vector<16xi32>
        %broadcast_in_dim3A = arith.constant 0.000000e+00 : f32
        %broadcast_in_dim3A_933 = vector.broadcast %broadcast_in_dim3A : f32 to vector<16xf32>
        %add3A_934 = arith.constant 0 : i32
        %add3A_935 = vector.broadcast %add3A_934 : i32 to vector<16xi32>
        %add3A_936 = arith.addi %iota3A, %add3A_935 : vector<16xi32>
        %and3A = arith.constant 31 : i32
        %and3A_937 = vector.broadcast %and3A : i32 to vector<16xi32>
        %and3A_938 = arith.andi %add3A_936, %and3A_937 : vector<16xi32>
        %gather3A = tpu.vector_load_idx %arg13[%add3A_932, %and3A_938] : memref<512x32xf32, #tpu.memory_space<vmem>>[vector<16xi32>, vector<16xi32>], vector<16xf32>,
        %gather3A_939 = tpu.vector_load_idx %arg15[%add3A_932, %and3A_938] : memref<512x32xf32, #tpu.memory_space<vmem>>[vector<16xi32>, vector<16xi32>], vector<16xf32>,
        %mul3A_940 = arith.mulf %gather3A, %gather3A_939 : vector<16xf32>
        %add3A_941 = arith.addf %broadcast_in_dim3A_933, %mul3A_940 : vector<16xf32>
        %add3A_942 = arith.constant 1 : i32
        %add3A_943 = vector.broadcast %add3A_942 : i32 to vector<16xi32>
        %add3A_944 = arith.addi %iota3A, %add3A_943 : vector<16xi32>
        %and3A_945 = arith.constant 31 : i32
        %and3A_946 = vector.broadcast %and3A_945 : i32 to vector<16xi32>
        %and3A_947 = arith.andi %add3A_944, %and3A_946 : vector<16xi32>
        %gather3A_948 = tpu.vector_load_idx %arg13[%add3A_932, %and3A_947] : memref<512x32xf32, #tpu.memory_space<vmem>>[vector<16xi32>, vector<16xi32>], vector<16xf32>,
        %gather3A_949 = tpu.vector_load_idx %arg15[%add3A_932, %and3A_947] : memref<512x32xf32, #tpu.memory_space<vmem>>[vector<16xi32>, vector<16xi32>], vector<16xf32>,
        %mul3A_950 = arith.mulf %gather3A_948, %gather3A_949 : vector<16xf32>
        %add3A_951 = arith.addf %add3A_941, %mul3A_950 : vector<16xf32>
        %add3A_952 = arith.constant 2 : i32
        %add3A_953 = vector.broadcast %add3A_952 : i32 to vector<16xi32>
        %add3A_954 = arith.addi %iota3A, %add3A_953 : vector<16xi32>
        %and3A_955 = arith.constant 31 : i32
        %and3A_956 = vector.broadcast %and3A_955 : i32 to vector<16xi32>
        %and3A_957 = arith.andi %add3A_954, %and3A_956 : vector<16xi32>
        %gather3A_958 = tpu.vector_load_idx %arg13[%add3A_932, %and3A_957] : memref<512x32xf32, #tpu.memory_space<vmem>>[vector<16xi32>, vector<16xi32>], vector<16xf32>,
        %gather3A_959 = tpu.vector_load_idx %arg15[%add3A_932, %and3A_957] : memref<512x32xf32, #tpu.memory_space<vmem>>[vector<16xi32>, vector<16xi32>], vector<16xf32>,
        %mul3A_960 = arith.mulf %gather3A_958, %gather3A_959 : vector<16xf32>
        %add3A_961 = arith.addf %add3A_951, %mul3A_960 : vector<16xf32>
        %add3A_962 = arith.constant 3 : i32
        %add3A_963 = vector.broadcast %add3A_962 : i32 to vector<16xi32>
        %add3A_964 = arith.addi %iota3A, %add3A_963 : vector<16xi32>
        %and3A_965 = arith.constant 31 : i32
        %and3A_966 = vector.broadcast %and3A_965 : i32 to vector<16xi32>
        %and3A_967 = arith.andi %add3A_964, %and3A_966 : vector<16xi32>
        %gather3A_968 = tpu.vector_load_idx %arg13[%add3A_932, %and3A_967] : memref<512x32xf32, #tpu.memory_space<vmem>>[vector<16xi32>, vector<16xi32>], vector<16xf32>,
        %gather3A_969 = tpu.vector_load_idx %arg15[%add3A_932, %and3A_967] : memref<512x32xf32, #tpu.memory_space<vmem>>[vector<16xi32>, vector<16xi32>], vector<16xf32>,
        %mul3A_970 = arith.mulf %gather3A_968, %gather3A_969 : vector<16xf32>
        %add3A_971 = arith.addf %add3A_961, %mul3A_970 : vector<16xf32>
        %add3A_972 = arith.constant 4 : i32
        %add3A_973 = vector.broadcast %add3A_972 : i32 to vector<16xi32>
        %add3A_974 = arith.addi %iota3A, %add3A_973 : vector<16xi32>
        %and3A_975 = arith.constant 31 : i32
        %and3A_976 = vector.broadcast %and3A_975 : i32 to vector<16xi32>
        %and3A_977 = arith.andi %add3A_974, %and3A_976 : vector<16xi32>
        %gather3A_978 = tpu.vector_load_idx %arg13[%add3A_932, %and3A_977] : memref<512x32xf32, #tpu.memory_space<vmem>>[vector<16xi32>, vector<16xi32>], vector<16xf32>,
        %gather3A_979 = tpu.vector_load_idx %arg15[%add3A_932, %and3A_977] : memref<512x32xf32, #tpu.memory_space<vmem>>[vector<16xi32>, vector<16xi32>], vector<16xf32>,
        %mul3A_980 = arith.mulf %gather3A_978, %gather3A_979 : vector<16xf32>
        %add3A_981 = arith.addf %add3A_971, %mul3A_980 : vector<16xf32>
        %add3A_982 = arith.constant 5 : i32
        %add3A_983 = vector.broadcast %add3A_982 : i32 to vector<16xi32>
        %add3A_984 = arith.addi %iota3A, %add3A_983 : vector<16xi32>
        %and3A_985 = arith.constant 31 : i32
        %and3A_986 = vector.broadcast %and3A_985 : i32 to vector<16xi32>
        %and3A_987 = arith.andi %add3A_984, %and3A_986 : vector<16xi32>
        %gather3A_988 = tpu.vector_load_idx %arg13[%add3A_932, %and3A_987] : memref<512x32xf32, #tpu.memory_space<vmem>>[vector<16xi32>, vector<16xi32>], vector<16xf32>,
        %gather3A_989 = tpu.vector_load_idx %arg15[%add3A_932, %and3A_987] : memref<512x32xf32, #tpu.memory_space<vmem>>[vector<16xi32>, vector<16xi32>], vector<16xf32>,
        %mul3A_990 = arith.mulf %gather3A_988, %gather3A_989 : vector<16xf32>
        %add3A_991 = arith.addf %add3A_981, %mul3A_990 : vector<16xf32>
        %add3A_992 = arith.constant 6 : i32
        %add3A_993 = vector.broadcast %add3A_992 : i32 to vector<16xi32>
        %add3A_994 = arith.addi %iota3A, %add3A_993 : vector<16xi32>
        %and3A_995 = arith.constant 31 : i32
        %and3A_996 = vector.broadcast %and3A_995 : i32 to vector<16xi32>
        %and3A_997 = arith.andi %add3A_994, %and3A_996 : vector<16xi32>
        %gather3A_998 = tpu.vector_load_idx %arg13[%add3A_932, %and3A_997] : memref<512x32xf32, #tpu.memory_space<vmem>>[vector<16xi32>, vector<16xi32>], vector<16xf32>,
        %gather3A_999 = tpu.vector_load_idx %arg15[%add3A_932, %and3A_997] : memref<512x32xf32, #tpu.memory_space<vmem>>[vector<16xi32>, vector<16xi32>], vector<16xf32>,
        %mul3A_1000 = arith.mulf %gather3A_998, %gather3A_999 : vector<16xf32>
        %add3A_1001 = arith.addf %add3A_991, %mul3A_1000 : vector<16xf32>
        %add3A_1002 = arith.constant 7 : i32
        %add3A_1003 = vector.broadcast %add3A_1002 : i32 to vector<16xi32>
        %add3A_1004 = arith.addi %iota3A, %add3A_1003 : vector<16xi32>
        %and3A_1005 = arith.constant 31 : i32
        %and3A_1006 = vector.broadcast %and3A_1005 : i32 to vector<16xi32>
        %and3A_1007 = arith.andi %add3A_1004, %and3A_1006 : vector<16xi32>
        %gather3A_1008 = tpu.vector_load_idx %arg13[%add3A_932, %and3A_1007] : memref<512x32xf32, #tpu.memory_space<vmem>>[vector<16xi32>, vector<16xi32>], vector<16xf32>,
        %gather3A_1009 = tpu.vector_load_idx %arg15[%add3A_932, %and3A_1007] : memref<512x32xf32, #tpu.memory_space<vmem>>[vector<16xi32>, vector<16xi32>], vector<16xf32>,
        %mul3A_1010 = arith.mulf %gather3A_1008, %gather3A_1009 : vector<16xf32>
        %add3A_1011 = arith.addf %add3A_1001, %mul3A_1010 : vector<16xf32>
        %add3A_1012 = arith.constant 8 : i32
        %add3A_1013 = vector.broadcast %add3A_1012 : i32 to vector<16xi32>
        %add3A_1014 = arith.addi %iota3A, %add3A_1013 : vector<16xi32>
        %and3A_1015 = arith.constant 31 : i32
        %and3A_1016 = vector.broadcast %and3A_1015 : i32 to vector<16xi32>
        %and3A_1017 = arith.andi %add3A_1014, %and3A_1016 : vector<16xi32>
        %gather3A_1018 = tpu.vector_load_idx %arg13[%add3A_932, %and3A_1017] : memref<512x32xf32, #tpu.memory_space<vmem>>[vector<16xi32>, vector<16xi32>], vector<16xf32>,
        %gather3A_1019 = tpu.vector_load_idx %arg15[%add3A_932, %and3A_1017] : memref<512x32xf32, #tpu.memory_space<vmem>>[vector<16xi32>, vector<16xi32>], vector<16xf32>,
        %mul3A_1020 = arith.mulf %gather3A_1018, %gather3A_1019 : vector<16xf32>
        %add3A_1021 = arith.addf %add3A_1011, %mul3A_1020 : vector<16xf32>
        %add3A_1022 = arith.constant 9 : i32
        %add3A_1023 = vector.broadcast %add3A_1022 : i32 to vector<16xi32>
        %add3A_1024 = arith.addi %iota3A, %add3A_1023 : vector<16xi32>
        %and3A_1025 = arith.constant 31 : i32
        %and3A_1026 = vector.broadcast %and3A_1025 : i32 to vector<16xi32>
        %and3A_1027 = arith.andi %add3A_1024, %and3A_1026 : vector<16xi32>
        %gather3A_1028 = tpu.vector_load_idx %arg13[%add3A_932, %and3A_1027] : memref<512x32xf32, #tpu.memory_space<vmem>>[vector<16xi32>, vector<16xi32>], vector<16xf32>,
        %gather3A_1029 = tpu.vector_load_idx %arg15[%add3A_932, %and3A_1027] : memref<512x32xf32, #tpu.memory_space<vmem>>[vector<16xi32>, vector<16xi32>], vector<16xf32>,
        %mul3A_1030 = arith.mulf %gather3A_1028, %gather3A_1029 : vector<16xf32>
        %add3A_1031 = arith.addf %add3A_1021, %mul3A_1030 : vector<16xf32>
        %add3A_1032 = arith.constant 10 : i32
        %add3A_1033 = vector.broadcast %add3A_1032 : i32 to vector<16xi32>
        %add3A_1034 = arith.addi %iota3A, %add3A_1033 : vector<16xi32>
        %and3A_1035 = arith.constant 31 : i32
        %and3A_1036 = vector.broadcast %and3A_1035 : i32 to vector<16xi32>
        %and3A_1037 = arith.andi %add3A_1034, %and3A_1036 : vector<16xi32>
        %gather3A_1038 = tpu.vector_load_idx %arg13[%add3A_932, %and3A_1037] : memref<512x32xf32, #tpu.memory_space<vmem>>[vector<16xi32>, vector<16xi32>], vector<16xf32>,
        %gather3A_1039 = tpu.vector_load_idx %arg15[%add3A_932, %and3A_1037] : memref<512x32xf32, #tpu.memory_space<vmem>>[vector<16xi32>, vector<16xi32>], vector<16xf32>,
        %mul3A_1040 = arith.mulf %gather3A_1038, %gather3A_1039 : vector<16xf32>
        %add3A_1041 = arith.addf %add3A_1031, %mul3A_1040 : vector<16xf32>
        %add3A_1042 = arith.constant 11 : i32
        %add3A_1043 = vector.broadcast %add3A_1042 : i32 to vector<16xi32>
        %add3A_1044 = arith.addi %iota3A, %add3A_1043 : vector<16xi32>
        %and3A_1045 = arith.constant 31 : i32
        %and3A_1046 = vector.broadcast %and3A_1045 : i32 to vector<16xi32>
        %and3A_1047 = arith.andi %add3A_1044, %and3A_1046 : vector<16xi32>
        %gather3A_1048 = tpu.vector_load_idx %arg13[%add3A_932, %and3A_1047] : memref<512x32xf32, #tpu.memory_space<vmem>>[vector<16xi32>, vector<16xi32>], vector<16xf32>,
        %gather3A_1049 = tpu.vector_load_idx %arg15[%add3A_932, %and3A_1047] : memref<512x32xf32, #tpu.memory_space<vmem>>[vector<16xi32>, vector<16xi32>], vector<16xf32>,
        %mul3A_1050 = arith.mulf %gather3A_1048, %gather3A_1049 : vector<16xf32>
        %add3A_1051 = arith.addf %add3A_1041, %mul3A_1050 : vector<16xf32>
        %add3A_1052 = arith.constant 12 : i32
        %add3A_1053 = vector.broadcast %add3A_1052 : i32 to vector<16xi32>
        %add3A_1054 = arith.addi %iota3A, %add3A_1053 : vector<16xi32>
        %and3A_1055 = arith.constant 31 : i32
        %and3A_1056 = vector.broadcast %and3A_1055 : i32 to vector<16xi32>
        %and3A_1057 = arith.andi %add3A_1054, %and3A_1056 : vector<16xi32>
        %gather3A_1058 = tpu.vector_load_idx %arg13[%add3A_932, %and3A_1057] : memref<512x32xf32, #tpu.memory_space<vmem>>[vector<16xi32>, vector<16xi32>], vector<16xf32>,
        %gather3A_1059 = tpu.vector_load_idx %arg15[%add3A_932, %and3A_1057] : memref<512x32xf32, #tpu.memory_space<vmem>>[vector<16xi32>, vector<16xi32>], vector<16xf32>,
        %mul3A_1060 = arith.mulf %gather3A_1058, %gather3A_1059 : vector<16xf32>
        %add3A_1061 = arith.addf %add3A_1051, %mul3A_1060 : vector<16xf32>
        %add3A_1062 = arith.constant 13 : i32
        %add3A_1063 = vector.broadcast %add3A_1062 : i32 to vector<16xi32>
        %add3A_1064 = arith.addi %iota3A, %add3A_1063 : vector<16xi32>
        %and3A_1065 = arith.constant 31 : i32
        %and3A_1066 = vector.broadcast %and3A_1065 : i32 to vector<16xi32>
        %and3A_1067 = arith.andi %add3A_1064, %and3A_1066 : vector<16xi32>
        %gather3A_1068 = tpu.vector_load_idx %arg13[%add3A_932, %and3A_1067] : memref<512x32xf32, #tpu.memory_space<vmem>>[vector<16xi32>, vector<16xi32>], vector<16xf32>,
        %gather3A_1069 = tpu.vector_load_idx %arg15[%add3A_932, %and3A_1067] : memref<512x32xf32, #tpu.memory_space<vmem>>[vector<16xi32>, vector<16xi32>], vector<16xf32>,
        %mul3A_1070 = arith.mulf %gather3A_1068, %gather3A_1069 : vector<16xf32>
        %add3A_1071 = arith.addf %add3A_1061, %mul3A_1070 : vector<16xf32>
        %add3A_1072 = arith.constant 14 : i32
        %add3A_1073 = vector.broadcast %add3A_1072 : i32 to vector<16xi32>
        %add3A_1074 = arith.addi %iota3A, %add3A_1073 : vector<16xi32>
        %and3A_1075 = arith.constant 31 : i32
        %and3A_1076 = vector.broadcast %and3A_1075 : i32 to vector<16xi32>
        %and3A_1077 = arith.andi %add3A_1074, %and3A_1076 : vector<16xi32>
        %gather3A_1078 = tpu.vector_load_idx %arg13[%add3A_932, %and3A_1077] : memref<512x32xf32, #tpu.memory_space<vmem>>[vector<16xi32>, vector<16xi32>], vector<16xf32>,
        %gather3A_1079 = tpu.vector_load_idx %arg15[%add3A_932, %and3A_1077] : memref<512x32xf32, #tpu.memory_space<vmem>>[vector<16xi32>, vector<16xi32>], vector<16xf32>,
        %mul3A_1080 = arith.mulf %gather3A_1078, %gather3A_1079 : vector<16xf32>
        %add3A_1081 = arith.addf %add3A_1071, %mul3A_1080 : vector<16xf32>
        %add3A_1082 = arith.constant 15 : i32
        %add3A_1083 = vector.broadcast %add3A_1082 : i32 to vector<16xi32>
        %add3A_1084 = arith.addi %iota3A, %add3A_1083 : vector<16xi32>
        %and3A_1085 = arith.constant 31 : i32
        %and3A_1086 = vector.broadcast %and3A_1085 : i32 to vector<16xi32>
        %and3A_1087 = arith.andi %add3A_1084, %and3A_1086 : vector<16xi32>
        %gather3A_1088 = tpu.vector_load_idx %arg13[%add3A_932, %and3A_1087] : memref<512x32xf32, #tpu.memory_space<vmem>>[vector<16xi32>, vector<16xi32>], vector<16xf32>,
        %gather3A_1089 = tpu.vector_load_idx %arg15[%add3A_932, %and3A_1087] : memref<512x32xf32, #tpu.memory_space<vmem>>[vector<16xi32>, vector<16xi32>], vector<16xf32>,
        %mul3A_1090 = arith.mulf %gather3A_1088, %gather3A_1089 : vector<16xf32>
        %add3A_1091 = arith.addf %add3A_1081, %mul3A_1090 : vector<16xf32>
        %add3A_1092 = arith.constant 16 : i32
        %add3A_1093 = vector.broadcast %add3A_1092 : i32 to vector<16xi32>
        %add3A_1094 = arith.addi %iota3A, %add3A_1093 : vector<16xi32>
        %and3A_1095 = arith.constant 31 : i32
        %and3A_1096 = vector.broadcast %and3A_1095 : i32 to vector<16xi32>
        %and3A_1097 = arith.andi %add3A_1094, %and3A_1096 : vector<16xi32>
        %gather3A_1098 = tpu.vector_load_idx %arg13[%add3A_932, %and3A_1097] : memref<512x32xf32, #tpu.memory_space<vmem>>[vector<16xi32>, vector<16xi32>], vector<16xf32>,
        %gather3A_1099 = tpu.vector_load_idx %arg15[%add3A_932, %and3A_1097] : memref<512x32xf32, #tpu.memory_space<vmem>>[vector<16xi32>, vector<16xi32>], vector<16xf32>,
        %mul3A_1100 = arith.mulf %gather3A_1098, %gather3A_1099 : vector<16xf32>
        %add3A_1101 = arith.addf %add3A_1091, %mul3A_1100 : vector<16xf32>
        %add3A_1102 = arith.constant 17 : i32
        %add3A_1103 = vector.broadcast %add3A_1102 : i32 to vector<16xi32>
        %add3A_1104 = arith.addi %iota3A, %add3A_1103 : vector<16xi32>
        %and3A_1105 = arith.constant 31 : i32
        %and3A_1106 = vector.broadcast %and3A_1105 : i32 to vector<16xi32>
        %and3A_1107 = arith.andi %add3A_1104, %and3A_1106 : vector<16xi32>
        %gather3A_1108 = tpu.vector_load_idx %arg13[%add3A_932, %and3A_1107] : memref<512x32xf32, #tpu.memory_space<vmem>>[vector<16xi32>, vector<16xi32>], vector<16xf32>,
        %gather3A_1109 = tpu.vector_load_idx %arg15[%add3A_932, %and3A_1107] : memref<512x32xf32, #tpu.memory_space<vmem>>[vector<16xi32>, vector<16xi32>], vector<16xf32>,
        %mul3A_1110 = arith.mulf %gather3A_1108, %gather3A_1109 : vector<16xf32>
        %add3A_1111 = arith.addf %add3A_1101, %mul3A_1110 : vector<16xf32>
        %add3A_1112 = arith.constant 18 : i32
        %add3A_1113 = vector.broadcast %add3A_1112 : i32 to vector<16xi32>
        %add3A_1114 = arith.addi %iota3A, %add3A_1113 : vector<16xi32>
        %and3A_1115 = arith.constant 31 : i32
        %and3A_1116 = vector.broadcast %and3A_1115 : i32 to vector<16xi32>
        %and3A_1117 = arith.andi %add3A_1114, %and3A_1116 : vector<16xi32>
        %gather3A_1118 = tpu.vector_load_idx %arg13[%add3A_932, %and3A_1117] : memref<512x32xf32, #tpu.memory_space<vmem>>[vector<16xi32>, vector<16xi32>], vector<16xf32>,
        %gather3A_1119 = tpu.vector_load_idx %arg15[%add3A_932, %and3A_1117] : memref<512x32xf32, #tpu.memory_space<vmem>>[vector<16xi32>, vector<16xi32>], vector<16xf32>,
        %mul3A_1120 = arith.mulf %gather3A_1118, %gather3A_1119 : vector<16xf32>
        %add3A_1121 = arith.addf %add3A_1111, %mul3A_1120 : vector<16xf32>
        %add3A_1122 = arith.constant 19 : i32
        %add3A_1123 = vector.broadcast %add3A_1122 : i32 to vector<16xi32>
        %add3A_1124 = arith.addi %iota3A, %add3A_1123 : vector<16xi32>
        %and3A_1125 = arith.constant 31 : i32
        %and3A_1126 = vector.broadcast %and3A_1125 : i32 to vector<16xi32>
        %and3A_1127 = arith.andi %add3A_1124, %and3A_1126 : vector<16xi32>
        %gather3A_1128 = tpu.vector_load_idx %arg13[%add3A_932, %and3A_1127] : memref<512x32xf32, #tpu.memory_space<vmem>>[vector<16xi32>, vector<16xi32>], vector<16xf32>,
        %gather3A_1129 = tpu.vector_load_idx %arg15[%add3A_932, %and3A_1127] : memref<512x32xf32, #tpu.memory_space<vmem>>[vector<16xi32>, vector<16xi32>], vector<16xf32>,
        %mul3A_1130 = arith.mulf %gather3A_1128, %gather3A_1129 : vector<16xf32>
        %add3A_1131 = arith.addf %add3A_1121, %mul3A_1130 : vector<16xf32>
        %add3A_1132 = arith.constant 20 : i32
        %add3A_1133 = vector.broadcast %add3A_1132 : i32 to vector<16xi32>
        %add3A_1134 = arith.addi %iota3A, %add3A_1133 : vector<16xi32>
        %and3A_1135 = arith.constant 31 : i32
        %and3A_1136 = vector.broadcast %and3A_1135 : i32 to vector<16xi32>
        %and3A_1137 = arith.andi %add3A_1134, %and3A_1136 : vector<16xi32>
        %gather3A_1138 = tpu.vector_load_idx %arg13[%add3A_932, %and3A_1137] : memref<512x32xf32, #tpu.memory_space<vmem>>[vector<16xi32>, vector<16xi32>], vector<16xf32>,
        %gather3A_1139 = tpu.vector_load_idx %arg15[%add3A_932, %and3A_1137] : memref<512x32xf32, #tpu.memory_space<vmem>>[vector<16xi32>, vector<16xi32>], vector<16xf32>,
        %mul3A_1140 = arith.mulf %gather3A_1138, %gather3A_1139 : vector<16xf32>
        %add3A_1141 = arith.addf %add3A_1131, %mul3A_1140 : vector<16xf32>
        %add3A_1142 = arith.constant 21 : i32
        %add3A_1143 = vector.broadcast %add3A_1142 : i32 to vector<16xi32>
        %add3A_1144 = arith.addi %iota3A, %add3A_1143 : vector<16xi32>
        %and3A_1145 = arith.constant 31 : i32
        %and3A_1146 = vector.broadcast %and3A_1145 : i32 to vector<16xi32>
        %and3A_1147 = arith.andi %add3A_1144, %and3A_1146 : vector<16xi32>
        %gather3A_1148 = tpu.vector_load_idx %arg13[%add3A_932, %and3A_1147] : memref<512x32xf32, #tpu.memory_space<vmem>>[vector<16xi32>, vector<16xi32>], vector<16xf32>,
        %gather3A_1149 = tpu.vector_load_idx %arg15[%add3A_932, %and3A_1147] : memref<512x32xf32, #tpu.memory_space<vmem>>[vector<16xi32>, vector<16xi32>], vector<16xf32>,
        %mul3A_1150 = arith.mulf %gather3A_1148, %gather3A_1149 : vector<16xf32>
        %add3A_1151 = arith.addf %add3A_1141, %mul3A_1150 : vector<16xf32>
        %add3A_1152 = arith.constant 22 : i32
        %add3A_1153 = vector.broadcast %add3A_1152 : i32 to vector<16xi32>
        %add3A_1154 = arith.addi %iota3A, %add3A_1153 : vector<16xi32>
        %and3A_1155 = arith.constant 31 : i32
        %and3A_1156 = vector.broadcast %and3A_1155 : i32 to vector<16xi32>
        %and3A_1157 = arith.andi %add3A_1154, %and3A_1156 : vector<16xi32>
        %gather3A_1158 = tpu.vector_load_idx %arg13[%add3A_932, %and3A_1157] : memref<512x32xf32, #tpu.memory_space<vmem>>[vector<16xi32>, vector<16xi32>], vector<16xf32>,
        %gather3A_1159 = tpu.vector_load_idx %arg15[%add3A_932, %and3A_1157] : memref<512x32xf32, #tpu.memory_space<vmem>>[vector<16xi32>, vector<16xi32>], vector<16xf32>,
        %mul3A_1160 = arith.mulf %gather3A_1158, %gather3A_1159 : vector<16xf32>
        %add3A_1161 = arith.addf %add3A_1151, %mul3A_1160 : vector<16xf32>
        %add3A_1162 = arith.constant 23 : i32
        %add3A_1163 = vector.broadcast %add3A_1162 : i32 to vector<16xi32>
        %add3A_1164 = arith.addi %iota3A, %add3A_1163 : vector<16xi32>
        %and3A_1165 = arith.constant 31 : i32
        %and3A_1166 = vector.broadcast %and3A_1165 : i32 to vector<16xi32>
        %and3A_1167 = arith.andi %add3A_1164, %and3A_1166 : vector<16xi32>
        %gather3A_1168 = tpu.vector_load_idx %arg13[%add3A_932, %and3A_1167] : memref<512x32xf32, #tpu.memory_space<vmem>>[vector<16xi32>, vector<16xi32>], vector<16xf32>,
        %gather3A_1169 = tpu.vector_load_idx %arg15[%add3A_932, %and3A_1167] : memref<512x32xf32, #tpu.memory_space<vmem>>[vector<16xi32>, vector<16xi32>], vector<16xf32>,
        %mul3A_1170 = arith.mulf %gather3A_1168, %gather3A_1169 : vector<16xf32>
        %add3A_1171 = arith.addf %add3A_1161, %mul3A_1170 : vector<16xf32>
        %add3A_1172 = arith.constant 24 : i32
        %add3A_1173 = vector.broadcast %add3A_1172 : i32 to vector<16xi32>
        %add3A_1174 = arith.addi %iota3A, %add3A_1173 : vector<16xi32>
        %and3A_1175 = arith.constant 31 : i32
        %and3A_1176 = vector.broadcast %and3A_1175 : i32 to vector<16xi32>
        %and3A_1177 = arith.andi %add3A_1174, %and3A_1176 : vector<16xi32>
        %gather3A_1178 = tpu.vector_load_idx %arg13[%add3A_932, %and3A_1177] : memref<512x32xf32, #tpu.memory_space<vmem>>[vector<16xi32>, vector<16xi32>], vector<16xf32>,
        %gather3A_1179 = tpu.vector_load_idx %arg15[%add3A_932, %and3A_1177] : memref<512x32xf32, #tpu.memory_space<vmem>>[vector<16xi32>, vector<16xi32>], vector<16xf32>,
        %mul3A_1180 = arith.mulf %gather3A_1178, %gather3A_1179 : vector<16xf32>
        %add3A_1181 = arith.addf %add3A_1171, %mul3A_1180 : vector<16xf32>
        %add3A_1182 = arith.constant 25 : i32
        %add3A_1183 = vector.broadcast %add3A_1182 : i32 to vector<16xi32>
        %add3A_1184 = arith.addi %iota3A, %add3A_1183 : vector<16xi32>
        %and3A_1185 = arith.constant 31 : i32
        %and3A_1186 = vector.broadcast %and3A_1185 : i32 to vector<16xi32>
        %and3A_1187 = arith.andi %add3A_1184, %and3A_1186 : vector<16xi32>
        %gather3A_1188 = tpu.vector_load_idx %arg13[%add3A_932, %and3A_1187] : memref<512x32xf32, #tpu.memory_space<vmem>>[vector<16xi32>, vector<16xi32>], vector<16xf32>,
        %gather3A_1189 = tpu.vector_load_idx %arg15[%add3A_932, %and3A_1187] : memref<512x32xf32, #tpu.memory_space<vmem>>[vector<16xi32>, vector<16xi32>], vector<16xf32>,
        %mul3A_1190 = arith.mulf %gather3A_1188, %gather3A_1189 : vector<16xf32>
        %add3A_1191 = arith.addf %add3A_1181, %mul3A_1190 : vector<16xf32>
        %add3A_1192 = arith.constant 26 : i32
        %add3A_1193 = vector.broadcast %add3A_1192 : i32 to vector<16xi32>
        %add3A_1194 = arith.addi %iota3A, %add3A_1193 : vector<16xi32>
        %and3A_1195 = arith.constant 31 : i32
        %and3A_1196 = vector.broadcast %and3A_1195 : i32 to vector<16xi32>
        %and3A_1197 = arith.andi %add3A_1194, %and3A_1196 : vector<16xi32>
        %gather3A_1198 = tpu.vector_load_idx %arg13[%add3A_932, %and3A_1197] : memref<512x32xf32, #tpu.memory_space<vmem>>[vector<16xi32>, vector<16xi32>], vector<16xf32>,
        %gather3A_1199 = tpu.vector_load_idx %arg15[%add3A_932, %and3A_1197] : memref<512x32xf32, #tpu.memory_space<vmem>>[vector<16xi32>, vector<16xi32>], vector<16xf32>,
        %mul3A_1200 = arith.mulf %gather3A_1198, %gather3A_1199 : vector<16xf32>
        %add3A_1201 = arith.addf %add3A_1191, %mul3A_1200 : vector<16xf32>
        %add3A_1202 = arith.constant 27 : i32
        %add3A_1203 = vector.broadcast %add3A_1202 : i32 to vector<16xi32>
        %add3A_1204 = arith.addi %iota3A, %add3A_1203 : vector<16xi32>
        %and3A_1205 = arith.constant 31 : i32
        %and3A_1206 = vector.broadcast %and3A_1205 : i32 to vector<16xi32>
        %and3A_1207 = arith.andi %add3A_1204, %and3A_1206 : vector<16xi32>
        %gather3A_1208 = tpu.vector_load_idx %arg13[%add3A_932, %and3A_1207] : memref<512x32xf32, #tpu.memory_space<vmem>>[vector<16xi32>, vector<16xi32>], vector<16xf32>,
        %gather3A_1209 = tpu.vector_load_idx %arg15[%add3A_932, %and3A_1207] : memref<512x32xf32, #tpu.memory_space<vmem>>[vector<16xi32>, vector<16xi32>], vector<16xf32>,
        %mul3A_1210 = arith.mulf %gather3A_1208, %gather3A_1209 : vector<16xf32>
        %add3A_1211 = arith.addf %add3A_1201, %mul3A_1210 : vector<16xf32>
        %add3A_1212 = arith.constant 28 : i32
        %add3A_1213 = vector.broadcast %add3A_1212 : i32 to vector<16xi32>
        %add3A_1214 = arith.addi %iota3A, %add3A_1213 : vector<16xi32>
        %and3A_1215 = arith.constant 31 : i32
        %and3A_1216 = vector.broadcast %and3A_1215 : i32 to vector<16xi32>
        %and3A_1217 = arith.andi %add3A_1214, %and3A_1216 : vector<16xi32>
        %gather3A_1218 = tpu.vector_load_idx %arg13[%add3A_932, %and3A_1217] : memref<512x32xf32, #tpu.memory_space<vmem>>[vector<16xi32>, vector<16xi32>], vector<16xf32>,
        %gather3A_1219 = tpu.vector_load_idx %arg15[%add3A_932, %and3A_1217] : memref<512x32xf32, #tpu.memory_space<vmem>>[vector<16xi32>, vector<16xi32>], vector<16xf32>,
        %mul3A_1220 = arith.mulf %gather3A_1218, %gather3A_1219 : vector<16xf32>
        %add3A_1221 = arith.addf %add3A_1211, %mul3A_1220 : vector<16xf32>
        %add3A_1222 = arith.constant 29 : i32
        %add3A_1223 = vector.broadcast %add3A_1222 : i32 to vector<16xi32>
        %add3A_1224 = arith.addi %iota3A, %add3A_1223 : vector<16xi32>
        %and3A_1225 = arith.constant 31 : i32
        %and3A_1226 = vector.broadcast %and3A_1225 : i32 to vector<16xi32>
        %and3A_1227 = arith.andi %add3A_1224, %and3A_1226 : vector<16xi32>
        %gather3A_1228 = tpu.vector_load_idx %arg13[%add3A_932, %and3A_1227] : memref<512x32xf32, #tpu.memory_space<vmem>>[vector<16xi32>, vector<16xi32>], vector<16xf32>,
        %gather3A_1229 = tpu.vector_load_idx %arg15[%add3A_932, %and3A_1227] : memref<512x32xf32, #tpu.memory_space<vmem>>[vector<16xi32>, vector<16xi32>], vector<16xf32>,
        %mul3A_1230 = arith.mulf %gather3A_1228, %gather3A_1229 : vector<16xf32>
        %add3A_1231 = arith.addf %add3A_1221, %mul3A_1230 : vector<16xf32>
        %add3A_1232 = arith.constant 30 : i32
        %add3A_1233 = vector.broadcast %add3A_1232 : i32 to vector<16xi32>
        %add3A_1234 = arith.addi %iota3A, %add3A_1233 : vector<16xi32>
        %and3A_1235 = arith.constant 31 : i32
        %and3A_1236 = vector.broadcast %and3A_1235 : i32 to vector<16xi32>
        %and3A_1237 = arith.andi %add3A_1234, %and3A_1236 : vector<16xi32>
        %gather3A_1238 = tpu.vector_load_idx %arg13[%add3A_932, %and3A_1237] : memref<512x32xf32, #tpu.memory_space<vmem>>[vector<16xi32>, vector<16xi32>], vector<16xf32>,
        %gather3A_1239 = tpu.vector_load_idx %arg15[%add3A_932, %and3A_1237] : memref<512x32xf32, #tpu.memory_space<vmem>>[vector<16xi32>, vector<16xi32>], vector<16xf32>,
        %mul3A_1240 = arith.mulf %gather3A_1238, %gather3A_1239 : vector<16xf32>
        %add3A_1241 = arith.addf %add3A_1231, %mul3A_1240 : vector<16xf32>
        %add3A_1242 = arith.constant 31 : i32
        %add3A_1243 = vector.broadcast %add3A_1242 : i32 to vector<16xi32>
        %add3A_1244 = arith.addi %iota3A, %add3A_1243 : vector<16xi32>
        %and3A_1245 = arith.constant 31 : i32
        %and3A_1246 = vector.broadcast %and3A_1245 : i32 to vector<16xi32>
        %and3A_1247 = arith.andi %add3A_1244, %and3A_1246 : vector<16xi32>
        %gather3A_1248 = tpu.vector_load_idx %arg13[%add3A_932, %and3A_1247] : memref<512x32xf32, #tpu.memory_space<vmem>>[vector<16xi32>, vector<16xi32>], vector<16xf32>,
        %gather3A_1249 = tpu.vector_load_idx %arg15[%add3A_932, %and3A_1247] : memref<512x32xf32, #tpu.memory_space<vmem>>[vector<16xi32>, vector<16xi32>], vector<16xf32>,
        %mul3A_1250 = arith.mulf %gather3A_1248, %gather3A_1249 : vector<16xf32>
        %add3A_1251 = arith.addf %add3A_1241, %mul3A_1250 : vector<16xf32>
        %mul3A_1252 = arith.constant 16 : i32
        %mul3A_1253 = arith.muli %scan3A_928, %mul3A_1252 : i32
        %swap3A = arith.index_cast %mul3A_1253 : i32 to index
        %swap3A_1254 = tpu.vector_load %arg17[%swap3A] {strides = array<i32>} : memref<512xf32, #tpu.memory_space<vmem>>, vector<16xf32>,
        tpu.vector_store %arg17[%swap3A], %add3A_1251 {strides = array<i32>} : memref<512xf32, #tpu.memory_space<vmem>>, vector<16xf32>,
      }
      %scan3A_799 = arith.constant 32 : i32
      %dma_start3A_800 = arith.constant 0 : i32
      %dma_start3A_801 = tpu.memref_slice %arg4[%add3A, %add3A_706, %dma_start3A_800] : memref<32x64x512xf32, #tpu.memory_space<hbm>> -> memref<1x1x512xf32, #tpu.memory_space<hbm>>
      %dma_start3A_802 = tpu.memref_squeeze %dma_start3A_801 : memref<1x1x512xf32, #tpu.memory_space<hbm>> -> memref<512xf32, #tpu.memory_space<hbm>>
      %dma_start3A_803 = arith.constant 0 : i32
      %dma_start3A_804 = tpu.memref_slice %arg4[%add3A, %add3A_706, %dma_start3A_803] : memref<32x64x512xf32, #tpu.memory_space<hbm>> -> memref<1x1x512xf32, #tpu.memory_space<hbm>>
      %dma_start3A_805 = tpu.memref_squeeze %dma_start3A_804 : memref<1x1x512xf32, #tpu.memory_space<hbm>> -> memref<512xf32, #tpu.memory_space<hbm>>
      tpu.enqueue_dma source(%arg17 : memref<512xf32, #tpu.memory_space<vmem>>) target(%dma_start3A_805 : memref<512xf32, #tpu.memory_space<hbm>>) target_semaphore(%arg25 : memref<!tpu.dma_semaphore, #tpu.memory_space<semaphore_mem>>)
      %lt3A_806 = arith.constant 15 : i32
      %lt3A_807 = arith.cmpi slt, %scan3A_298, %lt3A_806 : i32
      %convert_element_type3A_808 = arith.extui %lt3A_807 : i1 to i32
      %cond3A_809 = arith.constant 0 : i32
      %cond3A_810 = arith.cmpi ne, %convert_element_type3A_808, %cond3A_809 : i32
      scf.if %cond3A_810 {
        %add3A_928 = arith.constant 2 : i32
        %add3A_929 = arith.addi %add3A_706, %add3A_928 : i32
        %dma_wait3A_930 = arith.constant 0 : i32
        %dma_wait3A_931 = arith.constant 0 : i32
        %dma_wait3A_932 = arith.constant 0 : i32
        %dma_wait3A_933 = tpu.memref_slice %arg3[%dma_wait3A_930, %add3A, %add3A_929, %dma_wait3A_931, %dma_wait3A_932] : memref<2x32x64x4x128xi32, #tpu.memory_space<hbm>> -> memref<1x1x1x4x128xi32, #tpu.memory_space<hbm>>
        %dma_wait3A_934 = tpu.memref_squeeze %dma_wait3A_933 : memref<1x1x1x4x128xi32, #tpu.memory_space<hbm>> -> memref<4x128xi32, #tpu.memory_space<hbm>>
        %dma_wait3A_935 = arith.constant 0 : i32
        %dma_wait3A_936 = arith.constant 0 : i32
        %dma_wait3A_937 = tpu.memref_slice %arg3[%dma_wait3A_930, %add3A, %add3A_929, %dma_wait3A_935, %dma_wait3A_936] : memref<2x32x64x4x128xi32, #tpu.memory_space<hbm>> -> memref<1x1x1x4x128xi32, #tpu.memory_space<hbm>>
        %dma_wait3A_938 = tpu.memref_squeeze %dma_wait3A_937 : memref<1x1x1x4x128xi32, #tpu.memory_space<hbm>> -> memref<4x128xi32, #tpu.memory_space<hbm>>
        tpu.wait_dma2 semaphore(%arg21 : memref<!tpu.dma_semaphore, #tpu.memory_space<semaphore_mem>>) src(%dma_wait3A_938 : memref<4x128xi32, #tpu.memory_space<hbm>>) dst(%arg5 : memref<4x128xi32, #tpu.memory_space<vmem>>)
        %dma_wait3A_939 = arith.constant 1 : i32
        %dma_wait3A_940 = arith.constant 0 : i32
        %dma_wait3A_941 = arith.constant 0 : i32
        %dma_wait3A_942 = tpu.memref_slice %arg3[%dma_wait3A_939, %add3A, %add3A_929, %dma_wait3A_940, %dma_wait3A_941] : memref<2x32x64x4x128xi32, #tpu.memory_space<hbm>> -> memref<1x1x1x4x128xi32, #tpu.memory_space<hbm>>
        %dma_wait3A_943 = tpu.memref_squeeze %dma_wait3A_942 : memref<1x1x1x4x128xi32, #tpu.memory_space<hbm>> -> memref<4x128xi32, #tpu.memory_space<hbm>>
        %dma_wait3A_944 = arith.constant 0 : i32
        %dma_wait3A_945 = arith.constant 0 : i32
        %dma_wait3A_946 = tpu.memref_slice %arg3[%dma_wait3A_939, %add3A, %add3A_929, %dma_wait3A_944, %dma_wait3A_945] : memref<2x32x64x4x128xi32, #tpu.memory_space<hbm>> -> memref<1x1x1x4x128xi32, #tpu.memory_space<hbm>>
        %dma_wait3A_947 = tpu.memref_squeeze %dma_wait3A_946 : memref<1x1x1x4x128xi32, #tpu.memory_space<hbm>> -> memref<4x128xi32, #tpu.memory_space<hbm>>
        tpu.wait_dma2 semaphore(%arg21 : memref<!tpu.dma_semaphore, #tpu.memory_space<semaphore_mem>>) src(%dma_wait3A_947 : memref<4x128xi32, #tpu.memory_space<hbm>>) dst(%arg9 : memref<4x128xi32, #tpu.memory_space<vmem>>)
        %dma_start3A_948 = arith.constant 0 : i32
        %dma_start3A_949 = arith.constant 0 : i32
        %dma_start3A_950 = arith.constant 0 : i32
        %dma_start3A_951 = tpu.memref_slice %arg13[%dma_start3A_949, %dma_start3A_950] : memref<512x32xf32, #tpu.memory_space<vmem>> -> memref<128x32xf32, #tpu.memory_space<vmem>>
        %dma_start3A_952 = arith.constant 0 : i32
        %dma_start3A_953 = tpu.memref_slice %arg5[%dma_start3A_948, %dma_start3A_952] : memref<4x128xi32, #tpu.memory_space<vmem>> -> memref<1x128xi32, #tpu.memory_space<vmem>>
        %dma_start3A_954 = tpu.memref_squeeze %dma_start3A_953 : memref<1x128xi32, #tpu.memory_space<vmem>> -> memref<128xi32, #tpu.memory_space<vmem>>
        %dma_start3A_955 = arith.constant 0 : i32
        %dma_start3A_956 = arith.constant 0 : i32
        %dma_start3A_957 = tpu.memref_slice %arg2[%dma_start3A_955, %dma_start3A_956] : memref<1000000x32xf32, #tpu.memory_space<hbm>> -> memref<1000000x32xf32, #tpu.memory_space<hbm>>
        tpu.enqueue_indirect_dma source(%dma_start3A_957 : memref<1000000x32xf32, #tpu.memory_space<hbm>>) target(%dma_start3A_951 : memref<128x32xf32, #tpu.memory_space<vmem>>) offsets(%dma_start3A_954 : memref<128xi32, #tpu.memory_space<vmem>>) semaphore(%arg19 : memref<!tpu.dma_semaphore, #tpu.memory_space<semaphore_mem>>)
        %dma_start3A_958 = arith.constant 0 : i32
        %dma_start3A_959 = arith.constant 0 : i32
        %dma_start3A_960 = arith.constant 0 : i32
        %dma_start3A_961 = tpu.memref_slice %arg15[%dma_start3A_959, %dma_start3A_960] : memref<512x32xf32, #tpu.memory_space<vmem>> -> memref<128x32xf32, #tpu.memory_space<vmem>>
        %dma_start3A_962 = arith.constant 0 : i32
        %dma_start3A_963 = tpu.memref_slice %arg9[%dma_start3A_958, %dma_start3A_962] : memref<4x128xi32, #tpu.memory_space<vmem>> -> memref<1x128xi32, #tpu.memory_space<vmem>>
        %dma_start3A_964 = tpu.memref_squeeze %dma_start3A_963 : memref<1x128xi32, #tpu.memory_space<vmem>> -> memref<128xi32, #tpu.memory_space<vmem>>
        %dma_start3A_965 = arith.constant 0 : i32
        %dma_start3A_966 = arith.constant 0 : i32
        %dma_start3A_967 = tpu.memref_slice %arg2[%dma_start3A_965, %dma_start3A_966] : memref<1000000x32xf32, #tpu.memory_space<hbm>> -> memref<1000000x32xf32, #tpu.memory_space<hbm>>
        tpu.enqueue_indirect_dma source(%dma_start3A_967 : memref<1000000x32xf32, #tpu.memory_space<hbm>>) target(%dma_start3A_961 : memref<128x32xf32, #tpu.memory_space<vmem>>) offsets(%dma_start3A_964 : memref<128xi32, #tpu.memory_space<vmem>>) semaphore(%arg19 : memref<!tpu.dma_semaphore, #tpu.memory_space<semaphore_mem>>)
        %dma_start3A_968 = arith.constant 1 : i32
        %dma_start3A_969 = arith.constant 128 : i32
        %dma_start3A_970 = arith.constant 0 : i32
        %dma_start3A_971 = tpu.memref_slice %arg13[%dma_start3A_969, %dma_start3A_970] : memref<512x32xf32, #tpu.memory_space<vmem>> -> memref<128x32xf32, #tpu.memory_space<vmem>>
        %dma_start3A_972 = arith.constant 0 : i32
        %dma_start3A_973 = tpu.memref_slice %arg5[%dma_start3A_968, %dma_start3A_972] : memref<4x128xi32, #tpu.memory_space<vmem>> -> memref<1x128xi32, #tpu.memory_space<vmem>>
        %dma_start3A_974 = tpu.memref_squeeze %dma_start3A_973 : memref<1x128xi32, #tpu.memory_space<vmem>> -> memref<128xi32, #tpu.memory_space<vmem>>
        %dma_start3A_975 = arith.constant 0 : i32
        %dma_start3A_976 = arith.constant 0 : i32
        %dma_start3A_977 = tpu.memref_slice %arg2[%dma_start3A_975, %dma_start3A_976] : memref<1000000x32xf32, #tpu.memory_space<hbm>> -> memref<1000000x32xf32, #tpu.memory_space<hbm>>
        tpu.enqueue_indirect_dma source(%dma_start3A_977 : memref<1000000x32xf32, #tpu.memory_space<hbm>>) target(%dma_start3A_971 : memref<128x32xf32, #tpu.memory_space<vmem>>) offsets(%dma_start3A_974 : memref<128xi32, #tpu.memory_space<vmem>>) semaphore(%arg19 : memref<!tpu.dma_semaphore, #tpu.memory_space<semaphore_mem>>)
        %dma_start3A_978 = arith.constant 1 : i32
        %dma_start3A_979 = arith.constant 128 : i32
        %dma_start3A_980 = arith.constant 0 : i32
        %dma_start3A_981 = tpu.memref_slice %arg15[%dma_start3A_979, %dma_start3A_980] : memref<512x32xf32, #tpu.memory_space<vmem>> -> memref<128x32xf32, #tpu.memory_space<vmem>>
        %dma_start3A_982 = arith.constant 0 : i32
        %dma_start3A_983 = tpu.memref_slice %arg9[%dma_start3A_978, %dma_start3A_982] : memref<4x128xi32, #tpu.memory_space<vmem>> -> memref<1x128xi32, #tpu.memory_space<vmem>>
        %dma_start3A_984 = tpu.memref_squeeze %dma_start3A_983 : memref<1x128xi32, #tpu.memory_space<vmem>> -> memref<128xi32, #tpu.memory_space<vmem>>
        %dma_start3A_985 = arith.constant 0 : i32
        %dma_start3A_986 = arith.constant 0 : i32
        %dma_start3A_987 = tpu.memref_slice %arg2[%dma_start3A_985, %dma_start3A_986] : memref<1000000x32xf32, #tpu.memory_space<hbm>> -> memref<1000000x32xf32, #tpu.memory_space<hbm>>
        tpu.enqueue_indirect_dma source(%dma_start3A_987 : memref<1000000x32xf32, #tpu.memory_space<hbm>>) target(%dma_start3A_981 : memref<128x32xf32, #tpu.memory_space<vmem>>) offsets(%dma_start3A_984 : memref<128xi32, #tpu.memory_space<vmem>>) semaphore(%arg19 : memref<!tpu.dma_semaphore, #tpu.memory_space<semaphore_mem>>)
        %dma_start3A_988 = arith.constant 2 : i32
        %dma_start3A_989 = arith.constant 256 : i32
        %dma_start3A_990 = arith.constant 0 : i32
        %dma_start3A_991 = tpu.memref_slice %arg13[%dma_start3A_989, %dma_start3A_990] : memref<512x32xf32, #tpu.memory_space<vmem>> -> memref<128x32xf32, #tpu.memory_space<vmem>>
        %dma_start3A_992 = arith.constant 0 : i32
        %dma_start3A_993 = tpu.memref_slice %arg5[%dma_start3A_988, %dma_start3A_992] : memref<4x128xi32, #tpu.memory_space<vmem>> -> memref<1x128xi32, #tpu.memory_space<vmem>>
        %dma_start3A_994 = tpu.memref_squeeze %dma_start3A_993 : memref<1x128xi32, #tpu.memory_space<vmem>> -> memref<128xi32, #tpu.memory_space<vmem>>
        %dma_start3A_995 = arith.constant 0 : i32
        %dma_start3A_996 = arith.constant 0 : i32
        %dma_start3A_997 = tpu.memref_slice %arg2[%dma_start3A_995, %dma_start3A_996] : memref<1000000x32xf32, #tpu.memory_space<hbm>> -> memref<1000000x32xf32, #tpu.memory_space<hbm>>
        tpu.enqueue_indirect_dma source(%dma_start3A_997 : memref<1000000x32xf32, #tpu.memory_space<hbm>>) target(%dma_start3A_991 : memref<128x32xf32, #tpu.memory_space<vmem>>) offsets(%dma_start3A_994 : memref<128xi32, #tpu.memory_space<vmem>>) semaphore(%arg19 : memref<!tpu.dma_semaphore, #tpu.memory_space<semaphore_mem>>)
        %dma_start3A_998 = arith.constant 2 : i32
        %dma_start3A_999 = arith.constant 256 : i32
        %dma_start3A_1000 = arith.constant 0 : i32
        %dma_start3A_1001 = tpu.memref_slice %arg15[%dma_start3A_999, %dma_start3A_1000] : memref<512x32xf32, #tpu.memory_space<vmem>> -> memref<128x32xf32, #tpu.memory_space<vmem>>
        %dma_start3A_1002 = arith.constant 0 : i32
        %dma_start3A_1003 = tpu.memref_slice %arg9[%dma_start3A_998, %dma_start3A_1002] : memref<4x128xi32, #tpu.memory_space<vmem>> -> memref<1x128xi32, #tpu.memory_space<vmem>>
        %dma_start3A_1004 = tpu.memref_squeeze %dma_start3A_1003 : memref<1x128xi32, #tpu.memory_space<vmem>> -> memref<128xi32, #tpu.memory_space<vmem>>
        %dma_start3A_1005 = arith.constant 0 : i32
        %dma_start3A_1006 = arith.constant 0 : i32
        %dma_start3A_1007 = tpu.memref_slice %arg2[%dma_start3A_1005, %dma_start3A_1006] : memref<1000000x32xf32, #tpu.memory_space<hbm>> -> memref<1000000x32xf32, #tpu.memory_space<hbm>>
        tpu.enqueue_indirect_dma source(%dma_start3A_1007 : memref<1000000x32xf32, #tpu.memory_space<hbm>>) target(%dma_start3A_1001 : memref<128x32xf32, #tpu.memory_space<vmem>>) offsets(%dma_start3A_1004 : memref<128xi32, #tpu.memory_space<vmem>>) semaphore(%arg19 : memref<!tpu.dma_semaphore, #tpu.memory_space<semaphore_mem>>)
        %dma_start3A_1008 = arith.constant 3 : i32
        %dma_start3A_1009 = arith.constant 384 : i32
        %dma_start3A_1010 = arith.constant 0 : i32
        %dma_start3A_1011 = tpu.memref_slice %arg13[%dma_start3A_1009, %dma_start3A_1010] : memref<512x32xf32, #tpu.memory_space<vmem>> -> memref<128x32xf32, #tpu.memory_space<vmem>>
        %dma_start3A_1012 = arith.constant 0 : i32
        %dma_start3A_1013 = tpu.memref_slice %arg5[%dma_start3A_1008, %dma_start3A_1012] : memref<4x128xi32, #tpu.memory_space<vmem>> -> memref<1x128xi32, #tpu.memory_space<vmem>>
        %dma_start3A_1014 = tpu.memref_squeeze %dma_start3A_1013 : memref<1x128xi32, #tpu.memory_space<vmem>> -> memref<128xi32, #tpu.memory_space<vmem>>
        %dma_start3A_1015 = arith.constant 0 : i32
        %dma_start3A_1016 = arith.constant 0 : i32
        %dma_start3A_1017 = tpu.memref_slice %arg2[%dma_start3A_1015, %dma_start3A_1016] : memref<1000000x32xf32, #tpu.memory_space<hbm>> -> memref<1000000x32xf32, #tpu.memory_space<hbm>>
        tpu.enqueue_indirect_dma source(%dma_start3A_1017 : memref<1000000x32xf32, #tpu.memory_space<hbm>>) target(%dma_start3A_1011 : memref<128x32xf32, #tpu.memory_space<vmem>>) offsets(%dma_start3A_1014 : memref<128xi32, #tpu.memory_space<vmem>>) semaphore(%arg19 : memref<!tpu.dma_semaphore, #tpu.memory_space<semaphore_mem>>)
        %dma_start3A_1018 = arith.constant 3 : i32
        %dma_start3A_1019 = arith.constant 384 : i32
        %dma_start3A_1020 = arith.constant 0 : i32
        %dma_start3A_1021 = tpu.memref_slice %arg15[%dma_start3A_1019, %dma_start3A_1020] : memref<512x32xf32, #tpu.memory_space<vmem>> -> memref<128x32xf32, #tpu.memory_space<vmem>>
        %dma_start3A_1022 = arith.constant 0 : i32
        %dma_start3A_1023 = tpu.memref_slice %arg9[%dma_start3A_1018, %dma_start3A_1022] : memref<4x128xi32, #tpu.memory_space<vmem>> -> memref<1x128xi32, #tpu.memory_space<vmem>>
        %dma_start3A_1024 = tpu.memref_squeeze %dma_start3A_1023 : memref<1x128xi32, #tpu.memory_space<vmem>> -> memref<128xi32, #tpu.memory_space<vmem>>
        %dma_start3A_1025 = arith.constant 0 : i32
        %dma_start3A_1026 = arith.constant 0 : i32
        %dma_start3A_1027 = tpu.memref_slice %arg2[%dma_start3A_1025, %dma_start3A_1026] : memref<1000000x32xf32, #tpu.memory_space<hbm>> -> memref<1000000x32xf32, #tpu.memory_space<hbm>>
        tpu.enqueue_indirect_dma source(%dma_start3A_1027 : memref<1000000x32xf32, #tpu.memory_space<hbm>>) target(%dma_start3A_1021 : memref<128x32xf32, #tpu.memory_space<vmem>>) offsets(%dma_start3A_1024 : memref<128xi32, #tpu.memory_space<vmem>>) semaphore(%arg19 : memref<!tpu.dma_semaphore, #tpu.memory_space<semaphore_mem>>)
      } else {
      }
      %lt3A_811 = arith.constant 15 : i32
      %lt3A_812 = arith.cmpi slt, %scan3A_298, %lt3A_811 : i32
      %convert_element_type3A_813 = arith.extui %lt3A_812 : i1 to i32
      %cond3A_814 = arith.constant 0 : i32
      %cond3A_815 = arith.cmpi ne, %convert_element_type3A_813, %cond3A_814 : i32
      scf.if %cond3A_815 {
        %add3A_928 = arith.constant 4 : i32
        %add3A_929 = arith.addi %add3A_706, %add3A_928 : i32
        %dma_start3A_930 = arith.constant 0 : i32
        %dma_start3A_931 = arith.constant 0 : i32
        %dma_start3A_932 = arith.constant 0 : i32
        %dma_start3A_933 = tpu.memref_slice %arg3[%dma_start3A_930, %add3A, %add3A_929, %dma_start3A_931, %dma_start3A_932] : memref<2x32x64x4x128xi32, #tpu.memory_space<hbm>> -> memref<1x1x1x4x128xi32, #tpu.memory_space<hbm>>
        %dma_start3A_934 = tpu.memref_squeeze %dma_start3A_933 : memref<1x1x1x4x128xi32, #tpu.memory_space<hbm>> -> memref<4x128xi32, #tpu.memory_space<hbm>>
        %dma_start3A_935 = arith.constant 0 : i32
        %dma_start3A_936 = arith.constant 0 : i32
        %dma_start3A_937 = tpu.memref_slice %arg3[%dma_start3A_930, %add3A, %add3A_929, %dma_start3A_935, %dma_start3A_936] : memref<2x32x64x4x128xi32, #tpu.memory_space<hbm>> -> memref<1x1x1x4x128xi32, #tpu.memory_space<hbm>>
        %dma_start3A_938 = tpu.memref_squeeze %dma_start3A_937 : memref<1x1x1x4x128xi32, #tpu.memory_space<hbm>> -> memref<4x128xi32, #tpu.memory_space<hbm>>
        tpu.enqueue_dma source(%dma_start3A_938 : memref<4x128xi32, #tpu.memory_space<hbm>>) target(%arg7 : memref<4x128xi32, #tpu.memory_space<vmem>>) target_semaphore(%arg23 : memref<!tpu.dma_semaphore, #tpu.memory_space<semaphore_mem>>)
        %dma_start3A_939 = arith.constant 1 : i32
        %dma_start3A_940 = arith.constant 0 : i32
        %dma_start3A_941 = arith.constant 0 : i32
        %dma_start3A_942 = tpu.memref_slice %arg3[%dma_start3A_939, %add3A, %add3A_929, %dma_start3A_940, %dma_start3A_941] : memref<2x32x64x4x128xi32, #tpu.memory_space<hbm>> -> memref<1x1x1x4x128xi32, #tpu.memory_space<hbm>>
        %dma_start3A_943 = tpu.memref_squeeze %dma_start3A_942 : memref<1x1x1x4x128xi32, #tpu.memory_space<hbm>> -> memref<4x128xi32, #tpu.memory_space<hbm>>
        %dma_start3A_944 = arith.constant 0 : i32
        %dma_start3A_945 = arith.constant 0 : i32
        %dma_start3A_946 = tpu.memref_slice %arg3[%dma_start3A_939, %add3A, %add3A_929, %dma_start3A_944, %dma_start3A_945] : memref<2x32x64x4x128xi32, #tpu.memory_space<hbm>> -> memref<1x1x1x4x128xi32, #tpu.memory_space<hbm>>
        %dma_start3A_947 = tpu.memref_squeeze %dma_start3A_946 : memref<1x1x1x4x128xi32, #tpu.memory_space<hbm>> -> memref<4x128xi32, #tpu.memory_space<hbm>>
        tpu.enqueue_dma source(%dma_start3A_947 : memref<4x128xi32, #tpu.memory_space<hbm>>) target(%arg11 : memref<4x128xi32, #tpu.memory_space<vmem>>) target_semaphore(%arg23 : memref<!tpu.dma_semaphore, #tpu.memory_space<semaphore_mem>>)
      } else {
      }
      %add3A_816 = arith.constant 3 : i32
      %add3A_817 = arith.addi %mul3A_300, %add3A_816 : i32
      %dma_wait3A_818 = arith.constant 0 : i32
      %dma_wait3A_819 = arith.constant 0 : i32
      %dma_wait3A_820 = arith.constant 0 : i32
      %dma_wait3A_821 = tpu.memref_slice %arg14[%dma_wait3A_819, %dma_wait3A_820] : memref<512x32xf32, #tpu.memory_space<vmem>> -> memref<128x32xf32, #tpu.memory_space<vmem>>
      %dma_wait3A_822 = arith.constant 0 : i32
      %dma_wait3A_823 = tpu.memref_slice %arg8[%dma_wait3A_818, %dma_wait3A_822] : memref<4x128xi32, #tpu.memory_space<vmem>> -> memref<1x128xi32, #tpu.memory_space<vmem>>
      %dma_wait3A_824 = tpu.memref_squeeze %dma_wait3A_823 : memref<1x128xi32, #tpu.memory_space<vmem>> -> memref<128xi32, #tpu.memory_space<vmem>>
      %dma_wait3A_825 = arith.constant 0 : i32
      %dma_wait3A_826 = arith.constant 0 : i32
      %dma_wait3A_827 = tpu.memref_slice %arg2[%dma_wait3A_825, %dma_wait3A_826] : memref<1000000x32xf32, #tpu.memory_space<hbm>> -> memref<1000000x32xf32, #tpu.memory_space<hbm>>
      tpu.wait_indirect_dma semaphore(%arg20 : memref<!tpu.dma_semaphore, #tpu.memory_space<semaphore_mem>>) src(%dma_wait3A_827 : memref<1000000x32xf32, #tpu.memory_space<hbm>>) dst(%dma_wait3A_821 : memref<128x32xf32, #tpu.memory_space<vmem>>)
      %dma_wait3A_828 = arith.constant 0 : i32
      %dma_wait3A_829 = arith.constant 0 : i32
      %dma_wait3A_830 = arith.constant 0 : i32
      %dma_wait3A_831 = tpu.memref_slice %arg16[%dma_wait3A_829, %dma_wait3A_830] : memref<512x32xf32, #tpu.memory_space<vmem>> -> memref<128x32xf32, #tpu.memory_space<vmem>>
      %dma_wait3A_832 = arith.constant 0 : i32
      %dma_wait3A_833 = tpu.memref_slice %arg12[%dma_wait3A_828, %dma_wait3A_832] : memref<4x128xi32, #tpu.memory_space<vmem>> -> memref<1x128xi32, #tpu.memory_space<vmem>>
      %dma_wait3A_834 = tpu.memref_squeeze %dma_wait3A_833 : memref<1x128xi32, #tpu.memory_space<vmem>> -> memref<128xi32, #tpu.memory_space<vmem>>
      %dma_wait3A_835 = arith.constant 0 : i32
      %dma_wait3A_836 = arith.constant 0 : i32
      %dma_wait3A_837 = tpu.memref_slice %arg2[%dma_wait3A_835, %dma_wait3A_836] : memref<1000000x32xf32, #tpu.memory_space<hbm>> -> memref<1000000x32xf32, #tpu.memory_space<hbm>>
      tpu.wait_indirect_dma semaphore(%arg20 : memref<!tpu.dma_semaphore, #tpu.memory_space<semaphore_mem>>) src(%dma_wait3A_837 : memref<1000000x32xf32, #tpu.memory_space<hbm>>) dst(%dma_wait3A_831 : memref<128x32xf32, #tpu.memory_space<vmem>>)
      %dma_wait3A_838 = arith.constant 1 : i32
      %dma_wait3A_839 = arith.constant 128 : i32
      %dma_wait3A_840 = arith.constant 0 : i32
      %dma_wait3A_841 = tpu.memref_slice %arg14[%dma_wait3A_839, %dma_wait3A_840] : memref<512x32xf32, #tpu.memory_space<vmem>> -> memref<128x32xf32, #tpu.memory_space<vmem>>
      %dma_wait3A_842 = arith.constant 0 : i32
      %dma_wait3A_843 = tpu.memref_slice %arg8[%dma_wait3A_838, %dma_wait3A_842] : memref<4x128xi32, #tpu.memory_space<vmem>> -> memref<1x128xi32, #tpu.memory_space<vmem>>
      %dma_wait3A_844 = tpu.memref_squeeze %dma_wait3A_843 : memref<1x128xi32, #tpu.memory_space<vmem>> -> memref<128xi32, #tpu.memory_space<vmem>>
      %dma_wait3A_845 = arith.constant 0 : i32
      %dma_wait3A_846 = arith.constant 0 : i32
      %dma_wait3A_847 = tpu.memref_slice %arg2[%dma_wait3A_845, %dma_wait3A_846] : memref<1000000x32xf32, #tpu.memory_space<hbm>> -> memref<1000000x32xf32, #tpu.memory_space<hbm>>
      tpu.wait_indirect_dma semaphore(%arg20 : memref<!tpu.dma_semaphore, #tpu.memory_space<semaphore_mem>>) src(%dma_wait3A_847 : memref<1000000x32xf32, #tpu.memory_space<hbm>>) dst(%dma_wait3A_841 : memref<128x32xf32, #tpu.memory_space<vmem>>)
      %dma_wait3A_848 = arith.constant 1 : i32
      %dma_wait3A_849 = arith.constant 128 : i32
      %dma_wait3A_850 = arith.constant 0 : i32
      %dma_wait3A_851 = tpu.memref_slice %arg16[%dma_wait3A_849, %dma_wait3A_850] : memref<512x32xf32, #tpu.memory_space<vmem>> -> memref<128x32xf32, #tpu.memory_space<vmem>>
      %dma_wait3A_852 = arith.constant 0 : i32
      %dma_wait3A_853 = tpu.memref_slice %arg12[%dma_wait3A_848, %dma_wait3A_852] : memref<4x128xi32, #tpu.memory_space<vmem>> -> memref<1x128xi32, #tpu.memory_space<vmem>>
      %dma_wait3A_854 = tpu.memref_squeeze %dma_wait3A_853 : memref<1x128xi32, #tpu.memory_space<vmem>> -> memref<128xi32, #tpu.memory_space<vmem>>
      %dma_wait3A_855 = arith.constant 0 : i32
      %dma_wait3A_856 = arith.constant 0 : i32
      %dma_wait3A_857 = tpu.memref_slice %arg2[%dma_wait3A_855, %dma_wait3A_856] : memref<1000000x32xf32, #tpu.memory_space<hbm>> -> memref<1000000x32xf32, #tpu.memory_space<hbm>>
      tpu.wait_indirect_dma semaphore(%arg20 : memref<!tpu.dma_semaphore, #tpu.memory_space<semaphore_mem>>) src(%dma_wait3A_857 : memref<1000000x32xf32, #tpu.memory_space<hbm>>) dst(%dma_wait3A_851 : memref<128x32xf32, #tpu.memory_space<vmem>>)
      %dma_wait3A_858 = arith.constant 2 : i32
      %dma_wait3A_859 = arith.constant 256 : i32
      %dma_wait3A_860 = arith.constant 0 : i32
      %dma_wait3A_861 = tpu.memref_slice %arg14[%dma_wait3A_859, %dma_wait3A_860] : memref<512x32xf32, #tpu.memory_space<vmem>> -> memref<128x32xf32, #tpu.memory_space<vmem>>
      %dma_wait3A_862 = arith.constant 0 : i32
      %dma_wait3A_863 = tpu.memref_slice %arg8[%dma_wait3A_858, %dma_wait3A_862] : memref<4x128xi32, #tpu.memory_space<vmem>> -> memref<1x128xi32, #tpu.memory_space<vmem>>
      %dma_wait3A_864 = tpu.memref_squeeze %dma_wait3A_863 : memref<1x128xi32, #tpu.memory_space<vmem>> -> memref<128xi32, #tpu.memory_space<vmem>>
      %dma_wait3A_865 = arith.constant 0 : i32
      %dma_wait3A_866 = arith.constant 0 : i32
      %dma_wait3A_867 = tpu.memref_slice %arg2[%dma_wait3A_865, %dma_wait3A_866] : memref<1000000x32xf32, #tpu.memory_space<hbm>> -> memref<1000000x32xf32, #tpu.memory_space<hbm>>
      tpu.wait_indirect_dma semaphore(%arg20 : memref<!tpu.dma_semaphore, #tpu.memory_space<semaphore_mem>>) src(%dma_wait3A_867 : memref<1000000x32xf32, #tpu.memory_space<hbm>>) dst(%dma_wait3A_861 : memref<128x32xf32, #tpu.memory_space<vmem>>)
      %dma_wait3A_868 = arith.constant 2 : i32
      %dma_wait3A_869 = arith.constant 256 : i32
      %dma_wait3A_870 = arith.constant 0 : i32
      %dma_wait3A_871 = tpu.memref_slice %arg16[%dma_wait3A_869, %dma_wait3A_870] : memref<512x32xf32, #tpu.memory_space<vmem>> -> memref<128x32xf32, #tpu.memory_space<vmem>>
      %dma_wait3A_872 = arith.constant 0 : i32
      %dma_wait3A_873 = tpu.memref_slice %arg12[%dma_wait3A_868, %dma_wait3A_872] : memref<4x128xi32, #tpu.memory_space<vmem>> -> memref<1x128xi32, #tpu.memory_space<vmem>>
      %dma_wait3A_874 = tpu.memref_squeeze %dma_wait3A_873 : memref<1x128xi32, #tpu.memory_space<vmem>> -> memref<128xi32, #tpu.memory_space<vmem>>
      %dma_wait3A_875 = arith.constant 0 : i32
      %dma_wait3A_876 = arith.constant 0 : i32
      %dma_wait3A_877 = tpu.memref_slice %arg2[%dma_wait3A_875, %dma_wait3A_876] : memref<1000000x32xf32, #tpu.memory_space<hbm>> -> memref<1000000x32xf32, #tpu.memory_space<hbm>>
      tpu.wait_indirect_dma semaphore(%arg20 : memref<!tpu.dma_semaphore, #tpu.memory_space<semaphore_mem>>) src(%dma_wait3A_877 : memref<1000000x32xf32, #tpu.memory_space<hbm>>) dst(%dma_wait3A_871 : memref<128x32xf32, #tpu.memory_space<vmem>>)
      %dma_wait3A_878 = arith.constant 3 : i32
      %dma_wait3A_879 = arith.constant 384 : i32
      %dma_wait3A_880 = arith.constant 0 : i32
      %dma_wait3A_881 = tpu.memref_slice %arg14[%dma_wait3A_879, %dma_wait3A_880] : memref<512x32xf32, #tpu.memory_space<vmem>> -> memref<128x32xf32, #tpu.memory_space<vmem>>
      %dma_wait3A_882 = arith.constant 0 : i32
      %dma_wait3A_883 = tpu.memref_slice %arg8[%dma_wait3A_878, %dma_wait3A_882] : memref<4x128xi32, #tpu.memory_space<vmem>> -> memref<1x128xi32, #tpu.memory_space<vmem>>
      %dma_wait3A_884 = tpu.memref_squeeze %dma_wait3A_883 : memref<1x128xi32, #tpu.memory_space<vmem>> -> memref<128xi32, #tpu.memory_space<vmem>>
      %dma_wait3A_885 = arith.constant 0 : i32
      %dma_wait3A_886 = arith.constant 0 : i32
      %dma_wait3A_887 = tpu.memref_slice %arg2[%dma_wait3A_885, %dma_wait3A_886] : memref<1000000x32xf32, #tpu.memory_space<hbm>> -> memref<1000000x32xf32, #tpu.memory_space<hbm>>
      tpu.wait_indirect_dma semaphore(%arg20 : memref<!tpu.dma_semaphore, #tpu.memory_space<semaphore_mem>>) src(%dma_wait3A_887 : memref<1000000x32xf32, #tpu.memory_space<hbm>>) dst(%dma_wait3A_881 : memref<128x32xf32, #tpu.memory_space<vmem>>)
      %dma_wait3A_888 = arith.constant 3 : i32
      %dma_wait3A_889 = arith.constant 384 : i32
      %dma_wait3A_890 = arith.constant 0 : i32
      %dma_wait3A_891 = tpu.memref_slice %arg16[%dma_wait3A_889, %dma_wait3A_890] : memref<512x32xf32, #tpu.memory_space<vmem>> -> memref<128x32xf32, #tpu.memory_space<vmem>>
      %dma_wait3A_892 = arith.constant 0 : i32
      %dma_wait3A_893 = tpu.memref_slice %arg12[%dma_wait3A_888, %dma_wait3A_892] : memref<4x128xi32, #tpu.memory_space<vmem>> -> memref<1x128xi32, #tpu.memory_space<vmem>>
      %dma_wait3A_894 = tpu.memref_squeeze %dma_wait3A_893 : memref<1x128xi32, #tpu.memory_space<vmem>> -> memref<128xi32, #tpu.memory_space<vmem>>
      %dma_wait3A_895 = arith.constant 0 : i32
      %dma_wait3A_896 = arith.constant 0 : i32
      %dma_wait3A_897 = tpu.memref_slice %arg2[%dma_wait3A_895, %dma_wait3A_896] : memref<1000000x32xf32, #tpu.memory_space<hbm>> -> memref<1000000x32xf32, #tpu.memory_space<hbm>>
      tpu.wait_indirect_dma semaphore(%arg20 : memref<!tpu.dma_semaphore, #tpu.memory_space<semaphore_mem>>) src(%dma_wait3A_897 : memref<1000000x32xf32, #tpu.memory_space<hbm>>) dst(%dma_wait3A_891 : memref<128x32xf32, #tpu.memory_space<vmem>>)
      %sub3A_898 = arith.constant 2 : i32
      %sub3A_899 = arith.subi %add3A_817, %sub3A_898 : i32
      %dma_wait3A_900 = arith.constant 0 : i32
      %dma_wait3A_901 = tpu.memref_slice %arg4[%add3A, %sub3A_899, %dma_wait3A_900] : memref<32x64x512xf32, #tpu.memory_space<hbm>> -> memref<1x1x512xf32, #tpu.memory_space<hbm>>
      %dma_wait3A_902 = tpu.memref_squeeze %dma_wait3A_901 : memref<1x1x512xf32, #tpu.memory_space<hbm>> -> memref<512xf32, #tpu.memory_space<hbm>>
      %dma_wait3A_903 = arith.constant 0 : i32
      %dma_wait3A_904 = tpu.memref_slice %arg4[%add3A, %sub3A_899, %dma_wait3A_903] : memref<32x64x512xf32, #tpu.memory_space<hbm>> -> memref<1x1x512xf32, #tpu.memory_space<hbm>>
      %dma_wait3A_905 = tpu.memref_squeeze %dma_wait3A_904 : memref<1x1x512xf32, #tpu.memory_space<hbm>> -> memref<512xf32, #tpu.memory_space<hbm>>
      tpu.wait_dma2 semaphore(%arg26 : memref<!tpu.dma_semaphore, #tpu.memory_space<semaphore_mem>>) src(%arg18 : memref<512xf32, #tpu.memory_space<vmem>>) dst(%dma_wait3A_905 : memref<512xf32, #tpu.memory_space<hbm>>)
      %scan3A_906 = arith.constant 0 : i32
      %scan3A_907 = arith.constant 0 : i32
      %scan3A_908 = arith.constant 32 : i32
      %scan3A_909 = arith.addi %scan3A_907, %scan3A_908 : i32
      %scan3A_910 = arith.constant 1 : i32
      scf.for %scan3A_928 = %scan3A_907 to %scan3A_909 step %scan3A_910  : i32 {
        %mul3A_929 = arith.constant 16 : i32
        %mul3A_930 = arith.muli %scan3A_928, %mul3A_929 : i32
        %add3A_931 = vector.broadcast %mul3A_930 : i32 to vector<16xi32>
        %add3A_932 = arith.addi %add3A_931, %iota3A : vector<16xi32>
        %broadcast_in_dim3A = arith.constant 0.000000e+00 : f32
        %broadcast_in_dim3A_933 = vector.broadcast %broadcast_in_dim3A : f32 to vector<16xf32>
        %add3A_934 = arith.constant 0 : i32
        %add3A_935 = vector.broadcast %add3A_934 : i32 to vector<16xi32>
        %add3A_936 = arith.addi %iota3A, %add3A_935 : vector<16xi32>
        %and3A = arith.constant 31 : i32
        %and3A_937 = vector.broadcast %and3A : i32 to vector<16xi32>
        %and3A_938 = arith.andi %add3A_936, %and3A_937 : vector<16xi32>
        %gather3A = tpu.vector_load_idx %arg14[%add3A_932, %and3A_938] : memref<512x32xf32, #tpu.memory_space<vmem>>[vector<16xi32>, vector<16xi32>], vector<16xf32>,
        %gather3A_939 = tpu.vector_load_idx %arg16[%add3A_932, %and3A_938] : memref<512x32xf32, #tpu.memory_space<vmem>>[vector<16xi32>, vector<16xi32>], vector<16xf32>,
        %mul3A_940 = arith.mulf %gather3A, %gather3A_939 : vector<16xf32>
        %add3A_941 = arith.addf %broadcast_in_dim3A_933, %mul3A_940 : vector<16xf32>
        %add3A_942 = arith.constant 1 : i32
        %add3A_943 = vector.broadcast %add3A_942 : i32 to vector<16xi32>
        %add3A_944 = arith.addi %iota3A, %add3A_943 : vector<16xi32>
        %and3A_945 = arith.constant 31 : i32
        %and3A_946 = vector.broadcast %and3A_945 : i32 to vector<16xi32>
        %and3A_947 = arith.andi %add3A_944, %and3A_946 : vector<16xi32>
        %gather3A_948 = tpu.vector_load_idx %arg14[%add3A_932, %and3A_947] : memref<512x32xf32, #tpu.memory_space<vmem>>[vector<16xi32>, vector<16xi32>], vector<16xf32>,
        %gather3A_949 = tpu.vector_load_idx %arg16[%add3A_932, %and3A_947] : memref<512x32xf32, #tpu.memory_space<vmem>>[vector<16xi32>, vector<16xi32>], vector<16xf32>,
        %mul3A_950 = arith.mulf %gather3A_948, %gather3A_949 : vector<16xf32>
        %add3A_951 = arith.addf %add3A_941, %mul3A_950 : vector<16xf32>
        %add3A_952 = arith.constant 2 : i32
        %add3A_953 = vector.broadcast %add3A_952 : i32 to vector<16xi32>
        %add3A_954 = arith.addi %iota3A, %add3A_953 : vector<16xi32>
        %and3A_955 = arith.constant 31 : i32
        %and3A_956 = vector.broadcast %and3A_955 : i32 to vector<16xi32>
        %and3A_957 = arith.andi %add3A_954, %and3A_956 : vector<16xi32>
        %gather3A_958 = tpu.vector_load_idx %arg14[%add3A_932, %and3A_957] : memref<512x32xf32, #tpu.memory_space<vmem>>[vector<16xi32>, vector<16xi32>], vector<16xf32>,
        %gather3A_959 = tpu.vector_load_idx %arg16[%add3A_932, %and3A_957] : memref<512x32xf32, #tpu.memory_space<vmem>>[vector<16xi32>, vector<16xi32>], vector<16xf32>,
        %mul3A_960 = arith.mulf %gather3A_958, %gather3A_959 : vector<16xf32>
        %add3A_961 = arith.addf %add3A_951, %mul3A_960 : vector<16xf32>
        %add3A_962 = arith.constant 3 : i32
        %add3A_963 = vector.broadcast %add3A_962 : i32 to vector<16xi32>
        %add3A_964 = arith.addi %iota3A, %add3A_963 : vector<16xi32>
        %and3A_965 = arith.constant 31 : i32
        %and3A_966 = vector.broadcast %and3A_965 : i32 to vector<16xi32>
        %and3A_967 = arith.andi %add3A_964, %and3A_966 : vector<16xi32>
        %gather3A_968 = tpu.vector_load_idx %arg14[%add3A_932, %and3A_967] : memref<512x32xf32, #tpu.memory_space<vmem>>[vector<16xi32>, vector<16xi32>], vector<16xf32>,
        %gather3A_969 = tpu.vector_load_idx %arg16[%add3A_932, %and3A_967] : memref<512x32xf32, #tpu.memory_space<vmem>>[vector<16xi32>, vector<16xi32>], vector<16xf32>,
        %mul3A_970 = arith.mulf %gather3A_968, %gather3A_969 : vector<16xf32>
        %add3A_971 = arith.addf %add3A_961, %mul3A_970 : vector<16xf32>
        %add3A_972 = arith.constant 4 : i32
        %add3A_973 = vector.broadcast %add3A_972 : i32 to vector<16xi32>
        %add3A_974 = arith.addi %iota3A, %add3A_973 : vector<16xi32>
        %and3A_975 = arith.constant 31 : i32
        %and3A_976 = vector.broadcast %and3A_975 : i32 to vector<16xi32>
        %and3A_977 = arith.andi %add3A_974, %and3A_976 : vector<16xi32>
        %gather3A_978 = tpu.vector_load_idx %arg14[%add3A_932, %and3A_977] : memref<512x32xf32, #tpu.memory_space<vmem>>[vector<16xi32>, vector<16xi32>], vector<16xf32>,
        %gather3A_979 = tpu.vector_load_idx %arg16[%add3A_932, %and3A_977] : memref<512x32xf32, #tpu.memory_space<vmem>>[vector<16xi32>, vector<16xi32>], vector<16xf32>,
        %mul3A_980 = arith.mulf %gather3A_978, %gather3A_979 : vector<16xf32>
        %add3A_981 = arith.addf %add3A_971, %mul3A_980 : vector<16xf32>
        %add3A_982 = arith.constant 5 : i32
        %add3A_983 = vector.broadcast %add3A_982 : i32 to vector<16xi32>
        %add3A_984 = arith.addi %iota3A, %add3A_983 : vector<16xi32>
        %and3A_985 = arith.constant 31 : i32
        %and3A_986 = vector.broadcast %and3A_985 : i32 to vector<16xi32>
        %and3A_987 = arith.andi %add3A_984, %and3A_986 : vector<16xi32>
        %gather3A_988 = tpu.vector_load_idx %arg14[%add3A_932, %and3A_987] : memref<512x32xf32, #tpu.memory_space<vmem>>[vector<16xi32>, vector<16xi32>], vector<16xf32>,
        %gather3A_989 = tpu.vector_load_idx %arg16[%add3A_932, %and3A_987] : memref<512x32xf32, #tpu.memory_space<vmem>>[vector<16xi32>, vector<16xi32>], vector<16xf32>,
        %mul3A_990 = arith.mulf %gather3A_988, %gather3A_989 : vector<16xf32>
        %add3A_991 = arith.addf %add3A_981, %mul3A_990 : vector<16xf32>
        %add3A_992 = arith.constant 6 : i32
        %add3A_993 = vector.broadcast %add3A_992 : i32 to vector<16xi32>
        %add3A_994 = arith.addi %iota3A, %add3A_993 : vector<16xi32>
        %and3A_995 = arith.constant 31 : i32
        %and3A_996 = vector.broadcast %and3A_995 : i32 to vector<16xi32>
        %and3A_997 = arith.andi %add3A_994, %and3A_996 : vector<16xi32>
        %gather3A_998 = tpu.vector_load_idx %arg14[%add3A_932, %and3A_997] : memref<512x32xf32, #tpu.memory_space<vmem>>[vector<16xi32>, vector<16xi32>], vector<16xf32>,
        %gather3A_999 = tpu.vector_load_idx %arg16[%add3A_932, %and3A_997] : memref<512x32xf32, #tpu.memory_space<vmem>>[vector<16xi32>, vector<16xi32>], vector<16xf32>,
        %mul3A_1000 = arith.mulf %gather3A_998, %gather3A_999 : vector<16xf32>
        %add3A_1001 = arith.addf %add3A_991, %mul3A_1000 : vector<16xf32>
        %add3A_1002 = arith.constant 7 : i32
        %add3A_1003 = vector.broadcast %add3A_1002 : i32 to vector<16xi32>
        %add3A_1004 = arith.addi %iota3A, %add3A_1003 : vector<16xi32>
        %and3A_1005 = arith.constant 31 : i32
        %and3A_1006 = vector.broadcast %and3A_1005 : i32 to vector<16xi32>
        %and3A_1007 = arith.andi %add3A_1004, %and3A_1006 : vector<16xi32>
        %gather3A_1008 = tpu.vector_load_idx %arg14[%add3A_932, %and3A_1007] : memref<512x32xf32, #tpu.memory_space<vmem>>[vector<16xi32>, vector<16xi32>], vector<16xf32>,
        %gather3A_1009 = tpu.vector_load_idx %arg16[%add3A_932, %and3A_1007] : memref<512x32xf32, #tpu.memory_space<vmem>>[vector<16xi32>, vector<16xi32>], vector<16xf32>,
        %mul3A_1010 = arith.mulf %gather3A_1008, %gather3A_1009 : vector<16xf32>
        %add3A_1011 = arith.addf %add3A_1001, %mul3A_1010 : vector<16xf32>
        %add3A_1012 = arith.constant 8 : i32
        %add3A_1013 = vector.broadcast %add3A_1012 : i32 to vector<16xi32>
        %add3A_1014 = arith.addi %iota3A, %add3A_1013 : vector<16xi32>
        %and3A_1015 = arith.constant 31 : i32
        %and3A_1016 = vector.broadcast %and3A_1015 : i32 to vector<16xi32>
        %and3A_1017 = arith.andi %add3A_1014, %and3A_1016 : vector<16xi32>
        %gather3A_1018 = tpu.vector_load_idx %arg14[%add3A_932, %and3A_1017] : memref<512x32xf32, #tpu.memory_space<vmem>>[vector<16xi32>, vector<16xi32>], vector<16xf32>,
        %gather3A_1019 = tpu.vector_load_idx %arg16[%add3A_932, %and3A_1017] : memref<512x32xf32, #tpu.memory_space<vmem>>[vector<16xi32>, vector<16xi32>], vector<16xf32>,
        %mul3A_1020 = arith.mulf %gather3A_1018, %gather3A_1019 : vector<16xf32>
        %add3A_1021 = arith.addf %add3A_1011, %mul3A_1020 : vector<16xf32>
        %add3A_1022 = arith.constant 9 : i32
        %add3A_1023 = vector.broadcast %add3A_1022 : i32 to vector<16xi32>
        %add3A_1024 = arith.addi %iota3A, %add3A_1023 : vector<16xi32>
        %and3A_1025 = arith.constant 31 : i32
        %and3A_1026 = vector.broadcast %and3A_1025 : i32 to vector<16xi32>
        %and3A_1027 = arith.andi %add3A_1024, %and3A_1026 : vector<16xi32>
        %gather3A_1028 = tpu.vector_load_idx %arg14[%add3A_932, %and3A_1027] : memref<512x32xf32, #tpu.memory_space<vmem>>[vector<16xi32>, vector<16xi32>], vector<16xf32>,
        %gather3A_1029 = tpu.vector_load_idx %arg16[%add3A_932, %and3A_1027] : memref<512x32xf32, #tpu.memory_space<vmem>>[vector<16xi32>, vector<16xi32>], vector<16xf32>,
        %mul3A_1030 = arith.mulf %gather3A_1028, %gather3A_1029 : vector<16xf32>
        %add3A_1031 = arith.addf %add3A_1021, %mul3A_1030 : vector<16xf32>
        %add3A_1032 = arith.constant 10 : i32
        %add3A_1033 = vector.broadcast %add3A_1032 : i32 to vector<16xi32>
        %add3A_1034 = arith.addi %iota3A, %add3A_1033 : vector<16xi32>
        %and3A_1035 = arith.constant 31 : i32
        %and3A_1036 = vector.broadcast %and3A_1035 : i32 to vector<16xi32>
        %and3A_1037 = arith.andi %add3A_1034, %and3A_1036 : vector<16xi32>
        %gather3A_1038 = tpu.vector_load_idx %arg14[%add3A_932, %and3A_1037] : memref<512x32xf32, #tpu.memory_space<vmem>>[vector<16xi32>, vector<16xi32>], vector<16xf32>,
        %gather3A_1039 = tpu.vector_load_idx %arg16[%add3A_932, %and3A_1037] : memref<512x32xf32, #tpu.memory_space<vmem>>[vector<16xi32>, vector<16xi32>], vector<16xf32>,
        %mul3A_1040 = arith.mulf %gather3A_1038, %gather3A_1039 : vector<16xf32>
        %add3A_1041 = arith.addf %add3A_1031, %mul3A_1040 : vector<16xf32>
        %add3A_1042 = arith.constant 11 : i32
        %add3A_1043 = vector.broadcast %add3A_1042 : i32 to vector<16xi32>
        %add3A_1044 = arith.addi %iota3A, %add3A_1043 : vector<16xi32>
        %and3A_1045 = arith.constant 31 : i32
        %and3A_1046 = vector.broadcast %and3A_1045 : i32 to vector<16xi32>
        %and3A_1047 = arith.andi %add3A_1044, %and3A_1046 : vector<16xi32>
        %gather3A_1048 = tpu.vector_load_idx %arg14[%add3A_932, %and3A_1047] : memref<512x32xf32, #tpu.memory_space<vmem>>[vector<16xi32>, vector<16xi32>], vector<16xf32>,
        %gather3A_1049 = tpu.vector_load_idx %arg16[%add3A_932, %and3A_1047] : memref<512x32xf32, #tpu.memory_space<vmem>>[vector<16xi32>, vector<16xi32>], vector<16xf32>,
        %mul3A_1050 = arith.mulf %gather3A_1048, %gather3A_1049 : vector<16xf32>
        %add3A_1051 = arith.addf %add3A_1041, %mul3A_1050 : vector<16xf32>
        %add3A_1052 = arith.constant 12 : i32
        %add3A_1053 = vector.broadcast %add3A_1052 : i32 to vector<16xi32>
        %add3A_1054 = arith.addi %iota3A, %add3A_1053 : vector<16xi32>
        %and3A_1055 = arith.constant 31 : i32
        %and3A_1056 = vector.broadcast %and3A_1055 : i32 to vector<16xi32>
        %and3A_1057 = arith.andi %add3A_1054, %and3A_1056 : vector<16xi32>
        %gather3A_1058 = tpu.vector_load_idx %arg14[%add3A_932, %and3A_1057] : memref<512x32xf32, #tpu.memory_space<vmem>>[vector<16xi32>, vector<16xi32>], vector<16xf32>,
        %gather3A_1059 = tpu.vector_load_idx %arg16[%add3A_932, %and3A_1057] : memref<512x32xf32, #tpu.memory_space<vmem>>[vector<16xi32>, vector<16xi32>], vector<16xf32>,
        %mul3A_1060 = arith.mulf %gather3A_1058, %gather3A_1059 : vector<16xf32>
        %add3A_1061 = arith.addf %add3A_1051, %mul3A_1060 : vector<16xf32>
        %add3A_1062 = arith.constant 13 : i32
        %add3A_1063 = vector.broadcast %add3A_1062 : i32 to vector<16xi32>
        %add3A_1064 = arith.addi %iota3A, %add3A_1063 : vector<16xi32>
        %and3A_1065 = arith.constant 31 : i32
        %and3A_1066 = vector.broadcast %and3A_1065 : i32 to vector<16xi32>
        %and3A_1067 = arith.andi %add3A_1064, %and3A_1066 : vector<16xi32>
        %gather3A_1068 = tpu.vector_load_idx %arg14[%add3A_932, %and3A_1067] : memref<512x32xf32, #tpu.memory_space<vmem>>[vector<16xi32>, vector<16xi32>], vector<16xf32>,
        %gather3A_1069 = tpu.vector_load_idx %arg16[%add3A_932, %and3A_1067] : memref<512x32xf32, #tpu.memory_space<vmem>>[vector<16xi32>, vector<16xi32>], vector<16xf32>,
        %mul3A_1070 = arith.mulf %gather3A_1068, %gather3A_1069 : vector<16xf32>
        %add3A_1071 = arith.addf %add3A_1061, %mul3A_1070 : vector<16xf32>
        %add3A_1072 = arith.constant 14 : i32
        %add3A_1073 = vector.broadcast %add3A_1072 : i32 to vector<16xi32>
        %add3A_1074 = arith.addi %iota3A, %add3A_1073 : vector<16xi32>
        %and3A_1075 = arith.constant 31 : i32
        %and3A_1076 = vector.broadcast %and3A_1075 : i32 to vector<16xi32>
        %and3A_1077 = arith.andi %add3A_1074, %and3A_1076 : vector<16xi32>
        %gather3A_1078 = tpu.vector_load_idx %arg14[%add3A_932, %and3A_1077] : memref<512x32xf32, #tpu.memory_space<vmem>>[vector<16xi32>, vector<16xi32>], vector<16xf32>,
        %gather3A_1079 = tpu.vector_load_idx %arg16[%add3A_932, %and3A_1077] : memref<512x32xf32, #tpu.memory_space<vmem>>[vector<16xi32>, vector<16xi32>], vector<16xf32>,
        %mul3A_1080 = arith.mulf %gather3A_1078, %gather3A_1079 : vector<16xf32>
        %add3A_1081 = arith.addf %add3A_1071, %mul3A_1080 : vector<16xf32>
        %add3A_1082 = arith.constant 15 : i32
        %add3A_1083 = vector.broadcast %add3A_1082 : i32 to vector<16xi32>
        %add3A_1084 = arith.addi %iota3A, %add3A_1083 : vector<16xi32>
        %and3A_1085 = arith.constant 31 : i32
        %and3A_1086 = vector.broadcast %and3A_1085 : i32 to vector<16xi32>
        %and3A_1087 = arith.andi %add3A_1084, %and3A_1086 : vector<16xi32>
        %gather3A_1088 = tpu.vector_load_idx %arg14[%add3A_932, %and3A_1087] : memref<512x32xf32, #tpu.memory_space<vmem>>[vector<16xi32>, vector<16xi32>], vector<16xf32>,
        %gather3A_1089 = tpu.vector_load_idx %arg16[%add3A_932, %and3A_1087] : memref<512x32xf32, #tpu.memory_space<vmem>>[vector<16xi32>, vector<16xi32>], vector<16xf32>,
        %mul3A_1090 = arith.mulf %gather3A_1088, %gather3A_1089 : vector<16xf32>
        %add3A_1091 = arith.addf %add3A_1081, %mul3A_1090 : vector<16xf32>
        %add3A_1092 = arith.constant 16 : i32
        %add3A_1093 = vector.broadcast %add3A_1092 : i32 to vector<16xi32>
        %add3A_1094 = arith.addi %iota3A, %add3A_1093 : vector<16xi32>
        %and3A_1095 = arith.constant 31 : i32
        %and3A_1096 = vector.broadcast %and3A_1095 : i32 to vector<16xi32>
        %and3A_1097 = arith.andi %add3A_1094, %and3A_1096 : vector<16xi32>
        %gather3A_1098 = tpu.vector_load_idx %arg14[%add3A_932, %and3A_1097] : memref<512x32xf32, #tpu.memory_space<vmem>>[vector<16xi32>, vector<16xi32>], vector<16xf32>,
        %gather3A_1099 = tpu.vector_load_idx %arg16[%add3A_932, %and3A_1097] : memref<512x32xf32, #tpu.memory_space<vmem>>[vector<16xi32>, vector<16xi32>], vector<16xf32>,
        %mul3A_1100 = arith.mulf %gather3A_1098, %gather3A_1099 : vector<16xf32>
        %add3A_1101 = arith.addf %add3A_1091, %mul3A_1100 : vector<16xf32>
        %add3A_1102 = arith.constant 17 : i32
        %add3A_1103 = vector.broadcast %add3A_1102 : i32 to vector<16xi32>
        %add3A_1104 = arith.addi %iota3A, %add3A_1103 : vector<16xi32>
        %and3A_1105 = arith.constant 31 : i32
        %and3A_1106 = vector.broadcast %and3A_1105 : i32 to vector<16xi32>
        %and3A_1107 = arith.andi %add3A_1104, %and3A_1106 : vector<16xi32>
        %gather3A_1108 = tpu.vector_load_idx %arg14[%add3A_932, %and3A_1107] : memref<512x32xf32, #tpu.memory_space<vmem>>[vector<16xi32>, vector<16xi32>], vector<16xf32>,
        %gather3A_1109 = tpu.vector_load_idx %arg16[%add3A_932, %and3A_1107] : memref<512x32xf32, #tpu.memory_space<vmem>>[vector<16xi32>, vector<16xi32>], vector<16xf32>,
        %mul3A_1110 = arith.mulf %gather3A_1108, %gather3A_1109 : vector<16xf32>
        %add3A_1111 = arith.addf %add3A_1101, %mul3A_1110 : vector<16xf32>
        %add3A_1112 = arith.constant 18 : i32
        %add3A_1113 = vector.broadcast %add3A_1112 : i32 to vector<16xi32>
        %add3A_1114 = arith.addi %iota3A, %add3A_1113 : vector<16xi32>
        %and3A_1115 = arith.constant 31 : i32
        %and3A_1116 = vector.broadcast %and3A_1115 : i32 to vector<16xi32>
        %and3A_1117 = arith.andi %add3A_1114, %and3A_1116 : vector<16xi32>
        %gather3A_1118 = tpu.vector_load_idx %arg14[%add3A_932, %and3A_1117] : memref<512x32xf32, #tpu.memory_space<vmem>>[vector<16xi32>, vector<16xi32>], vector<16xf32>,
        %gather3A_1119 = tpu.vector_load_idx %arg16[%add3A_932, %and3A_1117] : memref<512x32xf32, #tpu.memory_space<vmem>>[vector<16xi32>, vector<16xi32>], vector<16xf32>,
        %mul3A_1120 = arith.mulf %gather3A_1118, %gather3A_1119 : vector<16xf32>
        %add3A_1121 = arith.addf %add3A_1111, %mul3A_1120 : vector<16xf32>
        %add3A_1122 = arith.constant 19 : i32
        %add3A_1123 = vector.broadcast %add3A_1122 : i32 to vector<16xi32>
        %add3A_1124 = arith.addi %iota3A, %add3A_1123 : vector<16xi32>
        %and3A_1125 = arith.constant 31 : i32
        %and3A_1126 = vector.broadcast %and3A_1125 : i32 to vector<16xi32>
        %and3A_1127 = arith.andi %add3A_1124, %and3A_1126 : vector<16xi32>
        %gather3A_1128 = tpu.vector_load_idx %arg14[%add3A_932, %and3A_1127] : memref<512x32xf32, #tpu.memory_space<vmem>>[vector<16xi32>, vector<16xi32>], vector<16xf32>,
        %gather3A_1129 = tpu.vector_load_idx %arg16[%add3A_932, %and3A_1127] : memref<512x32xf32, #tpu.memory_space<vmem>>[vector<16xi32>, vector<16xi32>], vector<16xf32>,
        %mul3A_1130 = arith.mulf %gather3A_1128, %gather3A_1129 : vector<16xf32>
        %add3A_1131 = arith.addf %add3A_1121, %mul3A_1130 : vector<16xf32>
        %add3A_1132 = arith.constant 20 : i32
        %add3A_1133 = vector.broadcast %add3A_1132 : i32 to vector<16xi32>
        %add3A_1134 = arith.addi %iota3A, %add3A_1133 : vector<16xi32>
        %and3A_1135 = arith.constant 31 : i32
        %and3A_1136 = vector.broadcast %and3A_1135 : i32 to vector<16xi32>
        %and3A_1137 = arith.andi %add3A_1134, %and3A_1136 : vector<16xi32>
        %gather3A_1138 = tpu.vector_load_idx %arg14[%add3A_932, %and3A_1137] : memref<512x32xf32, #tpu.memory_space<vmem>>[vector<16xi32>, vector<16xi32>], vector<16xf32>,
        %gather3A_1139 = tpu.vector_load_idx %arg16[%add3A_932, %and3A_1137] : memref<512x32xf32, #tpu.memory_space<vmem>>[vector<16xi32>, vector<16xi32>], vector<16xf32>,
        %mul3A_1140 = arith.mulf %gather3A_1138, %gather3A_1139 : vector<16xf32>
        %add3A_1141 = arith.addf %add3A_1131, %mul3A_1140 : vector<16xf32>
        %add3A_1142 = arith.constant 21 : i32
        %add3A_1143 = vector.broadcast %add3A_1142 : i32 to vector<16xi32>
        %add3A_1144 = arith.addi %iota3A, %add3A_1143 : vector<16xi32>
        %and3A_1145 = arith.constant 31 : i32
        %and3A_1146 = vector.broadcast %and3A_1145 : i32 to vector<16xi32>
        %and3A_1147 = arith.andi %add3A_1144, %and3A_1146 : vector<16xi32>
        %gather3A_1148 = tpu.vector_load_idx %arg14[%add3A_932, %and3A_1147] : memref<512x32xf32, #tpu.memory_space<vmem>>[vector<16xi32>, vector<16xi32>], vector<16xf32>,
        %gather3A_1149 = tpu.vector_load_idx %arg16[%add3A_932, %and3A_1147] : memref<512x32xf32, #tpu.memory_space<vmem>>[vector<16xi32>, vector<16xi32>], vector<16xf32>,
        %mul3A_1150 = arith.mulf %gather3A_1148, %gather3A_1149 : vector<16xf32>
        %add3A_1151 = arith.addf %add3A_1141, %mul3A_1150 : vector<16xf32>
        %add3A_1152 = arith.constant 22 : i32
        %add3A_1153 = vector.broadcast %add3A_1152 : i32 to vector<16xi32>
        %add3A_1154 = arith.addi %iota3A, %add3A_1153 : vector<16xi32>
        %and3A_1155 = arith.constant 31 : i32
        %and3A_1156 = vector.broadcast %and3A_1155 : i32 to vector<16xi32>
        %and3A_1157 = arith.andi %add3A_1154, %and3A_1156 : vector<16xi32>
        %gather3A_1158 = tpu.vector_load_idx %arg14[%add3A_932, %and3A_1157] : memref<512x32xf32, #tpu.memory_space<vmem>>[vector<16xi32>, vector<16xi32>], vector<16xf32>,
        %gather3A_1159 = tpu.vector_load_idx %arg16[%add3A_932, %and3A_1157] : memref<512x32xf32, #tpu.memory_space<vmem>>[vector<16xi32>, vector<16xi32>], vector<16xf32>,
        %mul3A_1160 = arith.mulf %gather3A_1158, %gather3A_1159 : vector<16xf32>
        %add3A_1161 = arith.addf %add3A_1151, %mul3A_1160 : vector<16xf32>
        %add3A_1162 = arith.constant 23 : i32
        %add3A_1163 = vector.broadcast %add3A_1162 : i32 to vector<16xi32>
        %add3A_1164 = arith.addi %iota3A, %add3A_1163 : vector<16xi32>
        %and3A_1165 = arith.constant 31 : i32
        %and3A_1166 = vector.broadcast %and3A_1165 : i32 to vector<16xi32>
        %and3A_1167 = arith.andi %add3A_1164, %and3A_1166 : vector<16xi32>
        %gather3A_1168 = tpu.vector_load_idx %arg14[%add3A_932, %and3A_1167] : memref<512x32xf32, #tpu.memory_space<vmem>>[vector<16xi32>, vector<16xi32>], vector<16xf32>,
        %gather3A_1169 = tpu.vector_load_idx %arg16[%add3A_932, %and3A_1167] : memref<512x32xf32, #tpu.memory_space<vmem>>[vector<16xi32>, vector<16xi32>], vector<16xf32>,
        %mul3A_1170 = arith.mulf %gather3A_1168, %gather3A_1169 : vector<16xf32>
        %add3A_1171 = arith.addf %add3A_1161, %mul3A_1170 : vector<16xf32>
        %add3A_1172 = arith.constant 24 : i32
        %add3A_1173 = vector.broadcast %add3A_1172 : i32 to vector<16xi32>
        %add3A_1174 = arith.addi %iota3A, %add3A_1173 : vector<16xi32>
        %and3A_1175 = arith.constant 31 : i32
        %and3A_1176 = vector.broadcast %and3A_1175 : i32 to vector<16xi32>
        %and3A_1177 = arith.andi %add3A_1174, %and3A_1176 : vector<16xi32>
        %gather3A_1178 = tpu.vector_load_idx %arg14[%add3A_932, %and3A_1177] : memref<512x32xf32, #tpu.memory_space<vmem>>[vector<16xi32>, vector<16xi32>], vector<16xf32>,
        %gather3A_1179 = tpu.vector_load_idx %arg16[%add3A_932, %and3A_1177] : memref<512x32xf32, #tpu.memory_space<vmem>>[vector<16xi32>, vector<16xi32>], vector<16xf32>,
        %mul3A_1180 = arith.mulf %gather3A_1178, %gather3A_1179 : vector<16xf32>
        %add3A_1181 = arith.addf %add3A_1171, %mul3A_1180 : vector<16xf32>
        %add3A_1182 = arith.constant 25 : i32
        %add3A_1183 = vector.broadcast %add3A_1182 : i32 to vector<16xi32>
        %add3A_1184 = arith.addi %iota3A, %add3A_1183 : vector<16xi32>
        %and3A_1185 = arith.constant 31 : i32
        %and3A_1186 = vector.broadcast %and3A_1185 : i32 to vector<16xi32>
        %and3A_1187 = arith.andi %add3A_1184, %and3A_1186 : vector<16xi32>
        %gather3A_1188 = tpu.vector_load_idx %arg14[%add3A_932, %and3A_1187] : memref<512x32xf32, #tpu.memory_space<vmem>>[vector<16xi32>, vector<16xi32>], vector<16xf32>,
        %gather3A_1189 = tpu.vector_load_idx %arg16[%add3A_932, %and3A_1187] : memref<512x32xf32, #tpu.memory_space<vmem>>[vector<16xi32>, vector<16xi32>], vector<16xf32>,
        %mul3A_1190 = arith.mulf %gather3A_1188, %gather3A_1189 : vector<16xf32>
        %add3A_1191 = arith.addf %add3A_1181, %mul3A_1190 : vector<16xf32>
        %add3A_1192 = arith.constant 26 : i32
        %add3A_1193 = vector.broadcast %add3A_1192 : i32 to vector<16xi32>
        %add3A_1194 = arith.addi %iota3A, %add3A_1193 : vector<16xi32>
        %and3A_1195 = arith.constant 31 : i32
        %and3A_1196 = vector.broadcast %and3A_1195 : i32 to vector<16xi32>
        %and3A_1197 = arith.andi %add3A_1194, %and3A_1196 : vector<16xi32>
        %gather3A_1198 = tpu.vector_load_idx %arg14[%add3A_932, %and3A_1197] : memref<512x32xf32, #tpu.memory_space<vmem>>[vector<16xi32>, vector<16xi32>], vector<16xf32>,
        %gather3A_1199 = tpu.vector_load_idx %arg16[%add3A_932, %and3A_1197] : memref<512x32xf32, #tpu.memory_space<vmem>>[vector<16xi32>, vector<16xi32>], vector<16xf32>,
        %mul3A_1200 = arith.mulf %gather3A_1198, %gather3A_1199 : vector<16xf32>
        %add3A_1201 = arith.addf %add3A_1191, %mul3A_1200 : vector<16xf32>
        %add3A_1202 = arith.constant 27 : i32
        %add3A_1203 = vector.broadcast %add3A_1202 : i32 to vector<16xi32>
        %add3A_1204 = arith.addi %iota3A, %add3A_1203 : vector<16xi32>
        %and3A_1205 = arith.constant 31 : i32
        %and3A_1206 = vector.broadcast %and3A_1205 : i32 to vector<16xi32>
        %and3A_1207 = arith.andi %add3A_1204, %and3A_1206 : vector<16xi32>
        %gather3A_1208 = tpu.vector_load_idx %arg14[%add3A_932, %and3A_1207] : memref<512x32xf32, #tpu.memory_space<vmem>>[vector<16xi32>, vector<16xi32>], vector<16xf32>,
        %gather3A_1209 = tpu.vector_load_idx %arg16[%add3A_932, %and3A_1207] : memref<512x32xf32, #tpu.memory_space<vmem>>[vector<16xi32>, vector<16xi32>], vector<16xf32>,
        %mul3A_1210 = arith.mulf %gather3A_1208, %gather3A_1209 : vector<16xf32>
        %add3A_1211 = arith.addf %add3A_1201, %mul3A_1210 : vector<16xf32>
        %add3A_1212 = arith.constant 28 : i32
        %add3A_1213 = vector.broadcast %add3A_1212 : i32 to vector<16xi32>
        %add3A_1214 = arith.addi %iota3A, %add3A_1213 : vector<16xi32>
        %and3A_1215 = arith.constant 31 : i32
        %and3A_1216 = vector.broadcast %and3A_1215 : i32 to vector<16xi32>
        %and3A_1217 = arith.andi %add3A_1214, %and3A_1216 : vector<16xi32>
        %gather3A_1218 = tpu.vector_load_idx %arg14[%add3A_932, %and3A_1217] : memref<512x32xf32, #tpu.memory_space<vmem>>[vector<16xi32>, vector<16xi32>], vector<16xf32>,
        %gather3A_1219 = tpu.vector_load_idx %arg16[%add3A_932, %and3A_1217] : memref<512x32xf32, #tpu.memory_space<vmem>>[vector<16xi32>, vector<16xi32>], vector<16xf32>,
        %mul3A_1220 = arith.mulf %gather3A_1218, %gather3A_1219 : vector<16xf32>
        %add3A_1221 = arith.addf %add3A_1211, %mul3A_1220 : vector<16xf32>
        %add3A_1222 = arith.constant 29 : i32
        %add3A_1223 = vector.broadcast %add3A_1222 : i32 to vector<16xi32>
        %add3A_1224 = arith.addi %iota3A, %add3A_1223 : vector<16xi32>
        %and3A_1225 = arith.constant 31 : i32
        %and3A_1226 = vector.broadcast %and3A_1225 : i32 to vector<16xi32>
        %and3A_1227 = arith.andi %add3A_1224, %and3A_1226 : vector<16xi32>
        %gather3A_1228 = tpu.vector_load_idx %arg14[%add3A_932, %and3A_1227] : memref<512x32xf32, #tpu.memory_space<vmem>>[vector<16xi32>, vector<16xi32>], vector<16xf32>,
        %gather3A_1229 = tpu.vector_load_idx %arg16[%add3A_932, %and3A_1227] : memref<512x32xf32, #tpu.memory_space<vmem>>[vector<16xi32>, vector<16xi32>], vector<16xf32>,
        %mul3A_1230 = arith.mulf %gather3A_1228, %gather3A_1229 : vector<16xf32>
        %add3A_1231 = arith.addf %add3A_1221, %mul3A_1230 : vector<16xf32>
        %add3A_1232 = arith.constant 30 : i32
        %add3A_1233 = vector.broadcast %add3A_1232 : i32 to vector<16xi32>
        %add3A_1234 = arith.addi %iota3A, %add3A_1233 : vector<16xi32>
        %and3A_1235 = arith.constant 31 : i32
        %and3A_1236 = vector.broadcast %and3A_1235 : i32 to vector<16xi32>
        %and3A_1237 = arith.andi %add3A_1234, %and3A_1236 : vector<16xi32>
        %gather3A_1238 = tpu.vector_load_idx %arg14[%add3A_932, %and3A_1237] : memref<512x32xf32, #tpu.memory_space<vmem>>[vector<16xi32>, vector<16xi32>], vector<16xf32>,
        %gather3A_1239 = tpu.vector_load_idx %arg16[%add3A_932, %and3A_1237] : memref<512x32xf32, #tpu.memory_space<vmem>>[vector<16xi32>, vector<16xi32>], vector<16xf32>,
        %mul3A_1240 = arith.mulf %gather3A_1238, %gather3A_1239 : vector<16xf32>
        %add3A_1241 = arith.addf %add3A_1231, %mul3A_1240 : vector<16xf32>
        %add3A_1242 = arith.constant 31 : i32
        %add3A_1243 = vector.broadcast %add3A_1242 : i32 to vector<16xi32>
        %add3A_1244 = arith.addi %iota3A, %add3A_1243 : vector<16xi32>
        %and3A_1245 = arith.constant 31 : i32
        %and3A_1246 = vector.broadcast %and3A_1245 : i32 to vector<16xi32>
        %and3A_1247 = arith.andi %add3A_1244, %and3A_1246 : vector<16xi32>
        %gather3A_1248 = tpu.vector_load_idx %arg14[%add3A_932, %and3A_1247] : memref<512x32xf32, #tpu.memory_space<vmem>>[vector<16xi32>, vector<16xi32>], vector<16xf32>,
        %gather3A_1249 = tpu.vector_load_idx %arg16[%add3A_932, %and3A_1247] : memref<512x32xf32, #tpu.memory_space<vmem>>[vector<16xi32>, vector<16xi32>], vector<16xf32>,
        %mul3A_1250 = arith.mulf %gather3A_1248, %gather3A_1249 : vector<16xf32>
        %add3A_1251 = arith.addf %add3A_1241, %mul3A_1250 : vector<16xf32>
        %mul3A_1252 = arith.constant 16 : i32
        %mul3A_1253 = arith.muli %scan3A_928, %mul3A_1252 : i32
        %swap3A = arith.index_cast %mul3A_1253 : i32 to index
        %swap3A_1254 = tpu.vector_load %arg18[%swap3A] {strides = array<i32>} : memref<512xf32, #tpu.memory_space<vmem>>, vector<16xf32>,
        tpu.vector_store %arg18[%swap3A], %add3A_1251 {strides = array<i32>} : memref<512xf32, #tpu.memory_space<vmem>>, vector<16xf32>,
      }
      %scan3A_911 = arith.constant 32 : i32
      %dma_start3A_912 = arith.constant 0 : i32
      %dma_start3A_913 = tpu.memref_slice %arg4[%add3A, %add3A_817, %dma_start3A_912] : memref<32x64x512xf32, #tpu.memory_space<hbm>> -> memref<1x1x512xf32, #tpu.memory_space<hbm>>
      %dma_start3A_914 = tpu.memref_squeeze %dma_start3A_913 : memref<1x1x512xf32, #tpu.memory_space<hbm>> -> memref<512xf32, #tpu.memory_space<hbm>>
      %dma_start3A_915 = arith.constant 0 : i32
      %dma_start3A_916 = tpu.memref_slice %arg4[%add3A, %add3A_817, %dma_start3A_915] : memref<32x64x512xf32, #tpu.memory_space<hbm>> -> memref<1x1x512xf32, #tpu.memory_space<hbm>>
      %dma_start3A_917 = tpu.memref_squeeze %dma_start3A_916 : memref<1x1x512xf32, #tpu.memory_space<hbm>> -> memref<512xf32, #tpu.memory_space<hbm>>
      tpu.enqueue_dma source(%arg18 : memref<512xf32, #tpu.memory_space<vmem>>) target(%dma_start3A_917 : memref<512xf32, #tpu.memory_space<hbm>>) target_semaphore(%arg26 : memref<!tpu.dma_semaphore, #tpu.memory_space<semaphore_mem>>)
      %lt3A_918 = arith.constant 15 : i32
      %lt3A_919 = arith.cmpi slt, %scan3A_298, %lt3A_918 : i32
      %convert_element_type3A_920 = arith.extui %lt3A_919 : i1 to i32
      %cond3A_921 = arith.constant 0 : i32
      %cond3A_922 = arith.cmpi ne, %convert_element_type3A_920, %cond3A_921 : i32
      scf.if %cond3A_922 {
        %add3A_928 = arith.constant 2 : i32
        %add3A_929 = arith.addi %add3A_817, %add3A_928 : i32
        %dma_wait3A_930 = arith.constant 0 : i32
        %dma_wait3A_931 = arith.constant 0 : i32
        %dma_wait3A_932 = arith.constant 0 : i32
        %dma_wait3A_933 = tpu.memref_slice %arg3[%dma_wait3A_930, %add3A, %add3A_929, %dma_wait3A_931, %dma_wait3A_932] : memref<2x32x64x4x128xi32, #tpu.memory_space<hbm>> -> memref<1x1x1x4x128xi32, #tpu.memory_space<hbm>>
        %dma_wait3A_934 = tpu.memref_squeeze %dma_wait3A_933 : memref<1x1x1x4x128xi32, #tpu.memory_space<hbm>> -> memref<4x128xi32, #tpu.memory_space<hbm>>
        %dma_wait3A_935 = arith.constant 0 : i32
        %dma_wait3A_936 = arith.constant 0 : i32
        %dma_wait3A_937 = tpu.memref_slice %arg3[%dma_wait3A_930, %add3A, %add3A_929, %dma_wait3A_935, %dma_wait3A_936] : memref<2x32x64x4x128xi32, #tpu.memory_space<hbm>> -> memref<1x1x1x4x128xi32, #tpu.memory_space<hbm>>
        %dma_wait3A_938 = tpu.memref_squeeze %dma_wait3A_937 : memref<1x1x1x4x128xi32, #tpu.memory_space<hbm>> -> memref<4x128xi32, #tpu.memory_space<hbm>>
        tpu.wait_dma2 semaphore(%arg22 : memref<!tpu.dma_semaphore, #tpu.memory_space<semaphore_mem>>) src(%dma_wait3A_938 : memref<4x128xi32, #tpu.memory_space<hbm>>) dst(%arg6 : memref<4x128xi32, #tpu.memory_space<vmem>>)
        %dma_wait3A_939 = arith.constant 1 : i32
        %dma_wait3A_940 = arith.constant 0 : i32
        %dma_wait3A_941 = arith.constant 0 : i32
        %dma_wait3A_942 = tpu.memref_slice %arg3[%dma_wait3A_939, %add3A, %add3A_929, %dma_wait3A_940, %dma_wait3A_941] : memref<2x32x64x4x128xi32, #tpu.memory_space<hbm>> -> memref<1x1x1x4x128xi32, #tpu.memory_space<hbm>>
        %dma_wait3A_943 = tpu.memref_squeeze %dma_wait3A_942 : memref<1x1x1x4x128xi32, #tpu.memory_space<hbm>> -> memref<4x128xi32, #tpu.memory_space<hbm>>
        %dma_wait3A_944 = arith.constant 0 : i32
        %dma_wait3A_945 = arith.constant 0 : i32
        %dma_wait3A_946 = tpu.memref_slice %arg3[%dma_wait3A_939, %add3A, %add3A_929, %dma_wait3A_944, %dma_wait3A_945] : memref<2x32x64x4x128xi32, #tpu.memory_space<hbm>> -> memref<1x1x1x4x128xi32, #tpu.memory_space<hbm>>
        %dma_wait3A_947 = tpu.memref_squeeze %dma_wait3A_946 : memref<1x1x1x4x128xi32, #tpu.memory_space<hbm>> -> memref<4x128xi32, #tpu.memory_space<hbm>>
        tpu.wait_dma2 semaphore(%arg22 : memref<!tpu.dma_semaphore, #tpu.memory_space<semaphore_mem>>) src(%dma_wait3A_947 : memref<4x128xi32, #tpu.memory_space<hbm>>) dst(%arg10 : memref<4x128xi32, #tpu.memory_space<vmem>>)
        %dma_start3A_948 = arith.constant 0 : i32
        %dma_start3A_949 = arith.constant 0 : i32
        %dma_start3A_950 = arith.constant 0 : i32
        %dma_start3A_951 = tpu.memref_slice %arg14[%dma_start3A_949, %dma_start3A_950] : memref<512x32xf32, #tpu.memory_space<vmem>> -> memref<128x32xf32, #tpu.memory_space<vmem>>
        %dma_start3A_952 = arith.constant 0 : i32
        %dma_start3A_953 = tpu.memref_slice %arg6[%dma_start3A_948, %dma_start3A_952] : memref<4x128xi32, #tpu.memory_space<vmem>> -> memref<1x128xi32, #tpu.memory_space<vmem>>
        %dma_start3A_954 = tpu.memref_squeeze %dma_start3A_953 : memref<1x128xi32, #tpu.memory_space<vmem>> -> memref<128xi32, #tpu.memory_space<vmem>>
        %dma_start3A_955 = arith.constant 0 : i32
        %dma_start3A_956 = arith.constant 0 : i32
        %dma_start3A_957 = tpu.memref_slice %arg2[%dma_start3A_955, %dma_start3A_956] : memref<1000000x32xf32, #tpu.memory_space<hbm>> -> memref<1000000x32xf32, #tpu.memory_space<hbm>>
        tpu.enqueue_indirect_dma source(%dma_start3A_957 : memref<1000000x32xf32, #tpu.memory_space<hbm>>) target(%dma_start3A_951 : memref<128x32xf32, #tpu.memory_space<vmem>>) offsets(%dma_start3A_954 : memref<128xi32, #tpu.memory_space<vmem>>) semaphore(%arg20 : memref<!tpu.dma_semaphore, #tpu.memory_space<semaphore_mem>>)
        %dma_start3A_958 = arith.constant 0 : i32
        %dma_start3A_959 = arith.constant 0 : i32
        %dma_start3A_960 = arith.constant 0 : i32
        %dma_start3A_961 = tpu.memref_slice %arg16[%dma_start3A_959, %dma_start3A_960] : memref<512x32xf32, #tpu.memory_space<vmem>> -> memref<128x32xf32, #tpu.memory_space<vmem>>
        %dma_start3A_962 = arith.constant 0 : i32
        %dma_start3A_963 = tpu.memref_slice %arg10[%dma_start3A_958, %dma_start3A_962] : memref<4x128xi32, #tpu.memory_space<vmem>> -> memref<1x128xi32, #tpu.memory_space<vmem>>
        %dma_start3A_964 = tpu.memref_squeeze %dma_start3A_963 : memref<1x128xi32, #tpu.memory_space<vmem>> -> memref<128xi32, #tpu.memory_space<vmem>>
        %dma_start3A_965 = arith.constant 0 : i32
        %dma_start3A_966 = arith.constant 0 : i32
        %dma_start3A_967 = tpu.memref_slice %arg2[%dma_start3A_965, %dma_start3A_966] : memref<1000000x32xf32, #tpu.memory_space<hbm>> -> memref<1000000x32xf32, #tpu.memory_space<hbm>>
        tpu.enqueue_indirect_dma source(%dma_start3A_967 : memref<1000000x32xf32, #tpu.memory_space<hbm>>) target(%dma_start3A_961 : memref<128x32xf32, #tpu.memory_space<vmem>>) offsets(%dma_start3A_964 : memref<128xi32, #tpu.memory_space<vmem>>) semaphore(%arg20 : memref<!tpu.dma_semaphore, #tpu.memory_space<semaphore_mem>>)
        %dma_start3A_968 = arith.constant 1 : i32
        %dma_start3A_969 = arith.constant 128 : i32
        %dma_start3A_970 = arith.constant 0 : i32
        %dma_start3A_971 = tpu.memref_slice %arg14[%dma_start3A_969, %dma_start3A_970] : memref<512x32xf32, #tpu.memory_space<vmem>> -> memref<128x32xf32, #tpu.memory_space<vmem>>
        %dma_start3A_972 = arith.constant 0 : i32
        %dma_start3A_973 = tpu.memref_slice %arg6[%dma_start3A_968, %dma_start3A_972] : memref<4x128xi32, #tpu.memory_space<vmem>> -> memref<1x128xi32, #tpu.memory_space<vmem>>
        %dma_start3A_974 = tpu.memref_squeeze %dma_start3A_973 : memref<1x128xi32, #tpu.memory_space<vmem>> -> memref<128xi32, #tpu.memory_space<vmem>>
        %dma_start3A_975 = arith.constant 0 : i32
        %dma_start3A_976 = arith.constant 0 : i32
        %dma_start3A_977 = tpu.memref_slice %arg2[%dma_start3A_975, %dma_start3A_976] : memref<1000000x32xf32, #tpu.memory_space<hbm>> -> memref<1000000x32xf32, #tpu.memory_space<hbm>>
        tpu.enqueue_indirect_dma source(%dma_start3A_977 : memref<1000000x32xf32, #tpu.memory_space<hbm>>) target(%dma_start3A_971 : memref<128x32xf32, #tpu.memory_space<vmem>>) offsets(%dma_start3A_974 : memref<128xi32, #tpu.memory_space<vmem>>) semaphore(%arg20 : memref<!tpu.dma_semaphore, #tpu.memory_space<semaphore_mem>>)
        %dma_start3A_978 = arith.constant 1 : i32
        %dma_start3A_979 = arith.constant 128 : i32
        %dma_start3A_980 = arith.constant 0 : i32
        %dma_start3A_981 = tpu.memref_slice %arg16[%dma_start3A_979, %dma_start3A_980] : memref<512x32xf32, #tpu.memory_space<vmem>> -> memref<128x32xf32, #tpu.memory_space<vmem>>
        %dma_start3A_982 = arith.constant 0 : i32
        %dma_start3A_983 = tpu.memref_slice %arg10[%dma_start3A_978, %dma_start3A_982] : memref<4x128xi32, #tpu.memory_space<vmem>> -> memref<1x128xi32, #tpu.memory_space<vmem>>
        %dma_start3A_984 = tpu.memref_squeeze %dma_start3A_983 : memref<1x128xi32, #tpu.memory_space<vmem>> -> memref<128xi32, #tpu.memory_space<vmem>>
        %dma_start3A_985 = arith.constant 0 : i32
        %dma_start3A_986 = arith.constant 0 : i32
        %dma_start3A_987 = tpu.memref_slice %arg2[%dma_start3A_985, %dma_start3A_986] : memref<1000000x32xf32, #tpu.memory_space<hbm>> -> memref<1000000x32xf32, #tpu.memory_space<hbm>>
        tpu.enqueue_indirect_dma source(%dma_start3A_987 : memref<1000000x32xf32, #tpu.memory_space<hbm>>) target(%dma_start3A_981 : memref<128x32xf32, #tpu.memory_space<vmem>>) offsets(%dma_start3A_984 : memref<128xi32, #tpu.memory_space<vmem>>) semaphore(%arg20 : memref<!tpu.dma_semaphore, #tpu.memory_space<semaphore_mem>>)
        %dma_start3A_988 = arith.constant 2 : i32
        %dma_start3A_989 = arith.constant 256 : i32
        %dma_start3A_990 = arith.constant 0 : i32
        %dma_start3A_991 = tpu.memref_slice %arg14[%dma_start3A_989, %dma_start3A_990] : memref<512x32xf32, #tpu.memory_space<vmem>> -> memref<128x32xf32, #tpu.memory_space<vmem>>
        %dma_start3A_992 = arith.constant 0 : i32
        %dma_start3A_993 = tpu.memref_slice %arg6[%dma_start3A_988, %dma_start3A_992] : memref<4x128xi32, #tpu.memory_space<vmem>> -> memref<1x128xi32, #tpu.memory_space<vmem>>
        %dma_start3A_994 = tpu.memref_squeeze %dma_start3A_993 : memref<1x128xi32, #tpu.memory_space<vmem>> -> memref<128xi32, #tpu.memory_space<vmem>>
        %dma_start3A_995 = arith.constant 0 : i32
        %dma_start3A_996 = arith.constant 0 : i32
        %dma_start3A_997 = tpu.memref_slice %arg2[%dma_start3A_995, %dma_start3A_996] : memref<1000000x32xf32, #tpu.memory_space<hbm>> -> memref<1000000x32xf32, #tpu.memory_space<hbm>>
        tpu.enqueue_indirect_dma source(%dma_start3A_997 : memref<1000000x32xf32, #tpu.memory_space<hbm>>) target(%dma_start3A_991 : memref<128x32xf32, #tpu.memory_space<vmem>>) offsets(%dma_start3A_994 : memref<128xi32, #tpu.memory_space<vmem>>) semaphore(%arg20 : memref<!tpu.dma_semaphore, #tpu.memory_space<semaphore_mem>>)
        %dma_start3A_998 = arith.constant 2 : i32
        %dma_start3A_999 = arith.constant 256 : i32
        %dma_start3A_1000 = arith.constant 0 : i32
        %dma_start3A_1001 = tpu.memref_slice %arg16[%dma_start3A_999, %dma_start3A_1000] : memref<512x32xf32, #tpu.memory_space<vmem>> -> memref<128x32xf32, #tpu.memory_space<vmem>>
        %dma_start3A_1002 = arith.constant 0 : i32
        %dma_start3A_1003 = tpu.memref_slice %arg10[%dma_start3A_998, %dma_start3A_1002] : memref<4x128xi32, #tpu.memory_space<vmem>> -> memref<1x128xi32, #tpu.memory_space<vmem>>
        %dma_start3A_1004 = tpu.memref_squeeze %dma_start3A_1003 : memref<1x128xi32, #tpu.memory_space<vmem>> -> memref<128xi32, #tpu.memory_space<vmem>>
        %dma_start3A_1005 = arith.constant 0 : i32
        %dma_start3A_1006 = arith.constant 0 : i32
        %dma_start3A_1007 = tpu.memref_slice %arg2[%dma_start3A_1005, %dma_start3A_1006] : memref<1000000x32xf32, #tpu.memory_space<hbm>> -> memref<1000000x32xf32, #tpu.memory_space<hbm>>
        tpu.enqueue_indirect_dma source(%dma_start3A_1007 : memref<1000000x32xf32, #tpu.memory_space<hbm>>) target(%dma_start3A_1001 : memref<128x32xf32, #tpu.memory_space<vmem>>) offsets(%dma_start3A_1004 : memref<128xi32, #tpu.memory_space<vmem>>) semaphore(%arg20 : memref<!tpu.dma_semaphore, #tpu.memory_space<semaphore_mem>>)
        %dma_start3A_1008 = arith.constant 3 : i32
        %dma_start3A_1009 = arith.constant 384 : i32
        %dma_start3A_1010 = arith.constant 0 : i32
        %dma_start3A_1011 = tpu.memref_slice %arg14[%dma_start3A_1009, %dma_start3A_1010] : memref<512x32xf32, #tpu.memory_space<vmem>> -> memref<128x32xf32, #tpu.memory_space<vmem>>
        %dma_start3A_1012 = arith.constant 0 : i32
        %dma_start3A_1013 = tpu.memref_slice %arg6[%dma_start3A_1008, %dma_start3A_1012] : memref<4x128xi32, #tpu.memory_space<vmem>> -> memref<1x128xi32, #tpu.memory_space<vmem>>
        %dma_start3A_1014 = tpu.memref_squeeze %dma_start3A_1013 : memref<1x128xi32, #tpu.memory_space<vmem>> -> memref<128xi32, #tpu.memory_space<vmem>>
        %dma_start3A_1015 = arith.constant 0 : i32
        %dma_start3A_1016 = arith.constant 0 : i32
        %dma_start3A_1017 = tpu.memref_slice %arg2[%dma_start3A_1015, %dma_start3A_1016] : memref<1000000x32xf32, #tpu.memory_space<hbm>> -> memref<1000000x32xf32, #tpu.memory_space<hbm>>
        tpu.enqueue_indirect_dma source(%dma_start3A_1017 : memref<1000000x32xf32, #tpu.memory_space<hbm>>) target(%dma_start3A_1011 : memref<128x32xf32, #tpu.memory_space<vmem>>) offsets(%dma_start3A_1014 : memref<128xi32, #tpu.memory_space<vmem>>) semaphore(%arg20 : memref<!tpu.dma_semaphore, #tpu.memory_space<semaphore_mem>>)
        %dma_start3A_1018 = arith.constant 3 : i32
        %dma_start3A_1019 = arith.constant 384 : i32
        %dma_start3A_1020 = arith.constant 0 : i32
        %dma_start3A_1021 = tpu.memref_slice %arg16[%dma_start3A_1019, %dma_start3A_1020] : memref<512x32xf32, #tpu.memory_space<vmem>> -> memref<128x32xf32, #tpu.memory_space<vmem>>
        %dma_start3A_1022 = arith.constant 0 : i32
        %dma_start3A_1023 = tpu.memref_slice %arg10[%dma_start3A_1018, %dma_start3A_1022] : memref<4x128xi32, #tpu.memory_space<vmem>> -> memref<1x128xi32, #tpu.memory_space<vmem>>
        %dma_start3A_1024 = tpu.memref_squeeze %dma_start3A_1023 : memref<1x128xi32, #tpu.memory_space<vmem>> -> memref<128xi32, #tpu.memory_space<vmem>>
        %dma_start3A_1025 = arith.constant 0 : i32
        %dma_start3A_1026 = arith.constant 0 : i32
        %dma_start3A_1027 = tpu.memref_slice %arg2[%dma_start3A_1025, %dma_start3A_1026] : memref<1000000x32xf32, #tpu.memory_space<hbm>> -> memref<1000000x32xf32, #tpu.memory_space<hbm>>
        tpu.enqueue_indirect_dma source(%dma_start3A_1027 : memref<1000000x32xf32, #tpu.memory_space<hbm>>) target(%dma_start3A_1021 : memref<128x32xf32, #tpu.memory_space<vmem>>) offsets(%dma_start3A_1024 : memref<128xi32, #tpu.memory_space<vmem>>) semaphore(%arg20 : memref<!tpu.dma_semaphore, #tpu.memory_space<semaphore_mem>>)
      } else {
      }
      %lt3A_923 = arith.constant 15 : i32
      %lt3A_924 = arith.cmpi slt, %scan3A_298, %lt3A_923 : i32
      %convert_element_type3A_925 = arith.extui %lt3A_924 : i1 to i32
      %cond3A_926 = arith.constant 0 : i32
      %cond3A_927 = arith.cmpi ne, %convert_element_type3A_925, %cond3A_926 : i32
      scf.if %cond3A_927 {
        %add3A_928 = arith.constant 4 : i32
        %add3A_929 = arith.addi %add3A_817, %add3A_928 : i32
        %dma_start3A_930 = arith.constant 0 : i32
        %dma_start3A_931 = arith.constant 0 : i32
        %dma_start3A_932 = arith.constant 0 : i32
        %dma_start3A_933 = tpu.memref_slice %arg3[%dma_start3A_930, %add3A, %add3A_929, %dma_start3A_931, %dma_start3A_932] : memref<2x32x64x4x128xi32, #tpu.memory_space<hbm>> -> memref<1x1x1x4x128xi32, #tpu.memory_space<hbm>>
        %dma_start3A_934 = tpu.memref_squeeze %dma_start3A_933 : memref<1x1x1x4x128xi32, #tpu.memory_space<hbm>> -> memref<4x128xi32, #tpu.memory_space<hbm>>
        %dma_start3A_935 = arith.constant 0 : i32
        %dma_start3A_936 = arith.constant 0 : i32
        %dma_start3A_937 = tpu.memref_slice %arg3[%dma_start3A_930, %add3A, %add3A_929, %dma_start3A_935, %dma_start3A_936] : memref<2x32x64x4x128xi32, #tpu.memory_space<hbm>> -> memref<1x1x1x4x128xi32, #tpu.memory_space<hbm>>
        %dma_start3A_938 = tpu.memref_squeeze %dma_start3A_937 : memref<1x1x1x4x128xi32, #tpu.memory_space<hbm>> -> memref<4x128xi32, #tpu.memory_space<hbm>>
        tpu.enqueue_dma source(%dma_start3A_938 : memref<4x128xi32, #tpu.memory_space<hbm>>) target(%arg8 : memref<4x128xi32, #tpu.memory_space<vmem>>) target_semaphore(%arg24 : memref<!tpu.dma_semaphore, #tpu.memory_space<semaphore_mem>>)
        %dma_start3A_939 = arith.constant 1 : i32
        %dma_start3A_940 = arith.constant 0 : i32
        %dma_start3A_941 = arith.constant 0 : i32
        %dma_start3A_942 = tpu.memref_slice %arg3[%dma_start3A_939, %add3A, %add3A_929, %dma_start3A_940, %dma_start3A_941] : memref<2x32x64x4x128xi32, #tpu.memory_space<hbm>> -> memref<1x1x1x4x128xi32, #tpu.memory_space<hbm>>
        %dma_start3A_943 = tpu.memref_squeeze %dma_start3A_942 : memref<1x1x1x4x128xi32, #tpu.memory_space<hbm>> -> memref<4x128xi32, #tpu.memory_space<hbm>>
        %dma_start3A_944 = arith.constant 0 : i32
        %dma_start3A_945 = arith.constant 0 : i32
        %dma_start3A_946 = tpu.memref_slice %arg3[%dma_start3A_939, %add3A, %add3A_929, %dma_start3A_944, %dma_start3A_945] : memref<2x32x64x4x128xi32, #tpu.memory_space<hbm>> -> memref<1x1x1x4x128xi32, #tpu.memory_space<hbm>>
        %dma_start3A_947 = tpu.memref_squeeze %dma_start3A_946 : memref<1x1x1x4x128xi32, #tpu.memory_space<hbm>> -> memref<4x128xi32, #tpu.memory_space<hbm>>
        tpu.enqueue_dma source(%dma_start3A_947 : memref<4x128xi32, #tpu.memory_space<hbm>>) target(%arg12 : memref<4x128xi32, #tpu.memory_space<vmem>>) target_semaphore(%arg24 : memref<!tpu.dma_semaphore, #tpu.memory_space<semaphore_mem>>)
      } else {
      }
    }
    %scan3A_283 = arith.constant 16 : i32
    %dma_wait3A_284 = arith.constant 62 : i32
    %dma_wait3A_285 = arith.constant 0 : i32
    %dma_wait3A_286 = tpu.memref_slice %arg4[%add3A, %dma_wait3A_284, %dma_wait3A_285] : memref<32x64x512xf32, #tpu.memory_space<hbm>> -> memref<1x1x512xf32, #tpu.memory_space<hbm>>
    %dma_wait3A_287 = tpu.memref_squeeze %dma_wait3A_286 : memref<1x1x512xf32, #tpu.memory_space<hbm>> -> memref<512xf32, #tpu.memory_space<hbm>>
    %dma_wait3A_288 = arith.constant 0 : i32
    %dma_wait3A_289 = tpu.memref_slice %arg4[%add3A, %dma_wait3A_284, %dma_wait3A_288] : memref<32x64x512xf32, #tpu.memory_space<hbm>> -> memref<1x1x512xf32, #tpu.memory_space<hbm>>
    %dma_wait3A_290 = tpu.memref_squeeze %dma_wait3A_289 : memref<1x1x512xf32, #tpu.memory_space<hbm>> -> memref<512xf32, #tpu.memory_space<hbm>>
    tpu.wait_dma2 semaphore(%arg25 : memref<!tpu.dma_semaphore, #tpu.memory_space<semaphore_mem>>) src(%arg17 : memref<512xf32, #tpu.memory_space<vmem>>) dst(%dma_wait3A_290 : memref<512xf32, #tpu.memory_space<hbm>>)
    %dma_wait3A_291 = arith.constant 63 : i32
    %dma_wait3A_292 = arith.constant 0 : i32
    %dma_wait3A_293 = tpu.memref_slice %arg4[%add3A, %dma_wait3A_291, %dma_wait3A_292] : memref<32x64x512xf32, #tpu.memory_space<hbm>> -> memref<1x1x512xf32, #tpu.memory_space<hbm>>
    %dma_wait3A_294 = tpu.memref_squeeze %dma_wait3A_293 : memref<1x1x512xf32, #tpu.memory_space<hbm>> -> memref<512xf32, #tpu.memory_space<hbm>>
    %dma_wait3A_295 = arith.constant 0 : i32
    %dma_wait3A_296 = tpu.memref_slice %arg4[%add3A, %dma_wait3A_291, %dma_wait3A_295] : memref<32x64x512xf32, #tpu.memory_space<hbm>> -> memref<1x1x512xf32, #tpu.memory_space<hbm>>
    %dma_wait3A_297 = tpu.memref_squeeze %dma_wait3A_296 : memref<1x1x512xf32, #tpu.memory_space<hbm>> -> memref<512xf32, #tpu.memory_space<hbm>>
    tpu.wait_dma2 semaphore(%arg26 : memref<!tpu.dma_semaphore, #tpu.memory_space<semaphore_mem>>) src(%arg18 : memref<512xf32, #tpu.memory_space<vmem>>) dst(%dma_wait3A_297 : memref<512xf32, #tpu.memory_space<hbm>>)
    return
  }
}

</mosaic_0001>

<sc_bundles>
// kernel: kernel.3.cloned.1.call-start
scs
__scs_entry_jumppad:
0x0: {  	(pc) =	sbr.rel $0x88, $3  }
0x1: {  	(tag) =	ssettag $0x0;
	lr =	simm.s32 $0x1  }
0x2: {  	[smem:$0x3F9F] =	sst lr;
	_ =	strace $0xD0000000  }
0x3: {  	_ = 	snop  }
0x4: {  	_ = 	snop  }
0x5: {  	_ = 	snop  }
0x6: {  	_ = 	snop  }
0x7: {  	_ = 	snop  }
__scs_overlays_trampoline_lowered:
0x8: {  	[smem:$0x3FAE] =	sst s0  }
0x9: {  	[smem:$0x3FAF] =	sst s1  }
0xa: {  	[smem:$0x3FB0] =	sst s2  }
0xb: {  	[smem:$0x3FB1] =	sst s3  }
0xc: {  	[smem:$0x3FB2] =	sst s4  }
0xd: {  	[smem:$0x3FB3] =	sst s5  }
0xe: {  	[smem:$0x3FB4] =	sst s6  }
0xf: {  	[smem:$0x3FB5] =	sst s7  }
0x10: {  	[smem:$0x3FB6] =	sst s8  }
0x11: {  	[smem:$0x3FB7] =	sst s9;
	s0 =	simm.s32 @!p0 $0x0  }
0x12: {  	s1 =	sld [smem:$0x3F9D];
	s0 =	simm.s32 @p0 $0x1  }
0x13: {  	[smem:$0x3FB8] =	sst s0;
	s0 =	simm.s32 @!p1 $0x0  }
0x14: {  	s2 =	sld [smem:$0x3F9C];
	s0 =	simm.s32 @p1 $0x1  }
0x15: {  	[smem:$0x3FB9] =	sst s0;
	s0 =	simm.s32 @!p2 $0x0  }
0x16: {  	s3 =	sld [smem:$0x3FDB];
	s0 =	simm.s32 @p2 $0x1  }
0x17: {  	s4 =	simm.s32 $0x1BF5;
	[smem:$0x3FBB] =	sst s0  }
0x18: {  	s0 =	sld [smem:$0x3F9E];
	_ =	swait.ge [sflag:s4], $0x0  }
0x19: {  	s7 =	sld [smem:$0x3F9F]  }
0x1a: {  	s8 =	sadd.s32 $0xFFFFE003, lr  }
0x1b: {  	s9 =	sadd.s32 $0xFFFFFEF7, lr;
	s5 =	simm.s32 $0xFFFFFFFF;
	p2 =	slt.u32 s8, $0xFFFFF086  }
0x1c: {  	p1 =	slt.u32 s9, $0xF7A;
	s5 =	simm.s32 @!p2 $0x0  }
0x1d: {  	s5 =	simm.s32 @p1 $0x1;
	p0 =	seq.s32 s7, s2  }
0x1e: {  	s7 =	smul.u32 @!p0 $0xF7A, s2;
	p2 =	seq.s32 @!p0 s5, $0x0  }
0x1f: {  	s9 =	smul.u32 $0xF7A, s1;
	s8 =	simm.s32 @!p0 $0x1BF5;
	p2 =	por !p2, p0  }
0x20: {  	[sflag:s8] =	ssyncset.s32 @!p0 $0xFFFFF086;
	s6 =	sadd.s32 @!p0 s3, s7;
	s7 =	simm.s32 @!p0 $0x108  }
0x21: {  	s3 =	sadd.s32 s3, s9;
	s6 =	sadd.s32 @!p0 $0x88, s6;
	s7 =	simm.s32 @p2 $0x1082  }
0x22: {  	[simem:s7], [sflag:s8] =	dma.local @!p0 [hbm:s6], $0xF7A  }
0x23: {  	s9 =	sor.u32 $0xD0000000, s2;
	s6 =	simm.s32 $0x108;
	_ =	swait.ge @!p0 [sflag:s8], $0x0  }
0x24: {  	s3 =	sadd.s32 $0x88, s3;
	s6 =	simm.s32 @!p1 $0x1082;
	[sflag:s4] =	ssyncset.s32 $0xFFFFF086  }
0x25: {  	[simem:s6], [sflag:s4] =	dma.local [hbm:s3], $0xF7A  }
0x26: {  	[smem:$0x3F9F] =	sst s1;
	(tag) =	ssettag s2;
	_ =	strace s9  }
0x27: {  	s1 =	sld [smem:$0x3FAF]  }
0x28: {  	s2 =	sld [smem:$0x3FB0]  }
0x29: {  	s4 =	sld [smem:$0x3FB2]  }
0x2a: {  	p0 =	seq.s32 s5, $0x0;
	s5 =	sld [smem:$0x3FB3]  }
0x2b: {  	s6 =	sld [smem:$0x3FB4]  }
0x2c: {  	s7 =	sld [smem:$0x3FB5]  }
0x2d: {  	s3 =	simm.s32 $0x108;
	s8 =	sld [smem:$0x3FB6]  }
0x2e: {  	s3 =	simm.s32 @!p0 $0x1082;
	s9 =	sld [smem:$0x3FB7]  }
0x2f: {  	lr =	sadd.s32 s0, s3;
	s0 =	sld [smem:$0x3FAE]  }
0x30: {  	s3 =	sld [smem:$0x3FB1]  }
0x31: {  	[smem:$0x3FBA] =	sst s10  }
0x32: {  	s10 =	sld [smem:$0x3FB8];
	_ =	sdelay $0x3  }
0x33: {  	p0 =	seq.s32 s10, $0x1;
	s10 =	sld [smem:$0x3FBA];
	_ =	sdelay $0x3  }
0x34: {  	[smem:$0x3FBA] =	sst s10  }
0x35: {  	s10 =	sld [smem:$0x3FB9];
	_ =	sdelay $0x3  }
0x36: {  	p1 =	seq.s32 s10, $0x1;
	s10 =	sld [smem:$0x3FBA];
	_ =	sdelay $0x3  }
0x37: {  	[smem:$0x3FBA] =	sst s10  }
0x38: {  	s10 =	sld [smem:$0x3FBB]  }
0x39: {  	_ = 	snop;
	(pc) =	sbr.ind lr, $3  }
0x3a: {  	_ = 	snop  }
0x3b: {  	_ = 	snop  }
0x3c: {  	p2 =	seq.s32 s10, $0x1;
	s10 =	sld [smem:$0x3FBA]  }
0x3d: {  	_ =	shalt  }
0x3e: {  	_ =	shalt  }
0x3f: {  	_ =	shalt  }
0x40: {  	_ =	shalt  }
0x41: {  	_ =	shalt  }
0x42: {  	_ =	shalt  }
0x43: {  	_ =	shalt  }
0x44: {  	_ =	shalt  }
0x45: {  	_ =	shalt  }
0x46: {  	_ =	shalt  }
0x47: {  	_ =	shalt  }
0x48: {  	_ =	shalt  }
0x49: {  	_ =	shalt  }
0x4a: {  	_ =	shalt  }
0x4b: {  	_ =	shalt  }
0x4c: {  	_ =	shalt  }
0x4d: {  	_ =	shalt  }
0x4e: {  	_ =	shalt  }
0x4f: {  	_ =	shalt  }
0x50: {  	_ =	shalt  }
0x51: {  	_ =	shalt  }
0x52: {  	_ =	shalt  }
0x53: {  	_ =	shalt  }
0x54: {  	_ =	shalt  }
0x55: {  	_ =	shalt  }
0x56: {  	_ =	shalt  }
0x57: {  	_ =	shalt  }
0x58: {  	_ =	shalt  }
0x59: {  	_ =	shalt  }
0x5a: {  	_ =	shalt  }
0x5b: {  	_ =	shalt  }
0x5c: {  	_ =	shalt  }
0x5d: {  	_ =	shalt  }
0x5e: {  	_ =	shalt  }
0x5f: {  	_ =	shalt  }
0x60: {  	_ =	shalt  }
0x61: {  	_ =	shalt  }
0x62: {  	_ =	shalt  }
0x63: {  	_ =	shalt  }
0x64: {  	_ =	shalt  }
0x65: {  	_ =	shalt  }
0x66: {  	_ =	shalt  }
0x67: {  	_ =	shalt  }
0x68: {  	_ =	shalt  }
0x69: {  	_ =	shalt  }
0x6a: {  	_ =	shalt  }
0x6b: {  	_ =	shalt  }
0x6c: {  	_ =	shalt  }
0x6d: {  	_ =	shalt  }
0x6e: {  	_ =	shalt  }
0x6f: {  	_ =	shalt  }
0x70: {  	_ =	shalt  }
0x71: {  	_ =	shalt  }
0x72: {  	_ =	shalt  }
0x73: {  	_ =	shalt  }
0x74: {  	_ =	shalt  }
0x75: {  	_ =	shalt  }
0x76: {  	_ =	shalt  }
0x77: {  	_ =	shalt  }
0x78: {  	_ =	shalt  }
0x79: {  	_ =	shalt  }
0x7a: {  	_ =	shalt  }
0x7b: {  	_ =	shalt  }
0x7c: {  	_ =	shalt  }
0x7d: {  	_ =	shalt  }
0x7e: {  	_ =	shalt  }
0x7f: {  	_ =	shalt  }
0x80: {  	_ =	shalt  }
0x81: {  	_ =	shalt  }
0x82: {  	_ =	shalt  }
0x83: {  	_ =	shalt  }
0x84: {  	_ =	shalt  }
0x85: {  	_ =	shalt  }
0x86: {  	_ =	shalt  }
0x87: {  	_ =	shalt  }
.Lfunc_end0:
.L_simem_size_0:
called_computation_lowered:
.L_overlay_start_0:
0x88: {  	s2 =	sld [smem:$0x3FD9]  }
0x89: {  	s3 =	sld [smem:$0x3FFE];
	_ =	sdelay $0x1  }
0x8a: {  	s1 =	srdreg.scid  }
0x8b: {  	s0 =	sand.u32 $0x1, s1  }
0x8c: {  	s17 =	sshll.u32 s0, $0xA;
	s2 =	sadd.s32 s3, s2  }
0x8d: {  	s2 =	sadd.s32 s2, s17  }
0x8e: {  	[smem:$0x3FC6] =	sst s2  }
0x8f: {  	_ = 	snop  }
0x90: {  	s2 =	sld [smem:$0x3FD0];
	(tm) =	ssettm $0x1  }
0x91: {  	s18 =	sld [smem:$0x3FFB];
	_ =	sdelay $0x3  }
0x92: {  	_ =	strace s18  }
0x93: {  	s3 =	sld [smem:$0x3FFC];
	_ =	sdelay $0x3  }
0x94: {  	_ =	strace s3  }
0x95: {  	s3 =	sld [smem:$0x3FFD];
	_ =	sdelay $0x3  }
0x96: {  	_ =	strace s3  }
0x97: {  	_ =	strace $0x8FFFFFFF  }
0x98: {  	s19 =	sld [smem:$0x3FDB];
	_ =	sdelay $0x1  }
0x99: {  	s4 =	simm.s32 $_scs_section_size  }
0x9a: {  	s5 =	simm.s32 $_size__tile_overlayer_lowered;
	s6 =	simm.s32 $_tile_overlayer_lowered  }
0x9b: {  	s22 =	simm.s32 $0x1BFF;
	s21 =	sshll.u32 s6, $0x1;
	s3 =	sadd.s32 s4, s19  }
0x9c: {  	s7 =	simm.s32 $0x0;
	s20 =	sshll.u32 s5, $0x1;
	s5 =	sadd.s32 s21, s3  }
0x9d: {  	[timem:s7], [sflag:s22] =	dma.local [hbm:s5], s20  }
0x9e: {  	_ =	swait.ge [sflag:s22], s20  }
0x9f: {  	s4 =	ssub.s32 $0x0, s20;
	[sflag:s22] =	ssyncset.done $0x0  }
0xa0: {  	[sflag:s22] =	ssyncadd.s32 s4;
	_ =	sdelay $0x1  }
0xa1: {  	s23 =	simm.s32 $0x1B8B  }
0xa2: {  	_ =	swait.ge [sflag:s23], $0x1  }
0xa3: {  	[sflag:s23] =	ssyncset.done $0x0  }
0xa4: {  	s25 =	simm.s32 $0x1B8E;
	s24 =	sld [smem:$0x3FFE];
	[sflag:s23] =	ssyncadd.s32 $0xFFFFFFFF  }
0xa5: {  	s26 =	simm.s32 $execute0_lowered;
	[smem:$0x3FD2] =	sst s25  }
0xa6: {  	s5 =	sshll.u32 s26, $0x1;
	_ =	strace $0x80000046;
	[dreg:$0x1] =	wrdreg $0xFFFFFFFF  }
0xa7: {  	s28 =	simm.s32 $_size_execute0_lowered;
	s3 =	sadd.s32 s3, s5;
	[dreg:$0x0] =	wrdreg $0x0  }
0xa8: {  	s5 =	sshll.u32 s28, $0x1;
	[dreg:$0x2] =	wrdreg s3  }
0xa9: {  	[dreg:$0x3] =	wrdreg s5  }
0xaa: {  	[dreg:$0x4] =	wrdreg $0xC0  }
0xab: {  	_ =	task [dreg:s7], $0x5FFFF  }
0xac: {  	[dreg:$0x1] =	wrdreg $0xFFFFFFFF  }
0xad: {  	[dreg:$0x0] =	wrdreg $0x60  }
0xae: {  	[dreg:$0x2] =	wrdreg s24  }
0xaf: {  	[dreg:$0x3] =	wrdreg s2  }
0xb0: {  	[dreg:$0x4] =	wrdreg $0x9  }
0xb1: {  	_ =	task.clear_ibuf [dreg:s7], $0x5FFFF;
	_ =	strace $0x90000046  }
0xb2: {  	s29 =	simm.s32 $0x9;
	_ =	strace $0x80000048  }
0xb3: {  	_ =	swait.ge [sflag:s29], $0x1  }
0xb4: {  	[sflag:s29] =	ssyncadd.s32 $0xFFFFFFFF  }
0xb5: {  	_ =	strace $0x90000048  }
0xb6: {  	_ =	sfence  }
0xb7: {  	s30 =	sld [smem:$0x0];
	_ =	sdelay $0x2  }
0xb8: {  	s31 =	sshll.u32 s1, $0xD;
	s1 =	sshrl.u32 s1, $0x2  }
0xb9: {  	s3 =	sand.u32 $0x4000, s31;
	s1 =	sadd.s32 s1, s30  }
0xba: {  	s0 =	sor.u32 s3, s0;
	s1 =	sshll.u32 s1, $0x11  }
0xbb: {  	s0 =	sor.u32 s1, s0  }
0xbc: {  	s0 =	sadd.s32 $0x8F2B, s0  }
0xbd: {  	[sflag:s0] =	ssyncadd.remote.s32 $0x1  }
0xbe: {  	_ =	sfence.sel $0xFFFF  }
0xbf: {  	[dreg:$0x0] =	wrdreg $0xFFFFFFFF;
	(pc) =	sbr.abs _section_cstart, $3  }
0xc0: {  	[dreg:$0x1] =	wrdreg $0xFFFFFFFF  }
0xc1: {  	_ =	task.clear_ibuf [dreg:s7], $0x2FFFF;
	_ =	strace $0x9FFFFFFF  }
0xc2: {  	(tm) =	ssettm $0x7FFFFFFF  }
0xc3: {  	_ =	shalt  }
tec
execute0_lowered:
.L_overlay_start_1:
0x0: {  	(tag) =	ssettag $0x1  }
0x1: {  	v0 =	vlaneseq.u32;
	v14 =	vimm.s32 $0x14131211;
	v15 =	vimm.s32 $0x18171615  }
0x2: {  	vm0 =	vcmask $0x1F10;
	v17 =	vimm.s32 $0x1C1B1A19;
	v18 =	vimm.s32 $0x1F1E1D  }
0x3: {  	v19 =	vimm.s32 $0x1D1C1B1A;
	v29 =	vimm.s32 $0x3020100;
	v33 =	vimm.s32 $0x17161514  }
0x4: {  	v34 =	vimm.s32 $0x1B1A1918;
	v35 =	vimm.s32 $0x4030201;
	v36 =	vimm.s32 $0x5040302  }
0x5: {  	v53 =	vimm.s32 $0x6050403;
	v54 =	vimm.s32 $0x87654321;
	v55 =	vimm.s32 $0x98765432  }
0x6: {  	v60 =	vimm.s32 $0xA9876543;
	vm15 =	vcmask $0x2F10;
	v61 =	vimm.s32 $0x54329876  }
0x7: {  	v62 =	vimm.s32 $0x6543A987;
	v63 =	vimm.s32 $0xB0A0908;
	vm1 =	vcmask $0x3F30  }
0x8: {  	v1 =	vmul.u32 $0x20, v0;
	v2 =	vadd.s32 $0x1, v0;
	v3 =	vadd.s32 $0x2, v0  }
0x9: {  	v4 =	vadd.s32 $0x3, v0;
	v5 =	vadd.s32 $0x4, v0;
	v6 =	vadd.s32 $0x5, v0  }
0xa: {  	v7 =	vadd.s32 $0x6, v0;
	v8 =	vadd.s32 $0x7, v0;
	v9 =	vadd.s32 $0x8, v0  }
0xb: {  	v10 =	vadd.s32 $0x9, v0;
	v11 =	vadd.s32 $0xA, v0;
	v12 =	vadd.s32 $0xB, v0  }
0xc: {  	v13 =	vadd.s32 $0xC, v0;
	v16 =	vunpack.c.0.s8.s32 v14;
	v20 =	vunpack.c.0.s8.s32 v15  }
0xd: {  	v14 =	vadd.s32 $0xD, v0;
	v15 =	vadd.s32 $0xE, v0;
	v21 =	vunpack.c.0.s8.s32 v17  }
0xe: {  	v28 =	vunpack.c.0.s8.s32 v18;
	v17 =	vimm.s32 $0x15141312;
	v18 =	vimm.s32 $0x19181716  }
0xf: {  	v23 =	vunpack.c.0.s8.s32 v19;
	v19 =	vimm.s32 $0x1A191817;
	v33 =	vunpack.c.0.s8.s32 v33  }
0x10: {  	v34 =	vunpack.c.0.s8.s32 v34;
	v35 =	vunpack.c.0.s8.s32 v35;
	v52 =	vunpack.c.0.s8.s32 v36  }
0x11: {  	v36 =	vunpack.c.0.s8.s32 v53;
	v56 =	vunpack.c.l.s4.s8 v55;
	v17 =	vunpack.c.0.s8.s32 v17  }
0x12: {  	v22 =	vunpack.c.0.s8.s32 v18;
	v18 =	vimm.s32 $0x1001F1E;
	v24 =	vunpack.c.0.s8.s32 v19  }
0x13: {  	v19 =	vimm.s32 $0x1E1D1C1B;
	v16 =	vsel vm0, v20, v16;
	v27 =	vunpack.c.0.s8.s32 v18  }
0x14: {  	v18 =	vimm.s32 $0x16151413;
	v25 =	vsel vm0, v28, v21;
	v31 =	vunpack.c.0.s8.s32 v19  }
0x15: {  	v19 =	vimm.s32 $0x201001F;
	v33 =	vsel vm0, v34, v33;
	v35 =	vsel vm0, v35, v28  }
0x16: {  	s0 =	rddreg [dreg:$0x0];
	v20 =	vsel vm0, v21, v20;
	v18 =	vunpack.c.0.s8.s32 v18;
	v16 =	vcombine.low v16, v25  }
0x17: {  	s25 =	rddreg [dreg:$0x1];
	s1 =	srdreg.scid;
	v17 =	vsel vm0, v22, v17;
	v30 =	vunpack.c.0.s8.s32 v19;
	v19 =	vunpack.c.0.s8.s32 v29  }
0x18: {  	s2 =	stileid.u32;
	s3 =	simm.s32 $0x0;
	s29 =	simm.s32 $0x80;
	v29 =	vimm.s32 $0x1F1E1D1C;
	v20 =	vcombine.low v20, v35;
	v22 =	vsel vm0, v23, v22  }
0x19: {  	s30 =	simm.s32 $0x1000;
	s31 =	simm.s32 $0x9000;
	s11 =	simm.s32 $0x4;
	v35 =	vunpack.c.l.s4.s8 v61;
	v26 =	vsel vm0, v27, v23;
	v32 =	vunpack.c.0.s8.s32 v29  }
0x1a: {  	s12 =	simm.s32 $0x5000;
	s28 =	simm.s32 $0xE000;
	s8 =	simm.s32 $0x6;
	v21 =	vsel vm0, v52, v27;
	v17 =	vcombine.low v17, v26;
	v18 =	vsel vm0, v24, v18  }
0x1b: {  	s9 =	simm.s32 $0x7;
	s10 =	simm.s32 $0x8;
	s1 =	sand.u32 $0x1, s1;
	v29 =	vsel vm0, v30, v31;
	v21 =	vcombine.low v22, v21;
	v23 =	vsel vm0, v36, v30  }
0x1c: {  	s2 =	sshll.u32 s2, $0x10;
	[smem:$0x7FF] =	sst s3;
	s4 =	sshll.u32 s1, $0xF;
	v22 =	vimm.s32 $0x76543210;
	v24 =	vsel vm0, v31, v24;
	v31 =	vunpack.c.l.s4.s8 v54  }
0x1d: {  	s5 =	sadd.s32 $0x600, s0;
	s7 =	sadd.s32 $0xF42A00, s0;
	s6 =	sor.u32 s4, s2;
	v36 =	vunpack.c.l.s4.s8 v62;
	v35 =	vunpack.c.0.s8.s32 v35;
	v18 =	vcombine.low v18, v29  }
0x1e: {  	_ =	strace $0x80000047;
	s22 =	sor.u32 $0x800, s6;
	[dreg:$0x3] =	wrdreg s6;
	v19 =	vsel vm0, v19, v32;
	v22 =	vunpack.c.l.s4.s8 v22;
	v34 =	vsel vm0, v32, v34  }
0x1f: {  	s1 =	ssub.s32 $0x2, s1;
	s23 =	sor.u32 $0xA00, s6;
	[dreg:$0xc] =	wrdreg s22;
	v23 =	vcombine.low v24, v23;
	v19 =	vcombine.low v33, v19;
	v31 =	vunpack.c.0.s8.s32 v31  }
0x20: {  	s13 =	sshrl.u32 s1, $0x1;
	s24 =	sor.u32 $0xC00, s6;
	[dreg:$0xd] =	wrdreg s23;
	v33 =	vunpack.c.0.s8.s32 v56;
	v36 =	vunpack.c.0.s8.s32 v36;
	v35 =	vand.u32 $0xF, v35  }
0x21: {  	s2 =	sshrl.u32 s6, $0x3;
	s26 =	sor.u32 $0xE00, s6;
	[dreg:$0xe] =	wrdreg s24;
	v57 =	vunpack.c.0.s8.s32 v22;
	v22 =	vimm.s32 $0x32107654;
	v35 =	vsel vm15, v35, v27  }
0x22: {  	s14 =	ssub.s32 s1, s13;
	s2 =	sadd.s32 s5, s2;
	[dreg:$0xf] =	wrdreg s26;
	v58 =	vunpack.c.l.s4.s8 v22;
	v22 =	vadd.s32 $0xF, v0;
	v31 =	vand.u32 $0xF, v31  }
0x23: {  	s4 =	simm.s32 $0x0;
	s0 =	smax.u32 s14, $0x1;
	[dreg:$0x4] =	wrdreg s2;
	v33 =	vand.u32 $0xF, v33;
	v25 =	vcombine.low v25, v31;
	v31 =	vimm.s32 $0x43218765  }
0x24: {  	s13 =	simm.s32 $0xD000;
	s15 =	sadd.s32 $0x20000, s2;
	[dreg:$0x10] =	wrdreg s0;
	v27 =	vand.u32 $0xF, v36;
	v24 =	vcombine.low v34, v57;
	v31 =	vunpack.c.l.s4.s8 v31  }
0x25: {  	s6 =	simm.s32 $0x7000;
	s16 =	sadd.s32 $0x40, s2;
	[dreg:$0x5] =	wrdreg s15;
	v26 =	vcombine.low v26, v33;
	v33 =	vunpack.c.l.s4.s8 v60;
	v59 =	vunpack.c.0.s8.s32 v58  }
0x26: {  	s14 =	simm.s32 $0xF000;
	s17 =	sadd.s32 $0x20040, s2;
	[dreg:$0x6] =	wrdreg s16;
	v36 =	vsel vm15, v27, v30;
	v30 =	vimm.s32 $0xE0D0C0B;
	v31 =	vunpack.c.0.s8.s32 v31  }
0x27: {  	s22 =	simm.s32 $0x10000;
	s18 =	sadd.s32 $0x80, s2;
	[dreg:$0x7] =	wrdreg s17;
	v27 =	vimm.s32 $0xD0C0B0A;
	v39 =	vunpack.c.0.s8.s32 v30;
	v34 =	vand.u32 $0xF, v59  }
.Ltmp0:
0x28: {  	s19 =	sadd.s32 $0x20080, s2;
	[dreg:$0x8] =	wrdreg s18;
	v33 =	vunpack.c.0.s8.s32 v33;
	v32 =	vsel vm15, v34, v32;
	v31 =	vand.u32 $0xF, v31;
	(pc) =	sbr.rel .LBB2_1-.Ltmp0, $4  }
0x29: {  	s23 =	simm.s32 $0x1;
	s20 =	sadd.s32 $0xC0, s2;
	[dreg:$0x9] =	wrdreg s19;
	v34 =	vunpack.c.0.s8.s32 v63;
	v31 =	vsel vm15, v31, v28;
	v28 =	vimm.s32 $0xC0B0A09  }
0x2a: {  	s24 =	simm.s32 $0x11000;
	s21 =	sadd.s32 $0x200C0, s2;
	[dreg:$0xa] =	wrdreg s20;
	v38 =	vunpack.c.0.s8.s32 v27;
	v33 =	vand.u32 $0xF, v33;
	v37 =	vunpack.c.0.s8.s32 v28  }
0x2b: {  	s0 =	simm.s32 $0x5;
	s2 =	simm.s32 $0x2;
	[dreg:$0xb] =	wrdreg s21;
	v27 =	vcombine.low v29, v33;
	v29 =	vsel vm1, v34, v32;
	v32 =	vsel vm1, v39, v36  }
0x2c: {  	s21 =	simm.s32 $0x6000;
	s20 =	simm.s32 $0x8000;
	s19 =	simm.s32 $0x11200;
	v28 =	vor.u32 $0x10, v0;
	v30 =	vsel vm1, v37, v31;
	v31 =	vsel vm1, v38, v35  }
.LBB2_12:
0x2d: {  	_ =	swait.ge [sflag:s9], $0x200  }
0x2e: {  	[sflag:s9] =	ssyncset.done $0x0  }
0x2f: {  	[sflag:s9] =	ssyncadd.s32 $0xFFFFFE00  }
0x30: {  	_ =	swait.ge [sflag:s10], $0x200  }
0x31: {  	s4 =	rddreg [dreg:$0x11]  }
0x32: {  	s1 =	rddreg [dreg:$0x10];
	s4 =	sadd.s32 $0x1, s4  }
0x33: {  	p0 =	sne.s32 s4, s1  }
.Ltmp1:
0x34: {  	_ = 	snop;
	(pc) =	sbr.rel @!p0 .LBB2_13-.Ltmp1, $3  }
0x35: {  	_ =	sdelay $0x1  }
0x36: {  	[sflag:s10] =	ssyncset.done $0x0  }
0x37: {  	s25 =	smov.u32 s26;
	[sflag:s10] =	ssyncadd.s32 $0xFFFFFE00  }
.LBB2_1:
0x38: {  	[dreg:$0x11] =	wrdreg s4  }
0x39: {  	s1 =	rddreg [dreg:$0x4]  }
0x3a: {  	[tilespmem:s3], [sflag:$0x3] =	stream.linear.gather [hbm4b:s1+s3], $0x200, $0x38;
	[tilespmem:$0x11400] =	vst v63  }
0x3b: {  	s16 =	rddreg [dreg:$0x5];
	s4 =	simm.s32 $0x800  }
0x3c: {  	[tilespmem:s4], [sflag:$0x3] =	stream.linear.gather [hbm4b:s16+s3], $0x200, $0x38;
	[tilespmem:$0x11400] =	vst v63  }
0x3d: {  	s17 =	rddreg [dreg:$0x6];
	s15 =	simm.s32 $0x200  }
0x3e: {  	[tilespmem:s15], [sflag:$0x4] =	stream.linear.gather [hbm4b:s17+s3], $0x200, $0x38;
	[tilespmem:$0x11400] =	vst v63  }
0x3f: {  	s18 =	rddreg [dreg:$0x7];
	s16 =	simm.s32 $0xA00  }
0x40: {  	[tilespmem:s16], [sflag:$0x4] =	stream.linear.gather [hbm4b:s18+s3], $0x200, $0x38;
	[tilespmem:$0x11400] =	vst v63  }
0x41: {  	s26 =	rddreg [dreg:$0x8];
	s17 =	simm.s32 $0x400  }
0x42: {  	[tilespmem:s17], [sflag:$0x5] =	stream.linear.gather [hbm4b:s26+s3], $0x200, $0x38;
	[tilespmem:$0x11400] =	vst v63  }
0x43: {  	s18 =	rddreg [dreg:$0x9];
	s26 =	simm.s32 $0xC00  }
0x44: {  	[tilespmem:s26], [sflag:$0x5] =	stream.linear.gather [hbm4b:s18+s3], $0x200, $0x38;
	[tilespmem:$0x11400] =	vst v63  }
0x45: {  	s18 =	rddreg [dreg:$0xa];
	s26 =	simm.s32 $0x600  }
0x46: {  	[tilespmem:s26], [sflag:$0x6] =	stream.linear.gather [hbm4b:s18+s3], $0x200, $0x38;
	[tilespmem:$0x11400] =	vst v63  }
0x47: {  	s17 =	rddreg [dreg:$0xb];
	s18 =	simm.s32 $0xE00;
	s26 =	simm.s32 $0x3  }
0x48: {  	[tilespmem:s18], [sflag:$0x6] =	stream.linear.gather [hbm4b:s17+s3], $0x200, $0x38;
	[tilespmem:$0x11400] =	vst v63  }
0x49: {  	_ =	swait.ge [sflag:s26], $0x200  }
0x4a: {  	[sflag:s26] =	ssyncset.done $0x0  }
0x4b: {  	[sflag:s26] =	ssyncadd.s32 $0xFFFFFE00  }
0x4c: {  	_ =	swait.ge [sflag:s26], $0x200  }
0x4d: {  	[sflag:s26] =	ssyncset.done $0x0  }
0x4e: {  	[sflag:s26] =	ssyncadd.s32 $0xFFFFFE00  }
0x4f: {  	[tilespmem:s30], [sflag:$0x1] =	stream.indirect.gather [hbm4b:s7+s29], $0x20, s3, s29, $0xb8;
	[tilespmem:$0x11400] =	vst v63  }
0x50: {  	_ = 	snop  }
0x51: {  	[tilespmem:s31], [sflag:$0x1] =	stream.indirect.gather [hbm4b:s7+s29], $0x20, s4, s29, $0xb8;
	[tilespmem:$0x11400] =	vst v63  }
0x52: {  	s17 =	simm.s32 $0x2000  }
0x53: {  	[tilespmem:s17], [sflag:$0x1] =	stream.indirect.gather [hbm4b:s7+s29], $0x20, s29, s29, $0xb8;
	[tilespmem:$0x11400] =	vst v63  }
0x54: {  	s18 =	simm.s32 $0x880;
	s26 =	simm.s32 $0xA000  }
0x55: {  	[tilespmem:s26], [sflag:$0x1] =	stream.indirect.gather [hbm4b:s7+s29], $0x20, s18, s29, $0xb8;
	[tilespmem:$0x11400] =	vst v63  }
0x56: {  	s4 =	simm.s32 $0x100;
	s17 =	simm.s32 $0x3000  }
0x57: {  	[tilespmem:s17], [sflag:$0x1] =	stream.indirect.gather [hbm4b:s7+s29], $0x20, s4, s29, $0xb8;
	[tilespmem:$0x11400] =	vst v63  }
0x58: {  	s18 =	simm.s32 $0x900;
	s26 =	simm.s32 $0xB000  }
0x59: {  	[tilespmem:s26], [sflag:$0x1] =	stream.indirect.gather [hbm4b:s7+s29], $0x20, s18, s29, $0xb8;
	[tilespmem:$0x11400] =	vst v63  }
0x5a: {  	s4 =	simm.s32 $0x180;
	s17 =	simm.s32 $0x4000  }
0x5b: {  	[tilespmem:s17], [sflag:$0x1] =	stream.indirect.gather [hbm4b:s7+s29], $0x20, s4, s29, $0xb8;
	[tilespmem:$0x11400] =	vst v63  }
0x5c: {  	s18 =	simm.s32 $0x980;
	s26 =	simm.s32 $0xC000  }
0x5d: {  	[tilespmem:s26], [sflag:$0x1] =	stream.indirect.gather [hbm4b:s7+s29], $0x20, s18, s29, $0xb8;
	[tilespmem:$0x11400] =	vst v63  }
0x5e: {  	_ =	swait.ge [sflag:s11], $0x200  }
0x5f: {  	[sflag:s11] =	ssyncset.done $0x0  }
0x60: {  	[sflag:s11] =	ssyncadd.s32 $0xFFFFFE00  }
0x61: {  	_ =	swait.ge [sflag:s11], $0x200  }
0x62: {  	[sflag:s11] =	ssyncset.done $0x0  }
0x63: {  	[sflag:s11] =	ssyncadd.s32 $0xFFFFFE00  }
0x64: {  	[tilespmem:s12], [sflag:$0x2] =	stream.indirect.gather [hbm4b:s7+s29], $0x20, s15, s29, $0xb8;
	[tilespmem:$0x11400] =	vst v63  }
0x65: {  	_ = 	snop  }
0x66: {  	[tilespmem:s13], [sflag:$0x2] =	stream.indirect.gather [hbm4b:s7+s29], $0x20, s16, s29, $0xb8;
	[tilespmem:$0x11400] =	vst v63  }
0x67: {  	s4 =	simm.s32 $0x280  }
0x68: {  	[tilespmem:s21], [sflag:$0x2] =	stream.indirect.gather [hbm4b:s7+s29], $0x20, s4, s29, $0xb8;
	[tilespmem:$0x11400] =	vst v63  }
0x69: {  	s15 =	simm.s32 $0xA80  }
0x6a: {  	[tilespmem:s28], [sflag:$0x2] =	stream.indirect.gather [hbm4b:s7+s29], $0x20, s15, s29, $0xb8;
	[tilespmem:$0x11400] =	vst v63  }
0x6b: {  	s16 =	simm.s32 $0x300  }
0x6c: {  	[tilespmem:s6], [sflag:$0x2] =	stream.indirect.gather [hbm4b:s7+s29], $0x20, s16, s29, $0xb8;
	[tilespmem:$0x11400] =	vst v63  }
0x6d: {  	s17 =	simm.s32 $0xB00  }
0x6e: {  	[tilespmem:s14], [sflag:$0x2] =	stream.indirect.gather [hbm4b:s7+s29], $0x20, s17, s29, $0xb8;
	[tilespmem:$0x11400] =	vst v63  }
0x6f: {  	s18 =	simm.s32 $0x380  }
0x70: {  	[tilespmem:s20], [sflag:$0x2] =	stream.indirect.gather [hbm4b:s7+s29], $0x20, s18, s29, $0xb8;
	[tilespmem:$0x11400] =	vst v63  }
0x71: {  	s26 =	simm.s32 $0xB80;
	s18 =	simm.s32 $0x0  }
0x72: {  	[tilespmem:s22], [sflag:$0x2] =	stream.indirect.gather [hbm4b:s7+s29], $0x20, s26, s29, $0xb8;
	[tilespmem:$0x11400] =	vst v63  }
.LBB2_2:
0x73: {  	_ =	swait.ge [sflag:s23], $0x1000  }
0x74: {  	[sflag:s23] =	ssyncset.done $0x0  }
0x75: {  	[sflag:s23] =	ssyncadd.s32 $0xFFFFF000  }
0x76: {  	_ =	swait.ge [sflag:s23], $0x1000  }
0x77: {  	[sflag:s23] =	ssyncset.done $0x0  }
0x78: {  	[sflag:s23] =	ssyncadd.s32 $0xFFFFF000  }
0x79: {  	_ =	swait.ge [sflag:s23], $0x1000  }
0x7a: {  	[sflag:s23] =	ssyncset.done $0x0  }
0x7b: {  	[sflag:s23] =	ssyncadd.s32 $0xFFFFF000  }
0x7c: {  	_ =	swait.ge [sflag:s23], $0x1000  }
0x7d: {  	[sflag:s23] =	ssyncset.done $0x0  }
0x7e: {  	[sflag:s23] =	ssyncadd.s32 $0xFFFFF000  }
0x7f: {  	_ =	swait.ge [sflag:s23], $0x1000  }
0x80: {  	[sflag:s23] =	ssyncset.done $0x0  }
0x81: {  	[sflag:s23] =	ssyncadd.s32 $0xFFFFF000  }
0x82: {  	_ =	swait.ge [sflag:s23], $0x1000  }
0x83: {  	[sflag:s23] =	ssyncset.done $0x0  }
0x84: {  	[sflag:s23] =	ssyncadd.s32 $0xFFFFF000  }
0x85: {  	s1 =	simm.s32 $0x0;
	_ =	swait.ge [sflag:s23], $0x1000  }
0x86: {  	v33 =	vmov s1;
	[sflag:s23] =	ssyncset.done $0x0  }
0x87: {  	v33 =	vshll.u32 v33, $0x5;
	[sflag:s23] =	ssyncadd.s32 $0xFFFFF000  }
0x88: {  	v33 =	vor.u32 v1, v33;
	_ =	swait.ge [sflag:s23], $0x1000  }
0x89: {  	p1 =	seq.s32 s18, $0x0;
	v34 =	vor.u32 v0, v33;
	[sflag:s23] =	ssyncset.done $0x0  }
0x8a: {  	s1 =	simm.s32 @!p1 $0x7;
	[sflag:s23] =	ssyncadd.s32 $0xFFFFF000  }
0x8b: {  	v35 =	vor.u32 v2, v33;
	_ =	swait.ge @!p1 [sflag:s1], $0x200  }
0x8c: {  	[sflag:s1] =	ssyncset.done @!p1 $0x0  }
0x8d: {  	v36 =	vor.u32 v3, v33;
	[sflag:s1] =	ssyncadd.s32 @!p1 $0xFFFFFE00  }
0x8e: {  	v37 =	vld.idx.msk [tilespmem:v34+s31+$0x0], $0xffff  }
0x8f: {  	v38 =	vor.u32 v4, v33;
	v34 =	vld.idx.msk [tilespmem:v34+s30+$0x0], $0xffff  }
0x90: {  	v39 =	vld.idx.msk [tilespmem:v35+s30+$0x0], $0xffff  }
0x91: {  	v40 =	vor.u32 v5, v33;
	v35 =	vld.idx.msk [tilespmem:v35+s31+$0x0], $0xffff  }
0x92: {  	v41 =	vld.idx.msk [tilespmem:v36+s30+$0x0], $0xffff  }
0x93: {  	v42 =	vor.u32 v6, v33;
	v36 =	vld.idx.msk [tilespmem:v36+s31+$0x0], $0xffff  }
0x94: {  	v43 =	vld.idx.msk [tilespmem:v38+s30+$0x0], $0xffff;
	v34 =	vmul.f32 v37, v34  }
0x95: {  	v53 =	vor.u32 v7, v33;
	v52 =	vld.idx.msk [tilespmem:v38+s31+$0x0], $0xffff  }
0x96: {  	v44 =	vld.idx.msk [tilespmem:v40+s30+$0x0], $0xffff;
	v35 =	vmul.f32 v35, v39;
	v34 =	vadd.f32 $0.0e+00, v34  }
0x97: {  	v55 =	vor.u32 v8, v33;
	v54 =	vld.idx.msk [tilespmem:v40+s31+$0x0], $0xffff  }
0x98: {  	v45 =	vld.idx.msk [tilespmem:v42+s30+$0x0], $0xffff;
	v56 =	vmul.f32 v36, v41;
	v34 =	vadd.f32 v35, v34  }
0x99: {  	v58 =	vor.u32 v9, v33;
	v57 =	vld.idx.msk [tilespmem:v42+s31+$0x0], $0xffff  }
0x9a: {  	v59 =	vld.idx.msk [tilespmem:v53+s30+$0x0], $0xffff;
	v60 =	vmul.f32 v52, v43;
	v34 =	vadd.f32 v56, v34  }
0x9b: {  	v62 =	vor.u32 v10, v33;
	v61 =	vld.idx.msk [tilespmem:v53+s31+$0x0], $0xffff  }
0x9c: {  	v63 =	vld.idx.msk [tilespmem:v55+s30+$0x0], $0xffff;
	v48 =	vmul.f32 v54, v44;
	v34 =	vadd.f32 v60, v34  }
0x9d: {  	v50 =	vor.u32 v11, v33;
	v49 =	vld.idx.msk [tilespmem:v55+s31+$0x0], $0xffff  }
0x9e: {  	v51 =	vld.idx.msk [tilespmem:v58+s30+$0x0], $0xffff;
	v52 =	vmul.f32 v57, v45;
	v34 =	vadd.f32 v48, v34  }
0x9f: {  	v53 =	vld.idx.msk [tilespmem:v58+s31+$0x0], $0xffff;
	v54 =	vor.u32 v12, v33  }
0xa0: {  	v55 =	vld.idx.msk [tilespmem:v62+s30+$0x0], $0xffff;
	v56 =	vmul.f32 v61, v59;
	v34 =	vadd.f32 v52, v34  }
0xa1: {  	v58 =	vor.u32 v13, v33;
	v57 =	vld.idx.msk [tilespmem:v62+s31+$0x0], $0xffff  }
0xa2: {  	v59 =	vld.idx.msk [tilespmem:v50+s30+$0x0], $0xffff;
	v60 =	vmul.f32 v49, v63;
	v34 =	vadd.f32 v56, v34  }
0xa3: {  	v62 =	vor.u32 v14, v33;
	v61 =	vld.idx.msk [tilespmem:v50+s31+$0x0], $0xffff  }
0xa4: {  	v63 =	vld.idx.msk [tilespmem:v54+s30+$0x0], $0xffff;
	v48 =	vmul.f32 v53, v51;
	v34 =	vadd.f32 v60, v34  }
0xa5: {  	v50 =	vor.u32 v15, v33;
	v49 =	vld.idx.msk [tilespmem:v54+s31+$0x0], $0xffff  }
0xa6: {  	v51 =	vld.idx.msk [tilespmem:v58+s30+$0x0], $0xffff;
	v52 =	vmul.f32 v57, v55;
	v34 =	vadd.f32 v48, v34  }
0xa7: {  	v54 =	vor.u32 v22, v33;
	v53 =	vld.idx.msk [tilespmem:v58+s31+$0x0], $0xffff  }
0xa8: {  	v55 =	vld.idx.msk [tilespmem:v62+s30+$0x0], $0xffff;
	v56 =	vmul.f32 v61, v59;
	v34 =	vadd.f32 v52, v34  }
0xa9: {  	v58 =	vor.u32 v28, v33;
	v57 =	vld.idx.msk [tilespmem:v62+s31+$0x0], $0xffff  }
0xaa: {  	v59 =	vld.idx.msk [tilespmem:v50+s30+$0x0], $0xffff;
	v60 =	vmul.f32 v49, v63;
	v34 =	vadd.f32 v56, v34  }
0xab: {  	v62 =	vor.u32 v16, v33;
	v61 =	vld.idx.msk [tilespmem:v50+s31+$0x0], $0xffff  }
0xac: {  	v63 =	vld.idx.msk [tilespmem:v54+s30+$0x0], $0xffff;
	v48 =	vmul.f32 v53, v51;
	v34 =	vadd.f32 v60, v34  }
0xad: {  	v50 =	vor.u32 v17, v33;
	v49 =	vld.idx.msk [tilespmem:v54+s31+$0x0], $0xffff  }
0xae: {  	v51 =	vld.idx.msk [tilespmem:v58+s30+$0x0], $0xffff;
	v52 =	vmul.f32 v57, v55;
	v34 =	vadd.f32 v48, v34  }
0xaf: {  	v54 =	vor.u32 v18, v33;
	v53 =	vld.idx.msk [tilespmem:v58+s31+$0x0], $0xffff  }
0xb0: {  	v55 =	vld.idx.msk [tilespmem:v62+s30+$0x0], $0xffff;
	v56 =	vmul.f32 v61, v59;
	v34 =	vadd.f32 v52, v34  }
0xb1: {  	v58 =	vor.u32 v19, v33;
	v57 =	vld.idx.msk [tilespmem:v62+s31+$0x0], $0xffff  }
0xb2: {  	v59 =	vld.idx.msk [tilespmem:v50+s30+$0x0], $0xffff;
	v60 =	vmul.f32 v49, v63;
	v34 =	vadd.f32 v56, v34  }
0xb3: {  	v62 =	vor.u32 v20, v33;
	v61 =	vld.idx.msk [tilespmem:v50+s31+$0x0], $0xffff  }
0xb4: {  	v63 =	vld.idx.msk [tilespmem:v54+s30+$0x0], $0xffff;
	v48 =	vmul.f32 v53, v51;
	v34 =	vadd.f32 v60, v34  }
0xb5: {  	v50 =	vor.u32 v21, v33;
	v49 =	vld.idx.msk [tilespmem:v54+s31+$0x0], $0xffff  }
0xb6: {  	v51 =	vld.idx.msk [tilespmem:v58+s30+$0x0], $0xffff;
	v52 =	vmul.f32 v57, v55;
	v34 =	vadd.f32 v48, v34  }
0xb7: {  	v54 =	vor.u32 v23, v33;
	v53 =	vld.idx.msk [tilespmem:v58+s31+$0x0], $0xffff  }
0xb8: {  	v55 =	vld.idx.msk [tilespmem:v62+s30+$0x0], $0xffff;
	v56 =	vmul.f32 v61, v59;
	v34 =	vadd.f32 v52, v34  }
0xb9: {  	v58 =	vor.u32 v24, v33;
	v57 =	vld.idx.msk [tilespmem:v62+s31+$0x0], $0xffff  }
0xba: {  	v59 =	vld.idx.msk [tilespmem:v50+s30+$0x0], $0xffff;
	v60 =	vmul.f32 v49, v63;
	v34 =	vadd.f32 v56, v34  }
0xbb: {  	v62 =	vor.u32 v25, v33;
	v61 =	vld.idx.msk [tilespmem:v50+s31+$0x0], $0xffff  }
0xbc: {  	v63 =	vld.idx.msk [tilespmem:v54+s30+$0x0], $0xffff;
	v48 =	vmul.f32 v53, v51;
	v34 =	vadd.f32 v60, v34  }
0xbd: {  	v50 =	vor.u32 v26, v33;
	v49 =	vld.idx.msk [tilespmem:v54+s31+$0x0], $0xffff  }
0xbe: {  	v51 =	vld.idx.msk [tilespmem:v58+s30+$0x0], $0xffff;
	v52 =	vmul.f32 v57, v55;
	v34 =	vadd.f32 v48, v34  }
0xbf: {  	v54 =	vor.u32 v27, v33;
	v53 =	vld.idx.msk [tilespmem:v58+s31+$0x0], $0xffff  }
0xc0: {  	v55 =	vld.idx.msk [tilespmem:v62+s30+$0x0], $0xffff;
	v56 =	vmul.f32 v61, v59;
	v34 =	vadd.f32 v52, v34  }
0xc1: {  	v58 =	vor.u32 v29, v33;
	v57 =	vld.idx.msk [tilespmem:v62+s31+$0x0], $0xffff  }
0xc2: {  	v59 =	vld.idx.msk [tilespmem:v50+s30+$0x0], $0xffff;
	v60 =	vmul.f32 v49, v63;
	v34 =	vadd.f32 v56, v34  }
0xc3: {  	v62 =	vor.u32 v30, v33;
	v61 =	vld.idx.msk [tilespmem:v50+s31+$0x0], $0xffff  }
0xc4: {  	v63 =	vld.idx.msk [tilespmem:v54+s30+$0x0], $0xffff;
	v48 =	vmul.f32 v53, v51;
	v34 =	vadd.f32 v60, v34  }
0xc5: {  	v50 =	vor.u32 v31, v33;
	v49 =	vld.idx.msk [tilespmem:v54+s31+$0x0], $0xffff  }
0xc6: {  	v51 =	vld.idx.msk [tilespmem:v58+s30+$0x0], $0xffff;
	v52 =	vmul.f32 v57, v55;
	v34 =	vadd.f32 v48, v34  }
0xc7: {  	v33 =	vor.u32 v32, v33;
	v53 =	vld.idx.msk [tilespmem:v58+s31+$0x0], $0xffff  }
0xc8: {  	v54 =	vld.idx.msk [tilespmem:v62+s30+$0x0], $0xffff;
	v55 =	vmul.f32 v61, v59;
	v34 =	vadd.f32 v52, v34  }
0xc9: {  	v56 =	vld.idx.msk [tilespmem:v62+s31+$0x0], $0xffff  }
0xca: {  	v57 =	vld.idx.msk [tilespmem:v50+s30+$0x0], $0xffff;
	v58 =	vmul.f32 v49, v63;
	v34 =	vadd.f32 v55, v34  }
0xcb: {  	v59 =	vld.idx.msk [tilespmem:v50+s31+$0x0], $0xffff  }
0xcc: {  	v62 =	vld.idx.msk [tilespmem:v33+s31+$0x0], $0xffff;
	v61 =	vmul.f32 v53, v51;
	v34 =	vadd.f32 v58, v34  }
0xcd: {  	v60 =	vld.idx.msk [tilespmem:v33+s30+$0x0], $0xffff  }
0xce: {  	s17 =	simm.s32 $0x10;
	v42 =	vmul.f32 v56, v54;
	v63 =	vadd.f32 v61, v34  }
0xcf: {  	v43 =	vmov s17  }
0xd0: {  	v35 =	vshll.u32 v43, $0x5;
	v44 =	vmul.f32 v59, v57;
	v34 =	vadd.f32 v42, v63  }
0xd1: {  	v33 =	vor.u32 v1, v35  }
0xd2: {  	v35 =	vor.u32 v0, v33;
	v45 =	vmul.f32 v62, v60;
	v34 =	vadd.f32 v44, v34;
	_ =	sdelay $0x1  }
0xd3: {  	v46 =	vor.u32 v2, v33;
	v34 =	vadd.f32 v45, v34  }
0xd4: {  	s4 =	simm.s32 $0x11000  }
0xd5: {  	v47 =	vor.u32 v3, v33;
	[tilespmem:s4+$0x0] =	vst v34  }
0xd6: {  	v34 =	vld.idx.msk [tilespmem:v35+s31+$0x0], $0xffff  }
0xd7: {  	v48 =	vor.u32 v4, v33;
	v35 =	vld.idx.msk [tilespmem:v35+s30+$0x0], $0xffff  }
0xd8: {  	v49 =	vld.idx.msk [tilespmem:v46+s30+$0x0], $0xffff  }
0xd9: {  	v50 =	vor.u32 v5, v33;
	v37 =	vld.idx.msk [tilespmem:v46+s31+$0x0], $0xffff  }
0xda: {  	v51 =	vld.idx.msk [tilespmem:v47+s30+$0x0], $0xffff  }
0xdb: {  	v52 =	vor.u32 v6, v33;
	v36 =	vld.idx.msk [tilespmem:v47+s31+$0x0], $0xffff  }
0xdc: {  	v53 =	vld.idx.msk [tilespmem:v48+s30+$0x0], $0xffff;
	v34 =	vmul.f32 v34, v35  }
0xdd: {  	v55 =	vor.u32 v7, v33;
	v54 =	vld.idx.msk [tilespmem:v48+s31+$0x0], $0xffff  }
0xde: {  	v56 =	vld.idx.msk [tilespmem:v50+s30+$0x0], $0xffff;
	v37 =	vmul.f32 v37, v49;
	v34 =	vadd.f32 $0.0e+00, v34  }
0xdf: {  	v58 =	vor.u32 v8, v33;
	v57 =	vld.idx.msk [tilespmem:v50+s31+$0x0], $0xffff  }
0xe0: {  	v59 =	vld.idx.msk [tilespmem:v52+s30+$0x0], $0xffff;
	v36 =	vmul.f32 v36, v51;
	v34 =	vadd.f32 v37, v34  }
0xe1: {  	v61 =	vor.u32 v9, v33;
	v60 =	vld.idx.msk [tilespmem:v52+s31+$0x0], $0xffff  }
0xe2: {  	v62 =	vld.idx.msk [tilespmem:v55+s30+$0x0], $0xffff;
	v35 =	vmul.f32 v54, v53;
	v34 =	vadd.f32 v36, v34  }
0xe3: {  	v63 =	vld.idx.msk [tilespmem:v55+s31+$0x0], $0xffff;
	v48 =	vor.u32 v10, v33  }
0xe4: {  	v49 =	vld.idx.msk [tilespmem:v58+s30+$0x0], $0xffff;
	v50 =	vmul.f32 v57, v56;
	v34 =	vadd.f32 v35, v34  }
0xe5: {  	v52 =	vor.u32 v11, v33;
	v51 =	vld.idx.msk [tilespmem:v58+s31+$0x0], $0xffff  }
0xe6: {  	v55 =	vld.idx.msk [tilespmem:v61+s31+$0x0], $0xffff;
	v54 =	vmul.f32 v60, v59;
	v34 =	vadd.f32 v50, v34  }
0xe7: {  	v53 =	vld.idx.msk [tilespmem:v61+s30+$0x0], $0xffff;
	v56 =	vor.u32 v12, v33  }
0xe8: {  	v57 =	vld.idx.msk [tilespmem:v48+s30+$0x0], $0xffff;
	v58 =	vmul.f32 v63, v62;
	v34 =	vadd.f32 v54, v34  }
0xe9: {  	v59 =	vld.idx.msk [tilespmem:v48+s31+$0x0], $0xffff;
	v60 =	vor.u32 v13, v33  }
0xea: {  	v61 =	vld.idx.msk [tilespmem:v52+s30+$0x0], $0xffff;
	v62 =	vmul.f32 v51, v49;
	v34 =	vadd.f32 v58, v34  }
0xeb: {  	v63 =	vld.idx.msk [tilespmem:v52+s31+$0x0], $0xffff;
	v48 =	vor.u32 v14, v33  }
0xec: {  	v49 =	vld.idx.msk [tilespmem:v56+s30+$0x0], $0xffff;
	v50 =	vmul.f32 v55, v53;
	v34 =	vadd.f32 v62, v34  }
0xed: {  	v52 =	vor.u32 v15, v33;
	v51 =	vld.idx.msk [tilespmem:v56+s31+$0x0], $0xffff  }
0xee: {  	v53 =	vld.idx.msk [tilespmem:v60+s30+$0x0], $0xffff;
	v54 =	vmul.f32 v59, v57;
	v34 =	vadd.f32 v50, v34  }
0xef: {  	v56 =	vor.u32 v22, v33;
	v55 =	vld.idx.msk [tilespmem:v60+s31+$0x0], $0xffff  }
0xf0: {  	v57 =	vld.idx.msk [tilespmem:v48+s30+$0x0], $0xffff;
	v58 =	vmul.f32 v63, v61;
	v34 =	vadd.f32 v54, v34  }
0xf1: {  	v60 =	vor.u32 v28, v33;
	v59 =	vld.idx.msk [tilespmem:v48+s31+$0x0], $0xffff  }
0xf2: {  	v61 =	vld.idx.msk [tilespmem:v52+s30+$0x0], $0xffff;
	v62 =	vmul.f32 v51, v49;
	v34 =	vadd.f32 v58, v34  }
0xf3: {  	v48 =	vor.u32 v16, v33;
	v63 =	vld.idx.msk [tilespmem:v52+s31+$0x0], $0xffff  }
0xf4: {  	v49 =	vld.idx.msk [tilespmem:v56+s30+$0x0], $0xffff;
	v50 =	vmul.f32 v55, v53;
	v34 =	vadd.f32 v62, v34  }
0xf5: {  	v52 =	vor.u32 v17, v33;
	v51 =	vld.idx.msk [tilespmem:v56+s31+$0x0], $0xffff  }
0xf6: {  	v53 =	vld.idx.msk [tilespmem:v60+s30+$0x0], $0xffff;
	v54 =	vmul.f32 v59, v57;
	v34 =	vadd.f32 v50, v34  }
0xf7: {  	v56 =	vor.u32 v18, v33;
	v55 =	vld.idx.msk [tilespmem:v60+s31+$0x0], $0xffff  }
0xf8: {  	v57 =	vld.idx.msk [tilespmem:v48+s30+$0x0], $0xffff;
	v58 =	vmul.f32 v63, v61;
	v34 =	vadd.f32 v54, v34  }
0xf9: {  	v60 =	vor.u32 v19, v33;
	v59 =	vld.idx.msk [tilespmem:v48+s31+$0x0], $0xffff  }
0xfa: {  	v61 =	vld.idx.msk [tilespmem:v52+s30+$0x0], $0xffff;
	v62 =	vmul.f32 v51, v49;
	v34 =	vadd.f32 v58, v34  }
0xfb: {  	v48 =	vor.u32 v20, v33;
	v63 =	vld.idx.msk [tilespmem:v52+s31+$0x0], $0xffff  }
0xfc: {  	v49 =	vld.idx.msk [tilespmem:v56+s30+$0x0], $0xffff;
	v50 =	vmul.f32 v55, v53;
	v34 =	vadd.f32 v62, v34  }
0xfd: {  	v52 =	vor.u32 v21, v33;
	v51 =	vld.idx.msk [tilespmem:v56+s31+$0x0], $0xffff  }
0xfe: {  	v53 =	vld.idx.msk [tilespmem:v60+s30+$0x0], $0xffff;
	v54 =	vmul.f32 v59, v57;
	v34 =	vadd.f32 v50, v34  }
0xff: {  	v56 =	vor.u32 v23, v33;
	v55 =	vld.idx.msk [tilespmem:v60+s31+$0x0], $0xffff  }
0x100: {  	v57 =	vld.idx.msk [tilespmem:v48+s30+$0x0], $0xffff;
	v58 =	vmul.f32 v63, v61;
	v34 =	vadd.f32 v54, v34  }
0x101: {  	v60 =	vor.u32 v24, v33;
	v59 =	vld.idx.msk [tilespmem:v48+s31+$0x0], $0xffff  }
0x102: {  	v61 =	vld.idx.msk [tilespmem:v52+s30+$0x0], $0xffff;
	v62 =	vmul.f32 v51, v49;
	v34 =	vadd.f32 v58, v34  }
0x103: {  	v48 =	vor.u32 v25, v33;
	v63 =	vld.idx.msk [tilespmem:v52+s31+$0x0], $0xffff  }
0x104: {  	v49 =	vld.idx.msk [tilespmem:v56+s30+$0x0], $0xffff;
	v50 =	vmul.f32 v55, v53;
	v34 =	vadd.f32 v62, v34  }
0x105: {  	v52 =	vor.u32 v26, v33;
	v51 =	vld.idx.msk [tilespmem:v56+s31+$0x0], $0xffff  }
0x106: {  	v53 =	vld.idx.msk [tilespmem:v60+s30+$0x0], $0xffff;
	v54 =	vmul.f32 v59, v57;
	v34 =	vadd.f32 v50, v34  }
0x107: {  	v56 =	vor.u32 v27, v33;
	v55 =	vld.idx.msk [tilespmem:v60+s31+$0x0], $0xffff  }
0x108: {  	v57 =	vld.idx.msk [tilespmem:v48+s30+$0x0], $0xffff;
	v58 =	vmul.f32 v63, v61;
	v34 =	vadd.f32 v54, v34  }
0x109: {  	v60 =	vor.u32 v29, v33;
	v59 =	vld.idx.msk [tilespmem:v48+s31+$0x0], $0xffff  }
0x10a: {  	v61 =	vld.idx.msk [tilespmem:v52+s30+$0x0], $0xffff;
	v62 =	vmul.f32 v51, v49;
	v34 =	vadd.f32 v58, v34  }
0x10b: {  	v63 =	vld.idx.msk [tilespmem:v52+s31+$0x0], $0xffff  }
0x10c: {  	v48 =	vor.u32 v30, v33;
	v49 =	vld.idx.msk [tilespmem:v56+s30+$0x0], $0xffff;
	v50 =	vmul.f32 v55, v53;
	v34 =	vadd.f32 v62, v34  }
0x10d: {  	v51 =	vld.idx.msk [tilespmem:v56+s31+$0x0], $0xffff  }
0x10e: {  	v52 =	vor.u32 v31, v33;
	v53 =	vld.idx.msk [tilespmem:v60+s30+$0x0], $0xffff;
	v54 =	vmul.f32 v59, v57;
	v34 =	vadd.f32 v50, v34  }
0x10f: {  	v55 =	vld.idx.msk [tilespmem:v60+s31+$0x0], $0xffff  }
0x110: {  	v33 =	vor.u32 v32, v33;
	v57 =	vmul.f32 v63, v61;
	v34 =	vadd.f32 v54, v34  }
0x111: {  	v56 =	vld.idx.msk [tilespmem:v48+s30+$0x0], $0xffff  }
0x112: {  	v60 =	vmul.f32 v51, v49;
	v58 =	vld.idx.msk [tilespmem:v48+s31+$0x0], $0xffff;
	v34 =	vadd.f32 v57, v34  }
0x113: {  	v38 =	vld.idx.msk [tilespmem:v52+s31+$0x0], $0xffff  }
0x114: {  	v59 =	vld.idx.msk [tilespmem:v52+s30+$0x0], $0xffff;
	v61 =	vmul.f32 v55, v53;
	v34 =	vadd.f32 v60, v34  }
0x115: {  	v35 =	vld.idx.msk [tilespmem:v33+s31+$0x0], $0xffff  }
0x116: {  	v62 =	vadd.f32 v61, v34;
	v34 =	vld.idx.msk [tilespmem:v33+s30+$0x0], $0xffff  }
0x117: {  	s26 =	simm.s32 $0x20;
	v37 =	vmul.f32 v58, v56  }
0x118: {  	v63 =	vmov s26  }
0x119: {  	s15 =	simm.s32 $0x30;
	s1 =	sshll.u32 s18, $0xB;
	v33 =	vshll.u32 v63, $0x5;
	v36 =	vadd.f32 v37, v62;
	v37 =	vmul.f32 v38, v59  }
.LBB2_3:
0x11a: {  	p0 =	sne.s32 s15, $0x1F0;
	v33 =	vor.u32 v1, v33  }
0x11b: {  	v34 =	vmul.f32 v35, v34;
	v38 =	vor.u32 v0, v33;
	v36 =	vadd.f32 v37, v36;
	_ =	sdelay $0x1  }
0x11c: {  	v35 =	vor.u32 v2, v33;
	v34 =	vadd.f32 v34, v36  }
0x11d: {  	s4 =	sadd.s32 $0x10, s4  }
0x11e: {  	v36 =	vor.u32 v3, v33;
	[tilespmem:s4+$0x0] =	vst v34  }
0x11f: {  	v34 =	vld.idx.msk [tilespmem:v38+s31+$0x0], $0xffff  }
0x120: {  	v37 =	vld.idx.msk [tilespmem:v38+s30+$0x0], $0xffff;
	v38 =	vor.u32 v4, v33  }
0x121: {  	v39 =	vld.idx.msk [tilespmem:v35+s30+$0x0], $0xffff  }
0x122: {  	v40 =	vor.u32 v5, v33;
	v35 =	vld.idx.msk [tilespmem:v35+s31+$0x0], $0xffff  }
0x123: {  	v41 =	vld.idx.msk [tilespmem:v36+s30+$0x0], $0xffff  }
0x124: {  	v42 =	vor.u32 v6, v33;
	v36 =	vld.idx.msk [tilespmem:v36+s31+$0x0], $0xffff  }
0x125: {  	v43 =	vld.idx.msk [tilespmem:v38+s30+$0x0], $0xffff  }
0x126: {  	v34 =	vmul.f32 v34, v37;
	v37 =	vld.idx.msk [tilespmem:v38+s31+$0x0], $0xffff;
	v38 =	vor.u32 v7, v33  }
0x127: {  	v44 =	vld.idx.msk [tilespmem:v40+s30+$0x0], $0xffff  }
0x128: {  	v34 =	vadd.f32 $0.0e+00, v34;
	v35 =	vmul.f32 v35, v39;
	v39 =	vld.idx.msk [tilespmem:v40+s31+$0x0], $0xffff;
	v40 =	vor.u32 v8, v33  }
0x129: {  	v45 =	vld.idx.msk [tilespmem:v42+s30+$0x0], $0xffff  }
0x12a: {  	v34 =	vadd.f32 v35, v34;
	v35 =	vmul.f32 v36, v41;
	v41 =	vor.u32 v9, v33;
	v36 =	vld.idx.msk [tilespmem:v42+s31+$0x0], $0xffff  }
0x12b: {  	v42 =	vld.idx.msk [tilespmem:v38+s30+$0x0], $0xffff  }
0x12c: {  	v34 =	vadd.f32 v35, v34;
	v35 =	vmul.f32 v37, v43;
	v37 =	vld.idx.msk [tilespmem:v38+s31+$0x0], $0xffff;
	v38 =	vor.u32 v10, v33  }
0x12d: {  	v43 =	vld.idx.msk [tilespmem:v40+s30+$0x0], $0xffff  }
0x12e: {  	v34 =	vadd.f32 v35, v34;
	v35 =	vmul.f32 v39, v44;
	v39 =	vld.idx.msk [tilespmem:v40+s31+$0x0], $0xffff;
	v40 =	vor.u32 v11, v33  }
0x12f: {  	v44 =	vld.idx.msk [tilespmem:v41+s30+$0x0], $0xffff  }
0x130: {  	v34 =	vadd.f32 v35, v34;
	v35 =	vmul.f32 v36, v45;
	v36 =	vld.idx.msk [tilespmem:v41+s31+$0x0], $0xffff;
	v41 =	vor.u32 v12, v33  }
0x131: {  	v45 =	vld.idx.msk [tilespmem:v38+s30+$0x0], $0xffff  }
0x132: {  	v34 =	vadd.f32 v35, v34;
	v35 =	vmul.f32 v37, v42;
	v37 =	vld.idx.msk [tilespmem:v38+s31+$0x0], $0xffff;
	v38 =	vor.u32 v13, v33  }
0x133: {  	v42 =	vld.idx.msk [tilespmem:v40+s30+$0x0], $0xffff  }
0x134: {  	v34 =	vadd.f32 v35, v34;
	v35 =	vmul.f32 v39, v43;
	v39 =	vld.idx.msk [tilespmem:v40+s31+$0x0], $0xffff;
	v40 =	vor.u32 v14, v33  }
0x135: {  	v43 =	vld.idx.msk [tilespmem:v41+s30+$0x0], $0xffff  }
0x136: {  	v34 =	vadd.f32 v35, v34;
	v35 =	vmul.f32 v36, v44;
	v36 =	vld.idx.msk [tilespmem:v41+s31+$0x0], $0xffff;
	v41 =	vor.u32 v15, v33  }
0x137: {  	v44 =	vld.idx.msk [tilespmem:v38+s30+$0x0], $0xffff  }
0x138: {  	v34 =	vadd.f32 v35, v34;
	v35 =	vmul.f32 v37, v45;
	v37 =	vld.idx.msk [tilespmem:v38+s31+$0x0], $0xffff;
	v38 =	vor.u32 v22, v33  }
0x139: {  	v45 =	vld.idx.msk [tilespmem:v40+s30+$0x0], $0xffff  }
0x13a: {  	v34 =	vadd.f32 v35, v34;
	v35 =	vmul.f32 v39, v42;
	v39 =	vld.idx.msk [tilespmem:v40+s31+$0x0], $0xffff;
	v40 =	vor.u32 v28, v33  }
0x13b: {  	v42 =	vld.idx.msk [tilespmem:v41+s30+$0x0], $0xffff  }
0x13c: {  	v34 =	vadd.f32 v35, v34;
	v35 =	vmul.f32 v36, v43;
	v36 =	vld.idx.msk [tilespmem:v41+s31+$0x0], $0xffff;
	v41 =	vor.u32 v16, v33  }
0x13d: {  	v43 =	vld.idx.msk [tilespmem:v38+s30+$0x0], $0xffff  }
0x13e: {  	v34 =	vadd.f32 v35, v34;
	v35 =	vmul.f32 v37, v44;
	v37 =	vld.idx.msk [tilespmem:v38+s31+$0x0], $0xffff;
	v38 =	vor.u32 v17, v33  }
0x13f: {  	v44 =	vld.idx.msk [tilespmem:v40+s30+$0x0], $0xffff  }
0x140: {  	v34 =	vadd.f32 v35, v34;
	v35 =	vmul.f32 v39, v45;
	v39 =	vld.idx.msk [tilespmem:v40+s31+$0x0], $0xffff;
	v40 =	vor.u32 v18, v33  }
0x141: {  	v45 =	vld.idx.msk [tilespmem:v41+s30+$0x0], $0xffff  }
0x142: {  	v34 =	vadd.f32 v35, v34;
	v35 =	vmul.f32 v36, v42;
	v36 =	vld.idx.msk [tilespmem:v41+s31+$0x0], $0xffff;
	v41 =	vor.u32 v19, v33  }
0x143: {  	v42 =	vld.idx.msk [tilespmem:v38+s30+$0x0], $0xffff  }
0x144: {  	v34 =	vadd.f32 v35, v34;
	v35 =	vmul.f32 v37, v43;
	v37 =	vld.idx.msk [tilespmem:v38+s31+$0x0], $0xffff;
	v38 =	vor.u32 v20, v33  }
0x145: {  	v43 =	vld.idx.msk [tilespmem:v40+s30+$0x0], $0xffff  }
0x146: {  	v34 =	vadd.f32 v35, v34;
	v35 =	vmul.f32 v39, v44;
	v39 =	vld.idx.msk [tilespmem:v40+s31+$0x0], $0xffff;
	v40 =	vor.u32 v21, v33  }
0x147: {  	v44 =	vld.idx.msk [tilespmem:v41+s30+$0x0], $0xffff  }
0x148: {  	v34 =	vadd.f32 v35, v34;
	v35 =	vmul.f32 v36, v45;
	v36 =	vld.idx.msk [tilespmem:v41+s31+$0x0], $0xffff;
	v41 =	vor.u32 v23, v33  }
0x149: {  	v45 =	vld.idx.msk [tilespmem:v38+s30+$0x0], $0xffff  }
0x14a: {  	v34 =	vadd.f32 v35, v34;
	v35 =	vmul.f32 v37, v42;
	v37 =	vld.idx.msk [tilespmem:v38+s31+$0x0], $0xffff;
	v38 =	vor.u32 v24, v33  }
0x14b: {  	v42 =	vld.idx.msk [tilespmem:v40+s30+$0x0], $0xffff  }
0x14c: {  	v34 =	vadd.f32 v35, v34;
	v35 =	vmul.f32 v39, v43;
	v39 =	vld.idx.msk [tilespmem:v40+s31+$0x0], $0xffff;
	v40 =	vor.u32 v25, v33  }
0x14d: {  	v43 =	vld.idx.msk [tilespmem:v41+s30+$0x0], $0xffff  }
0x14e: {  	v34 =	vadd.f32 v35, v34;
	v35 =	vmul.f32 v36, v44;
	v36 =	vld.idx.msk [tilespmem:v41+s31+$0x0], $0xffff;
	v41 =	vor.u32 v26, v33  }
0x14f: {  	v44 =	vld.idx.msk [tilespmem:v38+s30+$0x0], $0xffff  }
0x150: {  	v34 =	vadd.f32 v35, v34;
	v35 =	vmul.f32 v37, v45;
	v37 =	vld.idx.msk [tilespmem:v38+s31+$0x0], $0xffff;
	v38 =	vor.u32 v27, v33  }
0x151: {  	v45 =	vld.idx.msk [tilespmem:v40+s30+$0x0], $0xffff  }
0x152: {  	v34 =	vadd.f32 v35, v34;
	v35 =	vmul.f32 v39, v42;
	v39 =	vld.idx.msk [tilespmem:v40+s31+$0x0], $0xffff;
	v40 =	vor.u32 v29, v33  }
0x153: {  	v42 =	vld.idx.msk [tilespmem:v41+s30+$0x0], $0xffff  }
0x154: {  	v34 =	vadd.f32 v35, v34;
	v35 =	vmul.f32 v36, v43;
	v36 =	vld.idx.msk [tilespmem:v41+s31+$0x0], $0xffff;
	v41 =	vor.u32 v30, v33  }
0x155: {  	v43 =	vld.idx.msk [tilespmem:v38+s30+$0x0], $0xffff  }
0x156: {  	v34 =	vadd.f32 v35, v34;
	v35 =	vmul.f32 v37, v44;
	v37 =	vld.idx.msk [tilespmem:v38+s31+$0x0], $0xffff;
	v38 =	vor.u32 v31, v33  }
0x157: {  	v44 =	vld.idx.msk [tilespmem:v40+s30+$0x0], $0xffff  }
0x158: {  	v33 =	vor.u32 v32, v33;
	v34 =	vadd.f32 v35, v34;
	v35 =	vmul.f32 v39, v45;
	v39 =	vld.idx.msk [tilespmem:v40+s31+$0x0], $0xffff  }
0x159: {  	v40 =	vld.idx.msk [tilespmem:v41+s30+$0x0], $0xffff  }
0x15a: {  	v34 =	vadd.f32 v35, v34;
	v35 =	vmul.f32 v36, v42;
	v36 =	vld.idx.msk [tilespmem:v41+s31+$0x0], $0xffff  }
0x15b: {  	v41 =	vld.idx.msk [tilespmem:v38+s30+$0x0], $0xffff  }
0x15c: {  	v35 =	vadd.f32 v35, v34;
	v37 =	vmul.f32 v37, v43;
	v38 =	vld.idx.msk [tilespmem:v38+s31+$0x0], $0xffff  }
0x15d: {  	v34 =	vld.idx.msk [tilespmem:v33+s30+$0x0], $0xffff  }
.Ltmp2:
0x15e: {  	v37 =	vadd.f32 v37, v35;
	v39 =	vmul.f32 v39, v44;
	v35 =	vld.idx.msk [tilespmem:v33+s31+$0x0], $0xffff;
	(pc) =	sbr.rel @p0 .LBB2_3-.Ltmp2, $4  }
0x15f: {  	_ = 	snop  }
0x160: {  	v37 =	vadd.f32 v39, v37;
	v36 =	vmul.f32 v36, v40  }
0x161: {  	v33 =	vmov s15  }
0x162: {  	s15 =	sadd.s32 $0x10, s15;
	v33 =	vshll.u32 v33, $0x5;
	v36 =	vadd.f32 v36, v37;
	v37 =	vmul.f32 v38, v41  }
0x163: {  	v33 =	vor.u32 v1, v33  }
0x164: {  	v34 =	vmul.f32 v35, v34;
	v38 =	vor.u32 v0, v33;
	v36 =	vadd.f32 v37, v36;
	_ =	sdelay $0x1  }
0x165: {  	v58 =	vor.u32 v2, v33;
	v34 =	vadd.f32 v34, v36  }
0x166: {  	s4 =	sadd.s32 $0x10, s4  }
0x167: {  	v59 =	vor.u32 v3, v33;
	[tilespmem:s4+$0x0] =	vst v34  }
0x168: {  	v34 =	vld.idx.msk [tilespmem:v38+s31+$0x0], $0xffff  }
0x169: {  	v61 =	vor.u32 v4, v33;
	v60 =	vld.idx.msk [tilespmem:v38+s30+$0x0], $0xffff  }
0x16a: {  	v39 =	vld.idx.msk [tilespmem:v58+s30+$0x0], $0xffff  }
0x16b: {  	v40 =	vor.u32 v5, v33;
	v35 =	vld.idx.msk [tilespmem:v58+s31+$0x0], $0xffff  }
0x16c: {  	v41 =	vld.idx.msk [tilespmem:v59+s30+$0x0], $0xffff  }
0x16d: {  	v42 =	vor.u32 v6, v33;
	v36 =	vld.idx.msk [tilespmem:v59+s31+$0x0], $0xffff  }
0x16e: {  	v43 =	vld.idx.msk [tilespmem:v61+s30+$0x0], $0xffff;
	v34 =	vmul.f32 v34, v60  }
0x16f: {  	v63 =	vor.u32 v7, v33;
	v62 =	vld.idx.msk [tilespmem:v61+s31+$0x0], $0xffff  }
0x170: {  	v44 =	vld.idx.msk [tilespmem:v40+s30+$0x0], $0xffff;
	v35 =	vmul.f32 v35, v39;
	v34 =	vadd.f32 $0.0e+00, v34  }
0x171: {  	v49 =	vor.u32 v8, v33;
	v48 =	vld.idx.msk [tilespmem:v40+s31+$0x0], $0xffff  }
0x172: {  	v45 =	vld.idx.msk [tilespmem:v42+s30+$0x0], $0xffff;
	v50 =	vmul.f32 v36, v41;
	v34 =	vadd.f32 v35, v34  }
0x173: {  	v52 =	vor.u32 v9, v33;
	v51 =	vld.idx.msk [tilespmem:v42+s31+$0x0], $0xffff  }
0x174: {  	v53 =	vld.idx.msk [tilespmem:v63+s30+$0x0], $0xffff;
	v54 =	vmul.f32 v62, v43;
	v34 =	vadd.f32 v50, v34  }
0x175: {  	v56 =	vor.u32 v10, v33;
	v55 =	vld.idx.msk [tilespmem:v63+s31+$0x0], $0xffff  }
0x176: {  	v57 =	vld.idx.msk [tilespmem:v49+s30+$0x0], $0xffff;
	v58 =	vmul.f32 v48, v44;
	v34 =	vadd.f32 v54, v34  }
0x177: {  	v59 =	vld.idx.msk [tilespmem:v49+s31+$0x0], $0xffff;
	v60 =	vor.u32 v11, v33  }
0x178: {  	v61 =	vld.idx.msk [tilespmem:v52+s30+$0x0], $0xffff;
	v62 =	vmul.f32 v51, v45;
	v34 =	vadd.f32 v58, v34  }
0x179: {  	v63 =	vld.idx.msk [tilespmem:v52+s31+$0x0], $0xffff;
	v48 =	vor.u32 v12, v33  }
0x17a: {  	v49 =	vld.idx.msk [tilespmem:v56+s30+$0x0], $0xffff;
	v50 =	vmul.f32 v55, v53;
	v34 =	vadd.f32 v62, v34  }
0x17b: {  	v52 =	vor.u32 v13, v33;
	v51 =	vld.idx.msk [tilespmem:v56+s31+$0x0], $0xffff  }
0x17c: {  	v53 =	vld.idx.msk [tilespmem:v60+s30+$0x0], $0xffff;
	v54 =	vmul.f32 v59, v57;
	v34 =	vadd.f32 v50, v34  }
0x17d: {  	v56 =	vor.u32 v14, v33;
	v55 =	vld.idx.msk [tilespmem:v60+s31+$0x0], $0xffff  }
0x17e: {  	v57 =	vld.idx.msk [tilespmem:v48+s30+$0x0], $0xffff;
	v58 =	vmul.f32 v63, v61;
	v34 =	vadd.f32 v54, v34  }
0x17f: {  	v60 =	vor.u32 v15, v33;
	v59 =	vld.idx.msk [tilespmem:v48+s31+$0x0], $0xffff  }
0x180: {  	v61 =	vld.idx.msk [tilespmem:v52+s30+$0x0], $0xffff;
	v62 =	vmul.f32 v51, v49;
	v34 =	vadd.f32 v58, v34  }
0x181: {  	v48 =	vor.u32 v22, v33;
	v63 =	vld.idx.msk [tilespmem:v52+s31+$0x0], $0xffff  }
0x182: {  	v49 =	vld.idx.msk [tilespmem:v56+s30+$0x0], $0xffff;
	v50 =	vmul.f32 v55, v53;
	v34 =	vadd.f32 v62, v34  }
0x183: {  	v52 =	vor.u32 v28, v33;
	v51 =	vld.idx.msk [tilespmem:v56+s31+$0x0], $0xffff  }
0x184: {  	v53 =	vld.idx.msk [tilespmem:v60+s30+$0x0], $0xffff;
	v54 =	vmul.f32 v59, v57;
	v34 =	vadd.f32 v50, v34  }
0x185: {  	v56 =	vor.u32 v16, v33;
	v55 =	vld.idx.msk [tilespmem:v60+s31+$0x0], $0xffff  }
0x186: {  	v57 =	vld.idx.msk [tilespmem:v48+s30+$0x0], $0xffff;
	v58 =	vmul.f32 v63, v61;
	v34 =	vadd.f32 v54, v34  }
0x187: {  	v60 =	vor.u32 v17, v33;
	v59 =	vld.idx.msk [tilespmem:v48+s31+$0x0], $0xffff  }
0x188: {  	v61 =	vld.idx.msk [tilespmem:v52+s30+$0x0], $0xffff;
	v62 =	vmul.f32 v51, v49;
	v34 =	vadd.f32 v58, v34  }
0x189: {  	v48 =	vor.u32 v18, v33;
	v63 =	vld.idx.msk [tilespmem:v52+s31+$0x0], $0xffff  }
0x18a: {  	v49 =	vld.idx.msk [tilespmem:v56+s30+$0x0], $0xffff;
	v50 =	vmul.f32 v55, v53;
	v34 =	vadd.f32 v62, v34  }
0x18b: {  	v52 =	vor.u32 v19, v33;
	v51 =	vld.idx.msk [tilespmem:v56+s31+$0x0], $0xffff  }
0x18c: {  	v53 =	vld.idx.msk [tilespmem:v60+s30+$0x0], $0xffff;
	v54 =	vmul.f32 v59, v57;
	v34 =	vadd.f32 v50, v34  }
0x18d: {  	v56 =	vor.u32 v20, v33;
	v55 =	vld.idx.msk [tilespmem:v60+s31+$0x0], $0xffff  }
0x18e: {  	v57 =	vld.idx.msk [tilespmem:v48+s30+$0x0], $0xffff;
	v58 =	vmul.f32 v63, v61;
	v34 =	vadd.f32 v54, v34  }
0x18f: {  	v60 =	vor.u32 v21, v33;
	v59 =	vld.idx.msk [tilespmem:v48+s31+$0x0], $0xffff  }
0x190: {  	v61 =	vld.idx.msk [tilespmem:v52+s30+$0x0], $0xffff;
	v62 =	vmul.f32 v51, v49;
	v34 =	vadd.f32 v58, v34  }
0x191: {  	v48 =	vor.u32 v23, v33;
	v63 =	vld.idx.msk [tilespmem:v52+s31+$0x0], $0xffff  }
0x192: {  	v49 =	vld.idx.msk [tilespmem:v56+s30+$0x0], $0xffff;
	v50 =	vmul.f32 v55, v53;
	v34 =	vadd.f32 v62, v34  }
0x193: {  	v52 =	vor.u32 v24, v33;
	v51 =	vld.idx.msk [tilespmem:v56+s31+$0x0], $0xffff  }
0x194: {  	v53 =	vld.idx.msk [tilespmem:v60+s30+$0x0], $0xffff;
	v54 =	vmul.f32 v59, v57;
	v34 =	vadd.f32 v50, v34  }
0x195: {  	v56 =	vor.u32 v25, v33;
	v55 =	vld.idx.msk [tilespmem:v60+s31+$0x0], $0xffff  }
0x196: {  	v57 =	vld.idx.msk [tilespmem:v48+s30+$0x0], $0xffff;
	v58 =	vmul.f32 v63, v61;
	v34 =	vadd.f32 v54, v34  }
0x197: {  	v60 =	vor.u32 v26, v33;
	v59 =	vld.idx.msk [tilespmem:v48+s31+$0x0], $0xffff  }
0x198: {  	v61 =	vld.idx.msk [tilespmem:v52+s30+$0x0], $0xffff;
	v62 =	vmul.f32 v51, v49;
	v34 =	vadd.f32 v58, v34  }
0x199: {  	v48 =	vor.u32 v27, v33;
	v63 =	vld.idx.msk [tilespmem:v52+s31+$0x0], $0xffff  }
0x19a: {  	v49 =	vld.idx.msk [tilespmem:v56+s30+$0x0], $0xffff;
	v50 =	vmul.f32 v55, v53;
	v34 =	vadd.f32 v62, v34  }
0x19b: {  	v52 =	vor.u32 v29, v33;
	v51 =	vld.idx.msk [tilespmem:v56+s31+$0x0], $0xffff  }
0x19c: {  	v53 =	vld.idx.msk [tilespmem:v60+s30+$0x0], $0xffff;
	v54 =	vmul.f32 v59, v57;
	v34 =	vadd.f32 v50, v34  }
0x19d: {  	v56 =	vor.u32 v30, v33;
	v55 =	vld.idx.msk [tilespmem:v60+s31+$0x0], $0xffff  }
0x19e: {  	v57 =	vld.idx.msk [tilespmem:v48+s30+$0x0], $0xffff;
	v58 =	vmul.f32 v63, v61;
	v34 =	vadd.f32 v54, v34  }
0x19f: {  	v60 =	vor.u32 v31, v33;
	v59 =	vld.idx.msk [tilespmem:v48+s31+$0x0], $0xffff  }
0x1a0: {  	v61 =	vld.idx.msk [tilespmem:v52+s30+$0x0], $0xffff;
	v62 =	vmul.f32 v51, v49;
	v34 =	vadd.f32 v58, v34  }
0x1a1: {  	v33 =	vor.u32 v32, v33;
	v63 =	vld.idx.msk [tilespmem:v52+s31+$0x0], $0xffff  }
0x1a2: {  	v45 =	vld.idx.msk [tilespmem:v56+s30+$0x0], $0xffff;
	v46 =	vmul.f32 v55, v53;
	v34 =	vadd.f32 v62, v34  }
0x1a3: {  	v47 =	vld.idx.msk [tilespmem:v56+s31+$0x0], $0xffff  }
0x1a4: {  	v48 =	vld.idx.msk [tilespmem:v60+s30+$0x0], $0xffff;
	v49 =	vmul.f32 v59, v57;
	v34 =	vadd.f32 v46, v34  }
0x1a5: {  	v50 =	vld.idx.msk [tilespmem:v60+s31+$0x0], $0xffff  }
0x1a6: {  	v51 =	vld.idx.msk [tilespmem:v33+s30+$0x0], $0xffff;
	v52 =	vmul.f32 v63, v61;
	v34 =	vadd.f32 v49, v34  }
0x1a7: {  	v33 =	vld.idx.msk [tilespmem:v33+s31+$0x0], $0xffff  }
0x1a8: {  	v53 =	vmul.f32 v47, v45;
	v34 =	vadd.f32 v52, v34;
	_ =	sdelay $0x1  }
0x1a9: {  	v54 =	vmul.f32 v50, v48;
	v34 =	vadd.f32 v53, v34;
	_ =	sdelay $0x1  }
0x1aa: {  	v33 =	vmul.f32 v33, v51;
	v34 =	vadd.f32 v54, v34  }
0x1ab: {  	s15 =	rddreg [dreg:$0x3]  }
0x1ac: {  	s15 =	sor.u32 s15, s1;
	v33 =	vadd.f32 v33, v34  }
0x1ad: {  	s16 =	sadd.s32 $0x10, s4;
	s4 =	sshrl.u32 s15, $0x3  }
0x1ae: {  	s15 =	sadd.s32 s25, s4;
	[tilespmem:s16+$0x0] =	vst v33  }
0x1af: {  	[hbm4b:s15+s3] =	stream.linear.scatter [tilespmem:s24], [sflag:$0x7], $0x200, $0x38;
	[tilespmem:$0x11400] =	vst v63  }
0x1b0: {  	_ =	swait.ge [sflag:s0], $0x200  }
0x1b1: {  	[sflag:s0] =	ssyncset.done $0x0  }
0x1b2: {  	[sflag:s0] =	ssyncadd.s32 $0xFFFFFE00  }
0x1b3: {  	_ =	swait.ge [sflag:s0], $0x200  }
0x1b4: {  	[sflag:s0] =	ssyncset.done $0x0  }
0x1b5: {  	s26 =	simm.s32 $0x400;
	[sflag:s0] =	ssyncadd.s32 $0xFFFFFE00  }
0x1b6: {  	[tilespmem:s30], [sflag:$0x1] =	stream.indirect.gather [hbm4b:s7+s29], $0x20, s26, s29, $0xb8;
	[tilespmem:$0x11400] =	vst v63  }
0x1b7: {  	s16 =	simm.s32 $0xC00  }
0x1b8: {  	[tilespmem:s31], [sflag:$0x1] =	stream.indirect.gather [hbm4b:s7+s29], $0x20, s16, s29, $0xb8;
	[tilespmem:$0x11400] =	vst v63  }
0x1b9: {  	s17 =	simm.s32 $0x2000;
	s26 =	simm.s32 $0x480  }
0x1ba: {  	[tilespmem:s17], [sflag:$0x1] =	stream.indirect.gather [hbm4b:s7+s29], $0x20, s26, s29, $0xb8;
	[tilespmem:$0x11400] =	vst v63  }
0x1bb: {  	s17 =	simm.s32 $0xA000;
	s26 =	simm.s32 $0xC80  }
0x1bc: {  	[tilespmem:s17], [sflag:$0x1] =	stream.indirect.gather [hbm4b:s7+s29], $0x20, s26, s29, $0xb8;
	[tilespmem:$0x11400] =	vst v63  }
0x1bd: {  	p0 =	seq.s32 s18, $0xF;
	s17 =	simm.s32 $0x3000;
	s26 =	simm.s32 $0x500  }
0x1be: {  	[tilespmem:s17], [sflag:$0x1] =	stream.indirect.gather [hbm4b:s7+s29], $0x20, s26, s29, $0xb8;
	[tilespmem:$0x11400] =	vst v63  }
0x1bf: {  	s15 =	rddreg [dreg:$0xc];
	s17 =	simm.s32 $0xB000;
	s26 =	simm.s32 $0xD00  }
0x1c0: {  	[tilespmem:s17], [sflag:$0x1] =	stream.indirect.gather [hbm4b:s7+s29], $0x20, s26, s29, $0xb8;
	[tilespmem:$0x11400] =	vst v63  }
0x1c1: {  	s15 =	sadd.s32 @!p0 s1, s15;
	s17 =	simm.s32 $0x4000;
	s26 =	simm.s32 $0x580  }
0x1c2: {  	[tilespmem:s17], [sflag:$0x1] =	stream.indirect.gather [hbm4b:s7+s29], $0x20, s26, s29, $0xb8;
	[tilespmem:$0x11400] =	vst v63  }
0x1c3: {  	s15 =	sshrl.u32 @!p0 s15, $0x3;
	s17 =	simm.s32 $0xC000;
	s26 =	simm.s32 $0xD80  }
0x1c4: {  	[tilespmem:s17], [sflag:$0x1] =	stream.indirect.gather [hbm4b:s7+s29], $0x20, s26, s29, $0xb8;
	[tilespmem:$0x11400] =	vst v63  }
0x1c5: {  	s15 =	sadd.s32 @!p0 s5, s15;
	s16 =	simm.s32 @!p0 $0x0  }
0x1c6: {  	[tilespmem:s16], [sflag:$0x3] =	stream.linear.gather @!p0 [hbm4b:s15+s16], $0x200, $0x38;
	[tilespmem:$0x11400] =	vst v63  }
0x1c7: {  	s17 =	simm.s32 @!p0 $0x800;
	s15 =	sadd.s32 @!p0 $0x20000, s15  }
0x1c8: {  	[tilespmem:s17], [sflag:$0x3] =	stream.linear.gather @!p0 [hbm4b:s15+s16], $0x200, $0x38;
	[tilespmem:$0x11400] =	vst v63  }
0x1c9: {  	_ =	swait.ge [sflag:s2], $0x1000  }
0x1ca: {  	[sflag:s2] =	ssyncset.done $0x0  }
0x1cb: {  	[sflag:s2] =	ssyncadd.s32 $0xFFFFF000  }
0x1cc: {  	_ =	swait.ge [sflag:s2], $0x1000  }
0x1cd: {  	[sflag:s2] =	ssyncset.done $0x0  }
0x1ce: {  	[sflag:s2] =	ssyncadd.s32 $0xFFFFF000  }
0x1cf: {  	_ =	swait.ge [sflag:s2], $0x1000  }
0x1d0: {  	[sflag:s2] =	ssyncset.done $0x0  }
0x1d1: {  	[sflag:s2] =	ssyncadd.s32 $0xFFFFF000  }
0x1d2: {  	_ =	swait.ge [sflag:s2], $0x1000  }
0x1d3: {  	[sflag:s2] =	ssyncset.done $0x0  }
0x1d4: {  	[sflag:s2] =	ssyncadd.s32 $0xFFFFF000  }
0x1d5: {  	_ =	swait.ge [sflag:s2], $0x1000  }
0x1d6: {  	[sflag:s2] =	ssyncset.done $0x0  }
0x1d7: {  	[sflag:s2] =	ssyncadd.s32 $0xFFFFF000  }
0x1d8: {  	_ =	swait.ge [sflag:s2], $0x1000  }
0x1d9: {  	[sflag:s2] =	ssyncset.done $0x0  }
0x1da: {  	[sflag:s2] =	ssyncadd.s32 $0xFFFFF000  }
0x1db: {  	s16 =	simm.s32 $0x0;
	_ =	swait.ge [sflag:s2], $0x1000  }
0x1dc: {  	v55 =	vmov s16;
	[sflag:s2] =	ssyncset.done $0x0  }
0x1dd: {  	v33 =	vshll.u32 v55, $0x5;
	[sflag:s2] =	ssyncadd.s32 $0xFFFFF000  }
0x1de: {  	v33 =	vor.u32 v1, v33;
	_ =	swait.ge [sflag:s2], $0x1000  }
0x1df: {  	v56 =	vor.u32 v0, v33;
	[sflag:s2] =	ssyncset.done $0x0  }
0x1e0: {  	s15 =	simm.s32 @!p1 $0x8;
	[sflag:s2] =	ssyncadd.s32 $0xFFFFF000  }
0x1e1: {  	v57 =	vor.u32 v2, v33;
	_ =	swait.ge @!p1 [sflag:s15], $0x200  }
0x1e2: {  	[sflag:s15] =	ssyncset.done @!p1 $0x0  }
0x1e3: {  	v58 =	vor.u32 v3, v33;
	[sflag:s15] =	ssyncadd.s32 @!p1 $0xFFFFFE00  }
0x1e4: {  	v59 =	vld.idx.msk [tilespmem:v56+s13+$0x0], $0xffff  }
0x1e5: {  	v60 =	vor.u32 v4, v33;
	v34 =	vld.idx.msk [tilespmem:v56+s12+$0x0], $0xffff  }
0x1e6: {  	v61 =	vld.idx.msk [tilespmem:v57+s12+$0x0], $0xffff  }
0x1e7: {  	v62 =	vor.u32 v5, v33;
	v35 =	vld.idx.msk [tilespmem:v57+s13+$0x0], $0xffff  }
0x1e8: {  	v63 =	vld.idx.msk [tilespmem:v58+s12+$0x0], $0xffff  }
0x1e9: {  	v48 =	vor.u32 v6, v33;
	v36 =	vld.idx.msk [tilespmem:v58+s13+$0x0], $0xffff  }
0x1ea: {  	v49 =	vld.idx.msk [tilespmem:v60+s12+$0x0], $0xffff;
	v34 =	vmul.f32 v59, v34  }
0x1eb: {  	v51 =	vor.u32 v7, v33;
	v50 =	vld.idx.msk [tilespmem:v60+s13+$0x0], $0xffff  }
0x1ec: {  	v52 =	vld.idx.msk [tilespmem:v62+s12+$0x0], $0xffff;
	v35 =	vmul.f32 v35, v61;
	v34 =	vadd.f32 $0.0e+00, v34  }
0x1ed: {  	v54 =	vor.u32 v8, v33;
	v53 =	vld.idx.msk [tilespmem:v62+s13+$0x0], $0xffff  }
0x1ee: {  	v55 =	vld.idx.msk [tilespmem:v48+s12+$0x0], $0xffff;
	v56 =	vmul.f32 v36, v63;
	v34 =	vadd.f32 v35, v34  }
0x1ef: {  	v57 =	vld.idx.msk [tilespmem:v48+s13+$0x0], $0xffff;
	v58 =	vor.u32 v9, v33  }
0x1f0: {  	v59 =	vld.idx.msk [tilespmem:v51+s12+$0x0], $0xffff;
	v60 =	vmul.f32 v50, v49;
	v34 =	vadd.f32 v56, v34  }
0x1f1: {  	v62 =	vor.u32 v10, v33;
	v61 =	vld.idx.msk [tilespmem:v51+s13+$0x0], $0xffff  }
0x1f2: {  	v63 =	vld.idx.msk [tilespmem:v54+s12+$0x0], $0xffff;
	v48 =	vmul.f32 v53, v52;
	v34 =	vadd.f32 v60, v34  }
0x1f3: {  	v49 =	vld.idx.msk [tilespmem:v54+s13+$0x0], $0xffff;
	v50 =	vor.u32 v11, v33  }
0x1f4: {  	v51 =	vld.idx.msk [tilespmem:v58+s12+$0x0], $0xffff;
	v52 =	vmul.f32 v57, v55;
	v34 =	vadd.f32 v48, v34  }
0x1f5: {  	v53 =	vld.idx.msk [tilespmem:v58+s13+$0x0], $0xffff;
	v54 =	vor.u32 v12, v33  }
0x1f6: {  	v55 =	vld.idx.msk [tilespmem:v62+s12+$0x0], $0xffff;
	v56 =	vmul.f32 v61, v59;
	v34 =	vadd.f32 v52, v34  }
0x1f7: {  	v57 =	vld.idx.msk [tilespmem:v62+s13+$0x0], $0xffff;
	v58 =	vor.u32 v13, v33  }
0x1f8: {  	v59 =	vld.idx.msk [tilespmem:v50+s12+$0x0], $0xffff;
	v60 =	vmul.f32 v49, v63;
	v34 =	vadd.f32 v56, v34  }
0x1f9: {  	v62 =	vor.u32 v14, v33;
	v61 =	vld.idx.msk [tilespmem:v50+s13+$0x0], $0xffff  }
0x1fa: {  	v63 =	vld.idx.msk [tilespmem:v54+s12+$0x0], $0xffff;
	v48 =	vmul.f32 v53, v51;
	v34 =	vadd.f32 v60, v34  }
0x1fb: {  	v50 =	vor.u32 v15, v33;
	v49 =	vld.idx.msk [tilespmem:v54+s13+$0x0], $0xffff  }
0x1fc: {  	v51 =	vld.idx.msk [tilespmem:v58+s12+$0x0], $0xffff;
	v52 =	vmul.f32 v57, v55;
	v34 =	vadd.f32 v48, v34  }
0x1fd: {  	v54 =	vor.u32 v22, v33;
	v53 =	vld.idx.msk [tilespmem:v58+s13+$0x0], $0xffff  }
0x1fe: {  	v55 =	vld.idx.msk [tilespmem:v62+s12+$0x0], $0xffff;
	v56 =	vmul.f32 v61, v59;
	v34 =	vadd.f32 v52, v34  }
0x1ff: {  	v58 =	vor.u32 v28, v33;
	v57 =	vld.idx.msk [tilespmem:v62+s13+$0x0], $0xffff  }
0x200: {  	v59 =	vld.idx.msk [tilespmem:v50+s12+$0x0], $0xffff;
	v60 =	vmul.f32 v49, v63;
	v34 =	vadd.f32 v56, v34  }
0x201: {  	v62 =	vor.u32 v16, v33;
	v61 =	vld.idx.msk [tilespmem:v50+s13+$0x0], $0xffff  }
0x202: {  	v63 =	vld.idx.msk [tilespmem:v54+s12+$0x0], $0xffff;
	v48 =	vmul.f32 v53, v51;
	v34 =	vadd.f32 v60, v34  }
0x203: {  	v50 =	vor.u32 v17, v33;
	v49 =	vld.idx.msk [tilespmem:v54+s13+$0x0], $0xffff  }
0x204: {  	v51 =	vld.idx.msk [tilespmem:v58+s12+$0x0], $0xffff;
	v52 =	vmul.f32 v57, v55;
	v34 =	vadd.f32 v48, v34  }
0x205: {  	v54 =	vor.u32 v18, v33;
	v53 =	vld.idx.msk [tilespmem:v58+s13+$0x0], $0xffff  }
0x206: {  	v55 =	vld.idx.msk [tilespmem:v62+s12+$0x0], $0xffff;
	v56 =	vmul.f32 v61, v59;
	v34 =	vadd.f32 v52, v34  }
0x207: {  	v58 =	vor.u32 v19, v33;
	v57 =	vld.idx.msk [tilespmem:v62+s13+$0x0], $0xffff  }
0x208: {  	v59 =	vld.idx.msk [tilespmem:v50+s12+$0x0], $0xffff;
	v60 =	vmul.f32 v49, v63;
	v34 =	vadd.f32 v56, v34  }
0x209: {  	v62 =	vor.u32 v20, v33;
	v61 =	vld.idx.msk [tilespmem:v50+s13+$0x0], $0xffff  }
0x20a: {  	v63 =	vld.idx.msk [tilespmem:v54+s12+$0x0], $0xffff;
	v48 =	vmul.f32 v53, v51;
	v34 =	vadd.f32 v60, v34  }
0x20b: {  	v50 =	vor.u32 v21, v33;
	v49 =	vld.idx.msk [tilespmem:v54+s13+$0x0], $0xffff  }
0x20c: {  	v51 =	vld.idx.msk [tilespmem:v58+s12+$0x0], $0xffff;
	v52 =	vmul.f32 v57, v55;
	v34 =	vadd.f32 v48, v34  }
0x20d: {  	v54 =	vor.u32 v23, v33;
	v53 =	vld.idx.msk [tilespmem:v58+s13+$0x0], $0xffff  }
0x20e: {  	v55 =	vld.idx.msk [tilespmem:v62+s12+$0x0], $0xffff;
	v56 =	vmul.f32 v61, v59;
	v34 =	vadd.f32 v52, v34  }
0x20f: {  	v58 =	vor.u32 v24, v33;
	v57 =	vld.idx.msk [tilespmem:v62+s13+$0x0], $0xffff  }
0x210: {  	v59 =	vld.idx.msk [tilespmem:v50+s12+$0x0], $0xffff;
	v60 =	vmul.f32 v49, v63;
	v34 =	vadd.f32 v56, v34  }
0x211: {  	v62 =	vor.u32 v25, v33;
	v61 =	vld.idx.msk [tilespmem:v50+s13+$0x0], $0xffff  }
0x212: {  	v63 =	vld.idx.msk [tilespmem:v54+s12+$0x0], $0xffff;
	v48 =	vmul.f32 v53, v51;
	v34 =	vadd.f32 v60, v34  }
0x213: {  	v50 =	vor.u32 v26, v33;
	v49 =	vld.idx.msk [tilespmem:v54+s13+$0x0], $0xffff  }
0x214: {  	v51 =	vld.idx.msk [tilespmem:v58+s12+$0x0], $0xffff;
	v52 =	vmul.f32 v57, v55;
	v34 =	vadd.f32 v48, v34  }
0x215: {  	v54 =	vor.u32 v27, v33;
	v53 =	vld.idx.msk [tilespmem:v58+s13+$0x0], $0xffff  }
0x216: {  	v55 =	vld.idx.msk [tilespmem:v62+s12+$0x0], $0xffff;
	v56 =	vmul.f32 v61, v59;
	v34 =	vadd.f32 v52, v34  }
0x217: {  	v58 =	vor.u32 v29, v33;
	v57 =	vld.idx.msk [tilespmem:v62+s13+$0x0], $0xffff  }
0x218: {  	v59 =	vld.idx.msk [tilespmem:v50+s12+$0x0], $0xffff;
	v60 =	vmul.f32 v49, v63;
	v34 =	vadd.f32 v56, v34  }
0x219: {  	v62 =	vor.u32 v30, v33;
	v61 =	vld.idx.msk [tilespmem:v50+s13+$0x0], $0xffff  }
0x21a: {  	v63 =	vld.idx.msk [tilespmem:v54+s12+$0x0], $0xffff;
	v48 =	vmul.f32 v53, v51;
	v34 =	vadd.f32 v60, v34  }
0x21b: {  	v50 =	vor.u32 v31, v33;
	v49 =	vld.idx.msk [tilespmem:v54+s13+$0x0], $0xffff  }
0x21c: {  	v51 =	vld.idx.msk [tilespmem:v58+s12+$0x0], $0xffff;
	v52 =	vmul.f32 v57, v55;
	v34 =	vadd.f32 v48, v34  }
0x21d: {  	v33 =	vor.u32 v32, v33;
	v53 =	vld.idx.msk [tilespmem:v58+s13+$0x0], $0xffff  }
0x21e: {  	v54 =	vld.idx.msk [tilespmem:v62+s12+$0x0], $0xffff;
	v55 =	vmul.f32 v61, v59;
	v34 =	vadd.f32 v52, v34  }
0x21f: {  	v56 =	vld.idx.msk [tilespmem:v62+s13+$0x0], $0xffff  }
0x220: {  	v57 =	vld.idx.msk [tilespmem:v50+s12+$0x0], $0xffff;
	v58 =	vmul.f32 v49, v63;
	v34 =	vadd.f32 v55, v34  }
0x221: {  	v59 =	vld.idx.msk [tilespmem:v50+s13+$0x0], $0xffff  }
0x222: {  	v62 =	vld.idx.msk [tilespmem:v33+s13+$0x0], $0xffff;
	v61 =	vmul.f32 v53, v51;
	v34 =	vadd.f32 v58, v34  }
0x223: {  	v60 =	vld.idx.msk [tilespmem:v33+s12+$0x0], $0xffff  }
0x224: {  	s17 =	simm.s32 $0x10;
	v42 =	vmul.f32 v56, v54;
	v63 =	vadd.f32 v61, v34  }
0x225: {  	v43 =	vmov s17  }
0x226: {  	v35 =	vshll.u32 v43, $0x5;
	v44 =	vmul.f32 v59, v57;
	v34 =	vadd.f32 v42, v63  }
0x227: {  	v33 =	vor.u32 v1, v35  }
0x228: {  	v35 =	vor.u32 v0, v33;
	v45 =	vmul.f32 v62, v60;
	v34 =	vadd.f32 v44, v34;
	_ =	sdelay $0x1  }
0x229: {  	v46 =	vor.u32 v2, v33;
	v34 =	vadd.f32 v45, v34  }
0x22a: {  	s15 =	simm.s32 $0x11200  }
0x22b: {  	v47 =	vor.u32 v3, v33;
	[tilespmem:s15+$0x0] =	vst v34  }
0x22c: {  	v34 =	vld.idx.msk [tilespmem:v35+s13+$0x0], $0xffff  }
0x22d: {  	v48 =	vor.u32 v4, v33;
	v35 =	vld.idx.msk [tilespmem:v35+s12+$0x0], $0xffff  }
0x22e: {  	v49 =	vld.idx.msk [tilespmem:v46+s12+$0x0], $0xffff  }
0x22f: {  	v50 =	vor.u32 v5, v33;
	v37 =	vld.idx.msk [tilespmem:v46+s13+$0x0], $0xffff  }
0x230: {  	v51 =	vld.idx.msk [tilespmem:v47+s12+$0x0], $0xffff  }
0x231: {  	v52 =	vor.u32 v6, v33;
	v36 =	vld.idx.msk [tilespmem:v47+s13+$0x0], $0xffff  }
0x232: {  	v53 =	vld.idx.msk [tilespmem:v48+s12+$0x0], $0xffff;
	v34 =	vmul.f32 v34, v35  }
0x233: {  	v55 =	vor.u32 v7, v33;
	v54 =	vld.idx.msk [tilespmem:v48+s13+$0x0], $0xffff  }
0x234: {  	v56 =	vld.idx.msk [tilespmem:v50+s12+$0x0], $0xffff;
	v37 =	vmul.f32 v37, v49;
	v34 =	vadd.f32 $0.0e+00, v34  }
0x235: {  	v58 =	vor.u32 v8, v33;
	v57 =	vld.idx.msk [tilespmem:v50+s13+$0x0], $0xffff  }
0x236: {  	v59 =	vld.idx.msk [tilespmem:v52+s12+$0x0], $0xffff;
	v36 =	vmul.f32 v36, v51;
	v34 =	vadd.f32 v37, v34  }
0x237: {  	v61 =	vor.u32 v9, v33;
	v60 =	vld.idx.msk [tilespmem:v52+s13+$0x0], $0xffff  }
0x238: {  	v62 =	vld.idx.msk [tilespmem:v55+s12+$0x0], $0xffff;
	v35 =	vmul.f32 v54, v53;
	v34 =	vadd.f32 v36, v34  }
0x239: {  	v63 =	vld.idx.msk [tilespmem:v55+s13+$0x0], $0xffff;
	v48 =	vor.u32 v10, v33  }
0x23a: {  	v49 =	vld.idx.msk [tilespmem:v58+s12+$0x0], $0xffff;
	v50 =	vmul.f32 v57, v56;
	v34 =	vadd.f32 v35, v34  }
0x23b: {  	v52 =	vor.u32 v11, v33;
	v51 =	vld.idx.msk [tilespmem:v58+s13+$0x0], $0xffff  }
0x23c: {  	v55 =	vld.idx.msk [tilespmem:v61+s13+$0x0], $0xffff;
	v54 =	vmul.f32 v60, v59;
	v34 =	vadd.f32 v50, v34  }
0x23d: {  	v53 =	vld.idx.msk [tilespmem:v61+s12+$0x0], $0xffff;
	v56 =	vor.u32 v12, v33  }
0x23e: {  	v57 =	vld.idx.msk [tilespmem:v48+s12+$0x0], $0xffff;
	v58 =	vmul.f32 v63, v62;
	v34 =	vadd.f32 v54, v34  }
0x23f: {  	v59 =	vld.idx.msk [tilespmem:v48+s13+$0x0], $0xffff;
	v60 =	vor.u32 v13, v33  }
0x240: {  	v61 =	vld.idx.msk [tilespmem:v52+s12+$0x0], $0xffff;
	v62 =	vmul.f32 v51, v49;
	v34 =	vadd.f32 v58, v34  }
0x241: {  	v63 =	vld.idx.msk [tilespmem:v52+s13+$0x0], $0xffff;
	v48 =	vor.u32 v14, v33  }
0x242: {  	v49 =	vld.idx.msk [tilespmem:v56+s12+$0x0], $0xffff;
	v50 =	vmul.f32 v55, v53;
	v34 =	vadd.f32 v62, v34  }
0x243: {  	v52 =	vor.u32 v15, v33;
	v51 =	vld.idx.msk [tilespmem:v56+s13+$0x0], $0xffff  }
0x244: {  	v53 =	vld.idx.msk [tilespmem:v60+s12+$0x0], $0xffff;
	v54 =	vmul.f32 v59, v57;
	v34 =	vadd.f32 v50, v34  }
0x245: {  	v56 =	vor.u32 v22, v33;
	v55 =	vld.idx.msk [tilespmem:v60+s13+$0x0], $0xffff  }
0x246: {  	v57 =	vld.idx.msk [tilespmem:v48+s12+$0x0], $0xffff;
	v58 =	vmul.f32 v63, v61;
	v34 =	vadd.f32 v54, v34  }
0x247: {  	v60 =	vor.u32 v28, v33;
	v59 =	vld.idx.msk [tilespmem:v48+s13+$0x0], $0xffff  }
0x248: {  	v61 =	vld.idx.msk [tilespmem:v52+s12+$0x0], $0xffff;
	v62 =	vmul.f32 v51, v49;
	v34 =	vadd.f32 v58, v34  }
0x249: {  	v48 =	vor.u32 v16, v33;
	v63 =	vld.idx.msk [tilespmem:v52+s13+$0x0], $0xffff  }
0x24a: {  	v49 =	vld.idx.msk [tilespmem:v56+s12+$0x0], $0xffff;
	v50 =	vmul.f32 v55, v53;
	v34 =	vadd.f32 v62, v34  }
0x24b: {  	v52 =	vor.u32 v17, v33;
	v51 =	vld.idx.msk [tilespmem:v56+s13+$0x0], $0xffff  }
0x24c: {  	v53 =	vld.idx.msk [tilespmem:v60+s12+$0x0], $0xffff;
	v54 =	vmul.f32 v59, v57;
	v34 =	vadd.f32 v50, v34  }
0x24d: {  	v56 =	vor.u32 v18, v33;
	v55 =	vld.idx.msk [tilespmem:v60+s13+$0x0], $0xffff  }
0x24e: {  	v57 =	vld.idx.msk [tilespmem:v48+s12+$0x0], $0xffff;
	v58 =	vmul.f32 v63, v61;
	v34 =	vadd.f32 v54, v34  }
0x24f: {  	v60 =	vor.u32 v19, v33;
	v59 =	vld.idx.msk [tilespmem:v48+s13+$0x0], $0xffff  }
0x250: {  	v61 =	vld.idx.msk [tilespmem:v52+s12+$0x0], $0xffff;
	v62 =	vmul.f32 v51, v49;
	v34 =	vadd.f32 v58, v34  }
0x251: {  	v48 =	vor.u32 v20, v33;
	v63 =	vld.idx.msk [tilespmem:v52+s13+$0x0], $0xffff  }
0x252: {  	v49 =	vld.idx.msk [tilespmem:v56+s12+$0x0], $0xffff;
	v50 =	vmul.f32 v55, v53;
	v34 =	vadd.f32 v62, v34  }
0x253: {  	v52 =	vor.u32 v21, v33;
	v51 =	vld.idx.msk [tilespmem:v56+s13+$0x0], $0xffff  }
0x254: {  	v53 =	vld.idx.msk [tilespmem:v60+s12+$0x0], $0xffff;
	v54 =	vmul.f32 v59, v57;
	v34 =	vadd.f32 v50, v34  }
0x255: {  	v56 =	vor.u32 v23, v33;
	v55 =	vld.idx.msk [tilespmem:v60+s13+$0x0], $0xffff  }
0x256: {  	v57 =	vld.idx.msk [tilespmem:v48+s12+$0x0], $0xffff;
	v58 =	vmul.f32 v63, v61;
	v34 =	vadd.f32 v54, v34  }
0x257: {  	v60 =	vor.u32 v24, v33;
	v59 =	vld.idx.msk [tilespmem:v48+s13+$0x0], $0xffff  }
0x258: {  	v61 =	vld.idx.msk [tilespmem:v52+s12+$0x0], $0xffff;
	v62 =	vmul.f32 v51, v49;
	v34 =	vadd.f32 v58, v34  }
0x259: {  	v48 =	vor.u32 v25, v33;
	v63 =	vld.idx.msk [tilespmem:v52+s13+$0x0], $0xffff  }
0x25a: {  	v49 =	vld.idx.msk [tilespmem:v56+s12+$0x0], $0xffff;
	v50 =	vmul.f32 v55, v53;
	v34 =	vadd.f32 v62, v34  }
0x25b: {  	v52 =	vor.u32 v26, v33;
	v51 =	vld.idx.msk [tilespmem:v56+s13+$0x0], $0xffff  }
0x25c: {  	v53 =	vld.idx.msk [tilespmem:v60+s12+$0x0], $0xffff;
	v54 =	vmul.f32 v59, v57;
	v34 =	vadd.f32 v50, v34  }
0x25d: {  	v56 =	vor.u32 v27, v33;
	v55 =	vld.idx.msk [tilespmem:v60+s13+$0x0], $0xffff  }
0x25e: {  	v57 =	vld.idx.msk [tilespmem:v48+s12+$0x0], $0xffff;
	v58 =	vmul.f32 v63, v61;
	v34 =	vadd.f32 v54, v34  }
0x25f: {  	v60 =	vor.u32 v29, v33;
	v59 =	vld.idx.msk [tilespmem:v48+s13+$0x0], $0xffff  }
0x260: {  	v61 =	vld.idx.msk [tilespmem:v52+s12+$0x0], $0xffff;
	v62 =	vmul.f32 v51, v49;
	v34 =	vadd.f32 v58, v34  }
0x261: {  	v63 =	vld.idx.msk [tilespmem:v52+s13+$0x0], $0xffff  }
0x262: {  	v48 =	vor.u32 v30, v33;
	v49 =	vld.idx.msk [tilespmem:v56+s12+$0x0], $0xffff;
	v50 =	vmul.f32 v55, v53;
	v34 =	vadd.f32 v62, v34  }
0x263: {  	v51 =	vld.idx.msk [tilespmem:v56+s13+$0x0], $0xffff  }
0x264: {  	v52 =	vor.u32 v31, v33;
	v53 =	vld.idx.msk [tilespmem:v60+s12+$0x0], $0xffff;
	v54 =	vmul.f32 v59, v57;
	v34 =	vadd.f32 v50, v34  }
0x265: {  	v55 =	vld.idx.msk [tilespmem:v60+s13+$0x0], $0xffff  }
0x266: {  	v33 =	vor.u32 v32, v33;
	v57 =	vmul.f32 v63, v61;
	v34 =	vadd.f32 v54, v34  }
0x267: {  	v56 =	vld.idx.msk [tilespmem:v48+s12+$0x0], $0xffff  }
0x268: {  	v60 =	vmul.f32 v51, v49;
	v58 =	vld.idx.msk [tilespmem:v48+s13+$0x0], $0xffff;
	v34 =	vadd.f32 v57, v34  }
0x269: {  	v38 =	vld.idx.msk [tilespmem:v52+s13+$0x0], $0xffff  }
0x26a: {  	v59 =	vld.idx.msk [tilespmem:v52+s12+$0x0], $0xffff;
	v61 =	vmul.f32 v55, v53;
	v34 =	vadd.f32 v60, v34  }
0x26b: {  	v35 =	vld.idx.msk [tilespmem:v33+s13+$0x0], $0xffff  }
0x26c: {  	v62 =	vadd.f32 v61, v34;
	v34 =	vld.idx.msk [tilespmem:v33+s12+$0x0], $0xffff  }
0x26d: {  	s26 =	simm.s32 $0x20;
	v37 =	vmul.f32 v58, v56  }
0x26e: {  	v63 =	vmov s26  }
0x26f: {  	s16 =	simm.s32 $0x30;
	v33 =	vshll.u32 v63, $0x5;
	v36 =	vadd.f32 v37, v62;
	v37 =	vmul.f32 v38, v59  }
.LBB2_5:
0x270: {  	p1 =	sne.s32 s16, $0x1F0;
	v33 =	vor.u32 v1, v33  }
0x271: {  	v34 =	vmul.f32 v35, v34;
	v38 =	vor.u32 v0, v33;
	v36 =	vadd.f32 v37, v36;
	_ =	sdelay $0x1  }
0x272: {  	v35 =	vor.u32 v2, v33;
	v34 =	vadd.f32 v34, v36  }
0x273: {  	s15 =	sadd.s32 $0x10, s15  }
0x274: {  	v36 =	vor.u32 v3, v33;
	[tilespmem:s15+$0x0] =	vst v34  }
0x275: {  	v34 =	vld.idx.msk [tilespmem:v38+s13+$0x0], $0xffff  }
0x276: {  	v37 =	vld.idx.msk [tilespmem:v38+s12+$0x0], $0xffff;
	v38 =	vor.u32 v4, v33  }
0x277: {  	v39 =	vld.idx.msk [tilespmem:v35+s12+$0x0], $0xffff  }
0x278: {  	v40 =	vor.u32 v5, v33;
	v35 =	vld.idx.msk [tilespmem:v35+s13+$0x0], $0xffff  }
0x279: {  	v41 =	vld.idx.msk [tilespmem:v36+s12+$0x0], $0xffff  }
0x27a: {  	v42 =	vor.u32 v6, v33;
	v36 =	vld.idx.msk [tilespmem:v36+s13+$0x0], $0xffff  }
0x27b: {  	v43 =	vld.idx.msk [tilespmem:v38+s12+$0x0], $0xffff  }
0x27c: {  	v34 =	vmul.f32 v34, v37;
	v37 =	vld.idx.msk [tilespmem:v38+s13+$0x0], $0xffff;
	v38 =	vor.u32 v7, v33  }
0x27d: {  	v44 =	vld.idx.msk [tilespmem:v40+s12+$0x0], $0xffff  }
0x27e: {  	v34 =	vadd.f32 $0.0e+00, v34;
	v35 =	vmul.f32 v35, v39;
	v39 =	vld.idx.msk [tilespmem:v40+s13+$0x0], $0xffff;
	v40 =	vor.u32 v8, v33  }
0x27f: {  	v45 =	vld.idx.msk [tilespmem:v42+s12+$0x0], $0xffff  }
0x280: {  	v34 =	vadd.f32 v35, v34;
	v35 =	vmul.f32 v36, v41;
	v41 =	vor.u32 v9, v33;
	v36 =	vld.idx.msk [tilespmem:v42+s13+$0x0], $0xffff  }
0x281: {  	v42 =	vld.idx.msk [tilespmem:v38+s12+$0x0], $0xffff  }
0x282: {  	v34 =	vadd.f32 v35, v34;
	v35 =	vmul.f32 v37, v43;
	v37 =	vld.idx.msk [tilespmem:v38+s13+$0x0], $0xffff;
	v38 =	vor.u32 v10, v33  }
0x283: {  	v43 =	vld.idx.msk [tilespmem:v40+s12+$0x0], $0xffff  }
0x284: {  	v34 =	vadd.f32 v35, v34;
	v35 =	vmul.f32 v39, v44;
	v39 =	vld.idx.msk [tilespmem:v40+s13+$0x0], $0xffff;
	v40 =	vor.u32 v11, v33  }
0x285: {  	v44 =	vld.idx.msk [tilespmem:v41+s12+$0x0], $0xffff  }
0x286: {  	v34 =	vadd.f32 v35, v34;
	v35 =	vmul.f32 v36, v45;
	v36 =	vld.idx.msk [tilespmem:v41+s13+$0x0], $0xffff;
	v41 =	vor.u32 v12, v33  }
0x287: {  	v45 =	vld.idx.msk [tilespmem:v38+s12+$0x0], $0xffff  }
0x288: {  	v34 =	vadd.f32 v35, v34;
	v35 =	vmul.f32 v37, v42;
	v37 =	vld.idx.msk [tilespmem:v38+s13+$0x0], $0xffff;
	v38 =	vor.u32 v13, v33  }
0x289: {  	v42 =	vld.idx.msk [tilespmem:v40+s12+$0x0], $0xffff  }
0x28a: {  	v34 =	vadd.f32 v35, v34;
	v35 =	vmul.f32 v39, v43;
	v39 =	vld.idx.msk [tilespmem:v40+s13+$0x0], $0xffff;
	v40 =	vor.u32 v14, v33  }
0x28b: {  	v43 =	vld.idx.msk [tilespmem:v41+s12+$0x0], $0xffff  }
0x28c: {  	v34 =	vadd.f32 v35, v34;
	v35 =	vmul.f32 v36, v44;
	v36 =	vld.idx.msk [tilespmem:v41+s13+$0x0], $0xffff;
	v41 =	vor.u32 v15, v33  }
0x28d: {  	v44 =	vld.idx.msk [tilespmem:v38+s12+$0x0], $0xffff  }
0x28e: {  	v34 =	vadd.f32 v35, v34;
	v35 =	vmul.f32 v37, v45;
	v37 =	vld.idx.msk [tilespmem:v38+s13+$0x0], $0xffff;
	v38 =	vor.u32 v22, v33  }
0x28f: {  	v45 =	vld.idx.msk [tilespmem:v40+s12+$0x0], $0xffff  }
0x290: {  	v34 =	vadd.f32 v35, v34;
	v35 =	vmul.f32 v39, v42;
	v39 =	vld.idx.msk [tilespmem:v40+s13+$0x0], $0xffff;
	v40 =	vor.u32 v28, v33  }
0x291: {  	v42 =	vld.idx.msk [tilespmem:v41+s12+$0x0], $0xffff  }
0x292: {  	v34 =	vadd.f32 v35, v34;
	v35 =	vmul.f32 v36, v43;
	v36 =	vld.idx.msk [tilespmem:v41+s13+$0x0], $0xffff;
	v41 =	vor.u32 v16, v33  }
0x293: {  	v43 =	vld.idx.msk [tilespmem:v38+s12+$0x0], $0xffff  }
0x294: {  	v34 =	vadd.f32 v35, v34;
	v35 =	vmul.f32 v37, v44;
	v37 =	vld.idx.msk [tilespmem:v38+s13+$0x0], $0xffff;
	v38 =	vor.u32 v17, v33  }
0x295: {  	v44 =	vld.idx.msk [tilespmem:v40+s12+$0x0], $0xffff  }
0x296: {  	v34 =	vadd.f32 v35, v34;
	v35 =	vmul.f32 v39, v45;
	v39 =	vld.idx.msk [tilespmem:v40+s13+$0x0], $0xffff;
	v40 =	vor.u32 v18, v33  }
0x297: {  	v45 =	vld.idx.msk [tilespmem:v41+s12+$0x0], $0xffff  }
0x298: {  	v34 =	vadd.f32 v35, v34;
	v35 =	vmul.f32 v36, v42;
	v36 =	vld.idx.msk [tilespmem:v41+s13+$0x0], $0xffff;
	v41 =	vor.u32 v19, v33  }
0x299: {  	v42 =	vld.idx.msk [tilespmem:v38+s12+$0x0], $0xffff  }
0x29a: {  	v34 =	vadd.f32 v35, v34;
	v35 =	vmul.f32 v37, v43;
	v37 =	vld.idx.msk [tilespmem:v38+s13+$0x0], $0xffff;
	v38 =	vor.u32 v20, v33  }
0x29b: {  	v43 =	vld.idx.msk [tilespmem:v40+s12+$0x0], $0xffff  }
0x29c: {  	v34 =	vadd.f32 v35, v34;
	v35 =	vmul.f32 v39, v44;
	v39 =	vld.idx.msk [tilespmem:v40+s13+$0x0], $0xffff;
	v40 =	vor.u32 v21, v33  }
0x29d: {  	v44 =	vld.idx.msk [tilespmem:v41+s12+$0x0], $0xffff  }
0x29e: {  	v34 =	vadd.f32 v35, v34;
	v35 =	vmul.f32 v36, v45;
	v36 =	vld.idx.msk [tilespmem:v41+s13+$0x0], $0xffff;
	v41 =	vor.u32 v23, v33  }
0x29f: {  	v45 =	vld.idx.msk [tilespmem:v38+s12+$0x0], $0xffff  }
0x2a0: {  	v34 =	vadd.f32 v35, v34;
	v35 =	vmul.f32 v37, v42;
	v37 =	vld.idx.msk [tilespmem:v38+s13+$0x0], $0xffff;
	v38 =	vor.u32 v24, v33  }
0x2a1: {  	v42 =	vld.idx.msk [tilespmem:v40+s12+$0x0], $0xffff  }
0x2a2: {  	v34 =	vadd.f32 v35, v34;
	v35 =	vmul.f32 v39, v43;
	v39 =	vld.idx.msk [tilespmem:v40+s13+$0x0], $0xffff;
	v40 =	vor.u32 v25, v33  }
0x2a3: {  	v43 =	vld.idx.msk [tilespmem:v41+s12+$0x0], $0xffff  }
0x2a4: {  	v34 =	vadd.f32 v35, v34;
	v35 =	vmul.f32 v36, v44;
	v36 =	vld.idx.msk [tilespmem:v41+s13+$0x0], $0xffff;
	v41 =	vor.u32 v26, v33  }
0x2a5: {  	v44 =	vld.idx.msk [tilespmem:v38+s12+$0x0], $0xffff  }
0x2a6: {  	v34 =	vadd.f32 v35, v34;
	v35 =	vmul.f32 v37, v45;
	v37 =	vld.idx.msk [tilespmem:v38+s13+$0x0], $0xffff;
	v38 =	vor.u32 v27, v33  }
0x2a7: {  	v45 =	vld.idx.msk [tilespmem:v40+s12+$0x0], $0xffff  }
0x2a8: {  	v34 =	vadd.f32 v35, v34;
	v35 =	vmul.f32 v39, v42;
	v39 =	vld.idx.msk [tilespmem:v40+s13+$0x0], $0xffff;
	v40 =	vor.u32 v29, v33  }
0x2a9: {  	v42 =	vld.idx.msk [tilespmem:v41+s12+$0x0], $0xffff  }
0x2aa: {  	v34 =	vadd.f32 v35, v34;
	v35 =	vmul.f32 v36, v43;
	v36 =	vld.idx.msk [tilespmem:v41+s13+$0x0], $0xffff;
	v41 =	vor.u32 v30, v33  }
0x2ab: {  	v43 =	vld.idx.msk [tilespmem:v38+s12+$0x0], $0xffff  }
0x2ac: {  	v34 =	vadd.f32 v35, v34;
	v35 =	vmul.f32 v37, v44;
	v37 =	vld.idx.msk [tilespmem:v38+s13+$0x0], $0xffff;
	v38 =	vor.u32 v31, v33  }
0x2ad: {  	v44 =	vld.idx.msk [tilespmem:v40+s12+$0x0], $0xffff  }
0x2ae: {  	v33 =	vor.u32 v32, v33;
	v34 =	vadd.f32 v35, v34;
	v35 =	vmul.f32 v39, v45;
	v39 =	vld.idx.msk [tilespmem:v40+s13+$0x0], $0xffff  }
0x2af: {  	v40 =	vld.idx.msk [tilespmem:v41+s12+$0x0], $0xffff  }
0x2b0: {  	v34 =	vadd.f32 v35, v34;
	v35 =	vmul.f32 v36, v42;
	v36 =	vld.idx.msk [tilespmem:v41+s13+$0x0], $0xffff  }
0x2b1: {  	v41 =	vld.idx.msk [tilespmem:v38+s12+$0x0], $0xffff  }
0x2b2: {  	v35 =	vadd.f32 v35, v34;
	v37 =	vmul.f32 v37, v43;
	v38 =	vld.idx.msk [tilespmem:v38+s13+$0x0], $0xffff  }
0x2b3: {  	v34 =	vld.idx.msk [tilespmem:v33+s12+$0x0], $0xffff  }
.Ltmp3:
0x2b4: {  	v37 =	vadd.f32 v37, v35;
	v39 =	vmul.f32 v39, v44;
	v35 =	vld.idx.msk [tilespmem:v33+s13+$0x0], $0xffff;
	(pc) =	sbr.rel @p1 .LBB2_5-.Ltmp3, $4  }
0x2b5: {  	_ = 	snop  }
0x2b6: {  	v37 =	vadd.f32 v39, v37;
	v36 =	vmul.f32 v36, v40  }
0x2b7: {  	v33 =	vmov s16  }
0x2b8: {  	s16 =	sadd.s32 $0x10, s16;
	v33 =	vshll.u32 v33, $0x5;
	v36 =	vadd.f32 v36, v37;
	v37 =	vmul.f32 v38, v41  }
0x2b9: {  	v33 =	vor.u32 v1, v33  }
0x2ba: {  	v34 =	vmul.f32 v35, v34;
	v38 =	vor.u32 v0, v33;
	v36 =	vadd.f32 v37, v36;
	_ =	sdelay $0x1  }
0x2bb: {  	v58 =	vor.u32 v2, v33;
	v34 =	vadd.f32 v34, v36  }
0x2bc: {  	s15 =	sadd.s32 $0x10, s15  }
0x2bd: {  	v59 =	vor.u32 v3, v33;
	[tilespmem:s15+$0x0] =	vst v34  }
0x2be: {  	v34 =	vld.idx.msk [tilespmem:v38+s13+$0x0], $0xffff  }
0x2bf: {  	v61 =	vor.u32 v4, v33;
	v60 =	vld.idx.msk [tilespmem:v38+s12+$0x0], $0xffff  }
0x2c0: {  	v39 =	vld.idx.msk [tilespmem:v58+s12+$0x0], $0xffff  }
0x2c1: {  	v40 =	vor.u32 v5, v33;
	v35 =	vld.idx.msk [tilespmem:v58+s13+$0x0], $0xffff  }
0x2c2: {  	v41 =	vld.idx.msk [tilespmem:v59+s12+$0x0], $0xffff  }
0x2c3: {  	v42 =	vor.u32 v6, v33;
	v36 =	vld.idx.msk [tilespmem:v59+s13+$0x0], $0xffff  }
0x2c4: {  	v43 =	vld.idx.msk [tilespmem:v61+s12+$0x0], $0xffff;
	v34 =	vmul.f32 v34, v60  }
0x2c5: {  	v63 =	vor.u32 v7, v33;
	v62 =	vld.idx.msk [tilespmem:v61+s13+$0x0], $0xffff  }
0x2c6: {  	v44 =	vld.idx.msk [tilespmem:v40+s12+$0x0], $0xffff;
	v35 =	vmul.f32 v35, v39;
	v34 =	vadd.f32 $0.0e+00, v34  }
0x2c7: {  	v49 =	vor.u32 v8, v33;
	v48 =	vld.idx.msk [tilespmem:v40+s13+$0x0], $0xffff  }
0x2c8: {  	v45 =	vld.idx.msk [tilespmem:v42+s12+$0x0], $0xffff;
	v50 =	vmul.f32 v36, v41;
	v34 =	vadd.f32 v35, v34  }
0x2c9: {  	v52 =	vor.u32 v9, v33;
	v51 =	vld.idx.msk [tilespmem:v42+s13+$0x0], $0xffff  }
0x2ca: {  	v53 =	vld.idx.msk [tilespmem:v63+s12+$0x0], $0xffff;
	v54 =	vmul.f32 v62, v43;
	v34 =	vadd.f32 v50, v34  }
0x2cb: {  	v56 =	vor.u32 v10, v33;
	v55 =	vld.idx.msk [tilespmem:v63+s13+$0x0], $0xffff  }
0x2cc: {  	v57 =	vld.idx.msk [tilespmem:v49+s12+$0x0], $0xffff;
	v58 =	vmul.f32 v48, v44;
	v34 =	vadd.f32 v54, v34  }
0x2cd: {  	v59 =	vld.idx.msk [tilespmem:v49+s13+$0x0], $0xffff;
	v60 =	vor.u32 v11, v33  }
0x2ce: {  	v61 =	vld.idx.msk [tilespmem:v52+s12+$0x0], $0xffff;
	v62 =	vmul.f32 v51, v45;
	v34 =	vadd.f32 v58, v34  }
0x2cf: {  	v63 =	vld.idx.msk [tilespmem:v52+s13+$0x0], $0xffff;
	v48 =	vor.u32 v12, v33  }
0x2d0: {  	v49 =	vld.idx.msk [tilespmem:v56+s12+$0x0], $0xffff;
	v50 =	vmul.f32 v55, v53;
	v34 =	vadd.f32 v62, v34  }
0x2d1: {  	v52 =	vor.u32 v13, v33;
	v51 =	vld.idx.msk [tilespmem:v56+s13+$0x0], $0xffff  }
0x2d2: {  	v53 =	vld.idx.msk [tilespmem:v60+s12+$0x0], $0xffff;
	v54 =	vmul.f32 v59, v57;
	v34 =	vadd.f32 v50, v34  }
0x2d3: {  	v56 =	vor.u32 v14, v33;
	v55 =	vld.idx.msk [tilespmem:v60+s13+$0x0], $0xffff  }
0x2d4: {  	v57 =	vld.idx.msk [tilespmem:v48+s12+$0x0], $0xffff;
	v58 =	vmul.f32 v63, v61;
	v34 =	vadd.f32 v54, v34  }
0x2d5: {  	v60 =	vor.u32 v15, v33;
	v59 =	vld.idx.msk [tilespmem:v48+s13+$0x0], $0xffff  }
0x2d6: {  	v61 =	vld.idx.msk [tilespmem:v52+s12+$0x0], $0xffff;
	v62 =	vmul.f32 v51, v49;
	v34 =	vadd.f32 v58, v34  }
0x2d7: {  	v48 =	vor.u32 v22, v33;
	v63 =	vld.idx.msk [tilespmem:v52+s13+$0x0], $0xffff  }
0x2d8: {  	v49 =	vld.idx.msk [tilespmem:v56+s12+$0x0], $0xffff;
	v50 =	vmul.f32 v55, v53;
	v34 =	vadd.f32 v62, v34  }
0x2d9: {  	v52 =	vor.u32 v28, v33;
	v51 =	vld.idx.msk [tilespmem:v56+s13+$0x0], $0xffff  }
0x2da: {  	v53 =	vld.idx.msk [tilespmem:v60+s12+$0x0], $0xffff;
	v54 =	vmul.f32 v59, v57;
	v34 =	vadd.f32 v50, v34  }
0x2db: {  	v56 =	vor.u32 v16, v33;
	v55 =	vld.idx.msk [tilespmem:v60+s13+$0x0], $0xffff  }
0x2dc: {  	v57 =	vld.idx.msk [tilespmem:v48+s12+$0x0], $0xffff;
	v58 =	vmul.f32 v63, v61;
	v34 =	vadd.f32 v54, v34  }
0x2dd: {  	v60 =	vor.u32 v17, v33;
	v59 =	vld.idx.msk [tilespmem:v48+s13+$0x0], $0xffff  }
0x2de: {  	v61 =	vld.idx.msk [tilespmem:v52+s12+$0x0], $0xffff;
	v62 =	vmul.f32 v51, v49;
	v34 =	vadd.f32 v58, v34  }
0x2df: {  	v48 =	vor.u32 v18, v33;
	v63 =	vld.idx.msk [tilespmem:v52+s13+$0x0], $0xffff  }
0x2e0: {  	v49 =	vld.idx.msk [tilespmem:v56+s12+$0x0], $0xffff;
	v50 =	vmul.f32 v55, v53;
	v34 =	vadd.f32 v62, v34  }
0x2e1: {  	v52 =	vor.u32 v19, v33;
	v51 =	vld.idx.msk [tilespmem:v56+s13+$0x0], $0xffff  }
0x2e2: {  	v53 =	vld.idx.msk [tilespmem:v60+s12+$0x0], $0xffff;
	v54 =	vmul.f32 v59, v57;
	v34 =	vadd.f32 v50, v34  }
0x2e3: {  	v56 =	vor.u32 v20, v33;
	v55 =	vld.idx.msk [tilespmem:v60+s13+$0x0], $0xffff  }
0x2e4: {  	v57 =	vld.idx.msk [tilespmem:v48+s12+$0x0], $0xffff;
	v58 =	vmul.f32 v63, v61;
	v34 =	vadd.f32 v54, v34  }
0x2e5: {  	v60 =	vor.u32 v21, v33;
	v59 =	vld.idx.msk [tilespmem:v48+s13+$0x0], $0xffff  }
0x2e6: {  	v61 =	vld.idx.msk [tilespmem:v52+s12+$0x0], $0xffff;
	v62 =	vmul.f32 v51, v49;
	v34 =	vadd.f32 v58, v34  }
0x2e7: {  	v48 =	vor.u32 v23, v33;
	v63 =	vld.idx.msk [tilespmem:v52+s13+$0x0], $0xffff  }
0x2e8: {  	v49 =	vld.idx.msk [tilespmem:v56+s12+$0x0], $0xffff;
	v50 =	vmul.f32 v55, v53;
	v34 =	vadd.f32 v62, v34  }
0x2e9: {  	v52 =	vor.u32 v24, v33;
	v51 =	vld.idx.msk [tilespmem:v56+s13+$0x0], $0xffff  }
0x2ea: {  	v53 =	vld.idx.msk [tilespmem:v60+s12+$0x0], $0xffff;
	v54 =	vmul.f32 v59, v57;
	v34 =	vadd.f32 v50, v34  }
0x2eb: {  	v56 =	vor.u32 v25, v33;
	v55 =	vld.idx.msk [tilespmem:v60+s13+$0x0], $0xffff  }
0x2ec: {  	v57 =	vld.idx.msk [tilespmem:v48+s12+$0x0], $0xffff;
	v58 =	vmul.f32 v63, v61;
	v34 =	vadd.f32 v54, v34  }
0x2ed: {  	v60 =	vor.u32 v26, v33;
	v59 =	vld.idx.msk [tilespmem:v48+s13+$0x0], $0xffff  }
0x2ee: {  	v61 =	vld.idx.msk [tilespmem:v52+s12+$0x0], $0xffff;
	v62 =	vmul.f32 v51, v49;
	v34 =	vadd.f32 v58, v34  }
0x2ef: {  	v48 =	vor.u32 v27, v33;
	v63 =	vld.idx.msk [tilespmem:v52+s13+$0x0], $0xffff  }
0x2f0: {  	v49 =	vld.idx.msk [tilespmem:v56+s12+$0x0], $0xffff;
	v50 =	vmul.f32 v55, v53;
	v34 =	vadd.f32 v62, v34  }
0x2f1: {  	v52 =	vor.u32 v29, v33;
	v51 =	vld.idx.msk [tilespmem:v56+s13+$0x0], $0xffff  }
0x2f2: {  	v53 =	vld.idx.msk [tilespmem:v60+s12+$0x0], $0xffff;
	v54 =	vmul.f32 v59, v57;
	v34 =	vadd.f32 v50, v34  }
0x2f3: {  	v56 =	vor.u32 v30, v33;
	v55 =	vld.idx.msk [tilespmem:v60+s13+$0x0], $0xffff  }
0x2f4: {  	v57 =	vld.idx.msk [tilespmem:v48+s12+$0x0], $0xffff;
	v58 =	vmul.f32 v63, v61;
	v34 =	vadd.f32 v54, v34  }
0x2f5: {  	v60 =	vor.u32 v31, v33;
	v59 =	vld.idx.msk [tilespmem:v48+s13+$0x0], $0xffff  }
0x2f6: {  	v61 =	vld.idx.msk [tilespmem:v52+s12+$0x0], $0xffff;
	v62 =	vmul.f32 v51, v49;
	v34 =	vadd.f32 v58, v34  }
0x2f7: {  	v33 =	vor.u32 v32, v33;
	v63 =	vld.idx.msk [tilespmem:v52+s13+$0x0], $0xffff  }
0x2f8: {  	v45 =	vld.idx.msk [tilespmem:v56+s12+$0x0], $0xffff;
	v46 =	vmul.f32 v55, v53;
	v34 =	vadd.f32 v62, v34  }
0x2f9: {  	v47 =	vld.idx.msk [tilespmem:v56+s13+$0x0], $0xffff  }
0x2fa: {  	v48 =	vld.idx.msk [tilespmem:v60+s12+$0x0], $0xffff;
	v49 =	vmul.f32 v59, v57;
	v34 =	vadd.f32 v46, v34  }
0x2fb: {  	v50 =	vld.idx.msk [tilespmem:v60+s13+$0x0], $0xffff  }
0x2fc: {  	v51 =	vld.idx.msk [tilespmem:v33+s12+$0x0], $0xffff;
	v52 =	vmul.f32 v63, v61;
	v34 =	vadd.f32 v49, v34  }
0x2fd: {  	v33 =	vld.idx.msk [tilespmem:v33+s13+$0x0], $0xffff  }
0x2fe: {  	v53 =	vmul.f32 v47, v45;
	v34 =	vadd.f32 v52, v34;
	_ =	sdelay $0x1  }
0x2ff: {  	v54 =	vmul.f32 v50, v48;
	v34 =	vadd.f32 v53, v34;
	_ =	sdelay $0x1  }
0x300: {  	v33 =	vmul.f32 v33, v51;
	v34 =	vadd.f32 v54, v34;
	_ =	sdelay $0x1  }
0x301: {  	v33 =	vadd.f32 v33, v34  }
0x302: {  	s4 =	sadd.s32 s4, s25;
	s15 =	sadd.s32 $0x10, s15  }
0x303: {  	s16 =	sadd.s32 $0x40, s4;
	[tilespmem:s15+$0x0] =	vst v33  }
0x304: {  	[hbm4b:s16+s3] =	stream.linear.scatter [tilespmem:s19], [sflag:$0x8], $0x200, $0x38;
	[tilespmem:$0x11400] =	vst v63  }
0x305: {  	_ =	swait.ge [sflag:s8], $0x200  }
0x306: {  	[sflag:s8] =	ssyncset.done $0x0  }
0x307: {  	[sflag:s8] =	ssyncadd.s32 $0xFFFFFE00  }
0x308: {  	_ =	swait.ge [sflag:s8], $0x200  }
0x309: {  	[sflag:s8] =	ssyncset.done $0x0  }
0x30a: {  	s17 =	simm.s32 $0x600;
	[sflag:s8] =	ssyncadd.s32 $0xFFFFFE00  }
0x30b: {  	[tilespmem:s12], [sflag:$0x2] =	stream.indirect.gather [hbm4b:s7+s29], $0x20, s17, s29, $0xb8;
	[tilespmem:$0x11400] =	vst v63  }
0x30c: {  	s26 =	smov.u32 s25;
	s25 =	simm.s32 $0xE00  }
0x30d: {  	[tilespmem:s13], [sflag:$0x2] =	stream.indirect.gather [hbm4b:s7+s29], $0x20, s25, s29, $0xb8;
	[tilespmem:$0x11400] =	vst v63  }
0x30e: {  	s16 =	simm.s32 $0x680  }
0x30f: {  	[tilespmem:s21], [sflag:$0x2] =	stream.indirect.gather [hbm4b:s7+s29], $0x20, s16, s29, $0xb8;
	[tilespmem:$0x11400] =	vst v63  }
0x310: {  	s17 =	simm.s32 $0xE80  }
0x311: {  	[tilespmem:s28], [sflag:$0x2] =	stream.indirect.gather [hbm4b:s7+s29], $0x20, s17, s29, $0xb8;
	[tilespmem:$0x11400] =	vst v63  }
0x312: {  	s25 =	simm.s32 $0x700  }
0x313: {  	[tilespmem:s6], [sflag:$0x2] =	stream.indirect.gather [hbm4b:s7+s29], $0x20, s25, s29, $0xb8;
	[tilespmem:$0x11400] =	vst v63  }
0x314: {  	s15 =	rddreg [dreg:$0xd];
	s16 =	simm.s32 $0xF00  }
0x315: {  	[tilespmem:s14], [sflag:$0x2] =	stream.indirect.gather [hbm4b:s7+s29], $0x20, s16, s29, $0xb8;
	[tilespmem:$0x11400] =	vst v63  }
0x316: {  	s15 =	sadd.s32 @!p0 s1, s15;
	s17 =	simm.s32 $0x780  }
0x317: {  	[tilespmem:s20], [sflag:$0x2] =	stream.indirect.gather [hbm4b:s7+s29], $0x20, s17, s29, $0xb8;
	[tilespmem:$0x11400] =	vst v63  }
0x318: {  	s15 =	sshrl.u32 @!p0 s15, $0x3;
	s25 =	simm.s32 $0xF80  }
0x319: {  	[tilespmem:s22], [sflag:$0x2] =	stream.indirect.gather [hbm4b:s7+s29], $0x20, s25, s29, $0xb8;
	[tilespmem:$0x11400] =	vst v63  }
0x31a: {  	s15 =	sadd.s32 @!p0 s5, s15;
	s16 =	simm.s32 @!p0 $0x0;
	s17 =	simm.s32 @!p0 $0x200  }
0x31b: {  	[tilespmem:s17], [sflag:$0x4] =	stream.linear.gather @!p0 [hbm4b:s15+s16], $0x200, $0x38;
	[tilespmem:$0x11400] =	vst v63  }
0x31c: {  	s15 =	sadd.s32 @!p0 $0x20000, s15;
	s17 =	simm.s32 @!p0 $0xA00  }
0x31d: {  	[tilespmem:s17], [sflag:$0x4] =	stream.linear.gather @!p0 [hbm4b:s15+s16], $0x200, $0x38;
	[tilespmem:$0x11400] =	vst v63  }
0x31e: {  	_ =	swait.ge [sflag:s23], $0x1000  }
0x31f: {  	[sflag:s23] =	ssyncset.done $0x0  }
0x320: {  	[sflag:s23] =	ssyncadd.s32 $0xFFFFF000  }
0x321: {  	_ =	swait.ge [sflag:s23], $0x1000  }
0x322: {  	[sflag:s23] =	ssyncset.done $0x0  }
0x323: {  	[sflag:s23] =	ssyncadd.s32 $0xFFFFF000  }
0x324: {  	_ =	swait.ge [sflag:s23], $0x1000  }
0x325: {  	[sflag:s23] =	ssyncset.done $0x0  }
0x326: {  	[sflag:s23] =	ssyncadd.s32 $0xFFFFF000  }
0x327: {  	_ =	swait.ge [sflag:s23], $0x1000  }
0x328: {  	[sflag:s23] =	ssyncset.done $0x0  }
0x329: {  	[sflag:s23] =	ssyncadd.s32 $0xFFFFF000  }
0x32a: {  	_ =	swait.ge [sflag:s23], $0x1000  }
0x32b: {  	[sflag:s23] =	ssyncset.done $0x0  }
0x32c: {  	[sflag:s23] =	ssyncadd.s32 $0xFFFFF000  }
0x32d: {  	_ =	swait.ge [sflag:s23], $0x1000  }
0x32e: {  	[sflag:s23] =	ssyncset.done $0x0  }
0x32f: {  	[sflag:s23] =	ssyncadd.s32 $0xFFFFF000  }
0x330: {  	s16 =	simm.s32 $0x0;
	_ =	swait.ge [sflag:s23], $0x1000  }
0x331: {  	v55 =	vmov s16;
	[sflag:s23] =	ssyncset.done $0x0  }
0x332: {  	v33 =	vshll.u32 v55, $0x5;
	[sflag:s23] =	ssyncadd.s32 $0xFFFFF000  }
0x333: {  	v33 =	vor.u32 v1, v33;
	_ =	swait.ge [sflag:s23], $0x1000  }
0x334: {  	v56 =	vor.u32 v0, v33;
	[sflag:s23] =	ssyncset.done $0x0  }
0x335: {  	[sflag:s23] =	ssyncadd.s32 $0xFFFFF000  }
0x336: {  	v57 =	vor.u32 v2, v33;
	_ =	swait.ge [sflag:s9], $0x200  }
0x337: {  	[sflag:s9] =	ssyncset.done $0x0  }
0x338: {  	v58 =	vor.u32 v3, v33;
	[sflag:s9] =	ssyncadd.s32 $0xFFFFFE00  }
0x339: {  	v59 =	vld.idx.msk [tilespmem:v56+s31+$0x0], $0xffff  }
0x33a: {  	v60 =	vor.u32 v4, v33;
	v34 =	vld.idx.msk [tilespmem:v56+s30+$0x0], $0xffff  }
0x33b: {  	v61 =	vld.idx.msk [tilespmem:v57+s30+$0x0], $0xffff  }
0x33c: {  	v62 =	vor.u32 v5, v33;
	v35 =	vld.idx.msk [tilespmem:v57+s31+$0x0], $0xffff  }
0x33d: {  	v63 =	vld.idx.msk [tilespmem:v58+s30+$0x0], $0xffff  }
0x33e: {  	v48 =	vor.u32 v6, v33;
	v36 =	vld.idx.msk [tilespmem:v58+s31+$0x0], $0xffff  }
0x33f: {  	v49 =	vld.idx.msk [tilespmem:v60+s30+$0x0], $0xffff;
	v34 =	vmul.f32 v59, v34  }
0x340: {  	v51 =	vor.u32 v7, v33;
	v50 =	vld.idx.msk [tilespmem:v60+s31+$0x0], $0xffff  }
0x341: {  	v52 =	vld.idx.msk [tilespmem:v62+s30+$0x0], $0xffff;
	v35 =	vmul.f32 v35, v61;
	v34 =	vadd.f32 $0.0e+00, v34  }
0x342: {  	v54 =	vor.u32 v8, v33;
	v53 =	vld.idx.msk [tilespmem:v62+s31+$0x0], $0xffff  }
0x343: {  	v55 =	vld.idx.msk [tilespmem:v48+s30+$0x0], $0xffff;
	v56 =	vmul.f32 v36, v63;
	v34 =	vadd.f32 v35, v34  }
0x344: {  	v57 =	vld.idx.msk [tilespmem:v48+s31+$0x0], $0xffff;
	v58 =	vor.u32 v9, v33  }
0x345: {  	v59 =	vld.idx.msk [tilespmem:v51+s30+$0x0], $0xffff;
	v60 =	vmul.f32 v50, v49;
	v34 =	vadd.f32 v56, v34  }
0x346: {  	v62 =	vor.u32 v10, v33;
	v61 =	vld.idx.msk [tilespmem:v51+s31+$0x0], $0xffff  }
0x347: {  	v63 =	vld.idx.msk [tilespmem:v54+s30+$0x0], $0xffff;
	v48 =	vmul.f32 v53, v52;
	v34 =	vadd.f32 v60, v34  }
0x348: {  	v49 =	vld.idx.msk [tilespmem:v54+s31+$0x0], $0xffff;
	v50 =	vor.u32 v11, v33  }
0x349: {  	v51 =	vld.idx.msk [tilespmem:v58+s30+$0x0], $0xffff;
	v52 =	vmul.f32 v57, v55;
	v34 =	vadd.f32 v48, v34  }
0x34a: {  	v53 =	vld.idx.msk [tilespmem:v58+s31+$0x0], $0xffff;
	v54 =	vor.u32 v12, v33  }
0x34b: {  	v55 =	vld.idx.msk [tilespmem:v62+s30+$0x0], $0xffff;
	v56 =	vmul.f32 v61, v59;
	v34 =	vadd.f32 v52, v34  }
0x34c: {  	v57 =	vld.idx.msk [tilespmem:v62+s31+$0x0], $0xffff;
	v58 =	vor.u32 v13, v33  }
0x34d: {  	v59 =	vld.idx.msk [tilespmem:v50+s30+$0x0], $0xffff;
	v60 =	vmul.f32 v49, v63;
	v34 =	vadd.f32 v56, v34  }
0x34e: {  	v62 =	vor.u32 v14, v33;
	v61 =	vld.idx.msk [tilespmem:v50+s31+$0x0], $0xffff  }
0x34f: {  	v63 =	vld.idx.msk [tilespmem:v54+s30+$0x0], $0xffff;
	v48 =	vmul.f32 v53, v51;
	v34 =	vadd.f32 v60, v34  }
0x350: {  	v50 =	vor.u32 v15, v33;
	v49 =	vld.idx.msk [tilespmem:v54+s31+$0x0], $0xffff  }
0x351: {  	v51 =	vld.idx.msk [tilespmem:v58+s30+$0x0], $0xffff;
	v52 =	vmul.f32 v57, v55;
	v34 =	vadd.f32 v48, v34  }
0x352: {  	v54 =	vor.u32 v22, v33;
	v53 =	vld.idx.msk [tilespmem:v58+s31+$0x0], $0xffff  }
0x353: {  	v55 =	vld.idx.msk [tilespmem:v62+s30+$0x0], $0xffff;
	v56 =	vmul.f32 v61, v59;
	v34 =	vadd.f32 v52, v34  }
0x354: {  	v58 =	vor.u32 v28, v33;
	v57 =	vld.idx.msk [tilespmem:v62+s31+$0x0], $0xffff  }
0x355: {  	v59 =	vld.idx.msk [tilespmem:v50+s30+$0x0], $0xffff;
	v60 =	vmul.f32 v49, v63;
	v34 =	vadd.f32 v56, v34  }
0x356: {  	v62 =	vor.u32 v16, v33;
	v61 =	vld.idx.msk [tilespmem:v50+s31+$0x0], $0xffff  }
0x357: {  	v63 =	vld.idx.msk [tilespmem:v54+s30+$0x0], $0xffff;
	v48 =	vmul.f32 v53, v51;
	v34 =	vadd.f32 v60, v34  }
0x358: {  	v50 =	vor.u32 v17, v33;
	v49 =	vld.idx.msk [tilespmem:v54+s31+$0x0], $0xffff  }
0x359: {  	v51 =	vld.idx.msk [tilespmem:v58+s30+$0x0], $0xffff;
	v52 =	vmul.f32 v57, v55;
	v34 =	vadd.f32 v48, v34  }
0x35a: {  	v54 =	vor.u32 v18, v33;
	v53 =	vld.idx.msk [tilespmem:v58+s31+$0x0], $0xffff  }
0x35b: {  	v55 =	vld.idx.msk [tilespmem:v62+s30+$0x0], $0xffff;
	v56 =	vmul.f32 v61, v59;
	v34 =	vadd.f32 v52, v34  }
0x35c: {  	v58 =	vor.u32 v19, v33;
	v57 =	vld.idx.msk [tilespmem:v62+s31+$0x0], $0xffff  }
0x35d: {  	v59 =	vld.idx.msk [tilespmem:v50+s30+$0x0], $0xffff;
	v60 =	vmul.f32 v49, v63;
	v34 =	vadd.f32 v56, v34  }
0x35e: {  	v62 =	vor.u32 v20, v33;
	v61 =	vld.idx.msk [tilespmem:v50+s31+$0x0], $0xffff  }
0x35f: {  	v63 =	vld.idx.msk [tilespmem:v54+s30+$0x0], $0xffff;
	v48 =	vmul.f32 v53, v51;
	v34 =	vadd.f32 v60, v34  }
0x360: {  	v50 =	vor.u32 v21, v33;
	v49 =	vld.idx.msk [tilespmem:v54+s31+$0x0], $0xffff  }
0x361: {  	v51 =	vld.idx.msk [tilespmem:v58+s30+$0x0], $0xffff;
	v52 =	vmul.f32 v57, v55;
	v34 =	vadd.f32 v48, v34  }
0x362: {  	v54 =	vor.u32 v23, v33;
	v53 =	vld.idx.msk [tilespmem:v58+s31+$0x0], $0xffff  }
0x363: {  	v55 =	vld.idx.msk [tilespmem:v62+s30+$0x0], $0xffff;
	v56 =	vmul.f32 v61, v59;
	v34 =	vadd.f32 v52, v34  }
0x364: {  	v58 =	vor.u32 v24, v33;
	v57 =	vld.idx.msk [tilespmem:v62+s31+$0x0], $0xffff  }
0x365: {  	v59 =	vld.idx.msk [tilespmem:v50+s30+$0x0], $0xffff;
	v60 =	vmul.f32 v49, v63;
	v34 =	vadd.f32 v56, v34  }
0x366: {  	v62 =	vor.u32 v25, v33;
	v61 =	vld.idx.msk [tilespmem:v50+s31+$0x0], $0xffff  }
0x367: {  	v63 =	vld.idx.msk [tilespmem:v54+s30+$0x0], $0xffff;
	v48 =	vmul.f32 v53, v51;
	v34 =	vadd.f32 v60, v34  }
0x368: {  	v50 =	vor.u32 v26, v33;
	v49 =	vld.idx.msk [tilespmem:v54+s31+$0x0], $0xffff  }
0x369: {  	v51 =	vld.idx.msk [tilespmem:v58+s30+$0x0], $0xffff;
	v52 =	vmul.f32 v57, v55;
	v34 =	vadd.f32 v48, v34  }
0x36a: {  	v54 =	vor.u32 v27, v33;
	v53 =	vld.idx.msk [tilespmem:v58+s31+$0x0], $0xffff  }
0x36b: {  	v55 =	vld.idx.msk [tilespmem:v62+s30+$0x0], $0xffff;
	v56 =	vmul.f32 v61, v59;
	v34 =	vadd.f32 v52, v34  }
0x36c: {  	v58 =	vor.u32 v29, v33;
	v57 =	vld.idx.msk [tilespmem:v62+s31+$0x0], $0xffff  }
0x36d: {  	v59 =	vld.idx.msk [tilespmem:v50+s30+$0x0], $0xffff;
	v60 =	vmul.f32 v49, v63;
	v34 =	vadd.f32 v56, v34  }
0x36e: {  	v62 =	vor.u32 v30, v33;
	v61 =	vld.idx.msk [tilespmem:v50+s31+$0x0], $0xffff  }
0x36f: {  	v63 =	vld.idx.msk [tilespmem:v54+s30+$0x0], $0xffff;
	v48 =	vmul.f32 v53, v51;
	v34 =	vadd.f32 v60, v34  }
0x370: {  	v50 =	vor.u32 v31, v33;
	v49 =	vld.idx.msk [tilespmem:v54+s31+$0x0], $0xffff  }
0x371: {  	v51 =	vld.idx.msk [tilespmem:v58+s30+$0x0], $0xffff;
	v52 =	vmul.f32 v57, v55;
	v34 =	vadd.f32 v48, v34  }
0x372: {  	v33 =	vor.u32 v32, v33;
	v53 =	vld.idx.msk [tilespmem:v58+s31+$0x0], $0xffff  }
0x373: {  	v54 =	vld.idx.msk [tilespmem:v62+s30+$0x0], $0xffff;
	v55 =	vmul.f32 v61, v59;
	v34 =	vadd.f32 v52, v34  }
0x374: {  	v56 =	vld.idx.msk [tilespmem:v62+s31+$0x0], $0xffff  }
0x375: {  	v57 =	vld.idx.msk [tilespmem:v50+s30+$0x0], $0xffff;
	v58 =	vmul.f32 v49, v63;
	v34 =	vadd.f32 v55, v34  }
0x376: {  	v59 =	vld.idx.msk [tilespmem:v50+s31+$0x0], $0xffff  }
0x377: {  	v62 =	vld.idx.msk [tilespmem:v33+s31+$0x0], $0xffff;
	v61 =	vmul.f32 v53, v51;
	v34 =	vadd.f32 v58, v34  }
0x378: {  	v60 =	vld.idx.msk [tilespmem:v33+s30+$0x0], $0xffff  }
0x379: {  	s17 =	simm.s32 $0x10;
	v42 =	vmul.f32 v56, v54;
	v63 =	vadd.f32 v61, v34  }
0x37a: {  	v43 =	vmov s17  }
0x37b: {  	v35 =	vshll.u32 v43, $0x5;
	v44 =	vmul.f32 v59, v57;
	v34 =	vadd.f32 v42, v63  }
0x37c: {  	v33 =	vor.u32 v1, v35  }
0x37d: {  	v35 =	vor.u32 v0, v33;
	v45 =	vmul.f32 v62, v60;
	v34 =	vadd.f32 v44, v34;
	_ =	sdelay $0x1  }
0x37e: {  	v46 =	vor.u32 v2, v33;
	v34 =	vadd.f32 v45, v34  }
0x37f: {  	s15 =	simm.s32 $0x11000  }
0x380: {  	v47 =	vor.u32 v3, v33;
	[tilespmem:s15+$0x0] =	vst v34  }
0x381: {  	v34 =	vld.idx.msk [tilespmem:v35+s31+$0x0], $0xffff  }
0x382: {  	v48 =	vor.u32 v4, v33;
	v35 =	vld.idx.msk [tilespmem:v35+s30+$0x0], $0xffff  }
0x383: {  	v49 =	vld.idx.msk [tilespmem:v46+s30+$0x0], $0xffff  }
0x384: {  	v50 =	vor.u32 v5, v33;
	v37 =	vld.idx.msk [tilespmem:v46+s31+$0x0], $0xffff  }
0x385: {  	v51 =	vld.idx.msk [tilespmem:v47+s30+$0x0], $0xffff  }
0x386: {  	v52 =	vor.u32 v6, v33;
	v36 =	vld.idx.msk [tilespmem:v47+s31+$0x0], $0xffff  }
0x387: {  	v53 =	vld.idx.msk [tilespmem:v48+s30+$0x0], $0xffff;
	v34 =	vmul.f32 v34, v35  }
0x388: {  	v55 =	vor.u32 v7, v33;
	v54 =	vld.idx.msk [tilespmem:v48+s31+$0x0], $0xffff  }
0x389: {  	v56 =	vld.idx.msk [tilespmem:v50+s30+$0x0], $0xffff;
	v37 =	vmul.f32 v37, v49;
	v34 =	vadd.f32 $0.0e+00, v34  }
0x38a: {  	v58 =	vor.u32 v8, v33;
	v57 =	vld.idx.msk [tilespmem:v50+s31+$0x0], $0xffff  }
0x38b: {  	v59 =	vld.idx.msk [tilespmem:v52+s30+$0x0], $0xffff;
	v36 =	vmul.f32 v36, v51;
	v34 =	vadd.f32 v37, v34  }
0x38c: {  	v61 =	vor.u32 v9, v33;
	v60 =	vld.idx.msk [tilespmem:v52+s31+$0x0], $0xffff  }
0x38d: {  	v62 =	vld.idx.msk [tilespmem:v55+s30+$0x0], $0xffff;
	v35 =	vmul.f32 v54, v53;
	v34 =	vadd.f32 v36, v34  }
0x38e: {  	v63 =	vld.idx.msk [tilespmem:v55+s31+$0x0], $0xffff;
	v48 =	vor.u32 v10, v33  }
0x38f: {  	v49 =	vld.idx.msk [tilespmem:v58+s30+$0x0], $0xffff;
	v50 =	vmul.f32 v57, v56;
	v34 =	vadd.f32 v35, v34  }
0x390: {  	v52 =	vor.u32 v11, v33;
	v51 =	vld.idx.msk [tilespmem:v58+s31+$0x0], $0xffff  }
0x391: {  	v55 =	vld.idx.msk [tilespmem:v61+s31+$0x0], $0xffff;
	v54 =	vmul.f32 v60, v59;
	v34 =	vadd.f32 v50, v34  }
0x392: {  	v53 =	vld.idx.msk [tilespmem:v61+s30+$0x0], $0xffff;
	v56 =	vor.u32 v12, v33  }
0x393: {  	v57 =	vld.idx.msk [tilespmem:v48+s30+$0x0], $0xffff;
	v58 =	vmul.f32 v63, v62;
	v34 =	vadd.f32 v54, v34  }
0x394: {  	v59 =	vld.idx.msk [tilespmem:v48+s31+$0x0], $0xffff;
	v60 =	vor.u32 v13, v33  }
0x395: {  	v61 =	vld.idx.msk [tilespmem:v52+s30+$0x0], $0xffff;
	v62 =	vmul.f32 v51, v49;
	v34 =	vadd.f32 v58, v34  }
0x396: {  	v63 =	vld.idx.msk [tilespmem:v52+s31+$0x0], $0xffff;
	v48 =	vor.u32 v14, v33  }
0x397: {  	v49 =	vld.idx.msk [tilespmem:v56+s30+$0x0], $0xffff;
	v50 =	vmul.f32 v55, v53;
	v34 =	vadd.f32 v62, v34  }
0x398: {  	v52 =	vor.u32 v15, v33;
	v51 =	vld.idx.msk [tilespmem:v56+s31+$0x0], $0xffff  }
0x399: {  	v53 =	vld.idx.msk [tilespmem:v60+s30+$0x0], $0xffff;
	v54 =	vmul.f32 v59, v57;
	v34 =	vadd.f32 v50, v34  }
0x39a: {  	v56 =	vor.u32 v22, v33;
	v55 =	vld.idx.msk [tilespmem:v60+s31+$0x0], $0xffff  }
0x39b: {  	v57 =	vld.idx.msk [tilespmem:v48+s30+$0x0], $0xffff;
	v58 =	vmul.f32 v63, v61;
	v34 =	vadd.f32 v54, v34  }
0x39c: {  	v60 =	vor.u32 v28, v33;
	v59 =	vld.idx.msk [tilespmem:v48+s31+$0x0], $0xffff  }
0x39d: {  	v61 =	vld.idx.msk [tilespmem:v52+s30+$0x0], $0xffff;
	v62 =	vmul.f32 v51, v49;
	v34 =	vadd.f32 v58, v34  }
0x39e: {  	v48 =	vor.u32 v16, v33;
	v63 =	vld.idx.msk [tilespmem:v52+s31+$0x0], $0xffff  }
0x39f: {  	v49 =	vld.idx.msk [tilespmem:v56+s30+$0x0], $0xffff;
	v50 =	vmul.f32 v55, v53;
	v34 =	vadd.f32 v62, v34  }
0x3a0: {  	v52 =	vor.u32 v17, v33;
	v51 =	vld.idx.msk [tilespmem:v56+s31+$0x0], $0xffff  }
0x3a1: {  	v53 =	vld.idx.msk [tilespmem:v60+s30+$0x0], $0xffff;
	v54 =	vmul.f32 v59, v57;
	v34 =	vadd.f32 v50, v34  }
0x3a2: {  	v56 =	vor.u32 v18, v33;
	v55 =	vld.idx.msk [tilespmem:v60+s31+$0x0], $0xffff  }
0x3a3: {  	v57 =	vld.idx.msk [tilespmem:v48+s30+$0x0], $0xffff;
	v58 =	vmul.f32 v63, v61;
	v34 =	vadd.f32 v54, v34  }
0x3a4: {  	v60 =	vor.u32 v19, v33;
	v59 =	vld.idx.msk [tilespmem:v48+s31+$0x0], $0xffff  }
0x3a5: {  	v61 =	vld.idx.msk [tilespmem:v52+s30+$0x0], $0xffff;
	v62 =	vmul.f32 v51, v49;
	v34 =	vadd.f32 v58, v34  }
0x3a6: {  	v48 =	vor.u32 v20, v33;
	v63 =	vld.idx.msk [tilespmem:v52+s31+$0x0], $0xffff  }
0x3a7: {  	v49 =	vld.idx.msk [tilespmem:v56+s30+$0x0], $0xffff;
	v50 =	vmul.f32 v55, v53;
	v34 =	vadd.f32 v62, v34  }
0x3a8: {  	v52 =	vor.u32 v21, v33;
	v51 =	vld.idx.msk [tilespmem:v56+s31+$0x0], $0xffff  }
0x3a9: {  	v53 =	vld.idx.msk [tilespmem:v60+s30+$0x0], $0xffff;
	v54 =	vmul.f32 v59, v57;
	v34 =	vadd.f32 v50, v34  }
0x3aa: {  	v56 =	vor.u32 v23, v33;
	v55 =	vld.idx.msk [tilespmem:v60+s31+$0x0], $0xffff  }
0x3ab: {  	v57 =	vld.idx.msk [tilespmem:v48+s30+$0x0], $0xffff;
	v58 =	vmul.f32 v63, v61;
	v34 =	vadd.f32 v54, v34  }
0x3ac: {  	v60 =	vor.u32 v24, v33;
	v59 =	vld.idx.msk [tilespmem:v48+s31+$0x0], $0xffff  }
0x3ad: {  	v61 =	vld.idx.msk [tilespmem:v52+s30+$0x0], $0xffff;
	v62 =	vmul.f32 v51, v49;
	v34 =	vadd.f32 v58, v34  }
0x3ae: {  	v48 =	vor.u32 v25, v33;
	v63 =	vld.idx.msk [tilespmem:v52+s31+$0x0], $0xffff  }
0x3af: {  	v49 =	vld.idx.msk [tilespmem:v56+s30+$0x0], $0xffff;
	v50 =	vmul.f32 v55, v53;
	v34 =	vadd.f32 v62, v34  }
0x3b0: {  	v52 =	vor.u32 v26, v33;
	v51 =	vld.idx.msk [tilespmem:v56+s31+$0x0], $0xffff  }
0x3b1: {  	v53 =	vld.idx.msk [tilespmem:v60+s30+$0x0], $0xffff;
	v54 =	vmul.f32 v59, v57;
	v34 =	vadd.f32 v50, v34  }
0x3b2: {  	v56 =	vor.u32 v27, v33;
	v55 =	vld.idx.msk [tilespmem:v60+s31+$0x0], $0xffff  }
0x3b3: {  	v57 =	vld.idx.msk [tilespmem:v48+s30+$0x0], $0xffff;
	v58 =	vmul.f32 v63, v61;
	v34 =	vadd.f32 v54, v34  }
0x3b4: {  	v60 =	vor.u32 v29, v33;
	v59 =	vld.idx.msk [tilespmem:v48+s31+$0x0], $0xffff  }
0x3b5: {  	v61 =	vld.idx.msk [tilespmem:v52+s30+$0x0], $0xffff;
	v62 =	vmul.f32 v51, v49;
	v34 =	vadd.f32 v58, v34  }
0x3b6: {  	v63 =	vld.idx.msk [tilespmem:v52+s31+$0x0], $0xffff  }
0x3b7: {  	v48 =	vor.u32 v30, v33;
	v49 =	vld.idx.msk [tilespmem:v56+s30+$0x0], $0xffff;
	v50 =	vmul.f32 v55, v53;
	v34 =	vadd.f32 v62, v34  }
0x3b8: {  	v51 =	vld.idx.msk [tilespmem:v56+s31+$0x0], $0xffff  }
0x3b9: {  	v52 =	vor.u32 v31, v33;
	v53 =	vld.idx.msk [tilespmem:v60+s30+$0x0], $0xffff;
	v54 =	vmul.f32 v59, v57;
	v34 =	vadd.f32 v50, v34  }
0x3ba: {  	v55 =	vld.idx.msk [tilespmem:v60+s31+$0x0], $0xffff  }
0x3bb: {  	v33 =	vor.u32 v32, v33;
	v57 =	vmul.f32 v63, v61;
	v34 =	vadd.f32 v54, v34  }
0x3bc: {  	v56 =	vld.idx.msk [tilespmem:v48+s30+$0x0], $0xffff  }
0x3bd: {  	v60 =	vmul.f32 v51, v49;
	v58 =	vld.idx.msk [tilespmem:v48+s31+$0x0], $0xffff;
	v34 =	vadd.f32 v57, v34  }
0x3be: {  	v38 =	vld.idx.msk [tilespmem:v52+s31+$0x0], $0xffff  }
0x3bf: {  	v59 =	vld.idx.msk [tilespmem:v52+s30+$0x0], $0xffff;
	v61 =	vmul.f32 v55, v53;
	v34 =	vadd.f32 v60, v34  }
0x3c0: {  	v35 =	vld.idx.msk [tilespmem:v33+s31+$0x0], $0xffff  }
0x3c1: {  	v62 =	vadd.f32 v61, v34;
	v34 =	vld.idx.msk [tilespmem:v33+s30+$0x0], $0xffff  }
0x3c2: {  	s25 =	simm.s32 $0x20;
	v37 =	vmul.f32 v58, v56  }
0x3c3: {  	v63 =	vmov s25  }
0x3c4: {  	s16 =	simm.s32 $0x30;
	v33 =	vshll.u32 v63, $0x5;
	v36 =	vadd.f32 v37, v62;
	v37 =	vmul.f32 v38, v59  }
.LBB2_7:
0x3c5: {  	p1 =	sne.s32 s16, $0x1F0;
	v33 =	vor.u32 v1, v33  }
0x3c6: {  	v34 =	vmul.f32 v35, v34;
	v38 =	vor.u32 v0, v33;
	v36 =	vadd.f32 v37, v36;
	_ =	sdelay $0x1  }
0x3c7: {  	v35 =	vor.u32 v2, v33;
	v34 =	vadd.f32 v34, v36  }
0x3c8: {  	s15 =	sadd.s32 $0x10, s15  }
0x3c9: {  	v36 =	vor.u32 v3, v33;
	[tilespmem:s15+$0x0] =	vst v34  }
0x3ca: {  	v34 =	vld.idx.msk [tilespmem:v38+s31+$0x0], $0xffff  }
0x3cb: {  	v37 =	vld.idx.msk [tilespmem:v38+s30+$0x0], $0xffff;
	v38 =	vor.u32 v4, v33  }
0x3cc: {  	v39 =	vld.idx.msk [tilespmem:v35+s30+$0x0], $0xffff  }
0x3cd: {  	v40 =	vor.u32 v5, v33;
	v35 =	vld.idx.msk [tilespmem:v35+s31+$0x0], $0xffff  }
0x3ce: {  	v41 =	vld.idx.msk [tilespmem:v36+s30+$0x0], $0xffff  }
0x3cf: {  	v42 =	vor.u32 v6, v33;
	v36 =	vld.idx.msk [tilespmem:v36+s31+$0x0], $0xffff  }
0x3d0: {  	v43 =	vld.idx.msk [tilespmem:v38+s30+$0x0], $0xffff  }
0x3d1: {  	v34 =	vmul.f32 v34, v37;
	v37 =	vld.idx.msk [tilespmem:v38+s31+$0x0], $0xffff;
	v38 =	vor.u32 v7, v33  }
0x3d2: {  	v44 =	vld.idx.msk [tilespmem:v40+s30+$0x0], $0xffff  }
0x3d3: {  	v34 =	vadd.f32 $0.0e+00, v34;
	v35 =	vmul.f32 v35, v39;
	v39 =	vld.idx.msk [tilespmem:v40+s31+$0x0], $0xffff;
	v40 =	vor.u32 v8, v33  }
0x3d4: {  	v45 =	vld.idx.msk [tilespmem:v42+s30+$0x0], $0xffff  }
0x3d5: {  	v34 =	vadd.f32 v35, v34;
	v35 =	vmul.f32 v36, v41;
	v41 =	vor.u32 v9, v33;
	v36 =	vld.idx.msk [tilespmem:v42+s31+$0x0], $0xffff  }
0x3d6: {  	v42 =	vld.idx.msk [tilespmem:v38+s30+$0x0], $0xffff  }
0x3d7: {  	v34 =	vadd.f32 v35, v34;
	v35 =	vmul.f32 v37, v43;
	v37 =	vld.idx.msk [tilespmem:v38+s31+$0x0], $0xffff;
	v38 =	vor.u32 v10, v33  }
0x3d8: {  	v43 =	vld.idx.msk [tilespmem:v40+s30+$0x0], $0xffff  }
0x3d9: {  	v34 =	vadd.f32 v35, v34;
	v35 =	vmul.f32 v39, v44;
	v39 =	vld.idx.msk [tilespmem:v40+s31+$0x0], $0xffff;
	v40 =	vor.u32 v11, v33  }
0x3da: {  	v44 =	vld.idx.msk [tilespmem:v41+s30+$0x0], $0xffff  }
0x3db: {  	v34 =	vadd.f32 v35, v34;
	v35 =	vmul.f32 v36, v45;
	v36 =	vld.idx.msk [tilespmem:v41+s31+$0x0], $0xffff;
	v41 =	vor.u32 v12, v33  }
0x3dc: {  	v45 =	vld.idx.msk [tilespmem:v38+s30+$0x0], $0xffff  }
0x3dd: {  	v34 =	vadd.f32 v35, v34;
	v35 =	vmul.f32 v37, v42;
	v37 =	vld.idx.msk [tilespmem:v38+s31+$0x0], $0xffff;
	v38 =	vor.u32 v13, v33  }
0x3de: {  	v42 =	vld.idx.msk [tilespmem:v40+s30+$0x0], $0xffff  }
0x3df: {  	v34 =	vadd.f32 v35, v34;
	v35 =	vmul.f32 v39, v43;
	v39 =	vld.idx.msk [tilespmem:v40+s31+$0x0], $0xffff;
	v40 =	vor.u32 v14, v33  }
0x3e0: {  	v43 =	vld.idx.msk [tilespmem:v41+s30+$0x0], $0xffff  }
0x3e1: {  	v34 =	vadd.f32 v35, v34;
	v35 =	vmul.f32 v36, v44;
	v36 =	vld.idx.msk [tilespmem:v41+s31+$0x0], $0xffff;
	v41 =	vor.u32 v15, v33  }
0x3e2: {  	v44 =	vld.idx.msk [tilespmem:v38+s30+$0x0], $0xffff  }
0x3e3: {  	v34 =	vadd.f32 v35, v34;
	v35 =	vmul.f32 v37, v45;
	v37 =	vld.idx.msk [tilespmem:v38+s31+$0x0], $0xffff;
	v38 =	vor.u32 v22, v33  }
0x3e4: {  	v45 =	vld.idx.msk [tilespmem:v40+s30+$0x0], $0xffff  }
0x3e5: {  	v34 =	vadd.f32 v35, v34;
	v35 =	vmul.f32 v39, v42;
	v39 =	vld.idx.msk [tilespmem:v40+s31+$0x0], $0xffff;
	v40 =	vor.u32 v28, v33  }
0x3e6: {  	v42 =	vld.idx.msk [tilespmem:v41+s30+$0x0], $0xffff  }
0x3e7: {  	v34 =	vadd.f32 v35, v34;
	v35 =	vmul.f32 v36, v43;
	v36 =	vld.idx.msk [tilespmem:v41+s31+$0x0], $0xffff;
	v41 =	vor.u32 v16, v33  }
0x3e8: {  	v43 =	vld.idx.msk [tilespmem:v38+s30+$0x0], $0xffff  }
0x3e9: {  	v34 =	vadd.f32 v35, v34;
	v35 =	vmul.f32 v37, v44;
	v37 =	vld.idx.msk [tilespmem:v38+s31+$0x0], $0xffff;
	v38 =	vor.u32 v17, v33  }
0x3ea: {  	v44 =	vld.idx.msk [tilespmem:v40+s30+$0x0], $0xffff  }
0x3eb: {  	v34 =	vadd.f32 v35, v34;
	v35 =	vmul.f32 v39, v45;
	v39 =	vld.idx.msk [tilespmem:v40+s31+$0x0], $0xffff;
	v40 =	vor.u32 v18, v33  }
0x3ec: {  	v45 =	vld.idx.msk [tilespmem:v41+s30+$0x0], $0xffff  }
0x3ed: {  	v34 =	vadd.f32 v35, v34;
	v35 =	vmul.f32 v36, v42;
	v36 =	vld.idx.msk [tilespmem:v41+s31+$0x0], $0xffff;
	v41 =	vor.u32 v19, v33  }
0x3ee: {  	v42 =	vld.idx.msk [tilespmem:v38+s30+$0x0], $0xffff  }
0x3ef: {  	v34 =	vadd.f32 v35, v34;
	v35 =	vmul.f32 v37, v43;
	v37 =	vld.idx.msk [tilespmem:v38+s31+$0x0], $0xffff;
	v38 =	vor.u32 v20, v33  }
0x3f0: {  	v43 =	vld.idx.msk [tilespmem:v40+s30+$0x0], $0xffff  }
0x3f1: {  	v34 =	vadd.f32 v35, v34;
	v35 =	vmul.f32 v39, v44;
	v39 =	vld.idx.msk [tilespmem:v40+s31+$0x0], $0xffff;
	v40 =	vor.u32 v21, v33  }
0x3f2: {  	v44 =	vld.idx.msk [tilespmem:v41+s30+$0x0], $0xffff  }
0x3f3: {  	v34 =	vadd.f32 v35, v34;
	v35 =	vmul.f32 v36, v45;
	v36 =	vld.idx.msk [tilespmem:v41+s31+$0x0], $0xffff;
	v41 =	vor.u32 v23, v33  }
0x3f4: {  	v45 =	vld.idx.msk [tilespmem:v38+s30+$0x0], $0xffff  }
0x3f5: {  	v34 =	vadd.f32 v35, v34;
	v35 =	vmul.f32 v37, v42;
	v37 =	vld.idx.msk [tilespmem:v38+s31+$0x0], $0xffff;
	v38 =	vor.u32 v24, v33  }
0x3f6: {  	v42 =	vld.idx.msk [tilespmem:v40+s30+$0x0], $0xffff  }
0x3f7: {  	v34 =	vadd.f32 v35, v34;
	v35 =	vmul.f32 v39, v43;
	v39 =	vld.idx.msk [tilespmem:v40+s31+$0x0], $0xffff;
	v40 =	vor.u32 v25, v33  }
0x3f8: {  	v43 =	vld.idx.msk [tilespmem:v41+s30+$0x0], $0xffff  }
0x3f9: {  	v34 =	vadd.f32 v35, v34;
	v35 =	vmul.f32 v36, v44;
	v36 =	vld.idx.msk [tilespmem:v41+s31+$0x0], $0xffff;
	v41 =	vor.u32 v26, v33  }
0x3fa: {  	v44 =	vld.idx.msk [tilespmem:v38+s30+$0x0], $0xffff  }
0x3fb: {  	v34 =	vadd.f32 v35, v34;
	v35 =	vmul.f32 v37, v45;
	v37 =	vld.idx.msk [tilespmem:v38+s31+$0x0], $0xffff;
	v38 =	vor.u32 v27, v33  }
0x3fc: {  	v45 =	vld.idx.msk [tilespmem:v40+s30+$0x0], $0xffff  }
0x3fd: {  	v34 =	vadd.f32 v35, v34;
	v35 =	vmul.f32 v39, v42;
	v39 =	vld.idx.msk [tilespmem:v40+s31+$0x0], $0xffff;
	v40 =	vor.u32 v29, v33  }
0x3fe: {  	v42 =	vld.idx.msk [tilespmem:v41+s30+$0x0], $0xffff  }
0x3ff: {  	v34 =	vadd.f32 v35, v34;
	v35 =	vmul.f32 v36, v43;
	v36 =	vld.idx.msk [tilespmem:v41+s31+$0x0], $0xffff;
	v41 =	vor.u32 v30, v33  }
0x400: {  	v43 =	vld.idx.msk [tilespmem:v38+s30+$0x0], $0xffff  }
0x401: {  	v34 =	vadd.f32 v35, v34;
	v35 =	vmul.f32 v37, v44;
	v37 =	vld.idx.msk [tilespmem:v38+s31+$0x0], $0xffff;
	v38 =	vor.u32 v31, v33  }
0x402: {  	v44 =	vld.idx.msk [tilespmem:v40+s30+$0x0], $0xffff  }
0x403: {  	v33 =	vor.u32 v32, v33;
	v34 =	vadd.f32 v35, v34;
	v35 =	vmul.f32 v39, v45;
	v39 =	vld.idx.msk [tilespmem:v40+s31+$0x0], $0xffff  }
0x404: {  	v40 =	vld.idx.msk [tilespmem:v41+s30+$0x0], $0xffff  }
0x405: {  	v34 =	vadd.f32 v35, v34;
	v35 =	vmul.f32 v36, v42;
	v36 =	vld.idx.msk [tilespmem:v41+s31+$0x0], $0xffff  }
0x406: {  	v41 =	vld.idx.msk [tilespmem:v38+s30+$0x0], $0xffff  }
0x407: {  	v35 =	vadd.f32 v35, v34;
	v37 =	vmul.f32 v37, v43;
	v38 =	vld.idx.msk [tilespmem:v38+s31+$0x0], $0xffff  }
0x408: {  	v34 =	vld.idx.msk [tilespmem:v33+s30+$0x0], $0xffff  }
.Ltmp4:
0x409: {  	v37 =	vadd.f32 v37, v35;
	v39 =	vmul.f32 v39, v44;
	v35 =	vld.idx.msk [tilespmem:v33+s31+$0x0], $0xffff;
	(pc) =	sbr.rel @p1 .LBB2_7-.Ltmp4, $4  }
0x40a: {  	_ = 	snop  }
0x40b: {  	v37 =	vadd.f32 v39, v37;
	v36 =	vmul.f32 v36, v40  }
0x40c: {  	v33 =	vmov s16  }
0x40d: {  	s16 =	sadd.s32 $0x10, s16;
	v33 =	vshll.u32 v33, $0x5;
	v36 =	vadd.f32 v36, v37;
	v37 =	vmul.f32 v38, v41  }
0x40e: {  	v33 =	vor.u32 v1, v33  }
0x40f: {  	v34 =	vmul.f32 v35, v34;
	v38 =	vor.u32 v0, v33;
	v36 =	vadd.f32 v37, v36;
	_ =	sdelay $0x1  }
0x410: {  	v58 =	vor.u32 v2, v33;
	v34 =	vadd.f32 v34, v36  }
0x411: {  	s15 =	sadd.s32 $0x10, s15  }
0x412: {  	v59 =	vor.u32 v3, v33;
	[tilespmem:s15+$0x0] =	vst v34  }
0x413: {  	v34 =	vld.idx.msk [tilespmem:v38+s31+$0x0], $0xffff  }
0x414: {  	v61 =	vor.u32 v4, v33;
	v60 =	vld.idx.msk [tilespmem:v38+s30+$0x0], $0xffff  }
0x415: {  	v39 =	vld.idx.msk [tilespmem:v58+s30+$0x0], $0xffff  }
0x416: {  	v40 =	vor.u32 v5, v33;
	v35 =	vld.idx.msk [tilespmem:v58+s31+$0x0], $0xffff  }
0x417: {  	v41 =	vld.idx.msk [tilespmem:v59+s30+$0x0], $0xffff  }
0x418: {  	v42 =	vor.u32 v6, v33;
	v36 =	vld.idx.msk [tilespmem:v59+s31+$0x0], $0xffff  }
0x419: {  	v43 =	vld.idx.msk [tilespmem:v61+s30+$0x0], $0xffff;
	v34 =	vmul.f32 v34, v60  }
0x41a: {  	v63 =	vor.u32 v7, v33;
	v62 =	vld.idx.msk [tilespmem:v61+s31+$0x0], $0xffff  }
0x41b: {  	v44 =	vld.idx.msk [tilespmem:v40+s30+$0x0], $0xffff;
	v35 =	vmul.f32 v35, v39;
	v34 =	vadd.f32 $0.0e+00, v34  }
0x41c: {  	v49 =	vor.u32 v8, v33;
	v48 =	vld.idx.msk [tilespmem:v40+s31+$0x0], $0xffff  }
0x41d: {  	v45 =	vld.idx.msk [tilespmem:v42+s30+$0x0], $0xffff;
	v50 =	vmul.f32 v36, v41;
	v34 =	vadd.f32 v35, v34  }
0x41e: {  	v52 =	vor.u32 v9, v33;
	v51 =	vld.idx.msk [tilespmem:v42+s31+$0x0], $0xffff  }
0x41f: {  	v53 =	vld.idx.msk [tilespmem:v63+s30+$0x0], $0xffff;
	v54 =	vmul.f32 v62, v43;
	v34 =	vadd.f32 v50, v34  }
0x420: {  	v56 =	vor.u32 v10, v33;
	v55 =	vld.idx.msk [tilespmem:v63+s31+$0x0], $0xffff  }
0x421: {  	v57 =	vld.idx.msk [tilespmem:v49+s30+$0x0], $0xffff;
	v58 =	vmul.f32 v48, v44;
	v34 =	vadd.f32 v54, v34  }
0x422: {  	v59 =	vld.idx.msk [tilespmem:v49+s31+$0x0], $0xffff;
	v60 =	vor.u32 v11, v33  }
0x423: {  	v61 =	vld.idx.msk [tilespmem:v52+s30+$0x0], $0xffff;
	v62 =	vmul.f32 v51, v45;
	v34 =	vadd.f32 v58, v34  }
0x424: {  	v63 =	vld.idx.msk [tilespmem:v52+s31+$0x0], $0xffff;
	v48 =	vor.u32 v12, v33  }
0x425: {  	v49 =	vld.idx.msk [tilespmem:v56+s30+$0x0], $0xffff;
	v50 =	vmul.f32 v55, v53;
	v34 =	vadd.f32 v62, v34  }
0x426: {  	v52 =	vor.u32 v13, v33;
	v51 =	vld.idx.msk [tilespmem:v56+s31+$0x0], $0xffff  }
0x427: {  	v53 =	vld.idx.msk [tilespmem:v60+s30+$0x0], $0xffff;
	v54 =	vmul.f32 v59, v57;
	v34 =	vadd.f32 v50, v34  }
0x428: {  	v56 =	vor.u32 v14, v33;
	v55 =	vld.idx.msk [tilespmem:v60+s31+$0x0], $0xffff  }
0x429: {  	v57 =	vld.idx.msk [tilespmem:v48+s30+$0x0], $0xffff;
	v58 =	vmul.f32 v63, v61;
	v34 =	vadd.f32 v54, v34  }
0x42a: {  	v60 =	vor.u32 v15, v33;
	v59 =	vld.idx.msk [tilespmem:v48+s31+$0x0], $0xffff  }
0x42b: {  	v61 =	vld.idx.msk [tilespmem:v52+s30+$0x0], $0xffff;
	v62 =	vmul.f32 v51, v49;
	v34 =	vadd.f32 v58, v34  }
0x42c: {  	v48 =	vor.u32 v22, v33;
	v63 =	vld.idx.msk [tilespmem:v52+s31+$0x0], $0xffff  }
0x42d: {  	v49 =	vld.idx.msk [tilespmem:v56+s30+$0x0], $0xffff;
	v50 =	vmul.f32 v55, v53;
	v34 =	vadd.f32 v62, v34  }
0x42e: {  	v52 =	vor.u32 v28, v33;
	v51 =	vld.idx.msk [tilespmem:v56+s31+$0x0], $0xffff  }
0x42f: {  	v53 =	vld.idx.msk [tilespmem:v60+s30+$0x0], $0xffff;
	v54 =	vmul.f32 v59, v57;
	v34 =	vadd.f32 v50, v34  }
0x430: {  	v56 =	vor.u32 v16, v33;
	v55 =	vld.idx.msk [tilespmem:v60+s31+$0x0], $0xffff  }
0x431: {  	v57 =	vld.idx.msk [tilespmem:v48+s30+$0x0], $0xffff;
	v58 =	vmul.f32 v63, v61;
	v34 =	vadd.f32 v54, v34  }
0x432: {  	v60 =	vor.u32 v17, v33;
	v59 =	vld.idx.msk [tilespmem:v48+s31+$0x0], $0xffff  }
0x433: {  	v61 =	vld.idx.msk [tilespmem:v52+s30+$0x0], $0xffff;
	v62 =	vmul.f32 v51, v49;
	v34 =	vadd.f32 v58, v34  }
0x434: {  	v48 =	vor.u32 v18, v33;
	v63 =	vld.idx.msk [tilespmem:v52+s31+$0x0], $0xffff  }
0x435: {  	v49 =	vld.idx.msk [tilespmem:v56+s30+$0x0], $0xffff;
	v50 =	vmul.f32 v55, v53;
	v34 =	vadd.f32 v62, v34  }
0x436: {  	v52 =	vor.u32 v19, v33;
	v51 =	vld.idx.msk [tilespmem:v56+s31+$0x0], $0xffff  }
0x437: {  	v53 =	vld.idx.msk [tilespmem:v60+s30+$0x0], $0xffff;
	v54 =	vmul.f32 v59, v57;
	v34 =	vadd.f32 v50, v34  }
0x438: {  	v56 =	vor.u32 v20, v33;
	v55 =	vld.idx.msk [tilespmem:v60+s31+$0x0], $0xffff  }
0x439: {  	v57 =	vld.idx.msk [tilespmem:v48+s30+$0x0], $0xffff;
	v58 =	vmul.f32 v63, v61;
	v34 =	vadd.f32 v54, v34  }
0x43a: {  	v60 =	vor.u32 v21, v33;
	v59 =	vld.idx.msk [tilespmem:v48+s31+$0x0], $0xffff  }
0x43b: {  	v61 =	vld.idx.msk [tilespmem:v52+s30+$0x0], $0xffff;
	v62 =	vmul.f32 v51, v49;
	v34 =	vadd.f32 v58, v34  }
0x43c: {  	v48 =	vor.u32 v23, v33;
	v63 =	vld.idx.msk [tilespmem:v52+s31+$0x0], $0xffff  }
0x43d: {  	v49 =	vld.idx.msk [tilespmem:v56+s30+$0x0], $0xffff;
	v50 =	vmul.f32 v55, v53;
	v34 =	vadd.f32 v62, v34  }
0x43e: {  	v52 =	vor.u32 v24, v33;
	v51 =	vld.idx.msk [tilespmem:v56+s31+$0x0], $0xffff  }
0x43f: {  	v53 =	vld.idx.msk [tilespmem:v60+s30+$0x0], $0xffff;
	v54 =	vmul.f32 v59, v57;
	v34 =	vadd.f32 v50, v34  }
0x440: {  	v56 =	vor.u32 v25, v33;
	v55 =	vld.idx.msk [tilespmem:v60+s31+$0x0], $0xffff  }
0x441: {  	v57 =	vld.idx.msk [tilespmem:v48+s30+$0x0], $0xffff;
	v58 =	vmul.f32 v63, v61;
	v34 =	vadd.f32 v54, v34  }
0x442: {  	v60 =	vor.u32 v26, v33;
	v59 =	vld.idx.msk [tilespmem:v48+s31+$0x0], $0xffff  }
0x443: {  	v61 =	vld.idx.msk [tilespmem:v52+s30+$0x0], $0xffff;
	v62 =	vmul.f32 v51, v49;
	v34 =	vadd.f32 v58, v34  }
0x444: {  	v48 =	vor.u32 v27, v33;
	v63 =	vld.idx.msk [tilespmem:v52+s31+$0x0], $0xffff  }
0x445: {  	v49 =	vld.idx.msk [tilespmem:v56+s30+$0x0], $0xffff;
	v50 =	vmul.f32 v55, v53;
	v34 =	vadd.f32 v62, v34  }
0x446: {  	v52 =	vor.u32 v29, v33;
	v51 =	vld.idx.msk [tilespmem:v56+s31+$0x0], $0xffff  }
0x447: {  	v53 =	vld.idx.msk [tilespmem:v60+s30+$0x0], $0xffff;
	v54 =	vmul.f32 v59, v57;
	v34 =	vadd.f32 v50, v34  }
0x448: {  	v56 =	vor.u32 v30, v33;
	v55 =	vld.idx.msk [tilespmem:v60+s31+$0x0], $0xffff  }
0x449: {  	v57 =	vld.idx.msk [tilespmem:v48+s30+$0x0], $0xffff;
	v58 =	vmul.f32 v63, v61;
	v34 =	vadd.f32 v54, v34  }
0x44a: {  	v60 =	vor.u32 v31, v33;
	v59 =	vld.idx.msk [tilespmem:v48+s31+$0x0], $0xffff  }
0x44b: {  	v61 =	vld.idx.msk [tilespmem:v52+s30+$0x0], $0xffff;
	v62 =	vmul.f32 v51, v49;
	v34 =	vadd.f32 v58, v34  }
0x44c: {  	v33 =	vor.u32 v32, v33;
	v63 =	vld.idx.msk [tilespmem:v52+s31+$0x0], $0xffff  }
0x44d: {  	v45 =	vld.idx.msk [tilespmem:v56+s30+$0x0], $0xffff;
	v46 =	vmul.f32 v55, v53;
	v34 =	vadd.f32 v62, v34  }
0x44e: {  	v47 =	vld.idx.msk [tilespmem:v56+s31+$0x0], $0xffff  }
0x44f: {  	v48 =	vld.idx.msk [tilespmem:v60+s30+$0x0], $0xffff;
	v49 =	vmul.f32 v59, v57;
	v34 =	vadd.f32 v46, v34  }
0x450: {  	v50 =	vld.idx.msk [tilespmem:v60+s31+$0x0], $0xffff  }
0x451: {  	v51 =	vld.idx.msk [tilespmem:v33+s30+$0x0], $0xffff;
	v52 =	vmul.f32 v63, v61;
	v34 =	vadd.f32 v49, v34  }
0x452: {  	v33 =	vld.idx.msk [tilespmem:v33+s31+$0x0], $0xffff  }
0x453: {  	v53 =	vmul.f32 v47, v45;
	v34 =	vadd.f32 v52, v34;
	_ =	sdelay $0x1  }
0x454: {  	v54 =	vmul.f32 v50, v48;
	v34 =	vadd.f32 v53, v34;
	_ =	sdelay $0x1  }
0x455: {  	v33 =	vmul.f32 v33, v51;
	v34 =	vadd.f32 v54, v34;
	_ =	sdelay $0x1  }
0x456: {  	v33 =	vadd.f32 v33, v34  }
0x457: {  	s15 =	sadd.s32 $0x10, s15  }
0x458: {  	s25 =	sadd.s32 $0x80, s4;
	[tilespmem:s15+$0x0] =	vst v33;
	s15 =	simm.s32 @!p0 $0x3  }
0x459: {  	[hbm4b:s25+s3] =	stream.linear.scatter [tilespmem:s24], [sflag:$0x7], $0x200, $0x38;
	[tilespmem:$0x11400] =	vst v63  }
0x45a: {  	_ =	swait.ge @!p0 [sflag:s15], $0x200  }
0x45b: {  	[sflag:s15] =	ssyncset.done @!p0 $0x0  }
0x45c: {  	[sflag:s15] =	ssyncadd.s32 @!p0 $0xFFFFFE00  }
0x45d: {  	_ =	swait.ge @!p0 [sflag:s15], $0x200  }
0x45e: {  	s16 =	simm.s32 @!p0 $0x0;
	[sflag:s15] =	ssyncset.done @!p0 $0x0  }
0x45f: {  	s17 =	simm.s32 @!p0 $0x1000;
	[sflag:s15] =	ssyncadd.s32 @!p0 $0xFFFFFE00;
	s15 =	simm.s32 @!p0 $0x80  }
0x460: {  	[tilespmem:s17], [sflag:$0x1] =	stream.indirect.gather @!p0 [hbm4b:s7+s15], $0x20, s16, s15, $0xb8;
	[tilespmem:$0x11400] =	vst v63  }
0x461: {  	s25 =	simm.s32 @!p0 $0x9000;
	s17 =	simm.s32 @!p0 $0x800  }
0x462: {  	[tilespmem:s25], [sflag:$0x1] =	stream.indirect.gather @!p0 [hbm4b:s7+s15], $0x20, s17, s15, $0xb8;
	[tilespmem:$0x11400] =	vst v63  }
0x463: {  	s17 =	simm.s32 @!p0 $0x2000  }
0x464: {  	[tilespmem:s17], [sflag:$0x1] =	stream.indirect.gather @!p0 [hbm4b:s7+s15], $0x20, s15, s15, $0xb8;
	[tilespmem:$0x11400] =	vst v63  }
0x465: {  	s25 =	simm.s32 @!p0 $0xA000;
	s17 =	simm.s32 @!p0 $0x880  }
0x466: {  	[tilespmem:s25], [sflag:$0x1] =	stream.indirect.gather @!p0 [hbm4b:s7+s15], $0x20, s17, s15, $0xb8;
	[tilespmem:$0x11400] =	vst v63  }
0x467: {  	s17 =	simm.s32 @!p0 $0x100;
	s25 =	simm.s32 @!p0 $0x3000  }
0x468: {  	[tilespmem:s25], [sflag:$0x1] =	stream.indirect.gather @!p0 [hbm4b:s7+s15], $0x20, s17, s15, $0xb8;
	[tilespmem:$0x11400] =	vst v63  }
0x469: {  	s17 =	simm.s32 @!p0 $0x900;
	s25 =	simm.s32 @!p0 $0xB000  }
0x46a: {  	[tilespmem:s25], [sflag:$0x1] =	stream.indirect.gather @!p0 [hbm4b:s7+s15], $0x20, s17, s15, $0xb8;
	[tilespmem:$0x11400] =	vst v63  }
0x46b: {  	s17 =	simm.s32 @!p0 $0x180;
	s25 =	simm.s32 @!p0 $0x4000  }
0x46c: {  	[tilespmem:s25], [sflag:$0x1] =	stream.indirect.gather @!p0 [hbm4b:s7+s15], $0x20, s17, s15, $0xb8;
	[tilespmem:$0x11400] =	vst v63  }
0x46d: {  	s17 =	simm.s32 @!p0 $0x980;
	s25 =	simm.s32 @!p0 $0xC000  }
0x46e: {  	[tilespmem:s25], [sflag:$0x1] =	stream.indirect.gather @!p0 [hbm4b:s7+s15], $0x20, s17, s15, $0xb8;
	[tilespmem:$0x11400] =	vst v63  }
0x46f: {  	s15 =	rddreg [dreg:$0xe]  }
0x470: {  	s15 =	sadd.s32 @!p0 s1, s15  }
0x471: {  	s15 =	sshrl.u32 @!p0 s15, $0x3  }
0x472: {  	s17 =	simm.s32 @!p0 $0x400;
	s15 =	sadd.s32 @!p0 s5, s15  }
0x473: {  	[tilespmem:s17], [sflag:$0x5] =	stream.linear.gather @!p0 [hbm4b:s15+s16], $0x200, $0x38;
	[tilespmem:$0x11400] =	vst v63  }
0x474: {  	s15 =	sadd.s32 @!p0 $0x20000, s15;
	s17 =	simm.s32 @!p0 $0xC00  }
0x475: {  	[tilespmem:s17], [sflag:$0x5] =	stream.linear.gather @!p0 [hbm4b:s15+s16], $0x200, $0x38;
	[tilespmem:$0x11400] =	vst v63  }
0x476: {  	_ =	swait.ge [sflag:s2], $0x1000  }
0x477: {  	[sflag:s2] =	ssyncset.done $0x0  }
0x478: {  	[sflag:s2] =	ssyncadd.s32 $0xFFFFF000  }
0x479: {  	_ =	swait.ge [sflag:s2], $0x1000  }
0x47a: {  	[sflag:s2] =	ssyncset.done $0x0  }
0x47b: {  	[sflag:s2] =	ssyncadd.s32 $0xFFFFF000  }
0x47c: {  	_ =	swait.ge [sflag:s2], $0x1000  }
0x47d: {  	[sflag:s2] =	ssyncset.done $0x0  }
0x47e: {  	[sflag:s2] =	ssyncadd.s32 $0xFFFFF000  }
0x47f: {  	_ =	swait.ge [sflag:s2], $0x1000  }
0x480: {  	[sflag:s2] =	ssyncset.done $0x0  }
0x481: {  	[sflag:s2] =	ssyncadd.s32 $0xFFFFF000  }
0x482: {  	_ =	swait.ge [sflag:s2], $0x1000  }
0x483: {  	[sflag:s2] =	ssyncset.done $0x0  }
0x484: {  	[sflag:s2] =	ssyncadd.s32 $0xFFFFF000  }
0x485: {  	_ =	swait.ge [sflag:s2], $0x1000  }
0x486: {  	[sflag:s2] =	ssyncset.done $0x0  }
0x487: {  	[sflag:s2] =	ssyncadd.s32 $0xFFFFF000  }
0x488: {  	s16 =	simm.s32 $0x0;
	_ =	swait.ge [sflag:s2], $0x1000  }
0x489: {  	v55 =	vmov s16;
	[sflag:s2] =	ssyncset.done $0x0  }
0x48a: {  	v33 =	vshll.u32 v55, $0x5;
	[sflag:s2] =	ssyncadd.s32 $0xFFFFF000  }
0x48b: {  	v33 =	vor.u32 v1, v33;
	_ =	swait.ge [sflag:s2], $0x1000  }
0x48c: {  	v56 =	vor.u32 v0, v33;
	[sflag:s2] =	ssyncset.done $0x0  }
0x48d: {  	[sflag:s2] =	ssyncadd.s32 $0xFFFFF000  }
0x48e: {  	v57 =	vor.u32 v2, v33;
	_ =	swait.ge [sflag:s10], $0x200  }
0x48f: {  	[sflag:s10] =	ssyncset.done $0x0  }
0x490: {  	v58 =	vor.u32 v3, v33;
	[sflag:s10] =	ssyncadd.s32 $0xFFFFFE00  }
0x491: {  	v59 =	vld.idx.msk [tilespmem:v56+s13+$0x0], $0xffff  }
0x492: {  	v60 =	vor.u32 v4, v33;
	v34 =	vld.idx.msk [tilespmem:v56+s12+$0x0], $0xffff  }
0x493: {  	v61 =	vld.idx.msk [tilespmem:v57+s12+$0x0], $0xffff  }
0x494: {  	v62 =	vor.u32 v5, v33;
	v35 =	vld.idx.msk [tilespmem:v57+s13+$0x0], $0xffff  }
0x495: {  	v63 =	vld.idx.msk [tilespmem:v58+s12+$0x0], $0xffff  }
0x496: {  	v48 =	vor.u32 v6, v33;
	v36 =	vld.idx.msk [tilespmem:v58+s13+$0x0], $0xffff  }
0x497: {  	v49 =	vld.idx.msk [tilespmem:v60+s12+$0x0], $0xffff;
	v34 =	vmul.f32 v59, v34  }
0x498: {  	v51 =	vor.u32 v7, v33;
	v50 =	vld.idx.msk [tilespmem:v60+s13+$0x0], $0xffff  }
0x499: {  	v52 =	vld.idx.msk [tilespmem:v62+s12+$0x0], $0xffff;
	v35 =	vmul.f32 v35, v61;
	v34 =	vadd.f32 $0.0e+00, v34  }
0x49a: {  	v54 =	vor.u32 v8, v33;
	v53 =	vld.idx.msk [tilespmem:v62+s13+$0x0], $0xffff  }
0x49b: {  	v55 =	vld.idx.msk [tilespmem:v48+s12+$0x0], $0xffff;
	v56 =	vmul.f32 v36, v63;
	v34 =	vadd.f32 v35, v34  }
0x49c: {  	v57 =	vld.idx.msk [tilespmem:v48+s13+$0x0], $0xffff;
	v58 =	vor.u32 v9, v33  }
0x49d: {  	v59 =	vld.idx.msk [tilespmem:v51+s12+$0x0], $0xffff;
	v60 =	vmul.f32 v50, v49;
	v34 =	vadd.f32 v56, v34  }
0x49e: {  	v62 =	vor.u32 v10, v33;
	v61 =	vld.idx.msk [tilespmem:v51+s13+$0x0], $0xffff  }
0x49f: {  	v63 =	vld.idx.msk [tilespmem:v54+s12+$0x0], $0xffff;
	v48 =	vmul.f32 v53, v52;
	v34 =	vadd.f32 v60, v34  }
0x4a0: {  	v49 =	vld.idx.msk [tilespmem:v54+s13+$0x0], $0xffff;
	v50 =	vor.u32 v11, v33  }
0x4a1: {  	v51 =	vld.idx.msk [tilespmem:v58+s12+$0x0], $0xffff;
	v52 =	vmul.f32 v57, v55;
	v34 =	vadd.f32 v48, v34  }
0x4a2: {  	v53 =	vld.idx.msk [tilespmem:v58+s13+$0x0], $0xffff;
	v54 =	vor.u32 v12, v33  }
0x4a3: {  	v55 =	vld.idx.msk [tilespmem:v62+s12+$0x0], $0xffff;
	v56 =	vmul.f32 v61, v59;
	v34 =	vadd.f32 v52, v34  }
0x4a4: {  	v57 =	vld.idx.msk [tilespmem:v62+s13+$0x0], $0xffff;
	v58 =	vor.u32 v13, v33  }
0x4a5: {  	v59 =	vld.idx.msk [tilespmem:v50+s12+$0x0], $0xffff;
	v60 =	vmul.f32 v49, v63;
	v34 =	vadd.f32 v56, v34  }
0x4a6: {  	v62 =	vor.u32 v14, v33;
	v61 =	vld.idx.msk [tilespmem:v50+s13+$0x0], $0xffff  }
0x4a7: {  	v63 =	vld.idx.msk [tilespmem:v54+s12+$0x0], $0xffff;
	v48 =	vmul.f32 v53, v51;
	v34 =	vadd.f32 v60, v34  }
0x4a8: {  	v50 =	vor.u32 v15, v33;
	v49 =	vld.idx.msk [tilespmem:v54+s13+$0x0], $0xffff  }
0x4a9: {  	v51 =	vld.idx.msk [tilespmem:v58+s12+$0x0], $0xffff;
	v52 =	vmul.f32 v57, v55;
	v34 =	vadd.f32 v48, v34  }
0x4aa: {  	v54 =	vor.u32 v22, v33;
	v53 =	vld.idx.msk [tilespmem:v58+s13+$0x0], $0xffff  }
0x4ab: {  	v55 =	vld.idx.msk [tilespmem:v62+s12+$0x0], $0xffff;
	v56 =	vmul.f32 v61, v59;
	v34 =	vadd.f32 v52, v34  }
0x4ac: {  	v58 =	vor.u32 v28, v33;
	v57 =	vld.idx.msk [tilespmem:v62+s13+$0x0], $0xffff  }
0x4ad: {  	v59 =	vld.idx.msk [tilespmem:v50+s12+$0x0], $0xffff;
	v60 =	vmul.f32 v49, v63;
	v34 =	vadd.f32 v56, v34  }
0x4ae: {  	v62 =	vor.u32 v16, v33;
	v61 =	vld.idx.msk [tilespmem:v50+s13+$0x0], $0xffff  }
0x4af: {  	v63 =	vld.idx.msk [tilespmem:v54+s12+$0x0], $0xffff;
	v48 =	vmul.f32 v53, v51;
	v34 =	vadd.f32 v60, v34  }
0x4b0: {  	v50 =	vor.u32 v17, v33;
	v49 =	vld.idx.msk [tilespmem:v54+s13+$0x0], $0xffff  }
0x4b1: {  	v51 =	vld.idx.msk [tilespmem:v58+s12+$0x0], $0xffff;
	v52 =	vmul.f32 v57, v55;
	v34 =	vadd.f32 v48, v34  }
0x4b2: {  	v54 =	vor.u32 v18, v33;
	v53 =	vld.idx.msk [tilespmem:v58+s13+$0x0], $0xffff  }
0x4b3: {  	v55 =	vld.idx.msk [tilespmem:v62+s12+$0x0], $0xffff;
	v56 =	vmul.f32 v61, v59;
	v34 =	vadd.f32 v52, v34  }
0x4b4: {  	v58 =	vor.u32 v19, v33;
	v57 =	vld.idx.msk [tilespmem:v62+s13+$0x0], $0xffff  }
0x4b5: {  	v59 =	vld.idx.msk [tilespmem:v50+s12+$0x0], $0xffff;
	v60 =	vmul.f32 v49, v63;
	v34 =	vadd.f32 v56, v34  }
0x4b6: {  	v62 =	vor.u32 v20, v33;
	v61 =	vld.idx.msk [tilespmem:v50+s13+$0x0], $0xffff  }
0x4b7: {  	v63 =	vld.idx.msk [tilespmem:v54+s12+$0x0], $0xffff;
	v48 =	vmul.f32 v53, v51;
	v34 =	vadd.f32 v60, v34  }
0x4b8: {  	v50 =	vor.u32 v21, v33;
	v49 =	vld.idx.msk [tilespmem:v54+s13+$0x0], $0xffff  }
0x4b9: {  	v51 =	vld.idx.msk [tilespmem:v58+s12+$0x0], $0xffff;
	v52 =	vmul.f32 v57, v55;
	v34 =	vadd.f32 v48, v34  }
0x4ba: {  	v54 =	vor.u32 v23, v33;
	v53 =	vld.idx.msk [tilespmem:v58+s13+$0x0], $0xffff  }
0x4bb: {  	v55 =	vld.idx.msk [tilespmem:v62+s12+$0x0], $0xffff;
	v56 =	vmul.f32 v61, v59;
	v34 =	vadd.f32 v52, v34  }
0x4bc: {  	v58 =	vor.u32 v24, v33;
	v57 =	vld.idx.msk [tilespmem:v62+s13+$0x0], $0xffff  }
0x4bd: {  	v59 =	vld.idx.msk [tilespmem:v50+s12+$0x0], $0xffff;
	v60 =	vmul.f32 v49, v63;
	v34 =	vadd.f32 v56, v34  }
0x4be: {  	v62 =	vor.u32 v25, v33;
	v61 =	vld.idx.msk [tilespmem:v50+s13+$0x0], $0xffff  }
0x4bf: {  	v63 =	vld.idx.msk [tilespmem:v54+s12+$0x0], $0xffff;
	v48 =	vmul.f32 v53, v51;
	v34 =	vadd.f32 v60, v34  }
0x4c0: {  	v50 =	vor.u32 v26, v33;
	v49 =	vld.idx.msk [tilespmem:v54+s13+$0x0], $0xffff  }
0x4c1: {  	v51 =	vld.idx.msk [tilespmem:v58+s12+$0x0], $0xffff;
	v52 =	vmul.f32 v57, v55;
	v34 =	vadd.f32 v48, v34  }
0x4c2: {  	v54 =	vor.u32 v27, v33;
	v53 =	vld.idx.msk [tilespmem:v58+s13+$0x0], $0xffff  }
0x4c3: {  	v55 =	vld.idx.msk [tilespmem:v62+s12+$0x0], $0xffff;
	v56 =	vmul.f32 v61, v59;
	v34 =	vadd.f32 v52, v34  }
0x4c4: {  	v58 =	vor.u32 v29, v33;
	v57 =	vld.idx.msk [tilespmem:v62+s13+$0x0], $0xffff  }
0x4c5: {  	v59 =	vld.idx.msk [tilespmem:v50+s12+$0x0], $0xffff;
	v60 =	vmul.f32 v49, v63;
	v34 =	vadd.f32 v56, v34  }
0x4c6: {  	v62 =	vor.u32 v30, v33;
	v61 =	vld.idx.msk [tilespmem:v50+s13+$0x0], $0xffff  }
0x4c7: {  	v63 =	vld.idx.msk [tilespmem:v54+s12+$0x0], $0xffff;
	v48 =	vmul.f32 v53, v51;
	v34 =	vadd.f32 v60, v34  }
0x4c8: {  	v50 =	vor.u32 v31, v33;
	v49 =	vld.idx.msk [tilespmem:v54+s13+$0x0], $0xffff  }
0x4c9: {  	v51 =	vld.idx.msk [tilespmem:v58+s12+$0x0], $0xffff;
	v52 =	vmul.f32 v57, v55;
	v34 =	vadd.f32 v48, v34  }
0x4ca: {  	v33 =	vor.u32 v32, v33;
	v53 =	vld.idx.msk [tilespmem:v58+s13+$0x0], $0xffff  }
0x4cb: {  	v54 =	vld.idx.msk [tilespmem:v62+s12+$0x0], $0xffff;
	v55 =	vmul.f32 v61, v59;
	v34 =	vadd.f32 v52, v34  }
0x4cc: {  	v56 =	vld.idx.msk [tilespmem:v62+s13+$0x0], $0xffff  }
0x4cd: {  	v57 =	vld.idx.msk [tilespmem:v50+s12+$0x0], $0xffff;
	v58 =	vmul.f32 v49, v63;
	v34 =	vadd.f32 v55, v34  }
0x4ce: {  	v59 =	vld.idx.msk [tilespmem:v50+s13+$0x0], $0xffff  }
0x4cf: {  	v62 =	vld.idx.msk [tilespmem:v33+s13+$0x0], $0xffff;
	v61 =	vmul.f32 v53, v51;
	v34 =	vadd.f32 v58, v34  }
0x4d0: {  	v60 =	vld.idx.msk [tilespmem:v33+s12+$0x0], $0xffff  }
0x4d1: {  	s17 =	simm.s32 $0x10;
	v42 =	vmul.f32 v56, v54;
	v63 =	vadd.f32 v61, v34  }
0x4d2: {  	v43 =	vmov s17  }
0x4d3: {  	v35 =	vshll.u32 v43, $0x5;
	v44 =	vmul.f32 v59, v57;
	v34 =	vadd.f32 v42, v63  }
0x4d4: {  	v33 =	vor.u32 v1, v35  }
0x4d5: {  	v35 =	vor.u32 v0, v33;
	v45 =	vmul.f32 v62, v60;
	v34 =	vadd.f32 v44, v34;
	_ =	sdelay $0x1  }
0x4d6: {  	v46 =	vor.u32 v2, v33;
	v34 =	vadd.f32 v45, v34  }
0x4d7: {  	s15 =	simm.s32 $0x11200  }
0x4d8: {  	v47 =	vor.u32 v3, v33;
	[tilespmem:s15+$0x0] =	vst v34  }
0x4d9: {  	v34 =	vld.idx.msk [tilespmem:v35+s13+$0x0], $0xffff  }
0x4da: {  	v48 =	vor.u32 v4, v33;
	v35 =	vld.idx.msk [tilespmem:v35+s12+$0x0], $0xffff  }
0x4db: {  	v49 =	vld.idx.msk [tilespmem:v46+s12+$0x0], $0xffff  }
0x4dc: {  	v50 =	vor.u32 v5, v33;
	v37 =	vld.idx.msk [tilespmem:v46+s13+$0x0], $0xffff  }
0x4dd: {  	v51 =	vld.idx.msk [tilespmem:v47+s12+$0x0], $0xffff  }
0x4de: {  	v52 =	vor.u32 v6, v33;
	v36 =	vld.idx.msk [tilespmem:v47+s13+$0x0], $0xffff  }
0x4df: {  	v53 =	vld.idx.msk [tilespmem:v48+s12+$0x0], $0xffff;
	v34 =	vmul.f32 v34, v35  }
0x4e0: {  	v55 =	vor.u32 v7, v33;
	v54 =	vld.idx.msk [tilespmem:v48+s13+$0x0], $0xffff  }
0x4e1: {  	v56 =	vld.idx.msk [tilespmem:v50+s12+$0x0], $0xffff;
	v37 =	vmul.f32 v37, v49;
	v34 =	vadd.f32 $0.0e+00, v34  }
0x4e2: {  	v58 =	vor.u32 v8, v33;
	v57 =	vld.idx.msk [tilespmem:v50+s13+$0x0], $0xffff  }
0x4e3: {  	v59 =	vld.idx.msk [tilespmem:v52+s12+$0x0], $0xffff;
	v36 =	vmul.f32 v36, v51;
	v34 =	vadd.f32 v37, v34  }
0x4e4: {  	v61 =	vor.u32 v9, v33;
	v60 =	vld.idx.msk [tilespmem:v52+s13+$0x0], $0xffff  }
0x4e5: {  	v62 =	vld.idx.msk [tilespmem:v55+s12+$0x0], $0xffff;
	v35 =	vmul.f32 v54, v53;
	v34 =	vadd.f32 v36, v34  }
0x4e6: {  	v63 =	vld.idx.msk [tilespmem:v55+s13+$0x0], $0xffff;
	v48 =	vor.u32 v10, v33  }
0x4e7: {  	v49 =	vld.idx.msk [tilespmem:v58+s12+$0x0], $0xffff;
	v50 =	vmul.f32 v57, v56;
	v34 =	vadd.f32 v35, v34  }
0x4e8: {  	v52 =	vor.u32 v11, v33;
	v51 =	vld.idx.msk [tilespmem:v58+s13+$0x0], $0xffff  }
0x4e9: {  	v55 =	vld.idx.msk [tilespmem:v61+s13+$0x0], $0xffff;
	v54 =	vmul.f32 v60, v59;
	v34 =	vadd.f32 v50, v34  }
0x4ea: {  	v53 =	vld.idx.msk [tilespmem:v61+s12+$0x0], $0xffff;
	v56 =	vor.u32 v12, v33  }
0x4eb: {  	v57 =	vld.idx.msk [tilespmem:v48+s12+$0x0], $0xffff;
	v58 =	vmul.f32 v63, v62;
	v34 =	vadd.f32 v54, v34  }
0x4ec: {  	v59 =	vld.idx.msk [tilespmem:v48+s13+$0x0], $0xffff;
	v60 =	vor.u32 v13, v33  }
0x4ed: {  	v61 =	vld.idx.msk [tilespmem:v52+s12+$0x0], $0xffff;
	v62 =	vmul.f32 v51, v49;
	v34 =	vadd.f32 v58, v34  }
0x4ee: {  	v63 =	vld.idx.msk [tilespmem:v52+s13+$0x0], $0xffff;
	v48 =	vor.u32 v14, v33  }
0x4ef: {  	v49 =	vld.idx.msk [tilespmem:v56+s12+$0x0], $0xffff;
	v50 =	vmul.f32 v55, v53;
	v34 =	vadd.f32 v62, v34  }
0x4f0: {  	v52 =	vor.u32 v15, v33;
	v51 =	vld.idx.msk [tilespmem:v56+s13+$0x0], $0xffff  }
0x4f1: {  	v53 =	vld.idx.msk [tilespmem:v60+s12+$0x0], $0xffff;
	v54 =	vmul.f32 v59, v57;
	v34 =	vadd.f32 v50, v34  }
0x4f2: {  	v56 =	vor.u32 v22, v33;
	v55 =	vld.idx.msk [tilespmem:v60+s13+$0x0], $0xffff  }
0x4f3: {  	v57 =	vld.idx.msk [tilespmem:v48+s12+$0x0], $0xffff;
	v58 =	vmul.f32 v63, v61;
	v34 =	vadd.f32 v54, v34  }
0x4f4: {  	v60 =	vor.u32 v28, v33;
	v59 =	vld.idx.msk [tilespmem:v48+s13+$0x0], $0xffff  }
0x4f5: {  	v61 =	vld.idx.msk [tilespmem:v52+s12+$0x0], $0xffff;
	v62 =	vmul.f32 v51, v49;
	v34 =	vadd.f32 v58, v34  }
0x4f6: {  	v48 =	vor.u32 v16, v33;
	v63 =	vld.idx.msk [tilespmem:v52+s13+$0x0], $0xffff  }
0x4f7: {  	v49 =	vld.idx.msk [tilespmem:v56+s12+$0x0], $0xffff;
	v50 =	vmul.f32 v55, v53;
	v34 =	vadd.f32 v62, v34  }
0x4f8: {  	v52 =	vor.u32 v17, v33;
	v51 =	vld.idx.msk [tilespmem:v56+s13+$0x0], $0xffff  }
0x4f9: {  	v53 =	vld.idx.msk [tilespmem:v60+s12+$0x0], $0xffff;
	v54 =	vmul.f32 v59, v57;
	v34 =	vadd.f32 v50, v34  }
0x4fa: {  	v56 =	vor.u32 v18, v33;
	v55 =	vld.idx.msk [tilespmem:v60+s13+$0x0], $0xffff  }
0x4fb: {  	v57 =	vld.idx.msk [tilespmem:v48+s12+$0x0], $0xffff;
	v58 =	vmul.f32 v63, v61;
	v34 =	vadd.f32 v54, v34  }
0x4fc: {  	v60 =	vor.u32 v19, v33;
	v59 =	vld.idx.msk [tilespmem:v48+s13+$0x0], $0xffff  }
0x4fd: {  	v61 =	vld.idx.msk [tilespmem:v52+s12+$0x0], $0xffff;
	v62 =	vmul.f32 v51, v49;
	v34 =	vadd.f32 v58, v34  }
0x4fe: {  	v48 =	vor.u32 v20, v33;
	v63 =	vld.idx.msk [tilespmem:v52+s13+$0x0], $0xffff  }
0x4ff: {  	v49 =	vld.idx.msk [tilespmem:v56+s12+$0x0], $0xffff;
	v50 =	vmul.f32 v55, v53;
	v34 =	vadd.f32 v62, v34  }
0x500: {  	v52 =	vor.u32 v21, v33;
	v51 =	vld.idx.msk [tilespmem:v56+s13+$0x0], $0xffff  }
0x501: {  	v53 =	vld.idx.msk [tilespmem:v60+s12+$0x0], $0xffff;
	v54 =	vmul.f32 v59, v57;
	v34 =	vadd.f32 v50, v34  }
0x502: {  	v56 =	vor.u32 v23, v33;
	v55 =	vld.idx.msk [tilespmem:v60+s13+$0x0], $0xffff  }
0x503: {  	v57 =	vld.idx.msk [tilespmem:v48+s12+$0x0], $0xffff;
	v58 =	vmul.f32 v63, v61;
	v34 =	vadd.f32 v54, v34  }
0x504: {  	v60 =	vor.u32 v24, v33;
	v59 =	vld.idx.msk [tilespmem:v48+s13+$0x0], $0xffff  }
0x505: {  	v61 =	vld.idx.msk [tilespmem:v52+s12+$0x0], $0xffff;
	v62 =	vmul.f32 v51, v49;
	v34 =	vadd.f32 v58, v34  }
0x506: {  	v48 =	vor.u32 v25, v33;
	v63 =	vld.idx.msk [tilespmem:v52+s13+$0x0], $0xffff  }
0x507: {  	v49 =	vld.idx.msk [tilespmem:v56+s12+$0x0], $0xffff;
	v50 =	vmul.f32 v55, v53;
	v34 =	vadd.f32 v62, v34  }
0x508: {  	v52 =	vor.u32 v26, v33;
	v51 =	vld.idx.msk [tilespmem:v56+s13+$0x0], $0xffff  }
0x509: {  	v53 =	vld.idx.msk [tilespmem:v60+s12+$0x0], $0xffff;
	v54 =	vmul.f32 v59, v57;
	v34 =	vadd.f32 v50, v34  }
0x50a: {  	v56 =	vor.u32 v27, v33;
	v55 =	vld.idx.msk [tilespmem:v60+s13+$0x0], $0xffff  }
0x50b: {  	v57 =	vld.idx.msk [tilespmem:v48+s12+$0x0], $0xffff;
	v58 =	vmul.f32 v63, v61;
	v34 =	vadd.f32 v54, v34  }
0x50c: {  	v60 =	vor.u32 v29, v33;
	v59 =	vld.idx.msk [tilespmem:v48+s13+$0x0], $0xffff  }
0x50d: {  	v61 =	vld.idx.msk [tilespmem:v52+s12+$0x0], $0xffff;
	v62 =	vmul.f32 v51, v49;
	v34 =	vadd.f32 v58, v34  }
0x50e: {  	v63 =	vld.idx.msk [tilespmem:v52+s13+$0x0], $0xffff  }
0x50f: {  	v48 =	vor.u32 v30, v33;
	v49 =	vld.idx.msk [tilespmem:v56+s12+$0x0], $0xffff;
	v50 =	vmul.f32 v55, v53;
	v34 =	vadd.f32 v62, v34  }
0x510: {  	v51 =	vld.idx.msk [tilespmem:v56+s13+$0x0], $0xffff  }
0x511: {  	v52 =	vor.u32 v31, v33;
	v53 =	vld.idx.msk [tilespmem:v60+s12+$0x0], $0xffff;
	v54 =	vmul.f32 v59, v57;
	v34 =	vadd.f32 v50, v34  }
0x512: {  	v55 =	vld.idx.msk [tilespmem:v60+s13+$0x0], $0xffff  }
0x513: {  	v33 =	vor.u32 v32, v33;
	v57 =	vmul.f32 v63, v61;
	v34 =	vadd.f32 v54, v34  }
0x514: {  	v56 =	vld.idx.msk [tilespmem:v48+s12+$0x0], $0xffff  }
0x515: {  	v60 =	vmul.f32 v51, v49;
	v58 =	vld.idx.msk [tilespmem:v48+s13+$0x0], $0xffff;
	v34 =	vadd.f32 v57, v34  }
0x516: {  	v38 =	vld.idx.msk [tilespmem:v52+s13+$0x0], $0xffff  }
0x517: {  	v59 =	vld.idx.msk [tilespmem:v52+s12+$0x0], $0xffff;
	v61 =	vmul.f32 v55, v53;
	v34 =	vadd.f32 v60, v34  }
0x518: {  	v35 =	vld.idx.msk [tilespmem:v33+s13+$0x0], $0xffff  }
0x519: {  	v62 =	vadd.f32 v61, v34;
	v34 =	vld.idx.msk [tilespmem:v33+s12+$0x0], $0xffff  }
0x51a: {  	s25 =	simm.s32 $0x20;
	v37 =	vmul.f32 v58, v56  }
0x51b: {  	v63 =	vmov s25  }
0x51c: {  	s16 =	simm.s32 $0x30;
	v33 =	vshll.u32 v63, $0x5;
	v36 =	vadd.f32 v37, v62;
	v37 =	vmul.f32 v38, v59  }
.LBB2_9:
0x51d: {  	p1 =	sne.s32 s16, $0x1F0;
	v33 =	vor.u32 v1, v33  }
0x51e: {  	v34 =	vmul.f32 v35, v34;
	v38 =	vor.u32 v0, v33;
	v36 =	vadd.f32 v37, v36;
	_ =	sdelay $0x1  }
0x51f: {  	v35 =	vor.u32 v2, v33;
	v34 =	vadd.f32 v34, v36  }
0x520: {  	s15 =	sadd.s32 $0x10, s15  }
0x521: {  	v36 =	vor.u32 v3, v33;
	[tilespmem:s15+$0x0] =	vst v34  }
0x522: {  	v34 =	vld.idx.msk [tilespmem:v38+s13+$0x0], $0xffff  }
0x523: {  	v37 =	vld.idx.msk [tilespmem:v38+s12+$0x0], $0xffff;
	v38 =	vor.u32 v4, v33  }
0x524: {  	v39 =	vld.idx.msk [tilespmem:v35+s12+$0x0], $0xffff  }
0x525: {  	v40 =	vor.u32 v5, v33;
	v35 =	vld.idx.msk [tilespmem:v35+s13+$0x0], $0xffff  }
0x526: {  	v41 =	vld.idx.msk [tilespmem:v36+s12+$0x0], $0xffff  }
0x527: {  	v42 =	vor.u32 v6, v33;
	v36 =	vld.idx.msk [tilespmem:v36+s13+$0x0], $0xffff  }
0x528: {  	v43 =	vld.idx.msk [tilespmem:v38+s12+$0x0], $0xffff  }
0x529: {  	v34 =	vmul.f32 v34, v37;
	v37 =	vld.idx.msk [tilespmem:v38+s13+$0x0], $0xffff;
	v38 =	vor.u32 v7, v33  }
0x52a: {  	v44 =	vld.idx.msk [tilespmem:v40+s12+$0x0], $0xffff  }
0x52b: {  	v34 =	vadd.f32 $0.0e+00, v34;
	v35 =	vmul.f32 v35, v39;
	v39 =	vld.idx.msk [tilespmem:v40+s13+$0x0], $0xffff;
	v40 =	vor.u32 v8, v33  }
0x52c: {  	v45 =	vld.idx.msk [tilespmem:v42+s12+$0x0], $0xffff  }
0x52d: {  	v34 =	vadd.f32 v35, v34;
	v35 =	vmul.f32 v36, v41;
	v41 =	vor.u32 v9, v33;
	v36 =	vld.idx.msk [tilespmem:v42+s13+$0x0], $0xffff  }
0x52e: {  	v42 =	vld.idx.msk [tilespmem:v38+s12+$0x0], $0xffff  }
0x52f: {  	v34 =	vadd.f32 v35, v34;
	v35 =	vmul.f32 v37, v43;
	v37 =	vld.idx.msk [tilespmem:v38+s13+$0x0], $0xffff;
	v38 =	vor.u32 v10, v33  }
0x530: {  	v43 =	vld.idx.msk [tilespmem:v40+s12+$0x0], $0xffff  }
0x531: {  	v34 =	vadd.f32 v35, v34;
	v35 =	vmul.f32 v39, v44;
	v39 =	vld.idx.msk [tilespmem:v40+s13+$0x0], $0xffff;
	v40 =	vor.u32 v11, v33  }
0x532: {  	v44 =	vld.idx.msk [tilespmem:v41+s12+$0x0], $0xffff  }
0x533: {  	v34 =	vadd.f32 v35, v34;
	v35 =	vmul.f32 v36, v45;
	v36 =	vld.idx.msk [tilespmem:v41+s13+$0x0], $0xffff;
	v41 =	vor.u32 v12, v33  }
0x534: {  	v45 =	vld.idx.msk [tilespmem:v38+s12+$0x0], $0xffff  }
0x535: {  	v34 =	vadd.f32 v35, v34;
	v35 =	vmul.f32 v37, v42;
	v37 =	vld.idx.msk [tilespmem:v38+s13+$0x0], $0xffff;
	v38 =	vor.u32 v13, v33  }
0x536: {  	v42 =	vld.idx.msk [tilespmem:v40+s12+$0x0], $0xffff  }
0x537: {  	v34 =	vadd.f32 v35, v34;
	v35 =	vmul.f32 v39, v43;
	v39 =	vld.idx.msk [tilespmem:v40+s13+$0x0], $0xffff;
	v40 =	vor.u32 v14, v33  }
0x538: {  	v43 =	vld.idx.msk [tilespmem:v41+s12+$0x0], $0xffff  }
0x539: {  	v34 =	vadd.f32 v35, v34;
	v35 =	vmul.f32 v36, v44;
	v36 =	vld.idx.msk [tilespmem:v41+s13+$0x0], $0xffff;
	v41 =	vor.u32 v15, v33  }
0x53a: {  	v44 =	vld.idx.msk [tilespmem:v38+s12+$0x0], $0xffff  }
0x53b: {  	v34 =	vadd.f32 v35, v34;
	v35 =	vmul.f32 v37, v45;
	v37 =	vld.idx.msk [tilespmem:v38+s13+$0x0], $0xffff;
	v38 =	vor.u32 v22, v33  }
0x53c: {  	v45 =	vld.idx.msk [tilespmem:v40+s12+$0x0], $0xffff  }
0x53d: {  	v34 =	vadd.f32 v35, v34;
	v35 =	vmul.f32 v39, v42;
	v39 =	vld.idx.msk [tilespmem:v40+s13+$0x0], $0xffff;
	v40 =	vor.u32 v28, v33  }
0x53e: {  	v42 =	vld.idx.msk [tilespmem:v41+s12+$0x0], $0xffff  }
0x53f: {  	v34 =	vadd.f32 v35, v34;
	v35 =	vmul.f32 v36, v43;
	v36 =	vld.idx.msk [tilespmem:v41+s13+$0x0], $0xffff;
	v41 =	vor.u32 v16, v33  }
0x540: {  	v43 =	vld.idx.msk [tilespmem:v38+s12+$0x0], $0xffff  }
0x541: {  	v34 =	vadd.f32 v35, v34;
	v35 =	vmul.f32 v37, v44;
	v37 =	vld.idx.msk [tilespmem:v38+s13+$0x0], $0xffff;
	v38 =	vor.u32 v17, v33  }
0x542: {  	v44 =	vld.idx.msk [tilespmem:v40+s12+$0x0], $0xffff  }
0x543: {  	v34 =	vadd.f32 v35, v34;
	v35 =	vmul.f32 v39, v45;
	v39 =	vld.idx.msk [tilespmem:v40+s13+$0x0], $0xffff;
	v40 =	vor.u32 v18, v33  }
0x544: {  	v45 =	vld.idx.msk [tilespmem:v41+s12+$0x0], $0xffff  }
0x545: {  	v34 =	vadd.f32 v35, v34;
	v35 =	vmul.f32 v36, v42;
	v36 =	vld.idx.msk [tilespmem:v41+s13+$0x0], $0xffff;
	v41 =	vor.u32 v19, v33  }
0x546: {  	v42 =	vld.idx.msk [tilespmem:v38+s12+$0x0], $0xffff  }
0x547: {  	v34 =	vadd.f32 v35, v34;
	v35 =	vmul.f32 v37, v43;
	v37 =	vld.idx.msk [tilespmem:v38+s13+$0x0], $0xffff;
	v38 =	vor.u32 v20, v33  }
0x548: {  	v43 =	vld.idx.msk [tilespmem:v40+s12+$0x0], $0xffff  }
0x549: {  	v34 =	vadd.f32 v35, v34;
	v35 =	vmul.f32 v39, v44;
	v39 =	vld.idx.msk [tilespmem:v40+s13+$0x0], $0xffff;
	v40 =	vor.u32 v21, v33  }
0x54a: {  	v44 =	vld.idx.msk [tilespmem:v41+s12+$0x0], $0xffff  }
0x54b: {  	v34 =	vadd.f32 v35, v34;
	v35 =	vmul.f32 v36, v45;
	v36 =	vld.idx.msk [tilespmem:v41+s13+$0x0], $0xffff;
	v41 =	vor.u32 v23, v33  }
0x54c: {  	v45 =	vld.idx.msk [tilespmem:v38+s12+$0x0], $0xffff  }
0x54d: {  	v34 =	vadd.f32 v35, v34;
	v35 =	vmul.f32 v37, v42;
	v37 =	vld.idx.msk [tilespmem:v38+s13+$0x0], $0xffff;
	v38 =	vor.u32 v24, v33  }
0x54e: {  	v42 =	vld.idx.msk [tilespmem:v40+s12+$0x0], $0xffff  }
0x54f: {  	v34 =	vadd.f32 v35, v34;
	v35 =	vmul.f32 v39, v43;
	v39 =	vld.idx.msk [tilespmem:v40+s13+$0x0], $0xffff;
	v40 =	vor.u32 v25, v33  }
0x550: {  	v43 =	vld.idx.msk [tilespmem:v41+s12+$0x0], $0xffff  }
0x551: {  	v34 =	vadd.f32 v35, v34;
	v35 =	vmul.f32 v36, v44;
	v36 =	vld.idx.msk [tilespmem:v41+s13+$0x0], $0xffff;
	v41 =	vor.u32 v26, v33  }
0x552: {  	v44 =	vld.idx.msk [tilespmem:v38+s12+$0x0], $0xffff  }
0x553: {  	v34 =	vadd.f32 v35, v34;
	v35 =	vmul.f32 v37, v45;
	v37 =	vld.idx.msk [tilespmem:v38+s13+$0x0], $0xffff;
	v38 =	vor.u32 v27, v33  }
0x554: {  	v45 =	vld.idx.msk [tilespmem:v40+s12+$0x0], $0xffff  }
0x555: {  	v34 =	vadd.f32 v35, v34;
	v35 =	vmul.f32 v39, v42;
	v39 =	vld.idx.msk [tilespmem:v40+s13+$0x0], $0xffff;
	v40 =	vor.u32 v29, v33  }
0x556: {  	v42 =	vld.idx.msk [tilespmem:v41+s12+$0x0], $0xffff  }
0x557: {  	v34 =	vadd.f32 v35, v34;
	v35 =	vmul.f32 v36, v43;
	v36 =	vld.idx.msk [tilespmem:v41+s13+$0x0], $0xffff;
	v41 =	vor.u32 v30, v33  }
0x558: {  	v43 =	vld.idx.msk [tilespmem:v38+s12+$0x0], $0xffff  }
0x559: {  	v34 =	vadd.f32 v35, v34;
	v35 =	vmul.f32 v37, v44;
	v37 =	vld.idx.msk [tilespmem:v38+s13+$0x0], $0xffff;
	v38 =	vor.u32 v31, v33  }
0x55a: {  	v44 =	vld.idx.msk [tilespmem:v40+s12+$0x0], $0xffff  }
0x55b: {  	v33 =	vor.u32 v32, v33;
	v34 =	vadd.f32 v35, v34;
	v35 =	vmul.f32 v39, v45;
	v39 =	vld.idx.msk [tilespmem:v40+s13+$0x0], $0xffff  }
0x55c: {  	v40 =	vld.idx.msk [tilespmem:v41+s12+$0x0], $0xffff  }
0x55d: {  	v34 =	vadd.f32 v35, v34;
	v35 =	vmul.f32 v36, v42;
	v36 =	vld.idx.msk [tilespmem:v41+s13+$0x0], $0xffff  }
0x55e: {  	v41 =	vld.idx.msk [tilespmem:v38+s12+$0x0], $0xffff  }
0x55f: {  	v35 =	vadd.f32 v35, v34;
	v37 =	vmul.f32 v37, v43;
	v38 =	vld.idx.msk [tilespmem:v38+s13+$0x0], $0xffff  }
0x560: {  	v34 =	vld.idx.msk [tilespmem:v33+s12+$0x0], $0xffff  }
.Ltmp5:
0x561: {  	v37 =	vadd.f32 v37, v35;
	v39 =	vmul.f32 v39, v44;
	v35 =	vld.idx.msk [tilespmem:v33+s13+$0x0], $0xffff;
	(pc) =	sbr.rel @p1 .LBB2_9-.Ltmp5, $4  }
0x562: {  	_ = 	snop  }
0x563: {  	v37 =	vadd.f32 v39, v37;
	v36 =	vmul.f32 v36, v40  }
0x564: {  	v33 =	vmov s16  }
0x565: {  	s16 =	sadd.s32 $0x10, s16;
	v33 =	vshll.u32 v33, $0x5;
	v36 =	vadd.f32 v36, v37;
	v37 =	vmul.f32 v38, v41  }
0x566: {  	v33 =	vor.u32 v1, v33  }
0x567: {  	v34 =	vmul.f32 v35, v34;
	v38 =	vor.u32 v0, v33;
	v36 =	vadd.f32 v37, v36;
	_ =	sdelay $0x1  }
0x568: {  	v48 =	vor.u32 v2, v33;
	v34 =	vadd.f32 v34, v36  }
0x569: {  	s15 =	sadd.s32 $0x10, s15  }
0x56a: {  	v49 =	vor.u32 v3, v33;
	[tilespmem:s15+$0x0] =	vst v34  }
0x56b: {  	v34 =	vld.idx.msk [tilespmem:v38+s13+$0x0], $0xffff  }
0x56c: {  	v51 =	vor.u32 v4, v33;
	v50 =	vld.idx.msk [tilespmem:v38+s12+$0x0], $0xffff  }
0x56d: {  	v39 =	vld.idx.msk [tilespmem:v48+s12+$0x0], $0xffff  }
0x56e: {  	v40 =	vor.u32 v5, v33;
	v35 =	vld.idx.msk [tilespmem:v48+s13+$0x0], $0xffff  }
0x56f: {  	v41 =	vld.idx.msk [tilespmem:v49+s12+$0x0], $0xffff  }
0x570: {  	v42 =	vor.u32 v6, v33;
	v36 =	vld.idx.msk [tilespmem:v49+s13+$0x0], $0xffff  }
0x571: {  	v43 =	vld.idx.msk [tilespmem:v51+s12+$0x0], $0xffff;
	v34 =	vmul.f32 v34, v50  }
0x572: {  	v53 =	vor.u32 v7, v33;
	v52 =	vld.idx.msk [tilespmem:v51+s13+$0x0], $0xffff  }
0x573: {  	v44 =	vld.idx.msk [tilespmem:v40+s12+$0x0], $0xffff;
	v35 =	vmul.f32 v35, v39;
	v34 =	vadd.f32 $0.0e+00, v34  }
0x574: {  	v55 =	vor.u32 v8, v33;
	v54 =	vld.idx.msk [tilespmem:v40+s13+$0x0], $0xffff  }
0x575: {  	v45 =	vld.idx.msk [tilespmem:v42+s12+$0x0], $0xffff;
	v56 =	vmul.f32 v36, v41;
	v34 =	vadd.f32 v35, v34  }
0x576: {  	v58 =	vor.u32 v9, v33;
	v57 =	vld.idx.msk [tilespmem:v42+s13+$0x0], $0xffff  }
0x577: {  	v59 =	vld.idx.msk [tilespmem:v53+s12+$0x0], $0xffff;
	v60 =	vmul.f32 v52, v43;
	v34 =	vadd.f32 v56, v34  }
0x578: {  	v62 =	vor.u32 v10, v33;
	v61 =	vld.idx.msk [tilespmem:v53+s13+$0x0], $0xffff  }
0x579: {  	v63 =	vld.idx.msk [tilespmem:v55+s12+$0x0], $0xffff;
	v48 =	vmul.f32 v54, v44;
	v34 =	vadd.f32 v60, v34  }
0x57a: {  	v49 =	vld.idx.msk [tilespmem:v55+s13+$0x0], $0xffff;
	v50 =	vor.u32 v11, v33  }
0x57b: {  	v51 =	vld.idx.msk [tilespmem:v58+s12+$0x0], $0xffff;
	v52 =	vmul.f32 v57, v45;
	v34 =	vadd.f32 v48, v34  }
0x57c: {  	v53 =	vld.idx.msk [tilespmem:v58+s13+$0x0], $0xffff;
	v54 =	vor.u32 v12, v33  }
0x57d: {  	v55 =	vld.idx.msk [tilespmem:v62+s12+$0x0], $0xffff;
	v56 =	vmul.f32 v61, v59;
	v34 =	vadd.f32 v52, v34  }
0x57e: {  	v58 =	vor.u32 v13, v33;
	v57 =	vld.idx.msk [tilespmem:v62+s13+$0x0], $0xffff  }
0x57f: {  	v59 =	vld.idx.msk [tilespmem:v50+s12+$0x0], $0xffff;
	v60 =	vmul.f32 v49, v63;
	v34 =	vadd.f32 v56, v34  }
0x580: {  	v62 =	vor.u32 v14, v33;
	v61 =	vld.idx.msk [tilespmem:v50+s13+$0x0], $0xffff  }
0x581: {  	v63 =	vld.idx.msk [tilespmem:v54+s12+$0x0], $0xffff;
	v48 =	vmul.f32 v53, v51;
	v34 =	vadd.f32 v60, v34  }
0x582: {  	v50 =	vor.u32 v15, v33;
	v49 =	vld.idx.msk [tilespmem:v54+s13+$0x0], $0xffff  }
0x583: {  	v51 =	vld.idx.msk [tilespmem:v58+s12+$0x0], $0xffff;
	v52 =	vmul.f32 v57, v55;
	v34 =	vadd.f32 v48, v34  }
0x584: {  	v54 =	vor.u32 v22, v33;
	v53 =	vld.idx.msk [tilespmem:v58+s13+$0x0], $0xffff  }
0x585: {  	v55 =	vld.idx.msk [tilespmem:v62+s12+$0x0], $0xffff;
	v56 =	vmul.f32 v61, v59;
	v34 =	vadd.f32 v52, v34  }
0x586: {  	v58 =	vor.u32 v28, v33;
	v57 =	vld.idx.msk [tilespmem:v62+s13+$0x0], $0xffff  }
0x587: {  	v59 =	vld.idx.msk [tilespmem:v50+s12+$0x0], $0xffff;
	v60 =	vmul.f32 v49, v63;
	v34 =	vadd.f32 v56, v34  }
0x588: {  	v62 =	vor.u32 v16, v33;
	v61 =	vld.idx.msk [tilespmem:v50+s13+$0x0], $0xffff  }
0x589: {  	v63 =	vld.idx.msk [tilespmem:v54+s12+$0x0], $0xffff;
	v48 =	vmul.f32 v53, v51;
	v34 =	vadd.f32 v60, v34  }
0x58a: {  	v50 =	vor.u32 v17, v33;
	v49 =	vld.idx.msk [tilespmem:v54+s13+$0x0], $0xffff  }
0x58b: {  	v51 =	vld.idx.msk [tilespmem:v58+s12+$0x0], $0xffff;
	v52 =	vmul.f32 v57, v55;
	v34 =	vadd.f32 v48, v34  }
0x58c: {  	v54 =	vor.u32 v18, v33;
	v53 =	vld.idx.msk [tilespmem:v58+s13+$0x0], $0xffff  }
0x58d: {  	v55 =	vld.idx.msk [tilespmem:v62+s12+$0x0], $0xffff;
	v56 =	vmul.f32 v61, v59;
	v34 =	vadd.f32 v52, v34  }
0x58e: {  	v58 =	vor.u32 v19, v33;
	v57 =	vld.idx.msk [tilespmem:v62+s13+$0x0], $0xffff  }
0x58f: {  	v59 =	vld.idx.msk [tilespmem:v50+s12+$0x0], $0xffff;
	v60 =	vmul.f32 v49, v63;
	v34 =	vadd.f32 v56, v34  }
0x590: {  	v62 =	vor.u32 v20, v33;
	v61 =	vld.idx.msk [tilespmem:v50+s13+$0x0], $0xffff  }
0x591: {  	v63 =	vld.idx.msk [tilespmem:v54+s12+$0x0], $0xffff;
	v48 =	vmul.f32 v53, v51;
	v34 =	vadd.f32 v60, v34  }
0x592: {  	v50 =	vor.u32 v21, v33;
	v49 =	vld.idx.msk [tilespmem:v54+s13+$0x0], $0xffff  }
0x593: {  	v51 =	vld.idx.msk [tilespmem:v58+s12+$0x0], $0xffff;
	v52 =	vmul.f32 v57, v55;
	v34 =	vadd.f32 v48, v34  }
0x594: {  	v54 =	vor.u32 v23, v33;
	v53 =	vld.idx.msk [tilespmem:v58+s13+$0x0], $0xffff  }
0x595: {  	v55 =	vld.idx.msk [tilespmem:v62+s12+$0x0], $0xffff;
	v56 =	vmul.f32 v61, v59;
	v34 =	vadd.f32 v52, v34  }
0x596: {  	v58 =	vor.u32 v24, v33;
	v57 =	vld.idx.msk [tilespmem:v62+s13+$0x0], $0xffff  }
0x597: {  	v59 =	vld.idx.msk [tilespmem:v50+s12+$0x0], $0xffff;
	v60 =	vmul.f32 v49, v63;
	v34 =	vadd.f32 v56, v34  }
0x598: {  	v62 =	vor.u32 v25, v33;
	v61 =	vld.idx.msk [tilespmem:v50+s13+$0x0], $0xffff  }
0x599: {  	v63 =	vld.idx.msk [tilespmem:v54+s12+$0x0], $0xffff;
	v48 =	vmul.f32 v53, v51;
	v34 =	vadd.f32 v60, v34  }
0x59a: {  	v50 =	vor.u32 v26, v33;
	v49 =	vld.idx.msk [tilespmem:v54+s13+$0x0], $0xffff  }
0x59b: {  	v51 =	vld.idx.msk [tilespmem:v58+s12+$0x0], $0xffff;
	v52 =	vmul.f32 v57, v55;
	v34 =	vadd.f32 v48, v34  }
0x59c: {  	v54 =	vor.u32 v27, v33;
	v53 =	vld.idx.msk [tilespmem:v58+s13+$0x0], $0xffff  }
0x59d: {  	v55 =	vld.idx.msk [tilespmem:v62+s12+$0x0], $0xffff;
	v56 =	vmul.f32 v61, v59;
	v34 =	vadd.f32 v52, v34  }
0x59e: {  	v58 =	vor.u32 v29, v33;
	v57 =	vld.idx.msk [tilespmem:v62+s13+$0x0], $0xffff  }
0x59f: {  	v59 =	vld.idx.msk [tilespmem:v50+s12+$0x0], $0xffff;
	v60 =	vmul.f32 v49, v63;
	v34 =	vadd.f32 v56, v34  }
0x5a0: {  	v62 =	vor.u32 v30, v33;
	v61 =	vld.idx.msk [tilespmem:v50+s13+$0x0], $0xffff  }
0x5a1: {  	v63 =	vld.idx.msk [tilespmem:v54+s12+$0x0], $0xffff;
	v48 =	vmul.f32 v53, v51;
	v34 =	vadd.f32 v60, v34  }
0x5a2: {  	v50 =	vor.u32 v31, v33;
	v49 =	vld.idx.msk [tilespmem:v54+s13+$0x0], $0xffff  }
0x5a3: {  	v51 =	vld.idx.msk [tilespmem:v58+s12+$0x0], $0xffff;
	v52 =	vmul.f32 v57, v55;
	v34 =	vadd.f32 v48, v34  }
0x5a4: {  	v33 =	vor.u32 v32, v33;
	v53 =	vld.idx.msk [tilespmem:v58+s13+$0x0], $0xffff  }
0x5a5: {  	v54 =	vld.idx.msk [tilespmem:v62+s12+$0x0], $0xffff;
	v55 =	vmul.f32 v61, v59;
	v34 =	vadd.f32 v52, v34  }
0x5a6: {  	v56 =	vld.idx.msk [tilespmem:v62+s13+$0x0], $0xffff  }
0x5a7: {  	v57 =	vld.idx.msk [tilespmem:v50+s12+$0x0], $0xffff;
	v58 =	vmul.f32 v49, v63;
	v34 =	vadd.f32 v55, v34  }
0x5a8: {  	v59 =	vld.idx.msk [tilespmem:v50+s13+$0x0], $0xffff  }
0x5a9: {  	v61 =	vmul.f32 v53, v51;
	v60 =	vld.idx.msk [tilespmem:v33+s12+$0x0], $0xffff;
	v34 =	vadd.f32 v58, v34  }
0x5aa: {  	v33 =	vld.idx.msk [tilespmem:v33+s13+$0x0], $0xffff  }
0x5ab: {  	v62 =	vmul.f32 v56, v54;
	v34 =	vadd.f32 v61, v34;
	_ =	sdelay $0x1  }
0x5ac: {  	v63 =	vmul.f32 v59, v57;
	v34 =	vadd.f32 v62, v34;
	_ =	sdelay $0x1  }
0x5ad: {  	v33 =	vmul.f32 v33, v60;
	v34 =	vadd.f32 v63, v34  }
.Ltmp6:
0x5ae: {  	_ = 	snop;
	(pc) =	sbr.rel @p0 .LBB2_12-.Ltmp6, $4  }
0x5af: {  	v33 =	vadd.f32 v33, v34  }
0x5b0: {  	s15 =	sadd.s32 $0x10, s15  }
0x5b1: {  	s4 =	sadd.s32 $0xC0, s4;
	[tilespmem:s15+$0x0] =	vst v33  }
0x5b2: {  	[hbm4b:s4+s3] =	stream.linear.scatter [tilespmem:s19], [sflag:$0x8], $0x200, $0x38;
	[tilespmem:$0x11400] =	vst v63  }
0x5b3: {  	_ =	swait.ge [sflag:s11], $0x200  }
0x5b4: {  	[sflag:s11] =	ssyncset.done $0x0  }
0x5b5: {  	[sflag:s11] =	ssyncadd.s32 $0xFFFFFE00  }
0x5b6: {  	_ =	swait.ge [sflag:s11], $0x200  }
0x5b7: {  	[sflag:s11] =	ssyncset.done $0x0  }
0x5b8: {  	s4 =	simm.s32 $0x200;
	[sflag:s11] =	ssyncadd.s32 $0xFFFFFE00  }
0x5b9: {  	[tilespmem:s12], [sflag:$0x2] =	stream.indirect.gather [hbm4b:s7+s29], $0x20, s4, s29, $0xb8;
	[tilespmem:$0x11400] =	vst v63  }
0x5ba: {  	s17 =	simm.s32 $0xA00  }
0x5bb: {  	[tilespmem:s13], [sflag:$0x2] =	stream.indirect.gather [hbm4b:s7+s29], $0x20, s17, s29, $0xb8;
	[tilespmem:$0x11400] =	vst v63  }
0x5bc: {  	s25 =	simm.s32 $0x280  }
0x5bd: {  	[tilespmem:s21], [sflag:$0x2] =	stream.indirect.gather [hbm4b:s7+s29], $0x20, s25, s29, $0xb8;
	[tilespmem:$0x11400] =	vst v63  }
0x5be: {  	s15 =	simm.s32 $0xA80  }
0x5bf: {  	[tilespmem:s28], [sflag:$0x2] =	stream.indirect.gather [hbm4b:s7+s29], $0x20, s15, s29, $0xb8;
	[tilespmem:$0x11400] =	vst v63  }
0x5c0: {  	s16 =	simm.s32 $0x300  }
0x5c1: {  	[tilespmem:s6], [sflag:$0x2] =	stream.indirect.gather [hbm4b:s7+s29], $0x20, s16, s29, $0xb8;
	[tilespmem:$0x11400] =	vst v63  }
0x5c2: {  	s17 =	simm.s32 $0xB00;
	s16 =	rddreg [dreg:$0xf]  }
0x5c3: {  	[tilespmem:s14], [sflag:$0x2] =	stream.indirect.gather [hbm4b:s7+s29], $0x20, s17, s29, $0xb8;
	[tilespmem:$0x11400] =	vst v63  }
0x5c4: {  	s25 =	simm.s32 $0x380;
	s1 =	sadd.s32 s1, s16  }
0x5c5: {  	[tilespmem:s20], [sflag:$0x2] =	stream.indirect.gather [hbm4b:s7+s29], $0x20, s25, s29, $0xb8;
	[tilespmem:$0x11400] =	vst v63  }
0x5c6: {  	s15 =	simm.s32 $0xB80;
	s1 =	sshrl.u32 s1, $0x3  }
0x5c7: {  	[tilespmem:s22], [sflag:$0x2] =	stream.indirect.gather [hbm4b:s7+s29], $0x20, s15, s29, $0xb8;
	[tilespmem:$0x11400] =	vst v63  }
.Ltmp7:
0x5c8: {  	s17 =	simm.s32 $0x600;
	s1 =	sadd.s32 s5, s1;
	(pc) =	sbr.rel .LBB2_2-.Ltmp7, $4  }
0x5c9: {  	[tilespmem:s17], [sflag:$0x6] =	stream.linear.gather [hbm4b:s1+s3], $0x200, $0x38;
	[tilespmem:$0x11400] =	vst v63  }
0x5ca: {  	s25 =	simm.s32 $0xE00;
	s1 =	sadd.s32 $0x20000, s1  }
0x5cb: {  	[tilespmem:s25], [sflag:$0x6] =	stream.linear.gather [hbm4b:s1+s3], $0x200, $0x38;
	[tilespmem:$0x11400] =	vst v63  }
0x5cc: {  	s18 =	sadd.s32 $0x1, s18;
	s25 =	smov.u32 s26  }
.LBB2_13:
0x5cd: {  	_ =	sfence.sel $0x180000  }
0x5ce: {  	[bflag:$0x0] =	sbarrier.arrive $0xFFFF  }
0x5cf: {  	_ =	strace $0x90000047  }
0x5d0: {  	s0 =	stileid.u32;
	[bflag:$0x2] =	sbarrier.arrive $0xFFFF  }
0x5d1: {  	p0 =	sne.s32 s0, $0x0;
	s0 =	rddreg [dreg:$0x2]  }
0x5d2: {  	s0 =	sadd.s32 @!p0 $0x100000, s0  }
0x5d3: {  	[sflag:s0] =	ssyncadd.tile.s32 @!p0 $0x1;
	_ =	shalt  }
.Lfunc_end2:
_tile_overlayer_lowered:
.L_overlay_start_2:
0x5d4: {  	(tag) =	ssettag $0x2  }
0x5d5: {  	s0 =	rddreg [dreg:$0x0];
	s2 =	stileid.u32  }
0x5d6: {  	s1 =	rddreg [dreg:$0x1];
	p0 =	sne.s32 s2, $0x0  }
0x5d7: {  	s3 =	rddreg [dreg:$0x2];
	[bflag:$0x3] =	sbarrier.arrive $0xFFFF;
	s2 =	simm.s32 @!p0 $0x1C09  }
0x5d8: {  	[timem:s3], [sflag:s2] =	dma.local @!p0 [hbm:s0], s1  }
0x5d9: {  	s0 =	simm.s32 @!p0 $0x9  }
0x5da: {  	_ =	swait.ge @!p0 [sflag:s0], s1  }
0x5db: {  	s1 =	ssub.s32 @!p0 $0x0, s1;
	[sflag:s0] =	ssyncset.done @!p0 $0x0  }
0x5dc: {  	[sflag:s0] =	ssyncadd.s32 @!p0 s1  }
0x5dd: {  	[bflag:$0x3] =	sbarrier.arrive $0xFFFF  }
0x5de: {  	_ =	shalt  }

</sc_bundles>
